<compile_context>
chip_gen: v7x
topology: tpu7x:2x2x1
jax: 0.10.2.dev20260603
libtpu: 0.0.44.dev20260713+nightly
codegen_flags: <defaults>
</compile_context>

<pallas_src>
import functools

import jax
import jax.numpy as jnp
from jax import lax
from jax.experimental import pallas as pl
from jax.experimental.pallas import tpu as pltpu
from jax.experimental.pallas import tpu_sc as plsc

N_TOK = 32768
HID = 1024
DIMQ = 64
N_EXP = 64
NH = 4
L = 16
NC, NS = 2, 16
NW = NC * NS
TPW = N_TOK // NW
GROUPS = TPW // L


def _router_body(x_hbm, seeds_hbm, sel_hbm, mask_hbm,
                 inbuf, xbufa, xbufb, selbuf, seedbuf, mb0, mb1,
                 sem0, sem1, semq0, semq1, semq2, semq3):
    wid = lax.axis_index("s") * jnp.int32(NC) + lax.axis_index("c")
    base = wid * jnp.int32(TPW)

    tb0 = wid * jnp.int32(TPW // 8)
    semq = (semq0, semq1, semq2, semq3)
    QB = TPW // 8 // 4

    def chunk_copy(q):
        return pltpu.make_async_copy(
            x_hbm.at[pl.ds(tb0 + jnp.int32(q * QB), QB),
                     jnp.int32(0), :, pl.ds(0, DIMQ)],
            inbuf.at[pl.ds(q * QB, QB)], semq[q])

    for q in range(4):
        chunk_copy(q).start()
    pltpu.sync_copy(seeds_hbm, seedbuf)
    chunk_copy(0).wait()

    iota = lax.iota(jnp.int32, L)
    zerof = jnp.full((L,), 0.0, jnp.float32)
    sevenf = jnp.full((L,), 7.0, jnp.float32)
    twelve = jnp.full((L,), 12, jnp.int32)
    four = jnp.full((L,), 4, jnp.int32)
    zeroi = jnp.full((L,), 0, jnp.int32)
    half = jnp.full((L,), 0.5, jnp.float32)
    c63 = jnp.full((L,), 63, jnp.int32)
    weights = [iota + jnp.int32(16 * g + 1) for g in range(4)]
    seeds = [seedbuf[h, :] for h in range(NH)]

    mbufs = (mb0, mb1)
    sems = (sem0, sem1)
    xbufs = (xbufa, xbufb)

    c7 = jnp.full((L,), 7, jnp.int32)

    for mb in mbufs:
        for rb in range(N_EXP // 8):
            for r in range(8):
                mb[rb, r, pl.ds(0, L)] = zerof

    def group(it, b, p0, p1):
        g = it * jnp.int32(2) + jnp.int32(b)
        mb = mbufs[b]
        sem = sems[b]
        xbuf = xbufs[b]
        gl = g * jnp.int32(L)

        @pl.when(it > 0)
        def _wait():
            pltpu.make_async_copy(
                mb, mask_hbm.at[:, jnp.int32(0), :, pl.ds(0, L)], sem).wait()

        plsc.store_scatter(mb, [p0 >> jnp.int32(3), p0 & c7, iota], zerof)
        plsc.store_scatter(mb, [p1 >> jnp.int32(3), p1 & c7, iota], zerof)

        gb = g * jnp.int32(2)
        for i in range(L):
            tb = gb + jnp.int32(i // 8)
            acc = None
            for gg in range(4):
                xg = inbuf[tb, i % 8, pl.ds(16 * gg, 16)]
                mag = jnp.minimum(jnp.abs(xg), sevenf).astype(jnp.int32)
                s2 = jnp.where(xg < zerof, twelve,
                               jnp.where(xg > zerof, four, zeroi))
                term = (s2 | mag) * weights[gg]
                acc = term if acc is None else acc ^ term
            xbuf[i, pl.ds(0, 16)] = acc

        cols = [plsc.load_gather(xbuf, [iota, jnp.full((L,), j, jnp.int32)])
                for j in range(L)]
        while len(cols) > 1:
            cols = [cols[2 * k] ^ cols[2 * k + 1] for k in range(len(cols) // 2)]
        rk = cols[0]

        e = [(rk ^ seeds[h]) & c63 for h in range(NH)]
        a = jnp.minimum(e[0], e[1])
        bb = jnp.maximum(e[0], e[1])
        c = jnp.minimum(e[2], e[3])
        d = jnp.maximum(e[2], e[3])
        sel0 = jnp.minimum(a, c)
        sel1 = jnp.minimum(jnp.maximum(a, c), jnp.minimum(bb, d))

        selbuf[0, pl.ds(gl, L)] = sel0
        selbuf[1, pl.ds(gl, L)] = sel1

        plsc.store_scatter(mb, [sel0 >> jnp.int32(3), sel0 & c7, iota], half)
        plsc.store_scatter(mb, [sel1 >> jnp.int32(3), sel1 & c7, iota], half)

        tglob = base + gl
        cbi = tglob >> jnp.int32(7)
        c0 = pl.multiple_of(tglob & jnp.int32(127), L)
        pltpu.async_copy(mb, mask_hbm.at[:, cbi, :, pl.ds(c0, L)], sem)
        return sel0, sel1

    def body(_, carry):
        it = carry[0]
        for q in range(1, 4):
            @pl.when(it == 8 * q)
            def _wq(q=q):
                chunk_copy(q).wait()
        ps = carry[1:]
        ns = []
        for b in range(2):
            ns.extend(group(it, b, ps[2 * b], ps[2 * b + 1]))
        return (it + jnp.int32(1),) + tuple(ns)

    lax.fori_loop(0, GROUPS // 2, body,
                  (jnp.int32(0),) + (zeroi,) * 4)

    for mb, sem in zip(mbufs, sems):
        pltpu.make_async_copy(
            mb, mask_hbm.at[:, jnp.int32(0), :, pl.ds(0, L)], sem).wait()
    pltpu.sync_copy(selbuf, sel_hbm.at[:, pl.ds(base, TPW)])


_router = functools.partial(
    pl.kernel,
    out_type=[
        jax.ShapeDtypeStruct((2, N_TOK), jnp.int32),
        jax.ShapeDtypeStruct((N_EXP // 8, N_TOK // 128, 8, 128), jnp.float32),
    ],
    mesh=plsc.VectorSubcoreMesh(core_axis_name="c", subcore_axis_name="s"),
    compiler_params=pltpu.CompilerParams(
        use_tc_tiling_on_sc=False, needs_layout_passes=False),
    scratch_types=[
        pltpu.VMEM((TPW // 8, 8, DIMQ), jnp.float32),
        pltpu.VMEM((L, 17), jnp.int32),
        pltpu.VMEM((L, 17), jnp.int32),
        pltpu.VMEM((2, TPW), jnp.int32),
        pltpu.VMEM((NH, L), jnp.int32),
        pltpu.VMEM((N_EXP // 8, 8, L), jnp.float32),
        pltpu.VMEM((N_EXP // 8, 8, L), jnp.float32),
        pltpu.SemaphoreType.DMA,
        pltpu.SemaphoreType.DMA,
        pltpu.SemaphoreType.DMA,
        pltpu.SemaphoreType.DMA,
        pltpu.SemaphoreType.DMA,
        pltpu.SemaphoreType.DMA,
    ],
)(_router_body)


@jax.jit
def kernel(hidden_states, hash_seeds):
    xs = hidden_states.reshape(
        N_TOK // 8, 8, HID // 128, 128).transpose(0, 2, 1, 3)
    seeds_b = jnp.broadcast_to(
        hash_seeds.astype(jnp.int32)[:, None], (NH, L))
    sel_planar, masks4 = _router(xs, seeds_b)
    masks = masks4.transpose(1, 3, 0, 2).reshape(N_TOK, N_EXP)
    selected = sel_planar.astype(jnp.int64).T
    expert_weights = jnp.full((N_TOK, 2), 0.5, dtype=jnp.float32)
    return selected, expert_weights, masks

# --- scband reference (transcript-rebuilt; emitter-appended) ---
"""Pipeline reference for scband-multi-hash-router-fast-40664750359235 (READ-ONLY COPY).

The authoritative reference and input builder live on the scoring server;
editing this copy changes nothing except your own understanding.
"""

import jax, jax.numpy as jnp
import numpy as np

jax.config.update("jax_enable_x64", True)

N_EXPERTS = 64
K_ACTIVE = 2
N_HASHES = 4
HIDDEN_DIM = 1024
LAYER_ID = 0
SALT = 0.0
N_TOKENS = 32768


def setup_inputs(seed: int = 0) -> dict:
    key = jax.random.key(seed)
    hidden_states = jax.random.normal(key, (N_TOKENS, HIDDEN_DIM), dtype=jnp.float32)
    hash_seeds = jnp.arange(N_HASHES, dtype=jnp.int32)
    return {"hidden_states": hidden_states, "hash_seeds": hash_seeds}


def _route(hidden_states, hash_seeds):
    n, dim = hidden_states.shape
    # quantize
    sign = jnp.sign(hidden_states).astype(jnp.int32)
    magnitude_bucket = jnp.clip(jnp.abs(hidden_states).astype(jnp.int32), 0, 7)
    dim_limit = min(dim, 64)
    routing_keys = jnp.zeros((n,), dtype=jnp.int64)
    for d in range(dim_limit):
        dim_value = ((sign[:, d] & 3) << 2) | (magnitude_bucket[:, d] & 7)
        routing_keys = routing_keys ^ (dim_value.astype(jnp.int64) * (d + 1))
    routing_keys = routing_keys ^ (LAYER_ID << 8)
    routing_keys = (routing_keys + int(SALT * 1000000.0)) & 4294967295
    hash_keys = routing_keys[:, None] ^ hash_seeds[None, :].astype(jnp.int64)
    expert_ids = hash_keys % N_EXPERTS
    # select k experts: sort + first-k with unique-in-order compaction
    sorted_experts = jnp.sort(expert_ids, axis=1)
    selected = sorted_experts[:, :K_ACTIVE]
    # duplicates are adjacent after sort; compact unique values to the front,
    # leaving trailing positions at their original (duplicate) sorted values,
    # exactly matching the torch per-row loop semantics.
    is_new = jnp.concatenate(
        [jnp.ones((n, 1), dtype=bool), selected[:, 1:] != selected[:, :-1]], axis=1
    )
    dest = jnp.cumsum(is_new.astype(jnp.int32), axis=1) - 1
    safe_dest = jnp.where(is_new, dest, K_ACTIVE)  # out-of-range -> dropped
    rows = jnp.broadcast_to(jnp.arange(n)[:, None], (n, K_ACTIVE))
    selected = selected.at[rows, safe_dest].set(selected, mode="drop")
    # masks: scatter-overwrite 1/k at selected experts
    expert_masks = jnp.zeros((n, N_EXPERTS), dtype=jnp.float32)
    row_idx = jnp.arange(n)
    for k_idx in range(K_ACTIVE):
        expert_masks = expert_masks.at[row_idx, selected[:, k_idx]].set(1.0 / K_ACTIVE)
    expert_weights = jnp.full((n, K_ACTIVE), 1.0 / K_ACTIVE, dtype=jnp.float32)
    return selected, expert_weights, expert_masks


def reference(hidden_states, hash_seeds):
    selected_experts, expert_weights, expert_masks = _route(hidden_states, hash_seeds)
    return (selected_experts, expert_weights, expert_masks)

if __name__ == "__main__":
    import jax
    _d = setup_inputs()
    print(jax.jit(kernel)(*tuple(_d.values())))

</pallas_src>

<mosaic_0001>
#map = affine_map<(d0, d1) -> (0, 0, 0, 0)>
#map1 = affine_map<(d0, d1) -> (0, 0)>
module attributes {stable_mosaic.version = 14 : i64} {
  func.func @_router_body(%arg0: i32, %arg1: i32, %arg2: memref<4096x8x8x128xf32, #tpu.memory_space<hbm>>, %arg3: memref<4x16xi32, #tpu.memory_space<hbm>>, %arg4: memref<2x32768xi32, #tpu.memory_space<hbm>>, %arg5: memref<8x256x8x128xf32, #tpu.memory_space<hbm>>, %arg6: memref<128x8x64xf32, #tpu.memory_space<vmem>>, %arg7: memref<16x17xi32, #tpu.memory_space<vmem>>, %arg8: memref<16x17xi32, #tpu.memory_space<vmem>>, %arg9: memref<2x1024xi32, #tpu.memory_space<vmem>>, %arg10: memref<4x16xi32, #tpu.memory_space<vmem>>, %arg11: memref<8x8x16xf32, #tpu.memory_space<vmem>>, %arg12: memref<8x8x16xf32, #tpu.memory_space<vmem>>, %arg13: memref<!tpu.dma_semaphore, #tpu.memory_space<semaphore_mem>>, %arg14: memref<!tpu.dma_semaphore, #tpu.memory_space<semaphore_mem>>, %arg15: memref<!tpu.dma_semaphore, #tpu.memory_space<semaphore_mem>>, %arg16: memref<!tpu.dma_semaphore, #tpu.memory_space<semaphore_mem>>, %arg17: memref<!tpu.dma_semaphore, #tpu.memory_space<semaphore_mem>>, %arg18: memref<!tpu.dma_semaphore, #tpu.memory_space<semaphore_mem>>) attributes {dimension_semantics = [#tpu.dimension_semantics<core_parallel>, #tpu.dimension_semantics<subcore_parallel>], iteration_bounds = array<i64: 2, 16>, scalar_prefetch = 0 : i64, scratch_operands = 13 : i64, tpu.core_type = #tpu.core_type<sc_vector_subcore>, window_params = [{transform_indices = #map}, {transform_indices = #map1}, {transform_indices = #map1}, {transform_indices = #map}]} {
    %mul3A = arith.constant 2 : i32
    %mul3A_0 = arith.muli %arg1, %mul3A : i32
    %add3A = arith.addi %mul3A_0, %arg0 : i32
    %mul3A_1 = arith.constant 1024 : i32
    %mul3A_2 = arith.muli %add3A, %mul3A_1 : i32
    %mul3A_3 = arith.constant 128 : i32
    %mul3A_4 = arith.muli %add3A, %mul3A_3 : i32
    %add3A_5 = arith.constant 0 : i32
    %add3A_6 = arith.addi %mul3A_4, %add3A_5 : i32
    %dma_start3A = arith.constant 0 : i32
    %dma_start3A_7 = arith.constant 0 : i32
    %dma_start3A_8 = arith.constant 0 : i32
    %dma_start3A_9 = arith.constant 0 : i32
    %dma_start3A_10 = tpu.memref_slice %arg6[%dma_start3A_7, %dma_start3A_8, %dma_start3A_9] : memref<128x8x64xf32, #tpu.memory_space<vmem>> -> memref<32x8x64xf32, #tpu.memory_space<vmem>>
    %dma_start3A_11 = arith.constant 0 : i32
    %dma_start3A_12 = arith.constant 0 : i32
    %dma_start3A_13 = tpu.memref_slice %arg2[%add3A_6, %dma_start3A, %dma_start3A_11, %dma_start3A_12] : memref<4096x8x8x128xf32, #tpu.memory_space<hbm>> -> memref<32x1x8x64xf32, #tpu.memory_space<hbm>>
    %dma_start3A_14 = tpu.memref_squeeze %dma_start3A_13 : memref<32x1x8x64xf32, #tpu.memory_space<hbm>> -> memref<32x8x64xf32, #tpu.memory_space<hbm>>
    %dma_start3A_15 = arith.constant 0 : i32
    %dma_start3A_16 = arith.constant 0 : i32
    %dma_start3A_17 = arith.constant 0 : i32
    %dma_start3A_18 = tpu.memref_slice %arg6[%dma_start3A_15, %dma_start3A_16, %dma_start3A_17] : memref<128x8x64xf32, #tpu.memory_space<vmem>> -> memref<32x8x64xf32, #tpu.memory_space<vmem>>
    %dma_start3A_19 = arith.constant 0 : i32
    %dma_start3A_20 = arith.constant 0 : i32
    %dma_start3A_21 = tpu.memref_slice %arg2[%add3A_6, %dma_start3A, %dma_start3A_19, %dma_start3A_20] : memref<4096x8x8x128xf32, #tpu.memory_space<hbm>> -> memref<32x1x8x64xf32, #tpu.memory_space<hbm>>
    %dma_start3A_22 = tpu.memref_squeeze %dma_start3A_21 : memref<32x1x8x64xf32, #tpu.memory_space<hbm>> -> memref<32x8x64xf32, #tpu.memory_space<hbm>>
    tpu.enqueue_dma source(%dma_start3A_22 : memref<32x8x64xf32, #tpu.memory_space<hbm>>) target(%dma_start3A_18 : memref<32x8x64xf32, #tpu.memory_space<vmem>>) target_semaphore(%arg15 : memref<!tpu.dma_semaphore, #tpu.memory_space<semaphore_mem>>)
    %add3A_23 = arith.constant 32 : i32
    %add3A_24 = arith.addi %mul3A_4, %add3A_23 : i32
    %dma_start3A_25 = arith.constant 0 : i32
    %dma_start3A_26 = arith.constant 32 : i32
    %dma_start3A_27 = arith.constant 0 : i32
    %dma_start3A_28 = arith.constant 0 : i32
    %dma_start3A_29 = tpu.memref_slice %arg6[%dma_start3A_26, %dma_start3A_27, %dma_start3A_28] : memref<128x8x64xf32, #tpu.memory_space<vmem>> -> memref<32x8x64xf32, #tpu.memory_space<vmem>>
    %dma_start3A_30 = arith.constant 0 : i32
    %dma_start3A_31 = arith.constant 0 : i32
    %dma_start3A_32 = tpu.memref_slice %arg2[%add3A_24, %dma_start3A_25, %dma_start3A_30, %dma_start3A_31] : memref<4096x8x8x128xf32, #tpu.memory_space<hbm>> -> memref<32x1x8x64xf32, #tpu.memory_space<hbm>>
    %dma_start3A_33 = tpu.memref_squeeze %dma_start3A_32 : memref<32x1x8x64xf32, #tpu.memory_space<hbm>> -> memref<32x8x64xf32, #tpu.memory_space<hbm>>
    %dma_start3A_34 = arith.constant 32 : i32
    %dma_start3A_35 = arith.constant 0 : i32
    %dma_start3A_36 = arith.constant 0 : i32
    %dma_start3A_37 = tpu.memref_slice %arg6[%dma_start3A_34, %dma_start3A_35, %dma_start3A_36] : memref<128x8x64xf32, #tpu.memory_space<vmem>> -> memref<32x8x64xf32, #tpu.memory_space<vmem>>
    %dma_start3A_38 = arith.constant 0 : i32
    %dma_start3A_39 = arith.constant 0 : i32
    %dma_start3A_40 = tpu.memref_slice %arg2[%add3A_24, %dma_start3A_25, %dma_start3A_38, %dma_start3A_39] : memref<4096x8x8x128xf32, #tpu.memory_space<hbm>> -> memref<32x1x8x64xf32, #tpu.memory_space<hbm>>
    %dma_start3A_41 = tpu.memref_squeeze %dma_start3A_40 : memref<32x1x8x64xf32, #tpu.memory_space<hbm>> -> memref<32x8x64xf32, #tpu.memory_space<hbm>>
    tpu.enqueue_dma source(%dma_start3A_41 : memref<32x8x64xf32, #tpu.memory_space<hbm>>) target(%dma_start3A_37 : memref<32x8x64xf32, #tpu.memory_space<vmem>>) target_semaphore(%arg16 : memref<!tpu.dma_semaphore, #tpu.memory_space<semaphore_mem>>)
    %add3A_42 = arith.constant 64 : i32
    %add3A_43 = arith.addi %mul3A_4, %add3A_42 : i32
    %dma_start3A_44 = arith.constant 0 : i32
    %dma_start3A_45 = arith.constant 64 : i32
    %dma_start3A_46 = arith.constant 0 : i32
    %dma_start3A_47 = arith.constant 0 : i32
    %dma_start3A_48 = tpu.memref_slice %arg6[%dma_start3A_45, %dma_start3A_46, %dma_start3A_47] : memref<128x8x64xf32, #tpu.memory_space<vmem>> -> memref<32x8x64xf32, #tpu.memory_space<vmem>>
    %dma_start3A_49 = arith.constant 0 : i32
    %dma_start3A_50 = arith.constant 0 : i32
    %dma_start3A_51 = tpu.memref_slice %arg2[%add3A_43, %dma_start3A_44, %dma_start3A_49, %dma_start3A_50] : memref<4096x8x8x128xf32, #tpu.memory_space<hbm>> -> memref<32x1x8x64xf32, #tpu.memory_space<hbm>>
    %dma_start3A_52 = tpu.memref_squeeze %dma_start3A_51 : memref<32x1x8x64xf32, #tpu.memory_space<hbm>> -> memref<32x8x64xf32, #tpu.memory_space<hbm>>
    %dma_start3A_53 = arith.constant 64 : i32
    %dma_start3A_54 = arith.constant 0 : i32
    %dma_start3A_55 = arith.constant 0 : i32
    %dma_start3A_56 = tpu.memref_slice %arg6[%dma_start3A_53, %dma_start3A_54, %dma_start3A_55] : memref<128x8x64xf32, #tpu.memory_space<vmem>> -> memref<32x8x64xf32, #tpu.memory_space<vmem>>
    %dma_start3A_57 = arith.constant 0 : i32
    %dma_start3A_58 = arith.constant 0 : i32
    %dma_start3A_59 = tpu.memref_slice %arg2[%add3A_43, %dma_start3A_44, %dma_start3A_57, %dma_start3A_58] : memref<4096x8x8x128xf32, #tpu.memory_space<hbm>> -> memref<32x1x8x64xf32, #tpu.memory_space<hbm>>
    %dma_start3A_60 = tpu.memref_squeeze %dma_start3A_59 : memref<32x1x8x64xf32, #tpu.memory_space<hbm>> -> memref<32x8x64xf32, #tpu.memory_space<hbm>>
    tpu.enqueue_dma source(%dma_start3A_60 : memref<32x8x64xf32, #tpu.memory_space<hbm>>) target(%dma_start3A_56 : memref<32x8x64xf32, #tpu.memory_space<vmem>>) target_semaphore(%arg17 : memref<!tpu.dma_semaphore, #tpu.memory_space<semaphore_mem>>)
    %add3A_61 = arith.constant 96 : i32
    %add3A_62 = arith.addi %mul3A_4, %add3A_61 : i32
    %dma_start3A_63 = arith.constant 0 : i32
    %dma_start3A_64 = arith.constant 96 : i32
    %dma_start3A_65 = arith.constant 0 : i32
    %dma_start3A_66 = arith.constant 0 : i32
    %dma_start3A_67 = tpu.memref_slice %arg6[%dma_start3A_64, %dma_start3A_65, %dma_start3A_66] : memref<128x8x64xf32, #tpu.memory_space<vmem>> -> memref<32x8x64xf32, #tpu.memory_space<vmem>>
    %dma_start3A_68 = arith.constant 0 : i32
    %dma_start3A_69 = arith.constant 0 : i32
    %dma_start3A_70 = tpu.memref_slice %arg2[%add3A_62, %dma_start3A_63, %dma_start3A_68, %dma_start3A_69] : memref<4096x8x8x128xf32, #tpu.memory_space<hbm>> -> memref<32x1x8x64xf32, #tpu.memory_space<hbm>>
    %dma_start3A_71 = tpu.memref_squeeze %dma_start3A_70 : memref<32x1x8x64xf32, #tpu.memory_space<hbm>> -> memref<32x8x64xf32, #tpu.memory_space<hbm>>
    %dma_start3A_72 = arith.constant 96 : i32
    %dma_start3A_73 = arith.constant 0 : i32
    %dma_start3A_74 = arith.constant 0 : i32
    %dma_start3A_75 = tpu.memref_slice %arg6[%dma_start3A_72, %dma_start3A_73, %dma_start3A_74] : memref<128x8x64xf32, #tpu.memory_space<vmem>> -> memref<32x8x64xf32, #tpu.memory_space<vmem>>
    %dma_start3A_76 = arith.constant 0 : i32
    %dma_start3A_77 = arith.constant 0 : i32
    %dma_start3A_78 = tpu.memref_slice %arg2[%add3A_62, %dma_start3A_63, %dma_start3A_76, %dma_start3A_77] : memref<4096x8x8x128xf32, #tpu.memory_space<hbm>> -> memref<32x1x8x64xf32, #tpu.memory_space<hbm>>
    %dma_start3A_79 = tpu.memref_squeeze %dma_start3A_78 : memref<32x1x8x64xf32, #tpu.memory_space<hbm>> -> memref<32x8x64xf32, #tpu.memory_space<hbm>>
    tpu.enqueue_dma source(%dma_start3A_79 : memref<32x8x64xf32, #tpu.memory_space<hbm>>) target(%dma_start3A_75 : memref<32x8x64xf32, #tpu.memory_space<vmem>>) target_semaphore(%arg18 : memref<!tpu.dma_semaphore, #tpu.memory_space<semaphore_mem>>)
    "tpu.region"() ({
      %run_scoped3A = tpu.sem_alloc : memref<!tpu.dma_semaphore, #tpu.memory_space<semaphore_mem>>
      tpu.enqueue_dma source(%arg3 : memref<4x16xi32, #tpu.memory_space<hbm>>) target(%arg10 : memref<4x16xi32, #tpu.memory_space<vmem>>) target_semaphore(%run_scoped3A : memref<!tpu.dma_semaphore, #tpu.memory_space<semaphore_mem>>)
      tpu.wait_dma2 semaphore(%run_scoped3A : memref<!tpu.dma_semaphore, #tpu.memory_space<semaphore_mem>>) src(%arg3 : memref<4x16xi32, #tpu.memory_space<hbm>>) dst(%arg10 : memref<4x16xi32, #tpu.memory_space<vmem>>)
      tpu.yield
    }) : () -> ()
    %add3A_80 = arith.constant 0 : i32
    %add3A_81 = arith.addi %mul3A_4, %add3A_80 : i32
    %dma_wait3A = arith.constant 0 : i32
    %dma_wait3A_82 = arith.constant 0 : i32
    %dma_wait3A_83 = arith.constant 0 : i32
    %dma_wait3A_84 = arith.constant 0 : i32
    %dma_wait3A_85 = tpu.memref_slice %arg6[%dma_wait3A_82, %dma_wait3A_83, %dma_wait3A_84] : memref<128x8x64xf32, #tpu.memory_space<vmem>> -> memref<32x8x64xf32, #tpu.memory_space<vmem>>
    %dma_wait3A_86 = arith.constant 0 : i32
    %dma_wait3A_87 = arith.constant 0 : i32
    %dma_wait3A_88 = tpu.memref_slice %arg2[%add3A_81, %dma_wait3A, %dma_wait3A_86, %dma_wait3A_87] : memref<4096x8x8x128xf32, #tpu.memory_space<hbm>> -> memref<32x1x8x64xf32, #tpu.memory_space<hbm>>
    %dma_wait3A_89 = tpu.memref_squeeze %dma_wait3A_88 : memref<32x1x8x64xf32, #tpu.memory_space<hbm>> -> memref<32x8x64xf32, #tpu.memory_space<hbm>>
    %dma_wait3A_90 = arith.constant 0 : i32
    %dma_wait3A_91 = arith.constant 0 : i32
    %dma_wait3A_92 = arith.constant 0 : i32
    %dma_wait3A_93 = tpu.memref_slice %arg6[%dma_wait3A_90, %dma_wait3A_91, %dma_wait3A_92] : memref<128x8x64xf32, #tpu.memory_space<vmem>> -> memref<32x8x64xf32, #tpu.memory_space<vmem>>
    %dma_wait3A_94 = arith.constant 0 : i32
    %dma_wait3A_95 = arith.constant 0 : i32
    %dma_wait3A_96 = tpu.memref_slice %arg2[%add3A_81, %dma_wait3A, %dma_wait3A_94, %dma_wait3A_95] : memref<4096x8x8x128xf32, #tpu.memory_space<hbm>> -> memref<32x1x8x64xf32, #tpu.memory_space<hbm>>
    %dma_wait3A_97 = tpu.memref_squeeze %dma_wait3A_96 : memref<32x1x8x64xf32, #tpu.memory_space<hbm>> -> memref<32x8x64xf32, #tpu.memory_space<hbm>>
    tpu.wait_dma2 semaphore(%arg15 : memref<!tpu.dma_semaphore, #tpu.memory_space<semaphore_mem>>) src(%dma_wait3A_97 : memref<32x8x64xf32, #tpu.memory_space<hbm>>) dst(%dma_wait3A_93 : memref<32x8x64xf32, #tpu.memory_space<vmem>>)
    %iota3A = tpu.iota {dimensions = array<i32: 0>} : vector<16xi32>
    %broadcast_in_dim3A = arith.constant 0.000000e+00 : f32
    %broadcast_in_dim3A_98 = vector.broadcast %broadcast_in_dim3A : f32 to vector<16xf32>
    %broadcast_in_dim3A_99 = arith.constant 7.000000e+00 : f32
    %broadcast_in_dim3A_100 = vector.broadcast %broadcast_in_dim3A_99 : f32 to vector<16xf32>
    %broadcast_in_dim3A_101 = arith.constant 12 : i32
    %broadcast_in_dim3A_102 = vector.broadcast %broadcast_in_dim3A_101 : i32 to vector<16xi32>
    %broadcast_in_dim3A_103 = arith.constant 4 : i32
    %broadcast_in_dim3A_104 = vector.broadcast %broadcast_in_dim3A_103 : i32 to vector<16xi32>
    %broadcast_in_dim3A_105 = arith.constant 0 : i32
    %broadcast_in_dim3A_106 = vector.broadcast %broadcast_in_dim3A_105 : i32 to vector<16xi32>
    %broadcast_in_dim3A_107 = arith.constant 5.000000e-01 : f32
    %broadcast_in_dim3A_108 = vector.broadcast %broadcast_in_dim3A_107 : f32 to vector<16xf32>
    %broadcast_in_dim3A_109 = arith.constant 63 : i32
    %broadcast_in_dim3A_110 = vector.broadcast %broadcast_in_dim3A_109 : i32 to vector<16xi32>
    %add3A_111 = arith.constant 1 : i32
    %add3A_112 = vector.broadcast %add3A_111 : i32 to vector<16xi32>
    %add3A_113 = arith.addi %iota3A, %add3A_112 : vector<16xi32>
    %add3A_114 = arith.constant 17 : i32
    %add3A_115 = vector.broadcast %add3A_114 : i32 to vector<16xi32>
    %add3A_116 = arith.addi %iota3A, %add3A_115 : vector<16xi32>
    %add3A_117 = arith.constant 33 : i32
    %add3A_118 = vector.broadcast %add3A_117 : i32 to vector<16xi32>
    %add3A_119 = arith.addi %iota3A, %add3A_118 : vector<16xi32>
    %add3A_120 = arith.constant 49 : i32
    %add3A_121 = vector.broadcast %add3A_120 : i32 to vector<16xi32>
    %add3A_122 = arith.addi %iota3A, %add3A_121 : vector<16xi32>
    %get3A = arith.constant 0 : i64
    %get3A_123 = arith.index_cast %get3A : i64 to index
    %get3A_124 = arith.constant 0 : index
    %get3A_125 = tpu.vector_load %arg10[%get3A_123, %get3A_124] {strides = array<i32>} : memref<4x16xi32, #tpu.memory_space<vmem>>, vector<16xi32>,
    %get3A_126 = arith.constant 1 : i64
    %get3A_127 = arith.index_cast %get3A_126 : i64 to index
    %get3A_128 = arith.constant 0 : index
    %get3A_129 = tpu.vector_load %arg10[%get3A_127, %get3A_128] {strides = array<i32>} : memref<4x16xi32, #tpu.memory_space<vmem>>, vector<16xi32>,
    %get3A_130 = arith.constant 2 : i64
    %get3A_131 = arith.index_cast %get3A_130 : i64 to index
    %get3A_132 = arith.constant 0 : index
    %get3A_133 = tpu.vector_load %arg10[%get3A_131, %get3A_132] {strides = array<i32>} : memref<4x16xi32, #tpu.memory_space<vmem>>, vector<16xi32>,
    %get3A_134 = arith.constant 3 : i64
    %get3A_135 = arith.index_cast %get3A_134 : i64 to index
    %get3A_136 = arith.constant 0 : index
    %get3A_137 = tpu.vector_load %arg10[%get3A_135, %get3A_136] {strides = array<i32>} : memref<4x16xi32, #tpu.memory_space<vmem>>, vector<16xi32>,
    %broadcast_in_dim3A_138 = arith.constant 7 : i32
    %broadcast_in_dim3A_139 = vector.broadcast %broadcast_in_dim3A_138 : i32 to vector<16xi32>
    %swap3A = arith.constant 0 : i64
    %swap3A_140 = arith.constant 0 : i64
    %swap3A_141 = arith.index_cast %swap3A : i64 to index
    %swap3A_142 = arith.index_cast %swap3A_140 : i64 to index
    %swap3A_143 = arith.constant 0 : index
    %swap3A_144 = tpu.vector_load %arg11[%swap3A_141, %swap3A_142, %swap3A_143] {strides = array<i32>} : memref<8x8x16xf32, #tpu.memory_space<vmem>>, vector<16xf32>,
    tpu.vector_store %arg11[%swap3A_141, %swap3A_142, %swap3A_143], %broadcast_in_dim3A_98 {strides = array<i32>} : memref<8x8x16xf32, #tpu.memory_space<vmem>>, vector<16xf32>,
    %swap3A_145 = arith.constant 0 : i64
    %swap3A_146 = arith.constant 1 : i64
    %swap3A_147 = arith.index_cast %swap3A_145 : i64 to index
    %swap3A_148 = arith.index_cast %swap3A_146 : i64 to index
    %swap3A_149 = arith.constant 0 : index
    %swap3A_150 = tpu.vector_load %arg11[%swap3A_147, %swap3A_148, %swap3A_149] {strides = array<i32>} : memref<8x8x16xf32, #tpu.memory_space<vmem>>, vector<16xf32>,
    tpu.vector_store %arg11[%swap3A_147, %swap3A_148, %swap3A_149], %broadcast_in_dim3A_98 {strides = array<i32>} : memref<8x8x16xf32, #tpu.memory_space<vmem>>, vector<16xf32>,
    %swap3A_151 = arith.constant 0 : i64
    %swap3A_152 = arith.constant 2 : i64
    %swap3A_153 = arith.index_cast %swap3A_151 : i64 to index
    %swap3A_154 = arith.index_cast %swap3A_152 : i64 to index
    %swap3A_155 = arith.constant 0 : index
    %swap3A_156 = tpu.vector_load %arg11[%swap3A_153, %swap3A_154, %swap3A_155] {strides = array<i32>} : memref<8x8x16xf32, #tpu.memory_space<vmem>>, vector<16xf32>,
    tpu.vector_store %arg11[%swap3A_153, %swap3A_154, %swap3A_155], %broadcast_in_dim3A_98 {strides = array<i32>} : memref<8x8x16xf32, #tpu.memory_space<vmem>>, vector<16xf32>,
    %swap3A_157 = arith.constant 0 : i64
    %swap3A_158 = arith.constant 3 : i64
    %swap3A_159 = arith.index_cast %swap3A_157 : i64 to index
    %swap3A_160 = arith.index_cast %swap3A_158 : i64 to index
    %swap3A_161 = arith.constant 0 : index
    %swap3A_162 = tpu.vector_load %arg11[%swap3A_159, %swap3A_160, %swap3A_161] {strides = array<i32>} : memref<8x8x16xf32, #tpu.memory_space<vmem>>, vector<16xf32>,
    tpu.vector_store %arg11[%swap3A_159, %swap3A_160, %swap3A_161], %broadcast_in_dim3A_98 {strides = array<i32>} : memref<8x8x16xf32, #tpu.memory_space<vmem>>, vector<16xf32>,
    %swap3A_163 = arith.constant 0 : i64
    %swap3A_164 = arith.constant 4 : i64
    %swap3A_165 = arith.index_cast %swap3A_163 : i64 to index
    %swap3A_166 = arith.index_cast %swap3A_164 : i64 to index
    %swap3A_167 = arith.constant 0 : index
    %swap3A_168 = tpu.vector_load %arg11[%swap3A_165, %swap3A_166, %swap3A_167] {strides = array<i32>} : memref<8x8x16xf32, #tpu.memory_space<vmem>>, vector<16xf32>,
    tpu.vector_store %arg11[%swap3A_165, %swap3A_166, %swap3A_167], %broadcast_in_dim3A_98 {strides = array<i32>} : memref<8x8x16xf32, #tpu.memory_space<vmem>>, vector<16xf32>,
    %swap3A_169 = arith.constant 0 : i64
    %swap3A_170 = arith.constant 5 : i64
    %swap3A_171 = arith.index_cast %swap3A_169 : i64 to index
    %swap3A_172 = arith.index_cast %swap3A_170 : i64 to index
    %swap3A_173 = arith.constant 0 : index
    %swap3A_174 = tpu.vector_load %arg11[%swap3A_171, %swap3A_172, %swap3A_173] {strides = array<i32>} : memref<8x8x16xf32, #tpu.memory_space<vmem>>, vector<16xf32>,
    tpu.vector_store %arg11[%swap3A_171, %swap3A_172, %swap3A_173], %broadcast_in_dim3A_98 {strides = array<i32>} : memref<8x8x16xf32, #tpu.memory_space<vmem>>, vector<16xf32>,
    %swap3A_175 = arith.constant 0 : i64
    %swap3A_176 = arith.constant 6 : i64
    %swap3A_177 = arith.index_cast %swap3A_175 : i64 to index
    %swap3A_178 = arith.index_cast %swap3A_176 : i64 to index
    %swap3A_179 = arith.constant 0 : index
    %swap3A_180 = tpu.vector_load %arg11[%swap3A_177, %swap3A_178, %swap3A_179] {strides = array<i32>} : memref<8x8x16xf32, #tpu.memory_space<vmem>>, vector<16xf32>,
    tpu.vector_store %arg11[%swap3A_177, %swap3A_178, %swap3A_179], %broadcast_in_dim3A_98 {strides = array<i32>} : memref<8x8x16xf32, #tpu.memory_space<vmem>>, vector<16xf32>,
    %swap3A_181 = arith.constant 0 : i64
    %swap3A_182 = arith.constant 7 : i64
    %swap3A_183 = arith.index_cast %swap3A_181 : i64 to index
    %swap3A_184 = arith.index_cast %swap3A_182 : i64 to index
    %swap3A_185 = arith.constant 0 : index
    %swap3A_186 = tpu.vector_load %arg11[%swap3A_183, %swap3A_184, %swap3A_185] {strides = array<i32>} : memref<8x8x16xf32, #tpu.memory_space<vmem>>, vector<16xf32>,
    tpu.vector_store %arg11[%swap3A_183, %swap3A_184, %swap3A_185], %broadcast_in_dim3A_98 {strides = array<i32>} : memref<8x8x16xf32, #tpu.memory_space<vmem>>, vector<16xf32>,
    %swap3A_187 = arith.constant 1 : i64
    %swap3A_188 = arith.constant 0 : i64
    %swap3A_189 = arith.index_cast %swap3A_187 : i64 to index
    %swap3A_190 = arith.index_cast %swap3A_188 : i64 to index
    %swap3A_191 = arith.constant 0 : index
    %swap3A_192 = tpu.vector_load %arg11[%swap3A_189, %swap3A_190, %swap3A_191] {strides = array<i32>} : memref<8x8x16xf32, #tpu.memory_space<vmem>>, vector<16xf32>,
    tpu.vector_store %arg11[%swap3A_189, %swap3A_190, %swap3A_191], %broadcast_in_dim3A_98 {strides = array<i32>} : memref<8x8x16xf32, #tpu.memory_space<vmem>>, vector<16xf32>,
    %swap3A_193 = arith.constant 1 : i64
    %swap3A_194 = arith.constant 1 : i64
    %swap3A_195 = arith.index_cast %swap3A_193 : i64 to index
    %swap3A_196 = arith.index_cast %swap3A_194 : i64 to index
    %swap3A_197 = arith.constant 0 : index
    %swap3A_198 = tpu.vector_load %arg11[%swap3A_195, %swap3A_196, %swap3A_197] {strides = array<i32>} : memref<8x8x16xf32, #tpu.memory_space<vmem>>, vector<16xf32>,
    tpu.vector_store %arg11[%swap3A_195, %swap3A_196, %swap3A_197], %broadcast_in_dim3A_98 {strides = array<i32>} : memref<8x8x16xf32, #tpu.memory_space<vmem>>, vector<16xf32>,
    %swap3A_199 = arith.constant 1 : i64
    %swap3A_200 = arith.constant 2 : i64
    %swap3A_201 = arith.index_cast %swap3A_199 : i64 to index
    %swap3A_202 = arith.index_cast %swap3A_200 : i64 to index
    %swap3A_203 = arith.constant 0 : index
    %swap3A_204 = tpu.vector_load %arg11[%swap3A_201, %swap3A_202, %swap3A_203] {strides = array<i32>} : memref<8x8x16xf32, #tpu.memory_space<vmem>>, vector<16xf32>,
    tpu.vector_store %arg11[%swap3A_201, %swap3A_202, %swap3A_203], %broadcast_in_dim3A_98 {strides = array<i32>} : memref<8x8x16xf32, #tpu.memory_space<vmem>>, vector<16xf32>,
    %swap3A_205 = arith.constant 1 : i64
    %swap3A_206 = arith.constant 3 : i64
    %swap3A_207 = arith.index_cast %swap3A_205 : i64 to index
    %swap3A_208 = arith.index_cast %swap3A_206 : i64 to index
    %swap3A_209 = arith.constant 0 : index
    %swap3A_210 = tpu.vector_load %arg11[%swap3A_207, %swap3A_208, %swap3A_209] {strides = array<i32>} : memref<8x8x16xf32, #tpu.memory_space<vmem>>, vector<16xf32>,
    tpu.vector_store %arg11[%swap3A_207, %swap3A_208, %swap3A_209], %broadcast_in_dim3A_98 {strides = array<i32>} : memref<8x8x16xf32, #tpu.memory_space<vmem>>, vector<16xf32>,
    %swap3A_211 = arith.constant 1 : i64
    %swap3A_212 = arith.constant 4 : i64
    %swap3A_213 = arith.index_cast %swap3A_211 : i64 to index
    %swap3A_214 = arith.index_cast %swap3A_212 : i64 to index
    %swap3A_215 = arith.constant 0 : index
    %swap3A_216 = tpu.vector_load %arg11[%swap3A_213, %swap3A_214, %swap3A_215] {strides = array<i32>} : memref<8x8x16xf32, #tpu.memory_space<vmem>>, vector<16xf32>,
    tpu.vector_store %arg11[%swap3A_213, %swap3A_214, %swap3A_215], %broadcast_in_dim3A_98 {strides = array<i32>} : memref<8x8x16xf32, #tpu.memory_space<vmem>>, vector<16xf32>,
    %swap3A_217 = arith.constant 1 : i64
    %swap3A_218 = arith.constant 5 : i64
    %swap3A_219 = arith.index_cast %swap3A_217 : i64 to index
    %swap3A_220 = arith.index_cast %swap3A_218 : i64 to index
    %swap3A_221 = arith.constant 0 : index
    %swap3A_222 = tpu.vector_load %arg11[%swap3A_219, %swap3A_220, %swap3A_221] {strides = array<i32>} : memref<8x8x16xf32, #tpu.memory_space<vmem>>, vector<16xf32>,
    tpu.vector_store %arg11[%swap3A_219, %swap3A_220, %swap3A_221], %broadcast_in_dim3A_98 {strides = array<i32>} : memref<8x8x16xf32, #tpu.memory_space<vmem>>, vector<16xf32>,
    %swap3A_223 = arith.constant 1 : i64
    %swap3A_224 = arith.constant 6 : i64
    %swap3A_225 = arith.index_cast %swap3A_223 : i64 to index
    %swap3A_226 = arith.index_cast %swap3A_224 : i64 to index
    %swap3A_227 = arith.constant 0 : index
    %swap3A_228 = tpu.vector_load %arg11[%swap3A_225, %swap3A_226, %swap3A_227] {strides = array<i32>} : memref<8x8x16xf32, #tpu.memory_space<vmem>>, vector<16xf32>,
    tpu.vector_store %arg11[%swap3A_225, %swap3A_226, %swap3A_227], %broadcast_in_dim3A_98 {strides = array<i32>} : memref<8x8x16xf32, #tpu.memory_space<vmem>>, vector<16xf32>,
    %swap3A_229 = arith.constant 1 : i64
    %swap3A_230 = arith.constant 7 : i64
    %swap3A_231 = arith.index_cast %swap3A_229 : i64 to index
    %swap3A_232 = arith.index_cast %swap3A_230 : i64 to index
    %swap3A_233 = arith.constant 0 : index
    %swap3A_234 = tpu.vector_load %arg11[%swap3A_231, %swap3A_232, %swap3A_233] {strides = array<i32>} : memref<8x8x16xf32, #tpu.memory_space<vmem>>, vector<16xf32>,
    tpu.vector_store %arg11[%swap3A_231, %swap3A_232, %swap3A_233], %broadcast_in_dim3A_98 {strides = array<i32>} : memref<8x8x16xf32, #tpu.memory_space<vmem>>, vector<16xf32>,
    %swap3A_235 = arith.constant 2 : i64
    %swap3A_236 = arith.constant 0 : i64
    %swap3A_237 = arith.index_cast %swap3A_235 : i64 to index
    %swap3A_238 = arith.index_cast %swap3A_236 : i64 to index
    %swap3A_239 = arith.constant 0 : index
    %swap3A_240 = tpu.vector_load %arg11[%swap3A_237, %swap3A_238, %swap3A_239] {strides = array<i32>} : memref<8x8x16xf32, #tpu.memory_space<vmem>>, vector<16xf32>,
    tpu.vector_store %arg11[%swap3A_237, %swap3A_238, %swap3A_239], %broadcast_in_dim3A_98 {strides = array<i32>} : memref<8x8x16xf32, #tpu.memory_space<vmem>>, vector<16xf32>,
    %swap3A_241 = arith.constant 2 : i64
    %swap3A_242 = arith.constant 1 : i64
    %swap3A_243 = arith.index_cast %swap3A_241 : i64 to index
    %swap3A_244 = arith.index_cast %swap3A_242 : i64 to index
    %swap3A_245 = arith.constant 0 : index
    %swap3A_246 = tpu.vector_load %arg11[%swap3A_243, %swap3A_244, %swap3A_245] {strides = array<i32>} : memref<8x8x16xf32, #tpu.memory_space<vmem>>, vector<16xf32>,
    tpu.vector_store %arg11[%swap3A_243, %swap3A_244, %swap3A_245], %broadcast_in_dim3A_98 {strides = array<i32>} : memref<8x8x16xf32, #tpu.memory_space<vmem>>, vector<16xf32>,
    %swap3A_247 = arith.constant 2 : i64
    %swap3A_248 = arith.constant 2 : i64
    %swap3A_249 = arith.index_cast %swap3A_247 : i64 to index
    %swap3A_250 = arith.index_cast %swap3A_248 : i64 to index
    %swap3A_251 = arith.constant 0 : index
    %swap3A_252 = tpu.vector_load %arg11[%swap3A_249, %swap3A_250, %swap3A_251] {strides = array<i32>} : memref<8x8x16xf32, #tpu.memory_space<vmem>>, vector<16xf32>,
    tpu.vector_store %arg11[%swap3A_249, %swap3A_250, %swap3A_251], %broadcast_in_dim3A_98 {strides = array<i32>} : memref<8x8x16xf32, #tpu.memory_space<vmem>>, vector<16xf32>,
    %swap3A_253 = arith.constant 2 : i64
    %swap3A_254 = arith.constant 3 : i64
    %swap3A_255 = arith.index_cast %swap3A_253 : i64 to index
    %swap3A_256 = arith.index_cast %swap3A_254 : i64 to index
    %swap3A_257 = arith.constant 0 : index
    %swap3A_258 = tpu.vector_load %arg11[%swap3A_255, %swap3A_256, %swap3A_257] {strides = array<i32>} : memref<8x8x16xf32, #tpu.memory_space<vmem>>, vector<16xf32>,
    tpu.vector_store %arg11[%swap3A_255, %swap3A_256, %swap3A_257], %broadcast_in_dim3A_98 {strides = array<i32>} : memref<8x8x16xf32, #tpu.memory_space<vmem>>, vector<16xf32>,
    %swap3A_259 = arith.constant 2 : i64
    %swap3A_260 = arith.constant 4 : i64
    %swap3A_261 = arith.index_cast %swap3A_259 : i64 to index
    %swap3A_262 = arith.index_cast %swap3A_260 : i64 to index
    %swap3A_263 = arith.constant 0 : index
    %swap3A_264 = tpu.vector_load %arg11[%swap3A_261, %swap3A_262, %swap3A_263] {strides = array<i32>} : memref<8x8x16xf32, #tpu.memory_space<vmem>>, vector<16xf32>,
    tpu.vector_store %arg11[%swap3A_261, %swap3A_262, %swap3A_263], %broadcast_in_dim3A_98 {strides = array<i32>} : memref<8x8x16xf32, #tpu.memory_space<vmem>>, vector<16xf32>,
    %swap3A_265 = arith.constant 2 : i64
    %swap3A_266 = arith.constant 5 : i64
    %swap3A_267 = arith.index_cast %swap3A_265 : i64 to index
    %swap3A_268 = arith.index_cast %swap3A_266 : i64 to index
    %swap3A_269 = arith.constant 0 : index
    %swap3A_270 = tpu.vector_load %arg11[%swap3A_267, %swap3A_268, %swap3A_269] {strides = array<i32>} : memref<8x8x16xf32, #tpu.memory_space<vmem>>, vector<16xf32>,
    tpu.vector_store %arg11[%swap3A_267, %swap3A_268, %swap3A_269], %broadcast_in_dim3A_98 {strides = array<i32>} : memref<8x8x16xf32, #tpu.memory_space<vmem>>, vector<16xf32>,
    %swap3A_271 = arith.constant 2 : i64
    %swap3A_272 = arith.constant 6 : i64
    %swap3A_273 = arith.index_cast %swap3A_271 : i64 to index
    %swap3A_274 = arith.index_cast %swap3A_272 : i64 to index
    %swap3A_275 = arith.constant 0 : index
    %swap3A_276 = tpu.vector_load %arg11[%swap3A_273, %swap3A_274, %swap3A_275] {strides = array<i32>} : memref<8x8x16xf32, #tpu.memory_space<vmem>>, vector<16xf32>,
    tpu.vector_store %arg11[%swap3A_273, %swap3A_274, %swap3A_275], %broadcast_in_dim3A_98 {strides = array<i32>} : memref<8x8x16xf32, #tpu.memory_space<vmem>>, vector<16xf32>,
    %swap3A_277 = arith.constant 2 : i64
    %swap3A_278 = arith.constant 7 : i64
    %swap3A_279 = arith.index_cast %swap3A_277 : i64 to index
    %swap3A_280 = arith.index_cast %swap3A_278 : i64 to index
    %swap3A_281 = arith.constant 0 : index
    %swap3A_282 = tpu.vector_load %arg11[%swap3A_279, %swap3A_280, %swap3A_281] {strides = array<i32>} : memref<8x8x16xf32, #tpu.memory_space<vmem>>, vector<16xf32>,
    tpu.vector_store %arg11[%swap3A_279, %swap3A_280, %swap3A_281], %broadcast_in_dim3A_98 {strides = array<i32>} : memref<8x8x16xf32, #tpu.memory_space<vmem>>, vector<16xf32>,
    %swap3A_283 = arith.constant 3 : i64
    %swap3A_284 = arith.constant 0 : i64
    %swap3A_285 = arith.index_cast %swap3A_283 : i64 to index
    %swap3A_286 = arith.index_cast %swap3A_284 : i64 to index
    %swap3A_287 = arith.constant 0 : index
    %swap3A_288 = tpu.vector_load %arg11[%swap3A_285, %swap3A_286, %swap3A_287] {strides = array<i32>} : memref<8x8x16xf32, #tpu.memory_space<vmem>>, vector<16xf32>,
    tpu.vector_store %arg11[%swap3A_285, %swap3A_286, %swap3A_287], %broadcast_in_dim3A_98 {strides = array<i32>} : memref<8x8x16xf32, #tpu.memory_space<vmem>>, vector<16xf32>,
    %swap3A_289 = arith.constant 3 : i64
    %swap3A_290 = arith.constant 1 : i64
    %swap3A_291 = arith.index_cast %swap3A_289 : i64 to index
    %swap3A_292 = arith.index_cast %swap3A_290 : i64 to index
    %swap3A_293 = arith.constant 0 : index
    %swap3A_294 = tpu.vector_load %arg11[%swap3A_291, %swap3A_292, %swap3A_293] {strides = array<i32>} : memref<8x8x16xf32, #tpu.memory_space<vmem>>, vector<16xf32>,
    tpu.vector_store %arg11[%swap3A_291, %swap3A_292, %swap3A_293], %broadcast_in_dim3A_98 {strides = array<i32>} : memref<8x8x16xf32, #tpu.memory_space<vmem>>, vector<16xf32>,
    %swap3A_295 = arith.constant 3 : i64
    %swap3A_296 = arith.constant 2 : i64
    %swap3A_297 = arith.index_cast %swap3A_295 : i64 to index
    %swap3A_298 = arith.index_cast %swap3A_296 : i64 to index
    %swap3A_299 = arith.constant 0 : index
    %swap3A_300 = tpu.vector_load %arg11[%swap3A_297, %swap3A_298, %swap3A_299] {strides = array<i32>} : memref<8x8x16xf32, #tpu.memory_space<vmem>>, vector<16xf32>,
    tpu.vector_store %arg11[%swap3A_297, %swap3A_298, %swap3A_299], %broadcast_in_dim3A_98 {strides = array<i32>} : memref<8x8x16xf32, #tpu.memory_space<vmem>>, vector<16xf32>,
    %swap3A_301 = arith.constant 3 : i64
    %swap3A_302 = arith.constant 3 : i64
    %swap3A_303 = arith.index_cast %swap3A_301 : i64 to index
    %swap3A_304 = arith.index_cast %swap3A_302 : i64 to index
    %swap3A_305 = arith.constant 0 : index
    %swap3A_306 = tpu.vector_load %arg11[%swap3A_303, %swap3A_304, %swap3A_305] {strides = array<i32>} : memref<8x8x16xf32, #tpu.memory_space<vmem>>, vector<16xf32>,
    tpu.vector_store %arg11[%swap3A_303, %swap3A_304, %swap3A_305], %broadcast_in_dim3A_98 {strides = array<i32>} : memref<8x8x16xf32, #tpu.memory_space<vmem>>, vector<16xf32>,
    %swap3A_307 = arith.constant 3 : i64
    %swap3A_308 = arith.constant 4 : i64
    %swap3A_309 = arith.index_cast %swap3A_307 : i64 to index
    %swap3A_310 = arith.index_cast %swap3A_308 : i64 to index
    %swap3A_311 = arith.constant 0 : index
    %swap3A_312 = tpu.vector_load %arg11[%swap3A_309, %swap3A_310, %swap3A_311] {strides = array<i32>} : memref<8x8x16xf32, #tpu.memory_space<vmem>>, vector<16xf32>,
    tpu.vector_store %arg11[%swap3A_309, %swap3A_310, %swap3A_311], %broadcast_in_dim3A_98 {strides = array<i32>} : memref<8x8x16xf32, #tpu.memory_space<vmem>>, vector<16xf32>,
    %swap3A_313 = arith.constant 3 : i64
    %swap3A_314 = arith.constant 5 : i64
    %swap3A_315 = arith.index_cast %swap3A_313 : i64 to index
    %swap3A_316 = arith.index_cast %swap3A_314 : i64 to index
    %swap3A_317 = arith.constant 0 : index
    %swap3A_318 = tpu.vector_load %arg11[%swap3A_315, %swap3A_316, %swap3A_317] {strides = array<i32>} : memref<8x8x16xf32, #tpu.memory_space<vmem>>, vector<16xf32>,
    tpu.vector_store %arg11[%swap3A_315, %swap3A_316, %swap3A_317], %broadcast_in_dim3A_98 {strides = array<i32>} : memref<8x8x16xf32, #tpu.memory_space<vmem>>, vector<16xf32>,
    %swap3A_319 = arith.constant 3 : i64
    %swap3A_320 = arith.constant 6 : i64
    %swap3A_321 = arith.index_cast %swap3A_319 : i64 to index
    %swap3A_322 = arith.index_cast %swap3A_320 : i64 to index
    %swap3A_323 = arith.constant 0 : index
    %swap3A_324 = tpu.vector_load %arg11[%swap3A_321, %swap3A_322, %swap3A_323] {strides = array<i32>} : memref<8x8x16xf32, #tpu.memory_space<vmem>>, vector<16xf32>,
    tpu.vector_store %arg11[%swap3A_321, %swap3A_322, %swap3A_323], %broadcast_in_dim3A_98 {strides = array<i32>} : memref<8x8x16xf32, #tpu.memory_space<vmem>>, vector<16xf32>,
    %swap3A_325 = arith.constant 3 : i64
    %swap3A_326 = arith.constant 7 : i64
    %swap3A_327 = arith.index_cast %swap3A_325 : i64 to index
    %swap3A_328 = arith.index_cast %swap3A_326 : i64 to index
    %swap3A_329 = arith.constant 0 : index
    %swap3A_330 = tpu.vector_load %arg11[%swap3A_327, %swap3A_328, %swap3A_329] {strides = array<i32>} : memref<8x8x16xf32, #tpu.memory_space<vmem>>, vector<16xf32>,
    tpu.vector_store %arg11[%swap3A_327, %swap3A_328, %swap3A_329], %broadcast_in_dim3A_98 {strides = array<i32>} : memref<8x8x16xf32, #tpu.memory_space<vmem>>, vector<16xf32>,
    %swap3A_331 = arith.constant 4 : i64
    %swap3A_332 = arith.constant 0 : i64
    %swap3A_333 = arith.index_cast %swap3A_331 : i64 to index
    %swap3A_334 = arith.index_cast %swap3A_332 : i64 to index
    %swap3A_335 = arith.constant 0 : index
    %swap3A_336 = tpu.vector_load %arg11[%swap3A_333, %swap3A_334, %swap3A_335] {strides = array<i32>} : memref<8x8x16xf32, #tpu.memory_space<vmem>>, vector<16xf32>,
    tpu.vector_store %arg11[%swap3A_333, %swap3A_334, %swap3A_335], %broadcast_in_dim3A_98 {strides = array<i32>} : memref<8x8x16xf32, #tpu.memory_space<vmem>>, vector<16xf32>,
    %swap3A_337 = arith.constant 4 : i64
    %swap3A_338 = arith.constant 1 : i64
    %swap3A_339 = arith.index_cast %swap3A_337 : i64 to index
    %swap3A_340 = arith.index_cast %swap3A_338 : i64 to index
    %swap3A_341 = arith.constant 0 : index
    %swap3A_342 = tpu.vector_load %arg11[%swap3A_339, %swap3A_340, %swap3A_341] {strides = array<i32>} : memref<8x8x16xf32, #tpu.memory_space<vmem>>, vector<16xf32>,
    tpu.vector_store %arg11[%swap3A_339, %swap3A_340, %swap3A_341], %broadcast_in_dim3A_98 {strides = array<i32>} : memref<8x8x16xf32, #tpu.memory_space<vmem>>, vector<16xf32>,
    %swap3A_343 = arith.constant 4 : i64
    %swap3A_344 = arith.constant 2 : i64
    %swap3A_345 = arith.index_cast %swap3A_343 : i64 to index
    %swap3A_346 = arith.index_cast %swap3A_344 : i64 to index
    %swap3A_347 = arith.constant 0 : index
    %swap3A_348 = tpu.vector_load %arg11[%swap3A_345, %swap3A_346, %swap3A_347] {strides = array<i32>} : memref<8x8x16xf32, #tpu.memory_space<vmem>>, vector<16xf32>,
    tpu.vector_store %arg11[%swap3A_345, %swap3A_346, %swap3A_347], %broadcast_in_dim3A_98 {strides = array<i32>} : memref<8x8x16xf32, #tpu.memory_space<vmem>>, vector<16xf32>,
    %swap3A_349 = arith.constant 4 : i64
    %swap3A_350 = arith.constant 3 : i64
    %swap3A_351 = arith.index_cast %swap3A_349 : i64 to index
    %swap3A_352 = arith.index_cast %swap3A_350 : i64 to index
    %swap3A_353 = arith.constant 0 : index
    %swap3A_354 = tpu.vector_load %arg11[%swap3A_351, %swap3A_352, %swap3A_353] {strides = array<i32>} : memref<8x8x16xf32, #tpu.memory_space<vmem>>, vector<16xf32>,
    tpu.vector_store %arg11[%swap3A_351, %swap3A_352, %swap3A_353], %broadcast_in_dim3A_98 {strides = array<i32>} : memref<8x8x16xf32, #tpu.memory_space<vmem>>, vector<16xf32>,
    %swap3A_355 = arith.constant 4 : i64
    %swap3A_356 = arith.constant 4 : i64
    %swap3A_357 = arith.index_cast %swap3A_355 : i64 to index
    %swap3A_358 = arith.index_cast %swap3A_356 : i64 to index
    %swap3A_359 = arith.constant 0 : index
    %swap3A_360 = tpu.vector_load %arg11[%swap3A_357, %swap3A_358, %swap3A_359] {strides = array<i32>} : memref<8x8x16xf32, #tpu.memory_space<vmem>>, vector<16xf32>,
    tpu.vector_store %arg11[%swap3A_357, %swap3A_358, %swap3A_359], %broadcast_in_dim3A_98 {strides = array<i32>} : memref<8x8x16xf32, #tpu.memory_space<vmem>>, vector<16xf32>,
    %swap3A_361 = arith.constant 4 : i64
    %swap3A_362 = arith.constant 5 : i64
    %swap3A_363 = arith.index_cast %swap3A_361 : i64 to index
    %swap3A_364 = arith.index_cast %swap3A_362 : i64 to index
    %swap3A_365 = arith.constant 0 : index
    %swap3A_366 = tpu.vector_load %arg11[%swap3A_363, %swap3A_364, %swap3A_365] {strides = array<i32>} : memref<8x8x16xf32, #tpu.memory_space<vmem>>, vector<16xf32>,
    tpu.vector_store %arg11[%swap3A_363, %swap3A_364, %swap3A_365], %broadcast_in_dim3A_98 {strides = array<i32>} : memref<8x8x16xf32, #tpu.memory_space<vmem>>, vector<16xf32>,
    %swap3A_367 = arith.constant 4 : i64
    %swap3A_368 = arith.constant 6 : i64
    %swap3A_369 = arith.index_cast %swap3A_367 : i64 to index
    %swap3A_370 = arith.index_cast %swap3A_368 : i64 to index
    %swap3A_371 = arith.constant 0 : index
    %swap3A_372 = tpu.vector_load %arg11[%swap3A_369, %swap3A_370, %swap3A_371] {strides = array<i32>} : memref<8x8x16xf32, #tpu.memory_space<vmem>>, vector<16xf32>,
    tpu.vector_store %arg11[%swap3A_369, %swap3A_370, %swap3A_371], %broadcast_in_dim3A_98 {strides = array<i32>} : memref<8x8x16xf32, #tpu.memory_space<vmem>>, vector<16xf32>,
    %swap3A_373 = arith.constant 4 : i64
    %swap3A_374 = arith.constant 7 : i64
    %swap3A_375 = arith.index_cast %swap3A_373 : i64 to index
    %swap3A_376 = arith.index_cast %swap3A_374 : i64 to index
    %swap3A_377 = arith.constant 0 : index
    %swap3A_378 = tpu.vector_load %arg11[%swap3A_375, %swap3A_376, %swap3A_377] {strides = array<i32>} : memref<8x8x16xf32, #tpu.memory_space<vmem>>, vector<16xf32>,
    tpu.vector_store %arg11[%swap3A_375, %swap3A_376, %swap3A_377], %broadcast_in_dim3A_98 {strides = array<i32>} : memref<8x8x16xf32, #tpu.memory_space<vmem>>, vector<16xf32>,
    %swap3A_379 = arith.constant 5 : i64
    %swap3A_380 = arith.constant 0 : i64
    %swap3A_381 = arith.index_cast %swap3A_379 : i64 to index
    %swap3A_382 = arith.index_cast %swap3A_380 : i64 to index
    %swap3A_383 = arith.constant 0 : index
    %swap3A_384 = tpu.vector_load %arg11[%swap3A_381, %swap3A_382, %swap3A_383] {strides = array<i32>} : memref<8x8x16xf32, #tpu.memory_space<vmem>>, vector<16xf32>,
    tpu.vector_store %arg11[%swap3A_381, %swap3A_382, %swap3A_383], %broadcast_in_dim3A_98 {strides = array<i32>} : memref<8x8x16xf32, #tpu.memory_space<vmem>>, vector<16xf32>,
    %swap3A_385 = arith.constant 5 : i64
    %swap3A_386 = arith.constant 1 : i64
    %swap3A_387 = arith.index_cast %swap3A_385 : i64 to index
    %swap3A_388 = arith.index_cast %swap3A_386 : i64 to index
    %swap3A_389 = arith.constant 0 : index
    %swap3A_390 = tpu.vector_load %arg11[%swap3A_387, %swap3A_388, %swap3A_389] {strides = array<i32>} : memref<8x8x16xf32, #tpu.memory_space<vmem>>, vector<16xf32>,
    tpu.vector_store %arg11[%swap3A_387, %swap3A_388, %swap3A_389], %broadcast_in_dim3A_98 {strides = array<i32>} : memref<8x8x16xf32, #tpu.memory_space<vmem>>, vector<16xf32>,
    %swap3A_391 = arith.constant 5 : i64
    %swap3A_392 = arith.constant 2 : i64
    %swap3A_393 = arith.index_cast %swap3A_391 : i64 to index
    %swap3A_394 = arith.index_cast %swap3A_392 : i64 to index
    %swap3A_395 = arith.constant 0 : index
    %swap3A_396 = tpu.vector_load %arg11[%swap3A_393, %swap3A_394, %swap3A_395] {strides = array<i32>} : memref<8x8x16xf32, #tpu.memory_space<vmem>>, vector<16xf32>,
    tpu.vector_store %arg11[%swap3A_393, %swap3A_394, %swap3A_395], %broadcast_in_dim3A_98 {strides = array<i32>} : memref<8x8x16xf32, #tpu.memory_space<vmem>>, vector<16xf32>,
    %swap3A_397 = arith.constant 5 : i64
    %swap3A_398 = arith.constant 3 : i64
    %swap3A_399 = arith.index_cast %swap3A_397 : i64 to index
    %swap3A_400 = arith.index_cast %swap3A_398 : i64 to index
    %swap3A_401 = arith.constant 0 : index
    %swap3A_402 = tpu.vector_load %arg11[%swap3A_399, %swap3A_400, %swap3A_401] {strides = array<i32>} : memref<8x8x16xf32, #tpu.memory_space<vmem>>, vector<16xf32>,
    tpu.vector_store %arg11[%swap3A_399, %swap3A_400, %swap3A_401], %broadcast_in_dim3A_98 {strides = array<i32>} : memref<8x8x16xf32, #tpu.memory_space<vmem>>, vector<16xf32>,
    %swap3A_403 = arith.constant 5 : i64
    %swap3A_404 = arith.constant 4 : i64
    %swap3A_405 = arith.index_cast %swap3A_403 : i64 to index
    %swap3A_406 = arith.index_cast %swap3A_404 : i64 to index
    %swap3A_407 = arith.constant 0 : index
    %swap3A_408 = tpu.vector_load %arg11[%swap3A_405, %swap3A_406, %swap3A_407] {strides = array<i32>} : memref<8x8x16xf32, #tpu.memory_space<vmem>>, vector<16xf32>,
    tpu.vector_store %arg11[%swap3A_405, %swap3A_406, %swap3A_407], %broadcast_in_dim3A_98 {strides = array<i32>} : memref<8x8x16xf32, #tpu.memory_space<vmem>>, vector<16xf32>,
    %swap3A_409 = arith.constant 5 : i64
    %swap3A_410 = arith.constant 5 : i64
    %swap3A_411 = arith.index_cast %swap3A_409 : i64 to index
    %swap3A_412 = arith.index_cast %swap3A_410 : i64 to index
    %swap3A_413 = arith.constant 0 : index
    %swap3A_414 = tpu.vector_load %arg11[%swap3A_411, %swap3A_412, %swap3A_413] {strides = array<i32>} : memref<8x8x16xf32, #tpu.memory_space<vmem>>, vector<16xf32>,
    tpu.vector_store %arg11[%swap3A_411, %swap3A_412, %swap3A_413], %broadcast_in_dim3A_98 {strides = array<i32>} : memref<8x8x16xf32, #tpu.memory_space<vmem>>, vector<16xf32>,
    %swap3A_415 = arith.constant 5 : i64
    %swap3A_416 = arith.constant 6 : i64
    %swap3A_417 = arith.index_cast %swap3A_415 : i64 to index
    %swap3A_418 = arith.index_cast %swap3A_416 : i64 to index
    %swap3A_419 = arith.constant 0 : index
    %swap3A_420 = tpu.vector_load %arg11[%swap3A_417, %swap3A_418, %swap3A_419] {strides = array<i32>} : memref<8x8x16xf32, #tpu.memory_space<vmem>>, vector<16xf32>,
    tpu.vector_store %arg11[%swap3A_417, %swap3A_418, %swap3A_419], %broadcast_in_dim3A_98 {strides = array<i32>} : memref<8x8x16xf32, #tpu.memory_space<vmem>>, vector<16xf32>,
    %swap3A_421 = arith.constant 5 : i64
    %swap3A_422 = arith.constant 7 : i64
    %swap3A_423 = arith.index_cast %swap3A_421 : i64 to index
    %swap3A_424 = arith.index_cast %swap3A_422 : i64 to index
    %swap3A_425 = arith.constant 0 : index
    %swap3A_426 = tpu.vector_load %arg11[%swap3A_423, %swap3A_424, %swap3A_425] {strides = array<i32>} : memref<8x8x16xf32, #tpu.memory_space<vmem>>, vector<16xf32>,
    tpu.vector_store %arg11[%swap3A_423, %swap3A_424, %swap3A_425], %broadcast_in_dim3A_98 {strides = array<i32>} : memref<8x8x16xf32, #tpu.memory_space<vmem>>, vector<16xf32>,
    %swap3A_427 = arith.constant 6 : i64
    %swap3A_428 = arith.constant 0 : i64
    %swap3A_429 = arith.index_cast %swap3A_427 : i64 to index
    %swap3A_430 = arith.index_cast %swap3A_428 : i64 to index
    %swap3A_431 = arith.constant 0 : index
    %swap3A_432 = tpu.vector_load %arg11[%swap3A_429, %swap3A_430, %swap3A_431] {strides = array<i32>} : memref<8x8x16xf32, #tpu.memory_space<vmem>>, vector<16xf32>,
    tpu.vector_store %arg11[%swap3A_429, %swap3A_430, %swap3A_431], %broadcast_in_dim3A_98 {strides = array<i32>} : memref<8x8x16xf32, #tpu.memory_space<vmem>>, vector<16xf32>,
    %swap3A_433 = arith.constant 6 : i64
    %swap3A_434 = arith.constant 1 : i64
    %swap3A_435 = arith.index_cast %swap3A_433 : i64 to index
    %swap3A_436 = arith.index_cast %swap3A_434 : i64 to index
    %swap3A_437 = arith.constant 0 : index
    %swap3A_438 = tpu.vector_load %arg11[%swap3A_435, %swap3A_436, %swap3A_437] {strides = array<i32>} : memref<8x8x16xf32, #tpu.memory_space<vmem>>, vector<16xf32>,
    tpu.vector_store %arg11[%swap3A_435, %swap3A_436, %swap3A_437], %broadcast_in_dim3A_98 {strides = array<i32>} : memref<8x8x16xf32, #tpu.memory_space<vmem>>, vector<16xf32>,
    %swap3A_439 = arith.constant 6 : i64
    %swap3A_440 = arith.constant 2 : i64
    %swap3A_441 = arith.index_cast %swap3A_439 : i64 to index
    %swap3A_442 = arith.index_cast %swap3A_440 : i64 to index
    %swap3A_443 = arith.constant 0 : index
    %swap3A_444 = tpu.vector_load %arg11[%swap3A_441, %swap3A_442, %swap3A_443] {strides = array<i32>} : memref<8x8x16xf32, #tpu.memory_space<vmem>>, vector<16xf32>,
    tpu.vector_store %arg11[%swap3A_441, %swap3A_442, %swap3A_443], %broadcast_in_dim3A_98 {strides = array<i32>} : memref<8x8x16xf32, #tpu.memory_space<vmem>>, vector<16xf32>,
    %swap3A_445 = arith.constant 6 : i64
    %swap3A_446 = arith.constant 3 : i64
    %swap3A_447 = arith.index_cast %swap3A_445 : i64 to index
    %swap3A_448 = arith.index_cast %swap3A_446 : i64 to index
    %swap3A_449 = arith.constant 0 : index
    %swap3A_450 = tpu.vector_load %arg11[%swap3A_447, %swap3A_448, %swap3A_449] {strides = array<i32>} : memref<8x8x16xf32, #tpu.memory_space<vmem>>, vector<16xf32>,
    tpu.vector_store %arg11[%swap3A_447, %swap3A_448, %swap3A_449], %broadcast_in_dim3A_98 {strides = array<i32>} : memref<8x8x16xf32, #tpu.memory_space<vmem>>, vector<16xf32>,
    %swap3A_451 = arith.constant 6 : i64
    %swap3A_452 = arith.constant 4 : i64
    %swap3A_453 = arith.index_cast %swap3A_451 : i64 to index
    %swap3A_454 = arith.index_cast %swap3A_452 : i64 to index
    %swap3A_455 = arith.constant 0 : index
    %swap3A_456 = tpu.vector_load %arg11[%swap3A_453, %swap3A_454, %swap3A_455] {strides = array<i32>} : memref<8x8x16xf32, #tpu.memory_space<vmem>>, vector<16xf32>,
    tpu.vector_store %arg11[%swap3A_453, %swap3A_454, %swap3A_455], %broadcast_in_dim3A_98 {strides = array<i32>} : memref<8x8x16xf32, #tpu.memory_space<vmem>>, vector<16xf32>,
    %swap3A_457 = arith.constant 6 : i64
    %swap3A_458 = arith.constant 5 : i64
    %swap3A_459 = arith.index_cast %swap3A_457 : i64 to index
    %swap3A_460 = arith.index_cast %swap3A_458 : i64 to index
    %swap3A_461 = arith.constant 0 : index
    %swap3A_462 = tpu.vector_load %arg11[%swap3A_459, %swap3A_460, %swap3A_461] {strides = array<i32>} : memref<8x8x16xf32, #tpu.memory_space<vmem>>, vector<16xf32>,
    tpu.vector_store %arg11[%swap3A_459, %swap3A_460, %swap3A_461], %broadcast_in_dim3A_98 {strides = array<i32>} : memref<8x8x16xf32, #tpu.memory_space<vmem>>, vector<16xf32>,
    %swap3A_463 = arith.constant 6 : i64
    %swap3A_464 = arith.constant 6 : i64
    %swap3A_465 = arith.index_cast %swap3A_463 : i64 to index
    %swap3A_466 = arith.index_cast %swap3A_464 : i64 to index
    %swap3A_467 = arith.constant 0 : index
    %swap3A_468 = tpu.vector_load %arg11[%swap3A_465, %swap3A_466, %swap3A_467] {strides = array<i32>} : memref<8x8x16xf32, #tpu.memory_space<vmem>>, vector<16xf32>,
    tpu.vector_store %arg11[%swap3A_465, %swap3A_466, %swap3A_467], %broadcast_in_dim3A_98 {strides = array<i32>} : memref<8x8x16xf32, #tpu.memory_space<vmem>>, vector<16xf32>,
    %swap3A_469 = arith.constant 6 : i64
    %swap3A_470 = arith.constant 7 : i64
    %swap3A_471 = arith.index_cast %swap3A_469 : i64 to index
    %swap3A_472 = arith.index_cast %swap3A_470 : i64 to index
    %swap3A_473 = arith.constant 0 : index
    %swap3A_474 = tpu.vector_load %arg11[%swap3A_471, %swap3A_472, %swap3A_473] {strides = array<i32>} : memref<8x8x16xf32, #tpu.memory_space<vmem>>, vector<16xf32>,
    tpu.vector_store %arg11[%swap3A_471, %swap3A_472, %swap3A_473], %broadcast_in_dim3A_98 {strides = array<i32>} : memref<8x8x16xf32, #tpu.memory_space<vmem>>, vector<16xf32>,
    %swap3A_475 = arith.constant 7 : i64
    %swap3A_476 = arith.constant 0 : i64
    %swap3A_477 = arith.index_cast %swap3A_475 : i64 to index
    %swap3A_478 = arith.index_cast %swap3A_476 : i64 to index
    %swap3A_479 = arith.constant 0 : index
    %swap3A_480 = tpu.vector_load %arg11[%swap3A_477, %swap3A_478, %swap3A_479] {strides = array<i32>} : memref<8x8x16xf32, #tpu.memory_space<vmem>>, vector<16xf32>,
    tpu.vector_store %arg11[%swap3A_477, %swap3A_478, %swap3A_479], %broadcast_in_dim3A_98 {strides = array<i32>} : memref<8x8x16xf32, #tpu.memory_space<vmem>>, vector<16xf32>,
    %swap3A_481 = arith.constant 7 : i64
    %swap3A_482 = arith.constant 1 : i64
    %swap3A_483 = arith.index_cast %swap3A_481 : i64 to index
    %swap3A_484 = arith.index_cast %swap3A_482 : i64 to index
    %swap3A_485 = arith.constant 0 : index
    %swap3A_486 = tpu.vector_load %arg11[%swap3A_483, %swap3A_484, %swap3A_485] {strides = array<i32>} : memref<8x8x16xf32, #tpu.memory_space<vmem>>, vector<16xf32>,
    tpu.vector_store %arg11[%swap3A_483, %swap3A_484, %swap3A_485], %broadcast_in_dim3A_98 {strides = array<i32>} : memref<8x8x16xf32, #tpu.memory_space<vmem>>, vector<16xf32>,
    %swap3A_487 = arith.constant 7 : i64
    %swap3A_488 = arith.constant 2 : i64
    %swap3A_489 = arith.index_cast %swap3A_487 : i64 to index
    %swap3A_490 = arith.index_cast %swap3A_488 : i64 to index
    %swap3A_491 = arith.constant 0 : index
    %swap3A_492 = tpu.vector_load %arg11[%swap3A_489, %swap3A_490, %swap3A_491] {strides = array<i32>} : memref<8x8x16xf32, #tpu.memory_space<vmem>>, vector<16xf32>,
    tpu.vector_store %arg11[%swap3A_489, %swap3A_490, %swap3A_491], %broadcast_in_dim3A_98 {strides = array<i32>} : memref<8x8x16xf32, #tpu.memory_space<vmem>>, vector<16xf32>,
    %swap3A_493 = arith.constant 7 : i64
    %swap3A_494 = arith.constant 3 : i64
    %swap3A_495 = arith.index_cast %swap3A_493 : i64 to index
    %swap3A_496 = arith.index_cast %swap3A_494 : i64 to index
    %swap3A_497 = arith.constant 0 : index
    %swap3A_498 = tpu.vector_load %arg11[%swap3A_495, %swap3A_496, %swap3A_497] {strides = array<i32>} : memref<8x8x16xf32, #tpu.memory_space<vmem>>, vector<16xf32>,
    tpu.vector_store %arg11[%swap3A_495, %swap3A_496, %swap3A_497], %broadcast_in_dim3A_98 {strides = array<i32>} : memref<8x8x16xf32, #tpu.memory_space<vmem>>, vector<16xf32>,
    %swap3A_499 = arith.constant 7 : i64
    %swap3A_500 = arith.constant 4 : i64
    %swap3A_501 = arith.index_cast %swap3A_499 : i64 to index
    %swap3A_502 = arith.index_cast %swap3A_500 : i64 to index
    %swap3A_503 = arith.constant 0 : index
    %swap3A_504 = tpu.vector_load %arg11[%swap3A_501, %swap3A_502, %swap3A_503] {strides = array<i32>} : memref<8x8x16xf32, #tpu.memory_space<vmem>>, vector<16xf32>,
    tpu.vector_store %arg11[%swap3A_501, %swap3A_502, %swap3A_503], %broadcast_in_dim3A_98 {strides = array<i32>} : memref<8x8x16xf32, #tpu.memory_space<vmem>>, vector<16xf32>,
    %swap3A_505 = arith.constant 7 : i64
    %swap3A_506 = arith.constant 5 : i64
    %swap3A_507 = arith.index_cast %swap3A_505 : i64 to index
    %swap3A_508 = arith.index_cast %swap3A_506 : i64 to index
    %swap3A_509 = arith.constant 0 : index
    %swap3A_510 = tpu.vector_load %arg11[%swap3A_507, %swap3A_508, %swap3A_509] {strides = array<i32>} : memref<8x8x16xf32, #tpu.memory_space<vmem>>, vector<16xf32>,
    tpu.vector_store %arg11[%swap3A_507, %swap3A_508, %swap3A_509], %broadcast_in_dim3A_98 {strides = array<i32>} : memref<8x8x16xf32, #tpu.memory_space<vmem>>, vector<16xf32>,
    %swap3A_511 = arith.constant 7 : i64
    %swap3A_512 = arith.constant 6 : i64
    %swap3A_513 = arith.index_cast %swap3A_511 : i64 to index
    %swap3A_514 = arith.index_cast %swap3A_512 : i64 to index
    %swap3A_515 = arith.constant 0 : index
    %swap3A_516 = tpu.vector_load %arg11[%swap3A_513, %swap3A_514, %swap3A_515] {strides = array<i32>} : memref<8x8x16xf32, #tpu.memory_space<vmem>>, vector<16xf32>,
    tpu.vector_store %arg11[%swap3A_513, %swap3A_514, %swap3A_515], %broadcast_in_dim3A_98 {strides = array<i32>} : memref<8x8x16xf32, #tpu.memory_space<vmem>>, vector<16xf32>,
    %swap3A_517 = arith.constant 7 : i64
    %swap3A_518 = arith.constant 7 : i64
    %swap3A_519 = arith.index_cast %swap3A_517 : i64 to index
    %swap3A_520 = arith.index_cast %swap3A_518 : i64 to index
    %swap3A_521 = arith.constant 0 : index
    %swap3A_522 = tpu.vector_load %arg11[%swap3A_519, %swap3A_520, %swap3A_521] {strides = array<i32>} : memref<8x8x16xf32, #tpu.memory_space<vmem>>, vector<16xf32>,
    tpu.vector_store %arg11[%swap3A_519, %swap3A_520, %swap3A_521], %broadcast_in_dim3A_98 {strides = array<i32>} : memref<8x8x16xf32, #tpu.memory_space<vmem>>, vector<16xf32>,
    %swap3A_523 = arith.constant 0 : i64
    %swap3A_524 = arith.constant 0 : i64
    %swap3A_525 = arith.index_cast %swap3A_523 : i64 to index
    %swap3A_526 = arith.index_cast %swap3A_524 : i64 to index
    %swap3A_527 = arith.constant 0 : index
    %swap3A_528 = tpu.vector_load %arg12[%swap3A_525, %swap3A_526, %swap3A_527] {strides = array<i32>} : memref<8x8x16xf32, #tpu.memory_space<vmem>>, vector<16xf32>,
    tpu.vector_store %arg12[%swap3A_525, %swap3A_526, %swap3A_527], %broadcast_in_dim3A_98 {strides = array<i32>} : memref<8x8x16xf32, #tpu.memory_space<vmem>>, vector<16xf32>,
    %swap3A_529 = arith.constant 0 : i64
    %swap3A_530 = arith.constant 1 : i64
    %swap3A_531 = arith.index_cast %swap3A_529 : i64 to index
    %swap3A_532 = arith.index_cast %swap3A_530 : i64 to index
    %swap3A_533 = arith.constant 0 : index
    %swap3A_534 = tpu.vector_load %arg12[%swap3A_531, %swap3A_532, %swap3A_533] {strides = array<i32>} : memref<8x8x16xf32, #tpu.memory_space<vmem>>, vector<16xf32>,
    tpu.vector_store %arg12[%swap3A_531, %swap3A_532, %swap3A_533], %broadcast_in_dim3A_98 {strides = array<i32>} : memref<8x8x16xf32, #tpu.memory_space<vmem>>, vector<16xf32>,
    %swap3A_535 = arith.constant 0 : i64
    %swap3A_536 = arith.constant 2 : i64
    %swap3A_537 = arith.index_cast %swap3A_535 : i64 to index
    %swap3A_538 = arith.index_cast %swap3A_536 : i64 to index
    %swap3A_539 = arith.constant 0 : index
    %swap3A_540 = tpu.vector_load %arg12[%swap3A_537, %swap3A_538, %swap3A_539] {strides = array<i32>} : memref<8x8x16xf32, #tpu.memory_space<vmem>>, vector<16xf32>,
    tpu.vector_store %arg12[%swap3A_537, %swap3A_538, %swap3A_539], %broadcast_in_dim3A_98 {strides = array<i32>} : memref<8x8x16xf32, #tpu.memory_space<vmem>>, vector<16xf32>,
    %swap3A_541 = arith.constant 0 : i64
    %swap3A_542 = arith.constant 3 : i64
    %swap3A_543 = arith.index_cast %swap3A_541 : i64 to index
    %swap3A_544 = arith.index_cast %swap3A_542 : i64 to index
    %swap3A_545 = arith.constant 0 : index
    %swap3A_546 = tpu.vector_load %arg12[%swap3A_543, %swap3A_544, %swap3A_545] {strides = array<i32>} : memref<8x8x16xf32, #tpu.memory_space<vmem>>, vector<16xf32>,
    tpu.vector_store %arg12[%swap3A_543, %swap3A_544, %swap3A_545], %broadcast_in_dim3A_98 {strides = array<i32>} : memref<8x8x16xf32, #tpu.memory_space<vmem>>, vector<16xf32>,
    %swap3A_547 = arith.constant 0 : i64
    %swap3A_548 = arith.constant 4 : i64
    %swap3A_549 = arith.index_cast %swap3A_547 : i64 to index
    %swap3A_550 = arith.index_cast %swap3A_548 : i64 to index
    %swap3A_551 = arith.constant 0 : index
    %swap3A_552 = tpu.vector_load %arg12[%swap3A_549, %swap3A_550, %swap3A_551] {strides = array<i32>} : memref<8x8x16xf32, #tpu.memory_space<vmem>>, vector<16xf32>,
    tpu.vector_store %arg12[%swap3A_549, %swap3A_550, %swap3A_551], %broadcast_in_dim3A_98 {strides = array<i32>} : memref<8x8x16xf32, #tpu.memory_space<vmem>>, vector<16xf32>,
    %swap3A_553 = arith.constant 0 : i64
    %swap3A_554 = arith.constant 5 : i64
    %swap3A_555 = arith.index_cast %swap3A_553 : i64 to index
    %swap3A_556 = arith.index_cast %swap3A_554 : i64 to index
    %swap3A_557 = arith.constant 0 : index
    %swap3A_558 = tpu.vector_load %arg12[%swap3A_555, %swap3A_556, %swap3A_557] {strides = array<i32>} : memref<8x8x16xf32, #tpu.memory_space<vmem>>, vector<16xf32>,
    tpu.vector_store %arg12[%swap3A_555, %swap3A_556, %swap3A_557], %broadcast_in_dim3A_98 {strides = array<i32>} : memref<8x8x16xf32, #tpu.memory_space<vmem>>, vector<16xf32>,
    %swap3A_559 = arith.constant 0 : i64
    %swap3A_560 = arith.constant 6 : i64
    %swap3A_561 = arith.index_cast %swap3A_559 : i64 to index
    %swap3A_562 = arith.index_cast %swap3A_560 : i64 to index
    %swap3A_563 = arith.constant 0 : index
    %swap3A_564 = tpu.vector_load %arg12[%swap3A_561, %swap3A_562, %swap3A_563] {strides = array<i32>} : memref<8x8x16xf32, #tpu.memory_space<vmem>>, vector<16xf32>,
    tpu.vector_store %arg12[%swap3A_561, %swap3A_562, %swap3A_563], %broadcast_in_dim3A_98 {strides = array<i32>} : memref<8x8x16xf32, #tpu.memory_space<vmem>>, vector<16xf32>,
    %swap3A_565 = arith.constant 0 : i64
    %swap3A_566 = arith.constant 7 : i64
    %swap3A_567 = arith.index_cast %swap3A_565 : i64 to index
    %swap3A_568 = arith.index_cast %swap3A_566 : i64 to index
    %swap3A_569 = arith.constant 0 : index
    %swap3A_570 = tpu.vector_load %arg12[%swap3A_567, %swap3A_568, %swap3A_569] {strides = array<i32>} : memref<8x8x16xf32, #tpu.memory_space<vmem>>, vector<16xf32>,
    tpu.vector_store %arg12[%swap3A_567, %swap3A_568, %swap3A_569], %broadcast_in_dim3A_98 {strides = array<i32>} : memref<8x8x16xf32, #tpu.memory_space<vmem>>, vector<16xf32>,
    %swap3A_571 = arith.constant 1 : i64
    %swap3A_572 = arith.constant 0 : i64
    %swap3A_573 = arith.index_cast %swap3A_571 : i64 to index
    %swap3A_574 = arith.index_cast %swap3A_572 : i64 to index
    %swap3A_575 = arith.constant 0 : index
    %swap3A_576 = tpu.vector_load %arg12[%swap3A_573, %swap3A_574, %swap3A_575] {strides = array<i32>} : memref<8x8x16xf32, #tpu.memory_space<vmem>>, vector<16xf32>,
    tpu.vector_store %arg12[%swap3A_573, %swap3A_574, %swap3A_575], %broadcast_in_dim3A_98 {strides = array<i32>} : memref<8x8x16xf32, #tpu.memory_space<vmem>>, vector<16xf32>,
    %swap3A_577 = arith.constant 1 : i64
    %swap3A_578 = arith.constant 1 : i64
    %swap3A_579 = arith.index_cast %swap3A_577 : i64 to index
    %swap3A_580 = arith.index_cast %swap3A_578 : i64 to index
    %swap3A_581 = arith.constant 0 : index
    %swap3A_582 = tpu.vector_load %arg12[%swap3A_579, %swap3A_580, %swap3A_581] {strides = array<i32>} : memref<8x8x16xf32, #tpu.memory_space<vmem>>, vector<16xf32>,
    tpu.vector_store %arg12[%swap3A_579, %swap3A_580, %swap3A_581], %broadcast_in_dim3A_98 {strides = array<i32>} : memref<8x8x16xf32, #tpu.memory_space<vmem>>, vector<16xf32>,
    %swap3A_583 = arith.constant 1 : i64
    %swap3A_584 = arith.constant 2 : i64
    %swap3A_585 = arith.index_cast %swap3A_583 : i64 to index
    %swap3A_586 = arith.index_cast %swap3A_584 : i64 to index
    %swap3A_587 = arith.constant 0 : index
    %swap3A_588 = tpu.vector_load %arg12[%swap3A_585, %swap3A_586, %swap3A_587] {strides = array<i32>} : memref<8x8x16xf32, #tpu.memory_space<vmem>>, vector<16xf32>,
    tpu.vector_store %arg12[%swap3A_585, %swap3A_586, %swap3A_587], %broadcast_in_dim3A_98 {strides = array<i32>} : memref<8x8x16xf32, #tpu.memory_space<vmem>>, vector<16xf32>,
    %swap3A_589 = arith.constant 1 : i64
    %swap3A_590 = arith.constant 3 : i64
    %swap3A_591 = arith.index_cast %swap3A_589 : i64 to index
    %swap3A_592 = arith.index_cast %swap3A_590 : i64 to index
    %swap3A_593 = arith.constant 0 : index
    %swap3A_594 = tpu.vector_load %arg12[%swap3A_591, %swap3A_592, %swap3A_593] {strides = array<i32>} : memref<8x8x16xf32, #tpu.memory_space<vmem>>, vector<16xf32>,
    tpu.vector_store %arg12[%swap3A_591, %swap3A_592, %swap3A_593], %broadcast_in_dim3A_98 {strides = array<i32>} : memref<8x8x16xf32, #tpu.memory_space<vmem>>, vector<16xf32>,
    %swap3A_595 = arith.constant 1 : i64
    %swap3A_596 = arith.constant 4 : i64
    %swap3A_597 = arith.index_cast %swap3A_595 : i64 to index
    %swap3A_598 = arith.index_cast %swap3A_596 : i64 to index
    %swap3A_599 = arith.constant 0 : index
    %swap3A_600 = tpu.vector_load %arg12[%swap3A_597, %swap3A_598, %swap3A_599] {strides = array<i32>} : memref<8x8x16xf32, #tpu.memory_space<vmem>>, vector<16xf32>,
    tpu.vector_store %arg12[%swap3A_597, %swap3A_598, %swap3A_599], %broadcast_in_dim3A_98 {strides = array<i32>} : memref<8x8x16xf32, #tpu.memory_space<vmem>>, vector<16xf32>,
    %swap3A_601 = arith.constant 1 : i64
    %swap3A_602 = arith.constant 5 : i64
    %swap3A_603 = arith.index_cast %swap3A_601 : i64 to index
    %swap3A_604 = arith.index_cast %swap3A_602 : i64 to index
    %swap3A_605 = arith.constant 0 : index
    %swap3A_606 = tpu.vector_load %arg12[%swap3A_603, %swap3A_604, %swap3A_605] {strides = array<i32>} : memref<8x8x16xf32, #tpu.memory_space<vmem>>, vector<16xf32>,
    tpu.vector_store %arg12[%swap3A_603, %swap3A_604, %swap3A_605], %broadcast_in_dim3A_98 {strides = array<i32>} : memref<8x8x16xf32, #tpu.memory_space<vmem>>, vector<16xf32>,
    %swap3A_607 = arith.constant 1 : i64
    %swap3A_608 = arith.constant 6 : i64
    %swap3A_609 = arith.index_cast %swap3A_607 : i64 to index
    %swap3A_610 = arith.index_cast %swap3A_608 : i64 to index
    %swap3A_611 = arith.constant 0 : index
    %swap3A_612 = tpu.vector_load %arg12[%swap3A_609, %swap3A_610, %swap3A_611] {strides = array<i32>} : memref<8x8x16xf32, #tpu.memory_space<vmem>>, vector<16xf32>,
    tpu.vector_store %arg12[%swap3A_609, %swap3A_610, %swap3A_611], %broadcast_in_dim3A_98 {strides = array<i32>} : memref<8x8x16xf32, #tpu.memory_space<vmem>>, vector<16xf32>,
    %swap3A_613 = arith.constant 1 : i64
    %swap3A_614 = arith.constant 7 : i64
    %swap3A_615 = arith.index_cast %swap3A_613 : i64 to index
    %swap3A_616 = arith.index_cast %swap3A_614 : i64 to index
    %swap3A_617 = arith.constant 0 : index
    %swap3A_618 = tpu.vector_load %arg12[%swap3A_615, %swap3A_616, %swap3A_617] {strides = array<i32>} : memref<8x8x16xf32, #tpu.memory_space<vmem>>, vector<16xf32>,
    tpu.vector_store %arg12[%swap3A_615, %swap3A_616, %swap3A_617], %broadcast_in_dim3A_98 {strides = array<i32>} : memref<8x8x16xf32, #tpu.memory_space<vmem>>, vector<16xf32>,
    %swap3A_619 = arith.constant 2 : i64
    %swap3A_620 = arith.constant 0 : i64
    %swap3A_621 = arith.index_cast %swap3A_619 : i64 to index
    %swap3A_622 = arith.index_cast %swap3A_620 : i64 to index
    %swap3A_623 = arith.constant 0 : index
    %swap3A_624 = tpu.vector_load %arg12[%swap3A_621, %swap3A_622, %swap3A_623] {strides = array<i32>} : memref<8x8x16xf32, #tpu.memory_space<vmem>>, vector<16xf32>,
    tpu.vector_store %arg12[%swap3A_621, %swap3A_622, %swap3A_623], %broadcast_in_dim3A_98 {strides = array<i32>} : memref<8x8x16xf32, #tpu.memory_space<vmem>>, vector<16xf32>,
    %swap3A_625 = arith.constant 2 : i64
    %swap3A_626 = arith.constant 1 : i64
    %swap3A_627 = arith.index_cast %swap3A_625 : i64 to index
    %swap3A_628 = arith.index_cast %swap3A_626 : i64 to index
    %swap3A_629 = arith.constant 0 : index
    %swap3A_630 = tpu.vector_load %arg12[%swap3A_627, %swap3A_628, %swap3A_629] {strides = array<i32>} : memref<8x8x16xf32, #tpu.memory_space<vmem>>, vector<16xf32>,
    tpu.vector_store %arg12[%swap3A_627, %swap3A_628, %swap3A_629], %broadcast_in_dim3A_98 {strides = array<i32>} : memref<8x8x16xf32, #tpu.memory_space<vmem>>, vector<16xf32>,
    %swap3A_631 = arith.constant 2 : i64
    %swap3A_632 = arith.constant 2 : i64
    %swap3A_633 = arith.index_cast %swap3A_631 : i64 to index
    %swap3A_634 = arith.index_cast %swap3A_632 : i64 to index
    %swap3A_635 = arith.constant 0 : index
    %swap3A_636 = tpu.vector_load %arg12[%swap3A_633, %swap3A_634, %swap3A_635] {strides = array<i32>} : memref<8x8x16xf32, #tpu.memory_space<vmem>>, vector<16xf32>,
    tpu.vector_store %arg12[%swap3A_633, %swap3A_634, %swap3A_635], %broadcast_in_dim3A_98 {strides = array<i32>} : memref<8x8x16xf32, #tpu.memory_space<vmem>>, vector<16xf32>,
    %swap3A_637 = arith.constant 2 : i64
    %swap3A_638 = arith.constant 3 : i64
    %swap3A_639 = arith.index_cast %swap3A_637 : i64 to index
    %swap3A_640 = arith.index_cast %swap3A_638 : i64 to index
    %swap3A_641 = arith.constant 0 : index
    %swap3A_642 = tpu.vector_load %arg12[%swap3A_639, %swap3A_640, %swap3A_641] {strides = array<i32>} : memref<8x8x16xf32, #tpu.memory_space<vmem>>, vector<16xf32>,
    tpu.vector_store %arg12[%swap3A_639, %swap3A_640, %swap3A_641], %broadcast_in_dim3A_98 {strides = array<i32>} : memref<8x8x16xf32, #tpu.memory_space<vmem>>, vector<16xf32>,
    %swap3A_643 = arith.constant 2 : i64
    %swap3A_644 = arith.constant 4 : i64
    %swap3A_645 = arith.index_cast %swap3A_643 : i64 to index
    %swap3A_646 = arith.index_cast %swap3A_644 : i64 to index
    %swap3A_647 = arith.constant 0 : index
    %swap3A_648 = tpu.vector_load %arg12[%swap3A_645, %swap3A_646, %swap3A_647] {strides = array<i32>} : memref<8x8x16xf32, #tpu.memory_space<vmem>>, vector<16xf32>,
    tpu.vector_store %arg12[%swap3A_645, %swap3A_646, %swap3A_647], %broadcast_in_dim3A_98 {strides = array<i32>} : memref<8x8x16xf32, #tpu.memory_space<vmem>>, vector<16xf32>,
    %swap3A_649 = arith.constant 2 : i64
    %swap3A_650 = arith.constant 5 : i64
    %swap3A_651 = arith.index_cast %swap3A_649 : i64 to index
    %swap3A_652 = arith.index_cast %swap3A_650 : i64 to index
    %swap3A_653 = arith.constant 0 : index
    %swap3A_654 = tpu.vector_load %arg12[%swap3A_651, %swap3A_652, %swap3A_653] {strides = array<i32>} : memref<8x8x16xf32, #tpu.memory_space<vmem>>, vector<16xf32>,
    tpu.vector_store %arg12[%swap3A_651, %swap3A_652, %swap3A_653], %broadcast_in_dim3A_98 {strides = array<i32>} : memref<8x8x16xf32, #tpu.memory_space<vmem>>, vector<16xf32>,
    %swap3A_655 = arith.constant 2 : i64
    %swap3A_656 = arith.constant 6 : i64
    %swap3A_657 = arith.index_cast %swap3A_655 : i64 to index
    %swap3A_658 = arith.index_cast %swap3A_656 : i64 to index
    %swap3A_659 = arith.constant 0 : index
    %swap3A_660 = tpu.vector_load %arg12[%swap3A_657, %swap3A_658, %swap3A_659] {strides = array<i32>} : memref<8x8x16xf32, #tpu.memory_space<vmem>>, vector<16xf32>,
    tpu.vector_store %arg12[%swap3A_657, %swap3A_658, %swap3A_659], %broadcast_in_dim3A_98 {strides = array<i32>} : memref<8x8x16xf32, #tpu.memory_space<vmem>>, vector<16xf32>,
    %swap3A_661 = arith.constant 2 : i64
    %swap3A_662 = arith.constant 7 : i64
    %swap3A_663 = arith.index_cast %swap3A_661 : i64 to index
    %swap3A_664 = arith.index_cast %swap3A_662 : i64 to index
    %swap3A_665 = arith.constant 0 : index
    %swap3A_666 = tpu.vector_load %arg12[%swap3A_663, %swap3A_664, %swap3A_665] {strides = array<i32>} : memref<8x8x16xf32, #tpu.memory_space<vmem>>, vector<16xf32>,
    tpu.vector_store %arg12[%swap3A_663, %swap3A_664, %swap3A_665], %broadcast_in_dim3A_98 {strides = array<i32>} : memref<8x8x16xf32, #tpu.memory_space<vmem>>, vector<16xf32>,
    %swap3A_667 = arith.constant 3 : i64
    %swap3A_668 = arith.constant 0 : i64
    %swap3A_669 = arith.index_cast %swap3A_667 : i64 to index
    %swap3A_670 = arith.index_cast %swap3A_668 : i64 to index
    %swap3A_671 = arith.constant 0 : index
    %swap3A_672 = tpu.vector_load %arg12[%swap3A_669, %swap3A_670, %swap3A_671] {strides = array<i32>} : memref<8x8x16xf32, #tpu.memory_space<vmem>>, vector<16xf32>,
    tpu.vector_store %arg12[%swap3A_669, %swap3A_670, %swap3A_671], %broadcast_in_dim3A_98 {strides = array<i32>} : memref<8x8x16xf32, #tpu.memory_space<vmem>>, vector<16xf32>,
    %swap3A_673 = arith.constant 3 : i64
    %swap3A_674 = arith.constant 1 : i64
    %swap3A_675 = arith.index_cast %swap3A_673 : i64 to index
    %swap3A_676 = arith.index_cast %swap3A_674 : i64 to index
    %swap3A_677 = arith.constant 0 : index
    %swap3A_678 = tpu.vector_load %arg12[%swap3A_675, %swap3A_676, %swap3A_677] {strides = array<i32>} : memref<8x8x16xf32, #tpu.memory_space<vmem>>, vector<16xf32>,
    tpu.vector_store %arg12[%swap3A_675, %swap3A_676, %swap3A_677], %broadcast_in_dim3A_98 {strides = array<i32>} : memref<8x8x16xf32, #tpu.memory_space<vmem>>, vector<16xf32>,
    %swap3A_679 = arith.constant 3 : i64
    %swap3A_680 = arith.constant 2 : i64
    %swap3A_681 = arith.index_cast %swap3A_679 : i64 to index
    %swap3A_682 = arith.index_cast %swap3A_680 : i64 to index
    %swap3A_683 = arith.constant 0 : index
    %swap3A_684 = tpu.vector_load %arg12[%swap3A_681, %swap3A_682, %swap3A_683] {strides = array<i32>} : memref<8x8x16xf32, #tpu.memory_space<vmem>>, vector<16xf32>,
    tpu.vector_store %arg12[%swap3A_681, %swap3A_682, %swap3A_683], %broadcast_in_dim3A_98 {strides = array<i32>} : memref<8x8x16xf32, #tpu.memory_space<vmem>>, vector<16xf32>,
    %swap3A_685 = arith.constant 3 : i64
    %swap3A_686 = arith.constant 3 : i64
    %swap3A_687 = arith.index_cast %swap3A_685 : i64 to index
    %swap3A_688 = arith.index_cast %swap3A_686 : i64 to index
    %swap3A_689 = arith.constant 0 : index
    %swap3A_690 = tpu.vector_load %arg12[%swap3A_687, %swap3A_688, %swap3A_689] {strides = array<i32>} : memref<8x8x16xf32, #tpu.memory_space<vmem>>, vector<16xf32>,
    tpu.vector_store %arg12[%swap3A_687, %swap3A_688, %swap3A_689], %broadcast_in_dim3A_98 {strides = array<i32>} : memref<8x8x16xf32, #tpu.memory_space<vmem>>, vector<16xf32>,
    %swap3A_691 = arith.constant 3 : i64
    %swap3A_692 = arith.constant 4 : i64
    %swap3A_693 = arith.index_cast %swap3A_691 : i64 to index
    %swap3A_694 = arith.index_cast %swap3A_692 : i64 to index
    %swap3A_695 = arith.constant 0 : index
    %swap3A_696 = tpu.vector_load %arg12[%swap3A_693, %swap3A_694, %swap3A_695] {strides = array<i32>} : memref<8x8x16xf32, #tpu.memory_space<vmem>>, vector<16xf32>,
    tpu.vector_store %arg12[%swap3A_693, %swap3A_694, %swap3A_695], %broadcast_in_dim3A_98 {strides = array<i32>} : memref<8x8x16xf32, #tpu.memory_space<vmem>>, vector<16xf32>,
    %swap3A_697 = arith.constant 3 : i64
    %swap3A_698 = arith.constant 5 : i64
    %swap3A_699 = arith.index_cast %swap3A_697 : i64 to index
    %swap3A_700 = arith.index_cast %swap3A_698 : i64 to index
    %swap3A_701 = arith.constant 0 : index
    %swap3A_702 = tpu.vector_load %arg12[%swap3A_699, %swap3A_700, %swap3A_701] {strides = array<i32>} : memref<8x8x16xf32, #tpu.memory_space<vmem>>, vector<16xf32>,
    tpu.vector_store %arg12[%swap3A_699, %swap3A_700, %swap3A_701], %broadcast_in_dim3A_98 {strides = array<i32>} : memref<8x8x16xf32, #tpu.memory_space<vmem>>, vector<16xf32>,
    %swap3A_703 = arith.constant 3 : i64
    %swap3A_704 = arith.constant 6 : i64
    %swap3A_705 = arith.index_cast %swap3A_703 : i64 to index
    %swap3A_706 = arith.index_cast %swap3A_704 : i64 to index
    %swap3A_707 = arith.constant 0 : index
    %swap3A_708 = tpu.vector_load %arg12[%swap3A_705, %swap3A_706, %swap3A_707] {strides = array<i32>} : memref<8x8x16xf32, #tpu.memory_space<vmem>>, vector<16xf32>,
    tpu.vector_store %arg12[%swap3A_705, %swap3A_706, %swap3A_707], %broadcast_in_dim3A_98 {strides = array<i32>} : memref<8x8x16xf32, #tpu.memory_space<vmem>>, vector<16xf32>,
    %swap3A_709 = arith.constant 3 : i64
    %swap3A_710 = arith.constant 7 : i64
    %swap3A_711 = arith.index_cast %swap3A_709 : i64 to index
    %swap3A_712 = arith.index_cast %swap3A_710 : i64 to index
    %swap3A_713 = arith.constant 0 : index
    %swap3A_714 = tpu.vector_load %arg12[%swap3A_711, %swap3A_712, %swap3A_713] {strides = array<i32>} : memref<8x8x16xf32, #tpu.memory_space<vmem>>, vector<16xf32>,
    tpu.vector_store %arg12[%swap3A_711, %swap3A_712, %swap3A_713], %broadcast_in_dim3A_98 {strides = array<i32>} : memref<8x8x16xf32, #tpu.memory_space<vmem>>, vector<16xf32>,
    %swap3A_715 = arith.constant 4 : i64
    %swap3A_716 = arith.constant 0 : i64
    %swap3A_717 = arith.index_cast %swap3A_715 : i64 to index
    %swap3A_718 = arith.index_cast %swap3A_716 : i64 to index
    %swap3A_719 = arith.constant 0 : index
    %swap3A_720 = tpu.vector_load %arg12[%swap3A_717, %swap3A_718, %swap3A_719] {strides = array<i32>} : memref<8x8x16xf32, #tpu.memory_space<vmem>>, vector<16xf32>,
    tpu.vector_store %arg12[%swap3A_717, %swap3A_718, %swap3A_719], %broadcast_in_dim3A_98 {strides = array<i32>} : memref<8x8x16xf32, #tpu.memory_space<vmem>>, vector<16xf32>,
    %swap3A_721 = arith.constant 4 : i64
    %swap3A_722 = arith.constant 1 : i64
    %swap3A_723 = arith.index_cast %swap3A_721 : i64 to index
    %swap3A_724 = arith.index_cast %swap3A_722 : i64 to index
    %swap3A_725 = arith.constant 0 : index
    %swap3A_726 = tpu.vector_load %arg12[%swap3A_723, %swap3A_724, %swap3A_725] {strides = array<i32>} : memref<8x8x16xf32, #tpu.memory_space<vmem>>, vector<16xf32>,
    tpu.vector_store %arg12[%swap3A_723, %swap3A_724, %swap3A_725], %broadcast_in_dim3A_98 {strides = array<i32>} : memref<8x8x16xf32, #tpu.memory_space<vmem>>, vector<16xf32>,
    %swap3A_727 = arith.constant 4 : i64
    %swap3A_728 = arith.constant 2 : i64
    %swap3A_729 = arith.index_cast %swap3A_727 : i64 to index
    %swap3A_730 = arith.index_cast %swap3A_728 : i64 to index
    %swap3A_731 = arith.constant 0 : index
    %swap3A_732 = tpu.vector_load %arg12[%swap3A_729, %swap3A_730, %swap3A_731] {strides = array<i32>} : memref<8x8x16xf32, #tpu.memory_space<vmem>>, vector<16xf32>,
    tpu.vector_store %arg12[%swap3A_729, %swap3A_730, %swap3A_731], %broadcast_in_dim3A_98 {strides = array<i32>} : memref<8x8x16xf32, #tpu.memory_space<vmem>>, vector<16xf32>,
    %swap3A_733 = arith.constant 4 : i64
    %swap3A_734 = arith.constant 3 : i64
    %swap3A_735 = arith.index_cast %swap3A_733 : i64 to index
    %swap3A_736 = arith.index_cast %swap3A_734 : i64 to index
    %swap3A_737 = arith.constant 0 : index
    %swap3A_738 = tpu.vector_load %arg12[%swap3A_735, %swap3A_736, %swap3A_737] {strides = array<i32>} : memref<8x8x16xf32, #tpu.memory_space<vmem>>, vector<16xf32>,
    tpu.vector_store %arg12[%swap3A_735, %swap3A_736, %swap3A_737], %broadcast_in_dim3A_98 {strides = array<i32>} : memref<8x8x16xf32, #tpu.memory_space<vmem>>, vector<16xf32>,
    %swap3A_739 = arith.constant 4 : i64
    %swap3A_740 = arith.constant 4 : i64
    %swap3A_741 = arith.index_cast %swap3A_739 : i64 to index
    %swap3A_742 = arith.index_cast %swap3A_740 : i64 to index
    %swap3A_743 = arith.constant 0 : index
    %swap3A_744 = tpu.vector_load %arg12[%swap3A_741, %swap3A_742, %swap3A_743] {strides = array<i32>} : memref<8x8x16xf32, #tpu.memory_space<vmem>>, vector<16xf32>,
    tpu.vector_store %arg12[%swap3A_741, %swap3A_742, %swap3A_743], %broadcast_in_dim3A_98 {strides = array<i32>} : memref<8x8x16xf32, #tpu.memory_space<vmem>>, vector<16xf32>,
    %swap3A_745 = arith.constant 4 : i64
    %swap3A_746 = arith.constant 5 : i64
    %swap3A_747 = arith.index_cast %swap3A_745 : i64 to index
    %swap3A_748 = arith.index_cast %swap3A_746 : i64 to index
    %swap3A_749 = arith.constant 0 : index
    %swap3A_750 = tpu.vector_load %arg12[%swap3A_747, %swap3A_748, %swap3A_749] {strides = array<i32>} : memref<8x8x16xf32, #tpu.memory_space<vmem>>, vector<16xf32>,
    tpu.vector_store %arg12[%swap3A_747, %swap3A_748, %swap3A_749], %broadcast_in_dim3A_98 {strides = array<i32>} : memref<8x8x16xf32, #tpu.memory_space<vmem>>, vector<16xf32>,
    %swap3A_751 = arith.constant 4 : i64
    %swap3A_752 = arith.constant 6 : i64
    %swap3A_753 = arith.index_cast %swap3A_751 : i64 to index
    %swap3A_754 = arith.index_cast %swap3A_752 : i64 to index
    %swap3A_755 = arith.constant 0 : index
    %swap3A_756 = tpu.vector_load %arg12[%swap3A_753, %swap3A_754, %swap3A_755] {strides = array<i32>} : memref<8x8x16xf32, #tpu.memory_space<vmem>>, vector<16xf32>,
    tpu.vector_store %arg12[%swap3A_753, %swap3A_754, %swap3A_755], %broadcast_in_dim3A_98 {strides = array<i32>} : memref<8x8x16xf32, #tpu.memory_space<vmem>>, vector<16xf32>,
    %swap3A_757 = arith.constant 4 : i64
    %swap3A_758 = arith.constant 7 : i64
    %swap3A_759 = arith.index_cast %swap3A_757 : i64 to index
    %swap3A_760 = arith.index_cast %swap3A_758 : i64 to index
    %swap3A_761 = arith.constant 0 : index
    %swap3A_762 = tpu.vector_load %arg12[%swap3A_759, %swap3A_760, %swap3A_761] {strides = array<i32>} : memref<8x8x16xf32, #tpu.memory_space<vmem>>, vector<16xf32>,
    tpu.vector_store %arg12[%swap3A_759, %swap3A_760, %swap3A_761], %broadcast_in_dim3A_98 {strides = array<i32>} : memref<8x8x16xf32, #tpu.memory_space<vmem>>, vector<16xf32>,
    %swap3A_763 = arith.constant 5 : i64
    %swap3A_764 = arith.constant 0 : i64
    %swap3A_765 = arith.index_cast %swap3A_763 : i64 to index
    %swap3A_766 = arith.index_cast %swap3A_764 : i64 to index
    %swap3A_767 = arith.constant 0 : index
    %swap3A_768 = tpu.vector_load %arg12[%swap3A_765, %swap3A_766, %swap3A_767] {strides = array<i32>} : memref<8x8x16xf32, #tpu.memory_space<vmem>>, vector<16xf32>,
    tpu.vector_store %arg12[%swap3A_765, %swap3A_766, %swap3A_767], %broadcast_in_dim3A_98 {strides = array<i32>} : memref<8x8x16xf32, #tpu.memory_space<vmem>>, vector<16xf32>,
    %swap3A_769 = arith.constant 5 : i64
    %swap3A_770 = arith.constant 1 : i64
    %swap3A_771 = arith.index_cast %swap3A_769 : i64 to index
    %swap3A_772 = arith.index_cast %swap3A_770 : i64 to index
    %swap3A_773 = arith.constant 0 : index
    %swap3A_774 = tpu.vector_load %arg12[%swap3A_771, %swap3A_772, %swap3A_773] {strides = array<i32>} : memref<8x8x16xf32, #tpu.memory_space<vmem>>, vector<16xf32>,
    tpu.vector_store %arg12[%swap3A_771, %swap3A_772, %swap3A_773], %broadcast_in_dim3A_98 {strides = array<i32>} : memref<8x8x16xf32, #tpu.memory_space<vmem>>, vector<16xf32>,
    %swap3A_775 = arith.constant 5 : i64
    %swap3A_776 = arith.constant 2 : i64
    %swap3A_777 = arith.index_cast %swap3A_775 : i64 to index
    %swap3A_778 = arith.index_cast %swap3A_776 : i64 to index
    %swap3A_779 = arith.constant 0 : index
    %swap3A_780 = tpu.vector_load %arg12[%swap3A_777, %swap3A_778, %swap3A_779] {strides = array<i32>} : memref<8x8x16xf32, #tpu.memory_space<vmem>>, vector<16xf32>,
    tpu.vector_store %arg12[%swap3A_777, %swap3A_778, %swap3A_779], %broadcast_in_dim3A_98 {strides = array<i32>} : memref<8x8x16xf32, #tpu.memory_space<vmem>>, vector<16xf32>,
    %swap3A_781 = arith.constant 5 : i64
    %swap3A_782 = arith.constant 3 : i64
    %swap3A_783 = arith.index_cast %swap3A_781 : i64 to index
    %swap3A_784 = arith.index_cast %swap3A_782 : i64 to index
    %swap3A_785 = arith.constant 0 : index
    %swap3A_786 = tpu.vector_load %arg12[%swap3A_783, %swap3A_784, %swap3A_785] {strides = array<i32>} : memref<8x8x16xf32, #tpu.memory_space<vmem>>, vector<16xf32>,
    tpu.vector_store %arg12[%swap3A_783, %swap3A_784, %swap3A_785], %broadcast_in_dim3A_98 {strides = array<i32>} : memref<8x8x16xf32, #tpu.memory_space<vmem>>, vector<16xf32>,
    %swap3A_787 = arith.constant 5 : i64
    %swap3A_788 = arith.constant 4 : i64
    %swap3A_789 = arith.index_cast %swap3A_787 : i64 to index
    %swap3A_790 = arith.index_cast %swap3A_788 : i64 to index
    %swap3A_791 = arith.constant 0 : index
    %swap3A_792 = tpu.vector_load %arg12[%swap3A_789, %swap3A_790, %swap3A_791] {strides = array<i32>} : memref<8x8x16xf32, #tpu.memory_space<vmem>>, vector<16xf32>,
    tpu.vector_store %arg12[%swap3A_789, %swap3A_790, %swap3A_791], %broadcast_in_dim3A_98 {strides = array<i32>} : memref<8x8x16xf32, #tpu.memory_space<vmem>>, vector<16xf32>,
    %swap3A_793 = arith.constant 5 : i64
    %swap3A_794 = arith.constant 5 : i64
    %swap3A_795 = arith.index_cast %swap3A_793 : i64 to index
    %swap3A_796 = arith.index_cast %swap3A_794 : i64 to index
    %swap3A_797 = arith.constant 0 : index
    %swap3A_798 = tpu.vector_load %arg12[%swap3A_795, %swap3A_796, %swap3A_797] {strides = array<i32>} : memref<8x8x16xf32, #tpu.memory_space<vmem>>, vector<16xf32>,
    tpu.vector_store %arg12[%swap3A_795, %swap3A_796, %swap3A_797], %broadcast_in_dim3A_98 {strides = array<i32>} : memref<8x8x16xf32, #tpu.memory_space<vmem>>, vector<16xf32>,
    %swap3A_799 = arith.constant 5 : i64
    %swap3A_800 = arith.constant 6 : i64
    %swap3A_801 = arith.index_cast %swap3A_799 : i64 to index
    %swap3A_802 = arith.index_cast %swap3A_800 : i64 to index
    %swap3A_803 = arith.constant 0 : index
    %swap3A_804 = tpu.vector_load %arg12[%swap3A_801, %swap3A_802, %swap3A_803] {strides = array<i32>} : memref<8x8x16xf32, #tpu.memory_space<vmem>>, vector<16xf32>,
    tpu.vector_store %arg12[%swap3A_801, %swap3A_802, %swap3A_803], %broadcast_in_dim3A_98 {strides = array<i32>} : memref<8x8x16xf32, #tpu.memory_space<vmem>>, vector<16xf32>,
    %swap3A_805 = arith.constant 5 : i64
    %swap3A_806 = arith.constant 7 : i64
    %swap3A_807 = arith.index_cast %swap3A_805 : i64 to index
    %swap3A_808 = arith.index_cast %swap3A_806 : i64 to index
    %swap3A_809 = arith.constant 0 : index
    %swap3A_810 = tpu.vector_load %arg12[%swap3A_807, %swap3A_808, %swap3A_809] {strides = array<i32>} : memref<8x8x16xf32, #tpu.memory_space<vmem>>, vector<16xf32>,
    tpu.vector_store %arg12[%swap3A_807, %swap3A_808, %swap3A_809], %broadcast_in_dim3A_98 {strides = array<i32>} : memref<8x8x16xf32, #tpu.memory_space<vmem>>, vector<16xf32>,
    %swap3A_811 = arith.constant 6 : i64
    %swap3A_812 = arith.constant 0 : i64
    %swap3A_813 = arith.index_cast %swap3A_811 : i64 to index
    %swap3A_814 = arith.index_cast %swap3A_812 : i64 to index
    %swap3A_815 = arith.constant 0 : index
    %swap3A_816 = tpu.vector_load %arg12[%swap3A_813, %swap3A_814, %swap3A_815] {strides = array<i32>} : memref<8x8x16xf32, #tpu.memory_space<vmem>>, vector<16xf32>,
    tpu.vector_store %arg12[%swap3A_813, %swap3A_814, %swap3A_815], %broadcast_in_dim3A_98 {strides = array<i32>} : memref<8x8x16xf32, #tpu.memory_space<vmem>>, vector<16xf32>,
    %swap3A_817 = arith.constant 6 : i64
    %swap3A_818 = arith.constant 1 : i64
    %swap3A_819 = arith.index_cast %swap3A_817 : i64 to index
    %swap3A_820 = arith.index_cast %swap3A_818 : i64 to index
    %swap3A_821 = arith.constant 0 : index
    %swap3A_822 = tpu.vector_load %arg12[%swap3A_819, %swap3A_820, %swap3A_821] {strides = array<i32>} : memref<8x8x16xf32, #tpu.memory_space<vmem>>, vector<16xf32>,
    tpu.vector_store %arg12[%swap3A_819, %swap3A_820, %swap3A_821], %broadcast_in_dim3A_98 {strides = array<i32>} : memref<8x8x16xf32, #tpu.memory_space<vmem>>, vector<16xf32>,
    %swap3A_823 = arith.constant 6 : i64
    %swap3A_824 = arith.constant 2 : i64
    %swap3A_825 = arith.index_cast %swap3A_823 : i64 to index
    %swap3A_826 = arith.index_cast %swap3A_824 : i64 to index
    %swap3A_827 = arith.constant 0 : index
    %swap3A_828 = tpu.vector_load %arg12[%swap3A_825, %swap3A_826, %swap3A_827] {strides = array<i32>} : memref<8x8x16xf32, #tpu.memory_space<vmem>>, vector<16xf32>,
    tpu.vector_store %arg12[%swap3A_825, %swap3A_826, %swap3A_827], %broadcast_in_dim3A_98 {strides = array<i32>} : memref<8x8x16xf32, #tpu.memory_space<vmem>>, vector<16xf32>,
    %swap3A_829 = arith.constant 6 : i64
    %swap3A_830 = arith.constant 3 : i64
    %swap3A_831 = arith.index_cast %swap3A_829 : i64 to index
    %swap3A_832 = arith.index_cast %swap3A_830 : i64 to index
    %swap3A_833 = arith.constant 0 : index
    %swap3A_834 = tpu.vector_load %arg12[%swap3A_831, %swap3A_832, %swap3A_833] {strides = array<i32>} : memref<8x8x16xf32, #tpu.memory_space<vmem>>, vector<16xf32>,
    tpu.vector_store %arg12[%swap3A_831, %swap3A_832, %swap3A_833], %broadcast_in_dim3A_98 {strides = array<i32>} : memref<8x8x16xf32, #tpu.memory_space<vmem>>, vector<16xf32>,
    %swap3A_835 = arith.constant 6 : i64
    %swap3A_836 = arith.constant 4 : i64
    %swap3A_837 = arith.index_cast %swap3A_835 : i64 to index
    %swap3A_838 = arith.index_cast %swap3A_836 : i64 to index
    %swap3A_839 = arith.constant 0 : index
    %swap3A_840 = tpu.vector_load %arg12[%swap3A_837, %swap3A_838, %swap3A_839] {strides = array<i32>} : memref<8x8x16xf32, #tpu.memory_space<vmem>>, vector<16xf32>,
    tpu.vector_store %arg12[%swap3A_837, %swap3A_838, %swap3A_839], %broadcast_in_dim3A_98 {strides = array<i32>} : memref<8x8x16xf32, #tpu.memory_space<vmem>>, vector<16xf32>,
    %swap3A_841 = arith.constant 6 : i64
    %swap3A_842 = arith.constant 5 : i64
    %swap3A_843 = arith.index_cast %swap3A_841 : i64 to index
    %swap3A_844 = arith.index_cast %swap3A_842 : i64 to index
    %swap3A_845 = arith.constant 0 : index
    %swap3A_846 = tpu.vector_load %arg12[%swap3A_843, %swap3A_844, %swap3A_845] {strides = array<i32>} : memref<8x8x16xf32, #tpu.memory_space<vmem>>, vector<16xf32>,
    tpu.vector_store %arg12[%swap3A_843, %swap3A_844, %swap3A_845], %broadcast_in_dim3A_98 {strides = array<i32>} : memref<8x8x16xf32, #tpu.memory_space<vmem>>, vector<16xf32>,
    %swap3A_847 = arith.constant 6 : i64
    %swap3A_848 = arith.constant 6 : i64
    %swap3A_849 = arith.index_cast %swap3A_847 : i64 to index
    %swap3A_850 = arith.index_cast %swap3A_848 : i64 to index
    %swap3A_851 = arith.constant 0 : index
    %swap3A_852 = tpu.vector_load %arg12[%swap3A_849, %swap3A_850, %swap3A_851] {strides = array<i32>} : memref<8x8x16xf32, #tpu.memory_space<vmem>>, vector<16xf32>,
    tpu.vector_store %arg12[%swap3A_849, %swap3A_850, %swap3A_851], %broadcast_in_dim3A_98 {strides = array<i32>} : memref<8x8x16xf32, #tpu.memory_space<vmem>>, vector<16xf32>,
    %swap3A_853 = arith.constant 6 : i64
    %swap3A_854 = arith.constant 7 : i64
    %swap3A_855 = arith.index_cast %swap3A_853 : i64 to index
    %swap3A_856 = arith.index_cast %swap3A_854 : i64 to index
    %swap3A_857 = arith.constant 0 : index
    %swap3A_858 = tpu.vector_load %arg12[%swap3A_855, %swap3A_856, %swap3A_857] {strides = array<i32>} : memref<8x8x16xf32, #tpu.memory_space<vmem>>, vector<16xf32>,
    tpu.vector_store %arg12[%swap3A_855, %swap3A_856, %swap3A_857], %broadcast_in_dim3A_98 {strides = array<i32>} : memref<8x8x16xf32, #tpu.memory_space<vmem>>, vector<16xf32>,
    %swap3A_859 = arith.constant 7 : i64
    %swap3A_860 = arith.constant 0 : i64
    %swap3A_861 = arith.index_cast %swap3A_859 : i64 to index
    %swap3A_862 = arith.index_cast %swap3A_860 : i64 to index
    %swap3A_863 = arith.constant 0 : index
    %swap3A_864 = tpu.vector_load %arg12[%swap3A_861, %swap3A_862, %swap3A_863] {strides = array<i32>} : memref<8x8x16xf32, #tpu.memory_space<vmem>>, vector<16xf32>,
    tpu.vector_store %arg12[%swap3A_861, %swap3A_862, %swap3A_863], %broadcast_in_dim3A_98 {strides = array<i32>} : memref<8x8x16xf32, #tpu.memory_space<vmem>>, vector<16xf32>,
    %swap3A_865 = arith.constant 7 : i64
    %swap3A_866 = arith.constant 1 : i64
    %swap3A_867 = arith.index_cast %swap3A_865 : i64 to index
    %swap3A_868 = arith.index_cast %swap3A_866 : i64 to index
    %swap3A_869 = arith.constant 0 : index
    %swap3A_870 = tpu.vector_load %arg12[%swap3A_867, %swap3A_868, %swap3A_869] {strides = array<i32>} : memref<8x8x16xf32, #tpu.memory_space<vmem>>, vector<16xf32>,
    tpu.vector_store %arg12[%swap3A_867, %swap3A_868, %swap3A_869], %broadcast_in_dim3A_98 {strides = array<i32>} : memref<8x8x16xf32, #tpu.memory_space<vmem>>, vector<16xf32>,
    %swap3A_871 = arith.constant 7 : i64
    %swap3A_872 = arith.constant 2 : i64
    %swap3A_873 = arith.index_cast %swap3A_871 : i64 to index
    %swap3A_874 = arith.index_cast %swap3A_872 : i64 to index
    %swap3A_875 = arith.constant 0 : index
    %swap3A_876 = tpu.vector_load %arg12[%swap3A_873, %swap3A_874, %swap3A_875] {strides = array<i32>} : memref<8x8x16xf32, #tpu.memory_space<vmem>>, vector<16xf32>,
    tpu.vector_store %arg12[%swap3A_873, %swap3A_874, %swap3A_875], %broadcast_in_dim3A_98 {strides = array<i32>} : memref<8x8x16xf32, #tpu.memory_space<vmem>>, vector<16xf32>,
    %swap3A_877 = arith.constant 7 : i64
    %swap3A_878 = arith.constant 3 : i64
    %swap3A_879 = arith.index_cast %swap3A_877 : i64 to index
    %swap3A_880 = arith.index_cast %swap3A_878 : i64 to index
    %swap3A_881 = arith.constant 0 : index
    %swap3A_882 = tpu.vector_load %arg12[%swap3A_879, %swap3A_880, %swap3A_881] {strides = array<i32>} : memref<8x8x16xf32, #tpu.memory_space<vmem>>, vector<16xf32>,
    tpu.vector_store %arg12[%swap3A_879, %swap3A_880, %swap3A_881], %broadcast_in_dim3A_98 {strides = array<i32>} : memref<8x8x16xf32, #tpu.memory_space<vmem>>, vector<16xf32>,
    %swap3A_883 = arith.constant 7 : i64
    %swap3A_884 = arith.constant 4 : i64
    %swap3A_885 = arith.index_cast %swap3A_883 : i64 to index
    %swap3A_886 = arith.index_cast %swap3A_884 : i64 to index
    %swap3A_887 = arith.constant 0 : index
    %swap3A_888 = tpu.vector_load %arg12[%swap3A_885, %swap3A_886, %swap3A_887] {strides = array<i32>} : memref<8x8x16xf32, #tpu.memory_space<vmem>>, vector<16xf32>,
    tpu.vector_store %arg12[%swap3A_885, %swap3A_886, %swap3A_887], %broadcast_in_dim3A_98 {strides = array<i32>} : memref<8x8x16xf32, #tpu.memory_space<vmem>>, vector<16xf32>,
    %swap3A_889 = arith.constant 7 : i64
    %swap3A_890 = arith.constant 5 : i64
    %swap3A_891 = arith.index_cast %swap3A_889 : i64 to index
    %swap3A_892 = arith.index_cast %swap3A_890 : i64 to index
    %swap3A_893 = arith.constant 0 : index
    %swap3A_894 = tpu.vector_load %arg12[%swap3A_891, %swap3A_892, %swap3A_893] {strides = array<i32>} : memref<8x8x16xf32, #tpu.memory_space<vmem>>, vector<16xf32>,
    tpu.vector_store %arg12[%swap3A_891, %swap3A_892, %swap3A_893], %broadcast_in_dim3A_98 {strides = array<i32>} : memref<8x8x16xf32, #tpu.memory_space<vmem>>, vector<16xf32>,
    %swap3A_895 = arith.constant 7 : i64
    %swap3A_896 = arith.constant 6 : i64
    %swap3A_897 = arith.index_cast %swap3A_895 : i64 to index
    %swap3A_898 = arith.index_cast %swap3A_896 : i64 to index
    %swap3A_899 = arith.constant 0 : index
    %swap3A_900 = tpu.vector_load %arg12[%swap3A_897, %swap3A_898, %swap3A_899] {strides = array<i32>} : memref<8x8x16xf32, #tpu.memory_space<vmem>>, vector<16xf32>,
    tpu.vector_store %arg12[%swap3A_897, %swap3A_898, %swap3A_899], %broadcast_in_dim3A_98 {strides = array<i32>} : memref<8x8x16xf32, #tpu.memory_space<vmem>>, vector<16xf32>,
    %swap3A_901 = arith.constant 7 : i64
    %swap3A_902 = arith.constant 7 : i64
    %swap3A_903 = arith.index_cast %swap3A_901 : i64 to index
    %swap3A_904 = arith.index_cast %swap3A_902 : i64 to index
    %swap3A_905 = arith.constant 0 : index
    %swap3A_906 = tpu.vector_load %arg12[%swap3A_903, %swap3A_904, %swap3A_905] {strides = array<i32>} : memref<8x8x16xf32, #tpu.memory_space<vmem>>, vector<16xf32>,
    tpu.vector_store %arg12[%swap3A_903, %swap3A_904, %swap3A_905], %broadcast_in_dim3A_98 {strides = array<i32>} : memref<8x8x16xf32, #tpu.memory_space<vmem>>, vector<16xf32>,
    %scan3A = arith.constant 0 : i32
    %scan3A_907 = arith.constant 0 : i32
    %scan3A_908 = arith.constant 32 : i32
    %scan3A_909 = arith.addi %scan3A_907, %scan3A_908 : i32
    %scan3A_910 = arith.constant 1 : i32
    %scan3A_911:5 = scf.for %scan3A_935 = %scan3A_907 to %scan3A_909 step %scan3A_910 iter_args(%scan3A_936 = %scan3A, %scan3A_937 = %broadcast_in_dim3A_106, %scan3A_938 = %broadcast_in_dim3A_106, %scan3A_939 = %broadcast_in_dim3A_106, %scan3A_940 = %broadcast_in_dim3A_106) -> (i32, vector<16xi32>, vector<16xi32>, vector<16xi32>, vector<16xi32>)  : i32 {
      %eq3A = arith.constant 8 : i32
      %eq3A_941 = arith.cmpi eq, %scan3A_936, %eq3A : i32
      %convert_element_type3A = arith.extui %eq3A_941 : i1 to i32
      %cond3A = arith.constant 0 : i32
      %cond3A_942 = arith.cmpi ne, %convert_element_type3A, %cond3A : i32
      scf.if %cond3A_942 {
        %add3A_3283 = arith.constant 32 : i32
        %add3A_3284 = arith.addi %mul3A_4, %add3A_3283 : i32
        %dma_wait3A_3285 = arith.constant 0 : i32
        %dma_wait3A_3286 = arith.constant 32 : i32
        %dma_wait3A_3287 = arith.constant 0 : i32
        %dma_wait3A_3288 = arith.constant 0 : i32
        %dma_wait3A_3289 = tpu.memref_slice %arg6[%dma_wait3A_3286, %dma_wait3A_3287, %dma_wait3A_3288] : memref<128x8x64xf32, #tpu.memory_space<vmem>> -> memref<32x8x64xf32, #tpu.memory_space<vmem>>
        %dma_wait3A_3290 = arith.constant 0 : i32
        %dma_wait3A_3291 = arith.constant 0 : i32
        %dma_wait3A_3292 = tpu.memref_slice %arg2[%add3A_3284, %dma_wait3A_3285, %dma_wait3A_3290, %dma_wait3A_3291] : memref<4096x8x8x128xf32, #tpu.memory_space<hbm>> -> memref<32x1x8x64xf32, #tpu.memory_space<hbm>>
        %dma_wait3A_3293 = tpu.memref_squeeze %dma_wait3A_3292 : memref<32x1x8x64xf32, #tpu.memory_space<hbm>> -> memref<32x8x64xf32, #tpu.memory_space<hbm>>
        %dma_wait3A_3294 = arith.constant 32 : i32
        %dma_wait3A_3295 = arith.constant 0 : i32
        %dma_wait3A_3296 = arith.constant 0 : i32
        %dma_wait3A_3297 = tpu.memref_slice %arg6[%dma_wait3A_3294, %dma_wait3A_3295, %dma_wait3A_3296] : memref<128x8x64xf32, #tpu.memory_space<vmem>> -> memref<32x8x64xf32, #tpu.memory_space<vmem>>
        %dma_wait3A_3298 = arith.constant 0 : i32
        %dma_wait3A_3299 = arith.constant 0 : i32
        %dma_wait3A_3300 = tpu.memref_slice %arg2[%add3A_3284, %dma_wait3A_3285, %dma_wait3A_3298, %dma_wait3A_3299] : memref<4096x8x8x128xf32, #tpu.memory_space<hbm>> -> memref<32x1x8x64xf32, #tpu.memory_space<hbm>>
        %dma_wait3A_3301 = tpu.memref_squeeze %dma_wait3A_3300 : memref<32x1x8x64xf32, #tpu.memory_space<hbm>> -> memref<32x8x64xf32, #tpu.memory_space<hbm>>
        tpu.wait_dma2 semaphore(%arg16 : memref<!tpu.dma_semaphore, #tpu.memory_space<semaphore_mem>>) src(%dma_wait3A_3301 : memref<32x8x64xf32, #tpu.memory_space<hbm>>) dst(%dma_wait3A_3297 : memref<32x8x64xf32, #tpu.memory_space<vmem>>)
      } else {
      }
      %eq3A_943 = arith.constant 16 : i32
      %eq3A_944 = arith.cmpi eq, %scan3A_936, %eq3A_943 : i32
      %convert_element_type3A_945 = arith.extui %eq3A_944 : i1 to i32
      %cond3A_946 = arith.constant 0 : i32
      %cond3A_947 = arith.cmpi ne, %convert_element_type3A_945, %cond3A_946 : i32
      scf.if %cond3A_947 {
        %add3A_3283 = arith.constant 64 : i32
        %add3A_3284 = arith.addi %mul3A_4, %add3A_3283 : i32
        %dma_wait3A_3285 = arith.constant 0 : i32
        %dma_wait3A_3286 = arith.constant 64 : i32
        %dma_wait3A_3287 = arith.constant 0 : i32
        %dma_wait3A_3288 = arith.constant 0 : i32
        %dma_wait3A_3289 = tpu.memref_slice %arg6[%dma_wait3A_3286, %dma_wait3A_3287, %dma_wait3A_3288] : memref<128x8x64xf32, #tpu.memory_space<vmem>> -> memref<32x8x64xf32, #tpu.memory_space<vmem>>
        %dma_wait3A_3290 = arith.constant 0 : i32
        %dma_wait3A_3291 = arith.constant 0 : i32
        %dma_wait3A_3292 = tpu.memref_slice %arg2[%add3A_3284, %dma_wait3A_3285, %dma_wait3A_3290, %dma_wait3A_3291] : memref<4096x8x8x128xf32, #tpu.memory_space<hbm>> -> memref<32x1x8x64xf32, #tpu.memory_space<hbm>>
        %dma_wait3A_3293 = tpu.memref_squeeze %dma_wait3A_3292 : memref<32x1x8x64xf32, #tpu.memory_space<hbm>> -> memref<32x8x64xf32, #tpu.memory_space<hbm>>
        %dma_wait3A_3294 = arith.constant 64 : i32
        %dma_wait3A_3295 = arith.constant 0 : i32
        %dma_wait3A_3296 = arith.constant 0 : i32
        %dma_wait3A_3297 = tpu.memref_slice %arg6[%dma_wait3A_3294, %dma_wait3A_3295, %dma_wait3A_3296] : memref<128x8x64xf32, #tpu.memory_space<vmem>> -> memref<32x8x64xf32, #tpu.memory_space<vmem>>
        %dma_wait3A_3298 = arith.constant 0 : i32
        %dma_wait3A_3299 = arith.constant 0 : i32
        %dma_wait3A_3300 = tpu.memref_slice %arg2[%add3A_3284, %dma_wait3A_3285, %dma_wait3A_3298, %dma_wait3A_3299] : memref<4096x8x8x128xf32, #tpu.memory_space<hbm>> -> memref<32x1x8x64xf32, #tpu.memory_space<hbm>>
        %dma_wait3A_3301 = tpu.memref_squeeze %dma_wait3A_3300 : memref<32x1x8x64xf32, #tpu.memory_space<hbm>> -> memref<32x8x64xf32, #tpu.memory_space<hbm>>
        tpu.wait_dma2 semaphore(%arg17 : memref<!tpu.dma_semaphore, #tpu.memory_space<semaphore_mem>>) src(%dma_wait3A_3301 : memref<32x8x64xf32, #tpu.memory_space<hbm>>) dst(%dma_wait3A_3297 : memref<32x8x64xf32, #tpu.memory_space<vmem>>)
      } else {
      }
      %eq3A_948 = arith.constant 24 : i32
      %eq3A_949 = arith.cmpi eq, %scan3A_936, %eq3A_948 : i32
      %convert_element_type3A_950 = arith.extui %eq3A_949 : i1 to i32
      %cond3A_951 = arith.constant 0 : i32
      %cond3A_952 = arith.cmpi ne, %convert_element_type3A_950, %cond3A_951 : i32
      scf.if %cond3A_952 {
        %add3A_3283 = arith.constant 96 : i32
        %add3A_3284 = arith.addi %mul3A_4, %add3A_3283 : i32
        %dma_wait3A_3285 = arith.constant 0 : i32
        %dma_wait3A_3286 = arith.constant 96 : i32
        %dma_wait3A_3287 = arith.constant 0 : i32
        %dma_wait3A_3288 = arith.constant 0 : i32
        %dma_wait3A_3289 = tpu.memref_slice %arg6[%dma_wait3A_3286, %dma_wait3A_3287, %dma_wait3A_3288] : memref<128x8x64xf32, #tpu.memory_space<vmem>> -> memref<32x8x64xf32, #tpu.memory_space<vmem>>
        %dma_wait3A_3290 = arith.constant 0 : i32
        %dma_wait3A_3291 = arith.constant 0 : i32
        %dma_wait3A_3292 = tpu.memref_slice %arg2[%add3A_3284, %dma_wait3A_3285, %dma_wait3A_3290, %dma_wait3A_3291] : memref<4096x8x8x128xf32, #tpu.memory_space<hbm>> -> memref<32x1x8x64xf32, #tpu.memory_space<hbm>>
        %dma_wait3A_3293 = tpu.memref_squeeze %dma_wait3A_3292 : memref<32x1x8x64xf32, #tpu.memory_space<hbm>> -> memref<32x8x64xf32, #tpu.memory_space<hbm>>
        %dma_wait3A_3294 = arith.constant 96 : i32
        %dma_wait3A_3295 = arith.constant 0 : i32
        %dma_wait3A_3296 = arith.constant 0 : i32
        %dma_wait3A_3297 = tpu.memref_slice %arg6[%dma_wait3A_3294, %dma_wait3A_3295, %dma_wait3A_3296] : memref<128x8x64xf32, #tpu.memory_space<vmem>> -> memref<32x8x64xf32, #tpu.memory_space<vmem>>
        %dma_wait3A_3298 = arith.constant 0 : i32
        %dma_wait3A_3299 = arith.constant 0 : i32
        %dma_wait3A_3300 = tpu.memref_slice %arg2[%add3A_3284, %dma_wait3A_3285, %dma_wait3A_3298, %dma_wait3A_3299] : memref<4096x8x8x128xf32, #tpu.memory_space<hbm>> -> memref<32x1x8x64xf32, #tpu.memory_space<hbm>>
        %dma_wait3A_3301 = tpu.memref_squeeze %dma_wait3A_3300 : memref<32x1x8x64xf32, #tpu.memory_space<hbm>> -> memref<32x8x64xf32, #tpu.memory_space<hbm>>
        tpu.wait_dma2 semaphore(%arg18 : memref<!tpu.dma_semaphore, #tpu.memory_space<semaphore_mem>>) src(%dma_wait3A_3301 : memref<32x8x64xf32, #tpu.memory_space<hbm>>) dst(%dma_wait3A_3297 : memref<32x8x64xf32, #tpu.memory_space<vmem>>)
      } else {
      }
      %mul3A_953 = arith.constant 2 : i32
      %mul3A_954 = arith.muli %scan3A_936, %mul3A_953 : i32
      %add3A_955 = arith.constant 0 : i32
      %add3A_956 = arith.addi %mul3A_954, %add3A_955 : i32
      %mul3A_957 = arith.constant 16 : i32
      %mul3A_958 = arith.muli %add3A_956, %mul3A_957 : i32
      %gt3A = arith.constant 0 : i32
      %gt3A_959 = arith.cmpi sgt, %scan3A_936, %gt3A : i32
      %convert_element_type3A_960 = arith.extui %gt3A_959 : i1 to i32
      %cond3A_961 = arith.constant 0 : i32
      %cond3A_962 = arith.cmpi ne, %convert_element_type3A_960, %cond3A_961 : i32
      scf.if %cond3A_962 {
        %dma_wait3A_3283 = arith.constant 0 : i32
        %dma_wait3A_3284 = arith.constant 0 : i32
        %dma_wait3A_3285 = arith.constant 0 : i32
        %dma_wait3A_3286 = arith.constant 0 : i32
        %dma_wait3A_3287 = tpu.memref_slice %arg5[%dma_wait3A_3284, %dma_wait3A_3283, %dma_wait3A_3285, %dma_wait3A_3286] : memref<8x256x8x128xf32, #tpu.memory_space<hbm>> -> memref<8x1x8x16xf32, #tpu.memory_space<hbm>>
        %dma_wait3A_3288 = tpu.memref_squeeze %dma_wait3A_3287 : memref<8x1x8x16xf32, #tpu.memory_space<hbm>> -> memref<8x8x16xf32, #tpu.memory_space<hbm>>
        %dma_wait3A_3289 = arith.constant 0 : i32
        %dma_wait3A_3290 = arith.constant 0 : i32
        %dma_wait3A_3291 = arith.constant 0 : i32
        %dma_wait3A_3292 = tpu.memref_slice %arg5[%dma_wait3A_3289, %dma_wait3A_3283, %dma_wait3A_3290, %dma_wait3A_3291] : memref<8x256x8x128xf32, #tpu.memory_space<hbm>> -> memref<8x1x8x16xf32, #tpu.memory_space<hbm>>
        %dma_wait3A_3293 = tpu.memref_squeeze %dma_wait3A_3292 : memref<8x1x8x16xf32, #tpu.memory_space<hbm>> -> memref<8x8x16xf32, #tpu.memory_space<hbm>>
        tpu.wait_dma2 semaphore(%arg13 : memref<!tpu.dma_semaphore, #tpu.memory_space<semaphore_mem>>) src(%arg11 : memref<8x8x16xf32, #tpu.memory_space<vmem>>) dst(%dma_wait3A_3293 : memref<8x8x16xf32, #tpu.memory_space<hbm>>)
      } else {
      }
      %shift_right_arithmetic3A = arith.constant 3 : i32
      %shift_right_arithmetic3A_963 = vector.broadcast %shift_right_arithmetic3A : i32 to vector<16xi32>
      %shift_right_arithmetic3A_964 = arith.shrsi %scan3A_937, %shift_right_arithmetic3A_963 : vector<16xi32>
      %and3A = arith.andi %scan3A_937, %broadcast_in_dim3A_139 : vector<16xi32>
      tpu.vector_store_idx %arg11[%shift_right_arithmetic3A_964, %and3A, %iota3A], %broadcast_in_dim3A_98 : memref<8x8x16xf32, #tpu.memory_space<vmem>>[vector<16xi32>, vector<16xi32>, vector<16xi32>], vector<16xf32>,
      %shift_right_arithmetic3A_965 = arith.constant 3 : i32
      %shift_right_arithmetic3A_966 = vector.broadcast %shift_right_arithmetic3A_965 : i32 to vector<16xi32>
      %shift_right_arithmetic3A_967 = arith.shrsi %scan3A_938, %shift_right_arithmetic3A_966 : vector<16xi32>
      %and3A_968 = arith.andi %scan3A_938, %broadcast_in_dim3A_139 : vector<16xi32>
      tpu.vector_store_idx %arg11[%shift_right_arithmetic3A_967, %and3A_968, %iota3A], %broadcast_in_dim3A_98 : memref<8x8x16xf32, #tpu.memory_space<vmem>>[vector<16xi32>, vector<16xi32>, vector<16xi32>], vector<16xf32>,
      %mul3A_969 = arith.constant 2 : i32
      %mul3A_970 = arith.muli %add3A_956, %mul3A_969 : i32
      %add3A_971 = arith.constant 0 : i32
      %add3A_972 = arith.addi %mul3A_970, %add3A_971 : i32
      %get3A_973 = arith.constant 0 : i64
      %get3A_974 = arith.index_cast %add3A_972 : i32 to index
      %get3A_975 = arith.index_cast %get3A_973 : i64 to index
      %get3A_976 = arith.constant 0 : index
      %get3A_977 = tpu.vector_load %arg6[%get3A_974, %get3A_975, %get3A_976] {strides = array<i32>} : memref<128x8x64xf32, #tpu.memory_space<vmem>>, vector<16xf32>,
      %abs3A = math.absf %get3A_977 : vector<16xf32>
      %min3A = arith.minimumf %abs3A, %broadcast_in_dim3A_100 : vector<16xf32>
      %convert_element_type3A_978 = arith.fptosi %min3A : vector<16xf32> to vector<16xi32>
      %lt3A = arith.cmpf olt, %get3A_977, %broadcast_in_dim3A_98 : vector<16xf32>
      %gt3A_979 = arith.cmpf ogt, %get3A_977, %broadcast_in_dim3A_98 : vector<16xf32>
      %select_n3A = arith.select %gt3A_979, %broadcast_in_dim3A_104, %broadcast_in_dim3A_106 : vector<16xi1>, vector<16xi32>
      %select_n3A_980 = arith.select %lt3A, %broadcast_in_dim3A_102, %select_n3A : vector<16xi1>, vector<16xi32>
      %or3A = arith.ori %select_n3A_980, %convert_element_type3A_978 : vector<16xi32>
      %mul3A_981 = arith.muli %or3A, %add3A_113 : vector<16xi32>
      %get3A_982 = arith.constant 0 : i64
      %get3A_983 = arith.index_cast %add3A_972 : i32 to index
      %get3A_984 = arith.index_cast %get3A_982 : i64 to index
      %get3A_985 = arith.constant 16 : index
      %get3A_986 = tpu.vector_load %arg6[%get3A_983, %get3A_984, %get3A_985] {strides = array<i32>} : memref<128x8x64xf32, #tpu.memory_space<vmem>>, vector<16xf32>,
      %abs3A_987 = math.absf %get3A_986 : vector<16xf32>
      %min3A_988 = arith.minimumf %abs3A_987, %broadcast_in_dim3A_100 : vector<16xf32>
      %convert_element_type3A_989 = arith.fptosi %min3A_988 : vector<16xf32> to vector<16xi32>
      %lt3A_990 = arith.cmpf olt, %get3A_986, %broadcast_in_dim3A_98 : vector<16xf32>
      %gt3A_991 = arith.cmpf ogt, %get3A_986, %broadcast_in_dim3A_98 : vector<16xf32>
      %select_n3A_992 = arith.select %gt3A_991, %broadcast_in_dim3A_104, %broadcast_in_dim3A_106 : vector<16xi1>, vector<16xi32>
      %select_n3A_993 = arith.select %lt3A_990, %broadcast_in_dim3A_102, %select_n3A_992 : vector<16xi1>, vector<16xi32>
      %or3A_994 = arith.ori %select_n3A_993, %convert_element_type3A_989 : vector<16xi32>
      %mul3A_995 = arith.muli %or3A_994, %add3A_116 : vector<16xi32>
      %xor3A = arith.xori %mul3A_981, %mul3A_995 : vector<16xi32>
      %get3A_996 = arith.constant 0 : i64
      %get3A_997 = arith.index_cast %add3A_972 : i32 to index
      %get3A_998 = arith.index_cast %get3A_996 : i64 to index
      %get3A_999 = arith.constant 32 : index
      %get3A_1000 = tpu.vector_load %arg6[%get3A_997, %get3A_998, %get3A_999] {strides = array<i32>} : memref<128x8x64xf32, #tpu.memory_space<vmem>>, vector<16xf32>,
      %abs3A_1001 = math.absf %get3A_1000 : vector<16xf32>
      %min3A_1002 = arith.minimumf %abs3A_1001, %broadcast_in_dim3A_100 : vector<16xf32>
      %convert_element_type3A_1003 = arith.fptosi %min3A_1002 : vector<16xf32> to vector<16xi32>
      %lt3A_1004 = arith.cmpf olt, %get3A_1000, %broadcast_in_dim3A_98 : vector<16xf32>
      %gt3A_1005 = arith.cmpf ogt, %get3A_1000, %broadcast_in_dim3A_98 : vector<16xf32>
      %select_n3A_1006 = arith.select %gt3A_1005, %broadcast_in_dim3A_104, %broadcast_in_dim3A_106 : vector<16xi1>, vector<16xi32>
      %select_n3A_1007 = arith.select %lt3A_1004, %broadcast_in_dim3A_102, %select_n3A_1006 : vector<16xi1>, vector<16xi32>
      %or3A_1008 = arith.ori %select_n3A_1007, %convert_element_type3A_1003 : vector<16xi32>
      %mul3A_1009 = arith.muli %or3A_1008, %add3A_119 : vector<16xi32>
      %xor3A_1010 = arith.xori %xor3A, %mul3A_1009 : vector<16xi32>
      %get3A_1011 = arith.constant 0 : i64
      %get3A_1012 = arith.index_cast %add3A_972 : i32 to index
      %get3A_1013 = arith.index_cast %get3A_1011 : i64 to index
      %get3A_1014 = arith.constant 48 : index
      %get3A_1015 = tpu.vector_load %arg6[%get3A_1012, %get3A_1013, %get3A_1014] {strides = array<i32>} : memref<128x8x64xf32, #tpu.memory_space<vmem>>, vector<16xf32>,
      %abs3A_1016 = math.absf %get3A_1015 : vector<16xf32>
      %min3A_1017 = arith.minimumf %abs3A_1016, %broadcast_in_dim3A_100 : vector<16xf32>
      %convert_element_type3A_1018 = arith.fptosi %min3A_1017 : vector<16xf32> to vector<16xi32>
      %lt3A_1019 = arith.cmpf olt, %get3A_1015, %broadcast_in_dim3A_98 : vector<16xf32>
      %gt3A_1020 = arith.cmpf ogt, %get3A_1015, %broadcast_in_dim3A_98 : vector<16xf32>
      %select_n3A_1021 = arith.select %gt3A_1020, %broadcast_in_dim3A_104, %broadcast_in_dim3A_106 : vector<16xi1>, vector<16xi32>
      %select_n3A_1022 = arith.select %lt3A_1019, %broadcast_in_dim3A_102, %select_n3A_1021 : vector<16xi1>, vector<16xi32>
      %or3A_1023 = arith.ori %select_n3A_1022, %convert_element_type3A_1018 : vector<16xi32>
      %mul3A_1024 = arith.muli %or3A_1023, %add3A_122 : vector<16xi32>
      %xor3A_1025 = arith.xori %xor3A_1010, %mul3A_1024 : vector<16xi32>
      %swap3A_1026 = arith.constant 0 : i64
      %swap3A_1027 = arith.index_cast %swap3A_1026 : i64 to index
      %swap3A_1028 = arith.constant 0 : index
      %swap3A_1029 = tpu.vector_load %arg7[%swap3A_1027, %swap3A_1028] {strides = array<i32>} : memref<16x17xi32, #tpu.memory_space<vmem>>, vector<16xi32>,
      tpu.vector_store %arg7[%swap3A_1027, %swap3A_1028], %xor3A_1025 {strides = array<i32>} : memref<16x17xi32, #tpu.memory_space<vmem>>, vector<16xi32>,
      %add3A_1030 = arith.constant 0 : i32
      %add3A_1031 = arith.addi %mul3A_970, %add3A_1030 : i32
      %get3A_1032 = arith.constant 1 : i64
      %get3A_1033 = arith.index_cast %add3A_1031 : i32 to index
      %get3A_1034 = arith.index_cast %get3A_1032 : i64 to index
      %get3A_1035 = arith.constant 0 : index
      %get3A_1036 = tpu.vector_load %arg6[%get3A_1033, %get3A_1034, %get3A_1035] {strides = array<i32>} : memref<128x8x64xf32, #tpu.memory_space<vmem>>, vector<16xf32>,
      %abs3A_1037 = math.absf %get3A_1036 : vector<16xf32>
      %min3A_1038 = arith.minimumf %abs3A_1037, %broadcast_in_dim3A_100 : vector<16xf32>
      %convert_element_type3A_1039 = arith.fptosi %min3A_1038 : vector<16xf32> to vector<16xi32>
      %lt3A_1040 = arith.cmpf olt, %get3A_1036, %broadcast_in_dim3A_98 : vector<16xf32>
      %gt3A_1041 = arith.cmpf ogt, %get3A_1036, %broadcast_in_dim3A_98 : vector<16xf32>
      %select_n3A_1042 = arith.select %gt3A_1041, %broadcast_in_dim3A_104, %broadcast_in_dim3A_106 : vector<16xi1>, vector<16xi32>
      %select_n3A_1043 = arith.select %lt3A_1040, %broadcast_in_dim3A_102, %select_n3A_1042 : vector<16xi1>, vector<16xi32>
      %or3A_1044 = arith.ori %select_n3A_1043, %convert_element_type3A_1039 : vector<16xi32>
      %mul3A_1045 = arith.muli %or3A_1044, %add3A_113 : vector<16xi32>
      %get3A_1046 = arith.constant 1 : i64
      %get3A_1047 = arith.index_cast %add3A_1031 : i32 to index
      %get3A_1048 = arith.index_cast %get3A_1046 : i64 to index
      %get3A_1049 = arith.constant 16 : index
      %get3A_1050 = tpu.vector_load %arg6[%get3A_1047, %get3A_1048, %get3A_1049] {strides = array<i32>} : memref<128x8x64xf32, #tpu.memory_space<vmem>>, vector<16xf32>,
      %abs3A_1051 = math.absf %get3A_1050 : vector<16xf32>
      %min3A_1052 = arith.minimumf %abs3A_1051, %broadcast_in_dim3A_100 : vector<16xf32>
      %convert_element_type3A_1053 = arith.fptosi %min3A_1052 : vector<16xf32> to vector<16xi32>
      %lt3A_1054 = arith.cmpf olt, %get3A_1050, %broadcast_in_dim3A_98 : vector<16xf32>
      %gt3A_1055 = arith.cmpf ogt, %get3A_1050, %broadcast_in_dim3A_98 : vector<16xf32>
      %select_n3A_1056 = arith.select %gt3A_1055, %broadcast_in_dim3A_104, %broadcast_in_dim3A_106 : vector<16xi1>, vector<16xi32>
      %select_n3A_1057 = arith.select %lt3A_1054, %broadcast_in_dim3A_102, %select_n3A_1056 : vector<16xi1>, vector<16xi32>
      %or3A_1058 = arith.ori %select_n3A_1057, %convert_element_type3A_1053 : vector<16xi32>
      %mul3A_1059 = arith.muli %or3A_1058, %add3A_116 : vector<16xi32>
      %xor3A_1060 = arith.xori %mul3A_1045, %mul3A_1059 : vector<16xi32>
      %get3A_1061 = arith.constant 1 : i64
      %get3A_1062 = arith.index_cast %add3A_1031 : i32 to index
      %get3A_1063 = arith.index_cast %get3A_1061 : i64 to index
      %get3A_1064 = arith.constant 32 : index
      %get3A_1065 = tpu.vector_load %arg6[%get3A_1062, %get3A_1063, %get3A_1064] {strides = array<i32>} : memref<128x8x64xf32, #tpu.memory_space<vmem>>, vector<16xf32>,
      %abs3A_1066 = math.absf %get3A_1065 : vector<16xf32>
      %min3A_1067 = arith.minimumf %abs3A_1066, %broadcast_in_dim3A_100 : vector<16xf32>
      %convert_element_type3A_1068 = arith.fptosi %min3A_1067 : vector<16xf32> to vector<16xi32>
      %lt3A_1069 = arith.cmpf olt, %get3A_1065, %broadcast_in_dim3A_98 : vector<16xf32>
      %gt3A_1070 = arith.cmpf ogt, %get3A_1065, %broadcast_in_dim3A_98 : vector<16xf32>
      %select_n3A_1071 = arith.select %gt3A_1070, %broadcast_in_dim3A_104, %broadcast_in_dim3A_106 : vector<16xi1>, vector<16xi32>
      %select_n3A_1072 = arith.select %lt3A_1069, %broadcast_in_dim3A_102, %select_n3A_1071 : vector<16xi1>, vector<16xi32>
      %or3A_1073 = arith.ori %select_n3A_1072, %convert_element_type3A_1068 : vector<16xi32>
      %mul3A_1074 = arith.muli %or3A_1073, %add3A_119 : vector<16xi32>
      %xor3A_1075 = arith.xori %xor3A_1060, %mul3A_1074 : vector<16xi32>
      %get3A_1076 = arith.constant 1 : i64
      %get3A_1077 = arith.index_cast %add3A_1031 : i32 to index
      %get3A_1078 = arith.index_cast %get3A_1076 : i64 to index
      %get3A_1079 = arith.constant 48 : index
      %get3A_1080 = tpu.vector_load %arg6[%get3A_1077, %get3A_1078, %get3A_1079] {strides = array<i32>} : memref<128x8x64xf32, #tpu.memory_space<vmem>>, vector<16xf32>,
      %abs3A_1081 = math.absf %get3A_1080 : vector<16xf32>
      %min3A_1082 = arith.minimumf %abs3A_1081, %broadcast_in_dim3A_100 : vector<16xf32>
      %convert_element_type3A_1083 = arith.fptosi %min3A_1082 : vector<16xf32> to vector<16xi32>
      %lt3A_1084 = arith.cmpf olt, %get3A_1080, %broadcast_in_dim3A_98 : vector<16xf32>
      %gt3A_1085 = arith.cmpf ogt, %get3A_1080, %broadcast_in_dim3A_98 : vector<16xf32>
      %select_n3A_1086 = arith.select %gt3A_1085, %broadcast_in_dim3A_104, %broadcast_in_dim3A_106 : vector<16xi1>, vector<16xi32>
      %select_n3A_1087 = arith.select %lt3A_1084, %broadcast_in_dim3A_102, %select_n3A_1086 : vector<16xi1>, vector<16xi32>
      %or3A_1088 = arith.ori %select_n3A_1087, %convert_element_type3A_1083 : vector<16xi32>
      %mul3A_1089 = arith.muli %or3A_1088, %add3A_122 : vector<16xi32>
      %xor3A_1090 = arith.xori %xor3A_1075, %mul3A_1089 : vector<16xi32>
      %swap3A_1091 = arith.constant 1 : i64
      %swap3A_1092 = arith.index_cast %swap3A_1091 : i64 to index
      %swap3A_1093 = arith.constant 0 : index
      %swap3A_1094 = tpu.vector_load %arg7[%swap3A_1092, %swap3A_1093] {strides = array<i32>} : memref<16x17xi32, #tpu.memory_space<vmem>>, vector<16xi32>,
      tpu.vector_store %arg7[%swap3A_1092, %swap3A_1093], %xor3A_1090 {strides = array<i32>} : memref<16x17xi32, #tpu.memory_space<vmem>>, vector<16xi32>,
      %add3A_1095 = arith.constant 0 : i32
      %add3A_1096 = arith.addi %mul3A_970, %add3A_1095 : i32
      %get3A_1097 = arith.constant 2 : i64
      %get3A_1098 = arith.index_cast %add3A_1096 : i32 to index
      %get3A_1099 = arith.index_cast %get3A_1097 : i64 to index
      %get3A_1100 = arith.constant 0 : index
      %get3A_1101 = tpu.vector_load %arg6[%get3A_1098, %get3A_1099, %get3A_1100] {strides = array<i32>} : memref<128x8x64xf32, #tpu.memory_space<vmem>>, vector<16xf32>,
      %abs3A_1102 = math.absf %get3A_1101 : vector<16xf32>
      %min3A_1103 = arith.minimumf %abs3A_1102, %broadcast_in_dim3A_100 : vector<16xf32>
      %convert_element_type3A_1104 = arith.fptosi %min3A_1103 : vector<16xf32> to vector<16xi32>
      %lt3A_1105 = arith.cmpf olt, %get3A_1101, %broadcast_in_dim3A_98 : vector<16xf32>
      %gt3A_1106 = arith.cmpf ogt, %get3A_1101, %broadcast_in_dim3A_98 : vector<16xf32>
      %select_n3A_1107 = arith.select %gt3A_1106, %broadcast_in_dim3A_104, %broadcast_in_dim3A_106 : vector<16xi1>, vector<16xi32>
      %select_n3A_1108 = arith.select %lt3A_1105, %broadcast_in_dim3A_102, %select_n3A_1107 : vector<16xi1>, vector<16xi32>
      %or3A_1109 = arith.ori %select_n3A_1108, %convert_element_type3A_1104 : vector<16xi32>
      %mul3A_1110 = arith.muli %or3A_1109, %add3A_113 : vector<16xi32>
      %get3A_1111 = arith.constant 2 : i64
      %get3A_1112 = arith.index_cast %add3A_1096 : i32 to index
      %get3A_1113 = arith.index_cast %get3A_1111 : i64 to index
      %get3A_1114 = arith.constant 16 : index
      %get3A_1115 = tpu.vector_load %arg6[%get3A_1112, %get3A_1113, %get3A_1114] {strides = array<i32>} : memref<128x8x64xf32, #tpu.memory_space<vmem>>, vector<16xf32>,
      %abs3A_1116 = math.absf %get3A_1115 : vector<16xf32>
      %min3A_1117 = arith.minimumf %abs3A_1116, %broadcast_in_dim3A_100 : vector<16xf32>
      %convert_element_type3A_1118 = arith.fptosi %min3A_1117 : vector<16xf32> to vector<16xi32>
      %lt3A_1119 = arith.cmpf olt, %get3A_1115, %broadcast_in_dim3A_98 : vector<16xf32>
      %gt3A_1120 = arith.cmpf ogt, %get3A_1115, %broadcast_in_dim3A_98 : vector<16xf32>
      %select_n3A_1121 = arith.select %gt3A_1120, %broadcast_in_dim3A_104, %broadcast_in_dim3A_106 : vector<16xi1>, vector<16xi32>
      %select_n3A_1122 = arith.select %lt3A_1119, %broadcast_in_dim3A_102, %select_n3A_1121 : vector<16xi1>, vector<16xi32>
      %or3A_1123 = arith.ori %select_n3A_1122, %convert_element_type3A_1118 : vector<16xi32>
      %mul3A_1124 = arith.muli %or3A_1123, %add3A_116 : vector<16xi32>
      %xor3A_1125 = arith.xori %mul3A_1110, %mul3A_1124 : vector<16xi32>
      %get3A_1126 = arith.constant 2 : i64
      %get3A_1127 = arith.index_cast %add3A_1096 : i32 to index
      %get3A_1128 = arith.index_cast %get3A_1126 : i64 to index
      %get3A_1129 = arith.constant 32 : index
      %get3A_1130 = tpu.vector_load %arg6[%get3A_1127, %get3A_1128, %get3A_1129] {strides = array<i32>} : memref<128x8x64xf32, #tpu.memory_space<vmem>>, vector<16xf32>,
      %abs3A_1131 = math.absf %get3A_1130 : vector<16xf32>
      %min3A_1132 = arith.minimumf %abs3A_1131, %broadcast_in_dim3A_100 : vector<16xf32>
      %convert_element_type3A_1133 = arith.fptosi %min3A_1132 : vector<16xf32> to vector<16xi32>
      %lt3A_1134 = arith.cmpf olt, %get3A_1130, %broadcast_in_dim3A_98 : vector<16xf32>
      %gt3A_1135 = arith.cmpf ogt, %get3A_1130, %broadcast_in_dim3A_98 : vector<16xf32>
      %select_n3A_1136 = arith.select %gt3A_1135, %broadcast_in_dim3A_104, %broadcast_in_dim3A_106 : vector<16xi1>, vector<16xi32>
      %select_n3A_1137 = arith.select %lt3A_1134, %broadcast_in_dim3A_102, %select_n3A_1136 : vector<16xi1>, vector<16xi32>
      %or3A_1138 = arith.ori %select_n3A_1137, %convert_element_type3A_1133 : vector<16xi32>
      %mul3A_1139 = arith.muli %or3A_1138, %add3A_119 : vector<16xi32>
      %xor3A_1140 = arith.xori %xor3A_1125, %mul3A_1139 : vector<16xi32>
      %get3A_1141 = arith.constant 2 : i64
      %get3A_1142 = arith.index_cast %add3A_1096 : i32 to index
      %get3A_1143 = arith.index_cast %get3A_1141 : i64 to index
      %get3A_1144 = arith.constant 48 : index
      %get3A_1145 = tpu.vector_load %arg6[%get3A_1142, %get3A_1143, %get3A_1144] {strides = array<i32>} : memref<128x8x64xf32, #tpu.memory_space<vmem>>, vector<16xf32>,
      %abs3A_1146 = math.absf %get3A_1145 : vector<16xf32>
      %min3A_1147 = arith.minimumf %abs3A_1146, %broadcast_in_dim3A_100 : vector<16xf32>
      %convert_element_type3A_1148 = arith.fptosi %min3A_1147 : vector<16xf32> to vector<16xi32>
      %lt3A_1149 = arith.cmpf olt, %get3A_1145, %broadcast_in_dim3A_98 : vector<16xf32>
      %gt3A_1150 = arith.cmpf ogt, %get3A_1145, %broadcast_in_dim3A_98 : vector<16xf32>
      %select_n3A_1151 = arith.select %gt3A_1150, %broadcast_in_dim3A_104, %broadcast_in_dim3A_106 : vector<16xi1>, vector<16xi32>
      %select_n3A_1152 = arith.select %lt3A_1149, %broadcast_in_dim3A_102, %select_n3A_1151 : vector<16xi1>, vector<16xi32>
      %or3A_1153 = arith.ori %select_n3A_1152, %convert_element_type3A_1148 : vector<16xi32>
      %mul3A_1154 = arith.muli %or3A_1153, %add3A_122 : vector<16xi32>
      %xor3A_1155 = arith.xori %xor3A_1140, %mul3A_1154 : vector<16xi32>
      %swap3A_1156 = arith.constant 2 : i64
      %swap3A_1157 = arith.index_cast %swap3A_1156 : i64 to index
      %swap3A_1158 = arith.constant 0 : index
      %swap3A_1159 = tpu.vector_load %arg7[%swap3A_1157, %swap3A_1158] {strides = array<i32>} : memref<16x17xi32, #tpu.memory_space<vmem>>, vector<16xi32>,
      tpu.vector_store %arg7[%swap3A_1157, %swap3A_1158], %xor3A_1155 {strides = array<i32>} : memref<16x17xi32, #tpu.memory_space<vmem>>, vector<16xi32>,
      %add3A_1160 = arith.constant 0 : i32
      %add3A_1161 = arith.addi %mul3A_970, %add3A_1160 : i32
      %get3A_1162 = arith.constant 3 : i64
      %get3A_1163 = arith.index_cast %add3A_1161 : i32 to index
      %get3A_1164 = arith.index_cast %get3A_1162 : i64 to index
      %get3A_1165 = arith.constant 0 : index
      %get3A_1166 = tpu.vector_load %arg6[%get3A_1163, %get3A_1164, %get3A_1165] {strides = array<i32>} : memref<128x8x64xf32, #tpu.memory_space<vmem>>, vector<16xf32>,
      %abs3A_1167 = math.absf %get3A_1166 : vector<16xf32>
      %min3A_1168 = arith.minimumf %abs3A_1167, %broadcast_in_dim3A_100 : vector<16xf32>
      %convert_element_type3A_1169 = arith.fptosi %min3A_1168 : vector<16xf32> to vector<16xi32>
      %lt3A_1170 = arith.cmpf olt, %get3A_1166, %broadcast_in_dim3A_98 : vector<16xf32>
      %gt3A_1171 = arith.cmpf ogt, %get3A_1166, %broadcast_in_dim3A_98 : vector<16xf32>
      %select_n3A_1172 = arith.select %gt3A_1171, %broadcast_in_dim3A_104, %broadcast_in_dim3A_106 : vector<16xi1>, vector<16xi32>
      %select_n3A_1173 = arith.select %lt3A_1170, %broadcast_in_dim3A_102, %select_n3A_1172 : vector<16xi1>, vector<16xi32>
      %or3A_1174 = arith.ori %select_n3A_1173, %convert_element_type3A_1169 : vector<16xi32>
      %mul3A_1175 = arith.muli %or3A_1174, %add3A_113 : vector<16xi32>
      %get3A_1176 = arith.constant 3 : i64
      %get3A_1177 = arith.index_cast %add3A_1161 : i32 to index
      %get3A_1178 = arith.index_cast %get3A_1176 : i64 to index
      %get3A_1179 = arith.constant 16 : index
      %get3A_1180 = tpu.vector_load %arg6[%get3A_1177, %get3A_1178, %get3A_1179] {strides = array<i32>} : memref<128x8x64xf32, #tpu.memory_space<vmem>>, vector<16xf32>,
      %abs3A_1181 = math.absf %get3A_1180 : vector<16xf32>
      %min3A_1182 = arith.minimumf %abs3A_1181, %broadcast_in_dim3A_100 : vector<16xf32>
      %convert_element_type3A_1183 = arith.fptosi %min3A_1182 : vector<16xf32> to vector<16xi32>
      %lt3A_1184 = arith.cmpf olt, %get3A_1180, %broadcast_in_dim3A_98 : vector<16xf32>
      %gt3A_1185 = arith.cmpf ogt, %get3A_1180, %broadcast_in_dim3A_98 : vector<16xf32>
      %select_n3A_1186 = arith.select %gt3A_1185, %broadcast_in_dim3A_104, %broadcast_in_dim3A_106 : vector<16xi1>, vector<16xi32>
      %select_n3A_1187 = arith.select %lt3A_1184, %broadcast_in_dim3A_102, %select_n3A_1186 : vector<16xi1>, vector<16xi32>
      %or3A_1188 = arith.ori %select_n3A_1187, %convert_element_type3A_1183 : vector<16xi32>
      %mul3A_1189 = arith.muli %or3A_1188, %add3A_116 : vector<16xi32>
      %xor3A_1190 = arith.xori %mul3A_1175, %mul3A_1189 : vector<16xi32>
      %get3A_1191 = arith.constant 3 : i64
      %get3A_1192 = arith.index_cast %add3A_1161 : i32 to index
      %get3A_1193 = arith.index_cast %get3A_1191 : i64 to index
      %get3A_1194 = arith.constant 32 : index
      %get3A_1195 = tpu.vector_load %arg6[%get3A_1192, %get3A_1193, %get3A_1194] {strides = array<i32>} : memref<128x8x64xf32, #tpu.memory_space<vmem>>, vector<16xf32>,
      %abs3A_1196 = math.absf %get3A_1195 : vector<16xf32>
      %min3A_1197 = arith.minimumf %abs3A_1196, %broadcast_in_dim3A_100 : vector<16xf32>
      %convert_element_type3A_1198 = arith.fptosi %min3A_1197 : vector<16xf32> to vector<16xi32>
      %lt3A_1199 = arith.cmpf olt, %get3A_1195, %broadcast_in_dim3A_98 : vector<16xf32>
      %gt3A_1200 = arith.cmpf ogt, %get3A_1195, %broadcast_in_dim3A_98 : vector<16xf32>
      %select_n3A_1201 = arith.select %gt3A_1200, %broadcast_in_dim3A_104, %broadcast_in_dim3A_106 : vector<16xi1>, vector<16xi32>
      %select_n3A_1202 = arith.select %lt3A_1199, %broadcast_in_dim3A_102, %select_n3A_1201 : vector<16xi1>, vector<16xi32>
      %or3A_1203 = arith.ori %select_n3A_1202, %convert_element_type3A_1198 : vector<16xi32>
      %mul3A_1204 = arith.muli %or3A_1203, %add3A_119 : vector<16xi32>
      %xor3A_1205 = arith.xori %xor3A_1190, %mul3A_1204 : vector<16xi32>
      %get3A_1206 = arith.constant 3 : i64
      %get3A_1207 = arith.index_cast %add3A_1161 : i32 to index
      %get3A_1208 = arith.index_cast %get3A_1206 : i64 to index
      %get3A_1209 = arith.constant 48 : index
      %get3A_1210 = tpu.vector_load %arg6[%get3A_1207, %get3A_1208, %get3A_1209] {strides = array<i32>} : memref<128x8x64xf32, #tpu.memory_space<vmem>>, vector<16xf32>,
      %abs3A_1211 = math.absf %get3A_1210 : vector<16xf32>
      %min3A_1212 = arith.minimumf %abs3A_1211, %broadcast_in_dim3A_100 : vector<16xf32>
      %convert_element_type3A_1213 = arith.fptosi %min3A_1212 : vector<16xf32> to vector<16xi32>
      %lt3A_1214 = arith.cmpf olt, %get3A_1210, %broadcast_in_dim3A_98 : vector<16xf32>
      %gt3A_1215 = arith.cmpf ogt, %get3A_1210, %broadcast_in_dim3A_98 : vector<16xf32>
      %select_n3A_1216 = arith.select %gt3A_1215, %broadcast_in_dim3A_104, %broadcast_in_dim3A_106 : vector<16xi1>, vector<16xi32>
      %select_n3A_1217 = arith.select %lt3A_1214, %broadcast_in_dim3A_102, %select_n3A_1216 : vector<16xi1>, vector<16xi32>
      %or3A_1218 = arith.ori %select_n3A_1217, %convert_element_type3A_1213 : vector<16xi32>
      %mul3A_1219 = arith.muli %or3A_1218, %add3A_122 : vector<16xi32>
      %xor3A_1220 = arith.xori %xor3A_1205, %mul3A_1219 : vector<16xi32>
      %swap3A_1221 = arith.constant 3 : i64
      %swap3A_1222 = arith.index_cast %swap3A_1221 : i64 to index
      %swap3A_1223 = arith.constant 0 : index
      %swap3A_1224 = tpu.vector_load %arg7[%swap3A_1222, %swap3A_1223] {strides = array<i32>} : memref<16x17xi32, #tpu.memory_space<vmem>>, vector<16xi32>,
      tpu.vector_store %arg7[%swap3A_1222, %swap3A_1223], %xor3A_1220 {strides = array<i32>} : memref<16x17xi32, #tpu.memory_space<vmem>>, vector<16xi32>,
      %add3A_1225 = arith.constant 0 : i32
      %add3A_1226 = arith.addi %mul3A_970, %add3A_1225 : i32
      %get3A_1227 = arith.constant 4 : i64
      %get3A_1228 = arith.index_cast %add3A_1226 : i32 to index
      %get3A_1229 = arith.index_cast %get3A_1227 : i64 to index
      %get3A_1230 = arith.constant 0 : index
      %get3A_1231 = tpu.vector_load %arg6[%get3A_1228, %get3A_1229, %get3A_1230] {strides = array<i32>} : memref<128x8x64xf32, #tpu.memory_space<vmem>>, vector<16xf32>,
      %abs3A_1232 = math.absf %get3A_1231 : vector<16xf32>
      %min3A_1233 = arith.minimumf %abs3A_1232, %broadcast_in_dim3A_100 : vector<16xf32>
      %convert_element_type3A_1234 = arith.fptosi %min3A_1233 : vector<16xf32> to vector<16xi32>
      %lt3A_1235 = arith.cmpf olt, %get3A_1231, %broadcast_in_dim3A_98 : vector<16xf32>
      %gt3A_1236 = arith.cmpf ogt, %get3A_1231, %broadcast_in_dim3A_98 : vector<16xf32>
      %select_n3A_1237 = arith.select %gt3A_1236, %broadcast_in_dim3A_104, %broadcast_in_dim3A_106 : vector<16xi1>, vector<16xi32>
      %select_n3A_1238 = arith.select %lt3A_1235, %broadcast_in_dim3A_102, %select_n3A_1237 : vector<16xi1>, vector<16xi32>
      %or3A_1239 = arith.ori %select_n3A_1238, %convert_element_type3A_1234 : vector<16xi32>
      %mul3A_1240 = arith.muli %or3A_1239, %add3A_113 : vector<16xi32>
      %get3A_1241 = arith.constant 4 : i64
      %get3A_1242 = arith.index_cast %add3A_1226 : i32 to index
      %get3A_1243 = arith.index_cast %get3A_1241 : i64 to index
      %get3A_1244 = arith.constant 16 : index
      %get3A_1245 = tpu.vector_load %arg6[%get3A_1242, %get3A_1243, %get3A_1244] {strides = array<i32>} : memref<128x8x64xf32, #tpu.memory_space<vmem>>, vector<16xf32>,
      %abs3A_1246 = math.absf %get3A_1245 : vector<16xf32>
      %min3A_1247 = arith.minimumf %abs3A_1246, %broadcast_in_dim3A_100 : vector<16xf32>
      %convert_element_type3A_1248 = arith.fptosi %min3A_1247 : vector<16xf32> to vector<16xi32>
      %lt3A_1249 = arith.cmpf olt, %get3A_1245, %broadcast_in_dim3A_98 : vector<16xf32>
      %gt3A_1250 = arith.cmpf ogt, %get3A_1245, %broadcast_in_dim3A_98 : vector<16xf32>
      %select_n3A_1251 = arith.select %gt3A_1250, %broadcast_in_dim3A_104, %broadcast_in_dim3A_106 : vector<16xi1>, vector<16xi32>
      %select_n3A_1252 = arith.select %lt3A_1249, %broadcast_in_dim3A_102, %select_n3A_1251 : vector<16xi1>, vector<16xi32>
      %or3A_1253 = arith.ori %select_n3A_1252, %convert_element_type3A_1248 : vector<16xi32>
      %mul3A_1254 = arith.muli %or3A_1253, %add3A_116 : vector<16xi32>
      %xor3A_1255 = arith.xori %mul3A_1240, %mul3A_1254 : vector<16xi32>
      %get3A_1256 = arith.constant 4 : i64
      %get3A_1257 = arith.index_cast %add3A_1226 : i32 to index
      %get3A_1258 = arith.index_cast %get3A_1256 : i64 to index
      %get3A_1259 = arith.constant 32 : index
      %get3A_1260 = tpu.vector_load %arg6[%get3A_1257, %get3A_1258, %get3A_1259] {strides = array<i32>} : memref<128x8x64xf32, #tpu.memory_space<vmem>>, vector<16xf32>,
      %abs3A_1261 = math.absf %get3A_1260 : vector<16xf32>
      %min3A_1262 = arith.minimumf %abs3A_1261, %broadcast_in_dim3A_100 : vector<16xf32>
      %convert_element_type3A_1263 = arith.fptosi %min3A_1262 : vector<16xf32> to vector<16xi32>
      %lt3A_1264 = arith.cmpf olt, %get3A_1260, %broadcast_in_dim3A_98 : vector<16xf32>
      %gt3A_1265 = arith.cmpf ogt, %get3A_1260, %broadcast_in_dim3A_98 : vector<16xf32>
      %select_n3A_1266 = arith.select %gt3A_1265, %broadcast_in_dim3A_104, %broadcast_in_dim3A_106 : vector<16xi1>, vector<16xi32>
      %select_n3A_1267 = arith.select %lt3A_1264, %broadcast_in_dim3A_102, %select_n3A_1266 : vector<16xi1>, vector<16xi32>
      %or3A_1268 = arith.ori %select_n3A_1267, %convert_element_type3A_1263 : vector<16xi32>
      %mul3A_1269 = arith.muli %or3A_1268, %add3A_119 : vector<16xi32>
      %xor3A_1270 = arith.xori %xor3A_1255, %mul3A_1269 : vector<16xi32>
      %get3A_1271 = arith.constant 4 : i64
      %get3A_1272 = arith.index_cast %add3A_1226 : i32 to index
      %get3A_1273 = arith.index_cast %get3A_1271 : i64 to index
      %get3A_1274 = arith.constant 48 : index
      %get3A_1275 = tpu.vector_load %arg6[%get3A_1272, %get3A_1273, %get3A_1274] {strides = array<i32>} : memref<128x8x64xf32, #tpu.memory_space<vmem>>, vector<16xf32>,
      %abs3A_1276 = math.absf %get3A_1275 : vector<16xf32>
      %min3A_1277 = arith.minimumf %abs3A_1276, %broadcast_in_dim3A_100 : vector<16xf32>
      %convert_element_type3A_1278 = arith.fptosi %min3A_1277 : vector<16xf32> to vector<16xi32>
      %lt3A_1279 = arith.cmpf olt, %get3A_1275, %broadcast_in_dim3A_98 : vector<16xf32>
      %gt3A_1280 = arith.cmpf ogt, %get3A_1275, %broadcast_in_dim3A_98 : vector<16xf32>
      %select_n3A_1281 = arith.select %gt3A_1280, %broadcast_in_dim3A_104, %broadcast_in_dim3A_106 : vector<16xi1>, vector<16xi32>
      %select_n3A_1282 = arith.select %lt3A_1279, %broadcast_in_dim3A_102, %select_n3A_1281 : vector<16xi1>, vector<16xi32>
      %or3A_1283 = arith.ori %select_n3A_1282, %convert_element_type3A_1278 : vector<16xi32>
      %mul3A_1284 = arith.muli %or3A_1283, %add3A_122 : vector<16xi32>
      %xor3A_1285 = arith.xori %xor3A_1270, %mul3A_1284 : vector<16xi32>
      %swap3A_1286 = arith.constant 4 : i64
      %swap3A_1287 = arith.index_cast %swap3A_1286 : i64 to index
      %swap3A_1288 = arith.constant 0 : index
      %swap3A_1289 = tpu.vector_load %arg7[%swap3A_1287, %swap3A_1288] {strides = array<i32>} : memref<16x17xi32, #tpu.memory_space<vmem>>, vector<16xi32>,
      tpu.vector_store %arg7[%swap3A_1287, %swap3A_1288], %xor3A_1285 {strides = array<i32>} : memref<16x17xi32, #tpu.memory_space<vmem>>, vector<16xi32>,
      %add3A_1290 = arith.constant 0 : i32
      %add3A_1291 = arith.addi %mul3A_970, %add3A_1290 : i32
      %get3A_1292 = arith.constant 5 : i64
      %get3A_1293 = arith.index_cast %add3A_1291 : i32 to index
      %get3A_1294 = arith.index_cast %get3A_1292 : i64 to index
      %get3A_1295 = arith.constant 0 : index
      %get3A_1296 = tpu.vector_load %arg6[%get3A_1293, %get3A_1294, %get3A_1295] {strides = array<i32>} : memref<128x8x64xf32, #tpu.memory_space<vmem>>, vector<16xf32>,
      %abs3A_1297 = math.absf %get3A_1296 : vector<16xf32>
      %min3A_1298 = arith.minimumf %abs3A_1297, %broadcast_in_dim3A_100 : vector<16xf32>
      %convert_element_type3A_1299 = arith.fptosi %min3A_1298 : vector<16xf32> to vector<16xi32>
      %lt3A_1300 = arith.cmpf olt, %get3A_1296, %broadcast_in_dim3A_98 : vector<16xf32>
      %gt3A_1301 = arith.cmpf ogt, %get3A_1296, %broadcast_in_dim3A_98 : vector<16xf32>
      %select_n3A_1302 = arith.select %gt3A_1301, %broadcast_in_dim3A_104, %broadcast_in_dim3A_106 : vector<16xi1>, vector<16xi32>
      %select_n3A_1303 = arith.select %lt3A_1300, %broadcast_in_dim3A_102, %select_n3A_1302 : vector<16xi1>, vector<16xi32>
      %or3A_1304 = arith.ori %select_n3A_1303, %convert_element_type3A_1299 : vector<16xi32>
      %mul3A_1305 = arith.muli %or3A_1304, %add3A_113 : vector<16xi32>
      %get3A_1306 = arith.constant 5 : i64
      %get3A_1307 = arith.index_cast %add3A_1291 : i32 to index
      %get3A_1308 = arith.index_cast %get3A_1306 : i64 to index
      %get3A_1309 = arith.constant 16 : index
      %get3A_1310 = tpu.vector_load %arg6[%get3A_1307, %get3A_1308, %get3A_1309] {strides = array<i32>} : memref<128x8x64xf32, #tpu.memory_space<vmem>>, vector<16xf32>,
      %abs3A_1311 = math.absf %get3A_1310 : vector<16xf32>
      %min3A_1312 = arith.minimumf %abs3A_1311, %broadcast_in_dim3A_100 : vector<16xf32>
      %convert_element_type3A_1313 = arith.fptosi %min3A_1312 : vector<16xf32> to vector<16xi32>
      %lt3A_1314 = arith.cmpf olt, %get3A_1310, %broadcast_in_dim3A_98 : vector<16xf32>
      %gt3A_1315 = arith.cmpf ogt, %get3A_1310, %broadcast_in_dim3A_98 : vector<16xf32>
      %select_n3A_1316 = arith.select %gt3A_1315, %broadcast_in_dim3A_104, %broadcast_in_dim3A_106 : vector<16xi1>, vector<16xi32>
      %select_n3A_1317 = arith.select %lt3A_1314, %broadcast_in_dim3A_102, %select_n3A_1316 : vector<16xi1>, vector<16xi32>
      %or3A_1318 = arith.ori %select_n3A_1317, %convert_element_type3A_1313 : vector<16xi32>
      %mul3A_1319 = arith.muli %or3A_1318, %add3A_116 : vector<16xi32>
      %xor3A_1320 = arith.xori %mul3A_1305, %mul3A_1319 : vector<16xi32>
      %get3A_1321 = arith.constant 5 : i64
      %get3A_1322 = arith.index_cast %add3A_1291 : i32 to index
      %get3A_1323 = arith.index_cast %get3A_1321 : i64 to index
      %get3A_1324 = arith.constant 32 : index
      %get3A_1325 = tpu.vector_load %arg6[%get3A_1322, %get3A_1323, %get3A_1324] {strides = array<i32>} : memref<128x8x64xf32, #tpu.memory_space<vmem>>, vector<16xf32>,
      %abs3A_1326 = math.absf %get3A_1325 : vector<16xf32>
      %min3A_1327 = arith.minimumf %abs3A_1326, %broadcast_in_dim3A_100 : vector<16xf32>
      %convert_element_type3A_1328 = arith.fptosi %min3A_1327 : vector<16xf32> to vector<16xi32>
      %lt3A_1329 = arith.cmpf olt, %get3A_1325, %broadcast_in_dim3A_98 : vector<16xf32>
      %gt3A_1330 = arith.cmpf ogt, %get3A_1325, %broadcast_in_dim3A_98 : vector<16xf32>
      %select_n3A_1331 = arith.select %gt3A_1330, %broadcast_in_dim3A_104, %broadcast_in_dim3A_106 : vector<16xi1>, vector<16xi32>
      %select_n3A_1332 = arith.select %lt3A_1329, %broadcast_in_dim3A_102, %select_n3A_1331 : vector<16xi1>, vector<16xi32>
      %or3A_1333 = arith.ori %select_n3A_1332, %convert_element_type3A_1328 : vector<16xi32>
      %mul3A_1334 = arith.muli %or3A_1333, %add3A_119 : vector<16xi32>
      %xor3A_1335 = arith.xori %xor3A_1320, %mul3A_1334 : vector<16xi32>
      %get3A_1336 = arith.constant 5 : i64
      %get3A_1337 = arith.index_cast %add3A_1291 : i32 to index
      %get3A_1338 = arith.index_cast %get3A_1336 : i64 to index
      %get3A_1339 = arith.constant 48 : index
      %get3A_1340 = tpu.vector_load %arg6[%get3A_1337, %get3A_1338, %get3A_1339] {strides = array<i32>} : memref<128x8x64xf32, #tpu.memory_space<vmem>>, vector<16xf32>,
      %abs3A_1341 = math.absf %get3A_1340 : vector<16xf32>
      %min3A_1342 = arith.minimumf %abs3A_1341, %broadcast_in_dim3A_100 : vector<16xf32>
      %convert_element_type3A_1343 = arith.fptosi %min3A_1342 : vector<16xf32> to vector<16xi32>
      %lt3A_1344 = arith.cmpf olt, %get3A_1340, %broadcast_in_dim3A_98 : vector<16xf32>
      %gt3A_1345 = arith.cmpf ogt, %get3A_1340, %broadcast_in_dim3A_98 : vector<16xf32>
      %select_n3A_1346 = arith.select %gt3A_1345, %broadcast_in_dim3A_104, %broadcast_in_dim3A_106 : vector<16xi1>, vector<16xi32>
      %select_n3A_1347 = arith.select %lt3A_1344, %broadcast_in_dim3A_102, %select_n3A_1346 : vector<16xi1>, vector<16xi32>
      %or3A_1348 = arith.ori %select_n3A_1347, %convert_element_type3A_1343 : vector<16xi32>
      %mul3A_1349 = arith.muli %or3A_1348, %add3A_122 : vector<16xi32>
      %xor3A_1350 = arith.xori %xor3A_1335, %mul3A_1349 : vector<16xi32>
      %swap3A_1351 = arith.constant 5 : i64
      %swap3A_1352 = arith.index_cast %swap3A_1351 : i64 to index
      %swap3A_1353 = arith.constant 0 : index
      %swap3A_1354 = tpu.vector_load %arg7[%swap3A_1352, %swap3A_1353] {strides = array<i32>} : memref<16x17xi32, #tpu.memory_space<vmem>>, vector<16xi32>,
      tpu.vector_store %arg7[%swap3A_1352, %swap3A_1353], %xor3A_1350 {strides = array<i32>} : memref<16x17xi32, #tpu.memory_space<vmem>>, vector<16xi32>,
      %add3A_1355 = arith.constant 0 : i32
      %add3A_1356 = arith.addi %mul3A_970, %add3A_1355 : i32
      %get3A_1357 = arith.constant 6 : i64
      %get3A_1358 = arith.index_cast %add3A_1356 : i32 to index
      %get3A_1359 = arith.index_cast %get3A_1357 : i64 to index
      %get3A_1360 = arith.constant 0 : index
      %get3A_1361 = tpu.vector_load %arg6[%get3A_1358, %get3A_1359, %get3A_1360] {strides = array<i32>} : memref<128x8x64xf32, #tpu.memory_space<vmem>>, vector<16xf32>,
      %abs3A_1362 = math.absf %get3A_1361 : vector<16xf32>
      %min3A_1363 = arith.minimumf %abs3A_1362, %broadcast_in_dim3A_100 : vector<16xf32>
      %convert_element_type3A_1364 = arith.fptosi %min3A_1363 : vector<16xf32> to vector<16xi32>
      %lt3A_1365 = arith.cmpf olt, %get3A_1361, %broadcast_in_dim3A_98 : vector<16xf32>
      %gt3A_1366 = arith.cmpf ogt, %get3A_1361, %broadcast_in_dim3A_98 : vector<16xf32>
      %select_n3A_1367 = arith.select %gt3A_1366, %broadcast_in_dim3A_104, %broadcast_in_dim3A_106 : vector<16xi1>, vector<16xi32>
      %select_n3A_1368 = arith.select %lt3A_1365, %broadcast_in_dim3A_102, %select_n3A_1367 : vector<16xi1>, vector<16xi32>
      %or3A_1369 = arith.ori %select_n3A_1368, %convert_element_type3A_1364 : vector<16xi32>
      %mul3A_1370 = arith.muli %or3A_1369, %add3A_113 : vector<16xi32>
      %get3A_1371 = arith.constant 6 : i64
      %get3A_1372 = arith.index_cast %add3A_1356 : i32 to index
      %get3A_1373 = arith.index_cast %get3A_1371 : i64 to index
      %get3A_1374 = arith.constant 16 : index
      %get3A_1375 = tpu.vector_load %arg6[%get3A_1372, %get3A_1373, %get3A_1374] {strides = array<i32>} : memref<128x8x64xf32, #tpu.memory_space<vmem>>, vector<16xf32>,
      %abs3A_1376 = math.absf %get3A_1375 : vector<16xf32>
      %min3A_1377 = arith.minimumf %abs3A_1376, %broadcast_in_dim3A_100 : vector<16xf32>
      %convert_element_type3A_1378 = arith.fptosi %min3A_1377 : vector<16xf32> to vector<16xi32>
      %lt3A_1379 = arith.cmpf olt, %get3A_1375, %broadcast_in_dim3A_98 : vector<16xf32>
      %gt3A_1380 = arith.cmpf ogt, %get3A_1375, %broadcast_in_dim3A_98 : vector<16xf32>
      %select_n3A_1381 = arith.select %gt3A_1380, %broadcast_in_dim3A_104, %broadcast_in_dim3A_106 : vector<16xi1>, vector<16xi32>
      %select_n3A_1382 = arith.select %lt3A_1379, %broadcast_in_dim3A_102, %select_n3A_1381 : vector<16xi1>, vector<16xi32>
      %or3A_1383 = arith.ori %select_n3A_1382, %convert_element_type3A_1378 : vector<16xi32>
      %mul3A_1384 = arith.muli %or3A_1383, %add3A_116 : vector<16xi32>
      %xor3A_1385 = arith.xori %mul3A_1370, %mul3A_1384 : vector<16xi32>
      %get3A_1386 = arith.constant 6 : i64
      %get3A_1387 = arith.index_cast %add3A_1356 : i32 to index
      %get3A_1388 = arith.index_cast %get3A_1386 : i64 to index
      %get3A_1389 = arith.constant 32 : index
      %get3A_1390 = tpu.vector_load %arg6[%get3A_1387, %get3A_1388, %get3A_1389] {strides = array<i32>} : memref<128x8x64xf32, #tpu.memory_space<vmem>>, vector<16xf32>,
      %abs3A_1391 = math.absf %get3A_1390 : vector<16xf32>
      %min3A_1392 = arith.minimumf %abs3A_1391, %broadcast_in_dim3A_100 : vector<16xf32>
      %convert_element_type3A_1393 = arith.fptosi %min3A_1392 : vector<16xf32> to vector<16xi32>
      %lt3A_1394 = arith.cmpf olt, %get3A_1390, %broadcast_in_dim3A_98 : vector<16xf32>
      %gt3A_1395 = arith.cmpf ogt, %get3A_1390, %broadcast_in_dim3A_98 : vector<16xf32>
      %select_n3A_1396 = arith.select %gt3A_1395, %broadcast_in_dim3A_104, %broadcast_in_dim3A_106 : vector<16xi1>, vector<16xi32>
      %select_n3A_1397 = arith.select %lt3A_1394, %broadcast_in_dim3A_102, %select_n3A_1396 : vector<16xi1>, vector<16xi32>
      %or3A_1398 = arith.ori %select_n3A_1397, %convert_element_type3A_1393 : vector<16xi32>
      %mul3A_1399 = arith.muli %or3A_1398, %add3A_119 : vector<16xi32>
      %xor3A_1400 = arith.xori %xor3A_1385, %mul3A_1399 : vector<16xi32>
      %get3A_1401 = arith.constant 6 : i64
      %get3A_1402 = arith.index_cast %add3A_1356 : i32 to index
      %get3A_1403 = arith.index_cast %get3A_1401 : i64 to index
      %get3A_1404 = arith.constant 48 : index
      %get3A_1405 = tpu.vector_load %arg6[%get3A_1402, %get3A_1403, %get3A_1404] {strides = array<i32>} : memref<128x8x64xf32, #tpu.memory_space<vmem>>, vector<16xf32>,
      %abs3A_1406 = math.absf %get3A_1405 : vector<16xf32>
      %min3A_1407 = arith.minimumf %abs3A_1406, %broadcast_in_dim3A_100 : vector<16xf32>
      %convert_element_type3A_1408 = arith.fptosi %min3A_1407 : vector<16xf32> to vector<16xi32>
      %lt3A_1409 = arith.cmpf olt, %get3A_1405, %broadcast_in_dim3A_98 : vector<16xf32>
      %gt3A_1410 = arith.cmpf ogt, %get3A_1405, %broadcast_in_dim3A_98 : vector<16xf32>
      %select_n3A_1411 = arith.select %gt3A_1410, %broadcast_in_dim3A_104, %broadcast_in_dim3A_106 : vector<16xi1>, vector<16xi32>
      %select_n3A_1412 = arith.select %lt3A_1409, %broadcast_in_dim3A_102, %select_n3A_1411 : vector<16xi1>, vector<16xi32>
      %or3A_1413 = arith.ori %select_n3A_1412, %convert_element_type3A_1408 : vector<16xi32>
      %mul3A_1414 = arith.muli %or3A_1413, %add3A_122 : vector<16xi32>
      %xor3A_1415 = arith.xori %xor3A_1400, %mul3A_1414 : vector<16xi32>
      %swap3A_1416 = arith.constant 6 : i64
      %swap3A_1417 = arith.index_cast %swap3A_1416 : i64 to index
      %swap3A_1418 = arith.constant 0 : index
      %swap3A_1419 = tpu.vector_load %arg7[%swap3A_1417, %swap3A_1418] {strides = array<i32>} : memref<16x17xi32, #tpu.memory_space<vmem>>, vector<16xi32>,
      tpu.vector_store %arg7[%swap3A_1417, %swap3A_1418], %xor3A_1415 {strides = array<i32>} : memref<16x17xi32, #tpu.memory_space<vmem>>, vector<16xi32>,
      %add3A_1420 = arith.constant 0 : i32
      %add3A_1421 = arith.addi %mul3A_970, %add3A_1420 : i32
      %get3A_1422 = arith.constant 7 : i64
      %get3A_1423 = arith.index_cast %add3A_1421 : i32 to index
      %get3A_1424 = arith.index_cast %get3A_1422 : i64 to index
      %get3A_1425 = arith.constant 0 : index
      %get3A_1426 = tpu.vector_load %arg6[%get3A_1423, %get3A_1424, %get3A_1425] {strides = array<i32>} : memref<128x8x64xf32, #tpu.memory_space<vmem>>, vector<16xf32>,
      %abs3A_1427 = math.absf %get3A_1426 : vector<16xf32>
      %min3A_1428 = arith.minimumf %abs3A_1427, %broadcast_in_dim3A_100 : vector<16xf32>
      %convert_element_type3A_1429 = arith.fptosi %min3A_1428 : vector<16xf32> to vector<16xi32>
      %lt3A_1430 = arith.cmpf olt, %get3A_1426, %broadcast_in_dim3A_98 : vector<16xf32>
      %gt3A_1431 = arith.cmpf ogt, %get3A_1426, %broadcast_in_dim3A_98 : vector<16xf32>
      %select_n3A_1432 = arith.select %gt3A_1431, %broadcast_in_dim3A_104, %broadcast_in_dim3A_106 : vector<16xi1>, vector<16xi32>
      %select_n3A_1433 = arith.select %lt3A_1430, %broadcast_in_dim3A_102, %select_n3A_1432 : vector<16xi1>, vector<16xi32>
      %or3A_1434 = arith.ori %select_n3A_1433, %convert_element_type3A_1429 : vector<16xi32>
      %mul3A_1435 = arith.muli %or3A_1434, %add3A_113 : vector<16xi32>
      %get3A_1436 = arith.constant 7 : i64
      %get3A_1437 = arith.index_cast %add3A_1421 : i32 to index
      %get3A_1438 = arith.index_cast %get3A_1436 : i64 to index
      %get3A_1439 = arith.constant 16 : index
      %get3A_1440 = tpu.vector_load %arg6[%get3A_1437, %get3A_1438, %get3A_1439] {strides = array<i32>} : memref<128x8x64xf32, #tpu.memory_space<vmem>>, vector<16xf32>,
      %abs3A_1441 = math.absf %get3A_1440 : vector<16xf32>
      %min3A_1442 = arith.minimumf %abs3A_1441, %broadcast_in_dim3A_100 : vector<16xf32>
      %convert_element_type3A_1443 = arith.fptosi %min3A_1442 : vector<16xf32> to vector<16xi32>
      %lt3A_1444 = arith.cmpf olt, %get3A_1440, %broadcast_in_dim3A_98 : vector<16xf32>
      %gt3A_1445 = arith.cmpf ogt, %get3A_1440, %broadcast_in_dim3A_98 : vector<16xf32>
      %select_n3A_1446 = arith.select %gt3A_1445, %broadcast_in_dim3A_104, %broadcast_in_dim3A_106 : vector<16xi1>, vector<16xi32>
      %select_n3A_1447 = arith.select %lt3A_1444, %broadcast_in_dim3A_102, %select_n3A_1446 : vector<16xi1>, vector<16xi32>
      %or3A_1448 = arith.ori %select_n3A_1447, %convert_element_type3A_1443 : vector<16xi32>
      %mul3A_1449 = arith.muli %or3A_1448, %add3A_116 : vector<16xi32>
      %xor3A_1450 = arith.xori %mul3A_1435, %mul3A_1449 : vector<16xi32>
      %get3A_1451 = arith.constant 7 : i64
      %get3A_1452 = arith.index_cast %add3A_1421 : i32 to index
      %get3A_1453 = arith.index_cast %get3A_1451 : i64 to index
      %get3A_1454 = arith.constant 32 : index
      %get3A_1455 = tpu.vector_load %arg6[%get3A_1452, %get3A_1453, %get3A_1454] {strides = array<i32>} : memref<128x8x64xf32, #tpu.memory_space<vmem>>, vector<16xf32>,
      %abs3A_1456 = math.absf %get3A_1455 : vector<16xf32>
      %min3A_1457 = arith.minimumf %abs3A_1456, %broadcast_in_dim3A_100 : vector<16xf32>
      %convert_element_type3A_1458 = arith.fptosi %min3A_1457 : vector<16xf32> to vector<16xi32>
      %lt3A_1459 = arith.cmpf olt, %get3A_1455, %broadcast_in_dim3A_98 : vector<16xf32>
      %gt3A_1460 = arith.cmpf ogt, %get3A_1455, %broadcast_in_dim3A_98 : vector<16xf32>
      %select_n3A_1461 = arith.select %gt3A_1460, %broadcast_in_dim3A_104, %broadcast_in_dim3A_106 : vector<16xi1>, vector<16xi32>
      %select_n3A_1462 = arith.select %lt3A_1459, %broadcast_in_dim3A_102, %select_n3A_1461 : vector<16xi1>, vector<16xi32>
      %or3A_1463 = arith.ori %select_n3A_1462, %convert_element_type3A_1458 : vector<16xi32>
      %mul3A_1464 = arith.muli %or3A_1463, %add3A_119 : vector<16xi32>
      %xor3A_1465 = arith.xori %xor3A_1450, %mul3A_1464 : vector<16xi32>
      %get3A_1466 = arith.constant 7 : i64
      %get3A_1467 = arith.index_cast %add3A_1421 : i32 to index
      %get3A_1468 = arith.index_cast %get3A_1466 : i64 to index
      %get3A_1469 = arith.constant 48 : index
      %get3A_1470 = tpu.vector_load %arg6[%get3A_1467, %get3A_1468, %get3A_1469] {strides = array<i32>} : memref<128x8x64xf32, #tpu.memory_space<vmem>>, vector<16xf32>,
      %abs3A_1471 = math.absf %get3A_1470 : vector<16xf32>
      %min3A_1472 = arith.minimumf %abs3A_1471, %broadcast_in_dim3A_100 : vector<16xf32>
      %convert_element_type3A_1473 = arith.fptosi %min3A_1472 : vector<16xf32> to vector<16xi32>
      %lt3A_1474 = arith.cmpf olt, %get3A_1470, %broadcast_in_dim3A_98 : vector<16xf32>
      %gt3A_1475 = arith.cmpf ogt, %get3A_1470, %broadcast_in_dim3A_98 : vector<16xf32>
      %select_n3A_1476 = arith.select %gt3A_1475, %broadcast_in_dim3A_104, %broadcast_in_dim3A_106 : vector<16xi1>, vector<16xi32>
      %select_n3A_1477 = arith.select %lt3A_1474, %broadcast_in_dim3A_102, %select_n3A_1476 : vector<16xi1>, vector<16xi32>
      %or3A_1478 = arith.ori %select_n3A_1477, %convert_element_type3A_1473 : vector<16xi32>
      %mul3A_1479 = arith.muli %or3A_1478, %add3A_122 : vector<16xi32>
      %xor3A_1480 = arith.xori %xor3A_1465, %mul3A_1479 : vector<16xi32>
      %swap3A_1481 = arith.constant 7 : i64
      %swap3A_1482 = arith.index_cast %swap3A_1481 : i64 to index
      %swap3A_1483 = arith.constant 0 : index
      %swap3A_1484 = tpu.vector_load %arg7[%swap3A_1482, %swap3A_1483] {strides = array<i32>} : memref<16x17xi32, #tpu.memory_space<vmem>>, vector<16xi32>,
      tpu.vector_store %arg7[%swap3A_1482, %swap3A_1483], %xor3A_1480 {strides = array<i32>} : memref<16x17xi32, #tpu.memory_space<vmem>>, vector<16xi32>,
      %add3A_1485 = arith.constant 1 : i32
      %add3A_1486 = arith.addi %mul3A_970, %add3A_1485 : i32
      %get3A_1487 = arith.constant 0 : i64
      %get3A_1488 = arith.index_cast %add3A_1486 : i32 to index
      %get3A_1489 = arith.index_cast %get3A_1487 : i64 to index
      %get3A_1490 = arith.constant 0 : index
      %get3A_1491 = tpu.vector_load %arg6[%get3A_1488, %get3A_1489, %get3A_1490] {strides = array<i32>} : memref<128x8x64xf32, #tpu.memory_space<vmem>>, vector<16xf32>,
      %abs3A_1492 = math.absf %get3A_1491 : vector<16xf32>
      %min3A_1493 = arith.minimumf %abs3A_1492, %broadcast_in_dim3A_100 : vector<16xf32>
      %convert_element_type3A_1494 = arith.fptosi %min3A_1493 : vector<16xf32> to vector<16xi32>
      %lt3A_1495 = arith.cmpf olt, %get3A_1491, %broadcast_in_dim3A_98 : vector<16xf32>
      %gt3A_1496 = arith.cmpf ogt, %get3A_1491, %broadcast_in_dim3A_98 : vector<16xf32>
      %select_n3A_1497 = arith.select %gt3A_1496, %broadcast_in_dim3A_104, %broadcast_in_dim3A_106 : vector<16xi1>, vector<16xi32>
      %select_n3A_1498 = arith.select %lt3A_1495, %broadcast_in_dim3A_102, %select_n3A_1497 : vector<16xi1>, vector<16xi32>
      %or3A_1499 = arith.ori %select_n3A_1498, %convert_element_type3A_1494 : vector<16xi32>
      %mul3A_1500 = arith.muli %or3A_1499, %add3A_113 : vector<16xi32>
      %get3A_1501 = arith.constant 0 : i64
      %get3A_1502 = arith.index_cast %add3A_1486 : i32 to index
      %get3A_1503 = arith.index_cast %get3A_1501 : i64 to index
      %get3A_1504 = arith.constant 16 : index
      %get3A_1505 = tpu.vector_load %arg6[%get3A_1502, %get3A_1503, %get3A_1504] {strides = array<i32>} : memref<128x8x64xf32, #tpu.memory_space<vmem>>, vector<16xf32>,
      %abs3A_1506 = math.absf %get3A_1505 : vector<16xf32>
      %min3A_1507 = arith.minimumf %abs3A_1506, %broadcast_in_dim3A_100 : vector<16xf32>
      %convert_element_type3A_1508 = arith.fptosi %min3A_1507 : vector<16xf32> to vector<16xi32>
      %lt3A_1509 = arith.cmpf olt, %get3A_1505, %broadcast_in_dim3A_98 : vector<16xf32>
      %gt3A_1510 = arith.cmpf ogt, %get3A_1505, %broadcast_in_dim3A_98 : vector<16xf32>
      %select_n3A_1511 = arith.select %gt3A_1510, %broadcast_in_dim3A_104, %broadcast_in_dim3A_106 : vector<16xi1>, vector<16xi32>
      %select_n3A_1512 = arith.select %lt3A_1509, %broadcast_in_dim3A_102, %select_n3A_1511 : vector<16xi1>, vector<16xi32>
      %or3A_1513 = arith.ori %select_n3A_1512, %convert_element_type3A_1508 : vector<16xi32>
      %mul3A_1514 = arith.muli %or3A_1513, %add3A_116 : vector<16xi32>
      %xor3A_1515 = arith.xori %mul3A_1500, %mul3A_1514 : vector<16xi32>
      %get3A_1516 = arith.constant 0 : i64
      %get3A_1517 = arith.index_cast %add3A_1486 : i32 to index
      %get3A_1518 = arith.index_cast %get3A_1516 : i64 to index
      %get3A_1519 = arith.constant 32 : index
      %get3A_1520 = tpu.vector_load %arg6[%get3A_1517, %get3A_1518, %get3A_1519] {strides = array<i32>} : memref<128x8x64xf32, #tpu.memory_space<vmem>>, vector<16xf32>,
      %abs3A_1521 = math.absf %get3A_1520 : vector<16xf32>
      %min3A_1522 = arith.minimumf %abs3A_1521, %broadcast_in_dim3A_100 : vector<16xf32>
      %convert_element_type3A_1523 = arith.fptosi %min3A_1522 : vector<16xf32> to vector<16xi32>
      %lt3A_1524 = arith.cmpf olt, %get3A_1520, %broadcast_in_dim3A_98 : vector<16xf32>
      %gt3A_1525 = arith.cmpf ogt, %get3A_1520, %broadcast_in_dim3A_98 : vector<16xf32>
      %select_n3A_1526 = arith.select %gt3A_1525, %broadcast_in_dim3A_104, %broadcast_in_dim3A_106 : vector<16xi1>, vector<16xi32>
      %select_n3A_1527 = arith.select %lt3A_1524, %broadcast_in_dim3A_102, %select_n3A_1526 : vector<16xi1>, vector<16xi32>
      %or3A_1528 = arith.ori %select_n3A_1527, %convert_element_type3A_1523 : vector<16xi32>
      %mul3A_1529 = arith.muli %or3A_1528, %add3A_119 : vector<16xi32>
      %xor3A_1530 = arith.xori %xor3A_1515, %mul3A_1529 : vector<16xi32>
      %get3A_1531 = arith.constant 0 : i64
      %get3A_1532 = arith.index_cast %add3A_1486 : i32 to index
      %get3A_1533 = arith.index_cast %get3A_1531 : i64 to index
      %get3A_1534 = arith.constant 48 : index
      %get3A_1535 = tpu.vector_load %arg6[%get3A_1532, %get3A_1533, %get3A_1534] {strides = array<i32>} : memref<128x8x64xf32, #tpu.memory_space<vmem>>, vector<16xf32>,
      %abs3A_1536 = math.absf %get3A_1535 : vector<16xf32>
      %min3A_1537 = arith.minimumf %abs3A_1536, %broadcast_in_dim3A_100 : vector<16xf32>
      %convert_element_type3A_1538 = arith.fptosi %min3A_1537 : vector<16xf32> to vector<16xi32>
      %lt3A_1539 = arith.cmpf olt, %get3A_1535, %broadcast_in_dim3A_98 : vector<16xf32>
      %gt3A_1540 = arith.cmpf ogt, %get3A_1535, %broadcast_in_dim3A_98 : vector<16xf32>
      %select_n3A_1541 = arith.select %gt3A_1540, %broadcast_in_dim3A_104, %broadcast_in_dim3A_106 : vector<16xi1>, vector<16xi32>
      %select_n3A_1542 = arith.select %lt3A_1539, %broadcast_in_dim3A_102, %select_n3A_1541 : vector<16xi1>, vector<16xi32>
      %or3A_1543 = arith.ori %select_n3A_1542, %convert_element_type3A_1538 : vector<16xi32>
      %mul3A_1544 = arith.muli %or3A_1543, %add3A_122 : vector<16xi32>
      %xor3A_1545 = arith.xori %xor3A_1530, %mul3A_1544 : vector<16xi32>
      %swap3A_1546 = arith.constant 8 : i64
      %swap3A_1547 = arith.index_cast %swap3A_1546 : i64 to index
      %swap3A_1548 = arith.constant 0 : index
      %swap3A_1549 = tpu.vector_load %arg7[%swap3A_1547, %swap3A_1548] {strides = array<i32>} : memref<16x17xi32, #tpu.memory_space<vmem>>, vector<16xi32>,
      tpu.vector_store %arg7[%swap3A_1547, %swap3A_1548], %xor3A_1545 {strides = array<i32>} : memref<16x17xi32, #tpu.memory_space<vmem>>, vector<16xi32>,
      %add3A_1550 = arith.constant 1 : i32
      %add3A_1551 = arith.addi %mul3A_970, %add3A_1550 : i32
      %get3A_1552 = arith.constant 1 : i64
      %get3A_1553 = arith.index_cast %add3A_1551 : i32 to index
      %get3A_1554 = arith.index_cast %get3A_1552 : i64 to index
      %get3A_1555 = arith.constant 0 : index
      %get3A_1556 = tpu.vector_load %arg6[%get3A_1553, %get3A_1554, %get3A_1555] {strides = array<i32>} : memref<128x8x64xf32, #tpu.memory_space<vmem>>, vector<16xf32>,
      %abs3A_1557 = math.absf %get3A_1556 : vector<16xf32>
      %min3A_1558 = arith.minimumf %abs3A_1557, %broadcast_in_dim3A_100 : vector<16xf32>
      %convert_element_type3A_1559 = arith.fptosi %min3A_1558 : vector<16xf32> to vector<16xi32>
      %lt3A_1560 = arith.cmpf olt, %get3A_1556, %broadcast_in_dim3A_98 : vector<16xf32>
      %gt3A_1561 = arith.cmpf ogt, %get3A_1556, %broadcast_in_dim3A_98 : vector<16xf32>
      %select_n3A_1562 = arith.select %gt3A_1561, %broadcast_in_dim3A_104, %broadcast_in_dim3A_106 : vector<16xi1>, vector<16xi32>
      %select_n3A_1563 = arith.select %lt3A_1560, %broadcast_in_dim3A_102, %select_n3A_1562 : vector<16xi1>, vector<16xi32>
      %or3A_1564 = arith.ori %select_n3A_1563, %convert_element_type3A_1559 : vector<16xi32>
      %mul3A_1565 = arith.muli %or3A_1564, %add3A_113 : vector<16xi32>
      %get3A_1566 = arith.constant 1 : i64
      %get3A_1567 = arith.index_cast %add3A_1551 : i32 to index
      %get3A_1568 = arith.index_cast %get3A_1566 : i64 to index
      %get3A_1569 = arith.constant 16 : index
      %get3A_1570 = tpu.vector_load %arg6[%get3A_1567, %get3A_1568, %get3A_1569] {strides = array<i32>} : memref<128x8x64xf32, #tpu.memory_space<vmem>>, vector<16xf32>,
      %abs3A_1571 = math.absf %get3A_1570 : vector<16xf32>
      %min3A_1572 = arith.minimumf %abs3A_1571, %broadcast_in_dim3A_100 : vector<16xf32>
      %convert_element_type3A_1573 = arith.fptosi %min3A_1572 : vector<16xf32> to vector<16xi32>
      %lt3A_1574 = arith.cmpf olt, %get3A_1570, %broadcast_in_dim3A_98 : vector<16xf32>
      %gt3A_1575 = arith.cmpf ogt, %get3A_1570, %broadcast_in_dim3A_98 : vector<16xf32>
      %select_n3A_1576 = arith.select %gt3A_1575, %broadcast_in_dim3A_104, %broadcast_in_dim3A_106 : vector<16xi1>, vector<16xi32>
      %select_n3A_1577 = arith.select %lt3A_1574, %broadcast_in_dim3A_102, %select_n3A_1576 : vector<16xi1>, vector<16xi32>
      %or3A_1578 = arith.ori %select_n3A_1577, %convert_element_type3A_1573 : vector<16xi32>
      %mul3A_1579 = arith.muli %or3A_1578, %add3A_116 : vector<16xi32>
      %xor3A_1580 = arith.xori %mul3A_1565, %mul3A_1579 : vector<16xi32>
      %get3A_1581 = arith.constant 1 : i64
      %get3A_1582 = arith.index_cast %add3A_1551 : i32 to index
      %get3A_1583 = arith.index_cast %get3A_1581 : i64 to index
      %get3A_1584 = arith.constant 32 : index
      %get3A_1585 = tpu.vector_load %arg6[%get3A_1582, %get3A_1583, %get3A_1584] {strides = array<i32>} : memref<128x8x64xf32, #tpu.memory_space<vmem>>, vector<16xf32>,
      %abs3A_1586 = math.absf %get3A_1585 : vector<16xf32>
      %min3A_1587 = arith.minimumf %abs3A_1586, %broadcast_in_dim3A_100 : vector<16xf32>
      %convert_element_type3A_1588 = arith.fptosi %min3A_1587 : vector<16xf32> to vector<16xi32>
      %lt3A_1589 = arith.cmpf olt, %get3A_1585, %broadcast_in_dim3A_98 : vector<16xf32>
      %gt3A_1590 = arith.cmpf ogt, %get3A_1585, %broadcast_in_dim3A_98 : vector<16xf32>
      %select_n3A_1591 = arith.select %gt3A_1590, %broadcast_in_dim3A_104, %broadcast_in_dim3A_106 : vector<16xi1>, vector<16xi32>
      %select_n3A_1592 = arith.select %lt3A_1589, %broadcast_in_dim3A_102, %select_n3A_1591 : vector<16xi1>, vector<16xi32>
      %or3A_1593 = arith.ori %select_n3A_1592, %convert_element_type3A_1588 : vector<16xi32>
      %mul3A_1594 = arith.muli %or3A_1593, %add3A_119 : vector<16xi32>
      %xor3A_1595 = arith.xori %xor3A_1580, %mul3A_1594 : vector<16xi32>
      %get3A_1596 = arith.constant 1 : i64
      %get3A_1597 = arith.index_cast %add3A_1551 : i32 to index
      %get3A_1598 = arith.index_cast %get3A_1596 : i64 to index
      %get3A_1599 = arith.constant 48 : index
      %get3A_1600 = tpu.vector_load %arg6[%get3A_1597, %get3A_1598, %get3A_1599] {strides = array<i32>} : memref<128x8x64xf32, #tpu.memory_space<vmem>>, vector<16xf32>,
      %abs3A_1601 = math.absf %get3A_1600 : vector<16xf32>
      %min3A_1602 = arith.minimumf %abs3A_1601, %broadcast_in_dim3A_100 : vector<16xf32>
      %convert_element_type3A_1603 = arith.fptosi %min3A_1602 : vector<16xf32> to vector<16xi32>
      %lt3A_1604 = arith.cmpf olt, %get3A_1600, %broadcast_in_dim3A_98 : vector<16xf32>
      %gt3A_1605 = arith.cmpf ogt, %get3A_1600, %broadcast_in_dim3A_98 : vector<16xf32>
      %select_n3A_1606 = arith.select %gt3A_1605, %broadcast_in_dim3A_104, %broadcast_in_dim3A_106 : vector<16xi1>, vector<16xi32>
      %select_n3A_1607 = arith.select %lt3A_1604, %broadcast_in_dim3A_102, %select_n3A_1606 : vector<16xi1>, vector<16xi32>
      %or3A_1608 = arith.ori %select_n3A_1607, %convert_element_type3A_1603 : vector<16xi32>
      %mul3A_1609 = arith.muli %or3A_1608, %add3A_122 : vector<16xi32>
      %xor3A_1610 = arith.xori %xor3A_1595, %mul3A_1609 : vector<16xi32>
      %swap3A_1611 = arith.constant 9 : i64
      %swap3A_1612 = arith.index_cast %swap3A_1611 : i64 to index
      %swap3A_1613 = arith.constant 0 : index
      %swap3A_1614 = tpu.vector_load %arg7[%swap3A_1612, %swap3A_1613] {strides = array<i32>} : memref<16x17xi32, #tpu.memory_space<vmem>>, vector<16xi32>,
      tpu.vector_store %arg7[%swap3A_1612, %swap3A_1613], %xor3A_1610 {strides = array<i32>} : memref<16x17xi32, #tpu.memory_space<vmem>>, vector<16xi32>,
      %add3A_1615 = arith.constant 1 : i32
      %add3A_1616 = arith.addi %mul3A_970, %add3A_1615 : i32
      %get3A_1617 = arith.constant 2 : i64
      %get3A_1618 = arith.index_cast %add3A_1616 : i32 to index
      %get3A_1619 = arith.index_cast %get3A_1617 : i64 to index
      %get3A_1620 = arith.constant 0 : index
      %get3A_1621 = tpu.vector_load %arg6[%get3A_1618, %get3A_1619, %get3A_1620] {strides = array<i32>} : memref<128x8x64xf32, #tpu.memory_space<vmem>>, vector<16xf32>,
      %abs3A_1622 = math.absf %get3A_1621 : vector<16xf32>
      %min3A_1623 = arith.minimumf %abs3A_1622, %broadcast_in_dim3A_100 : vector<16xf32>
      %convert_element_type3A_1624 = arith.fptosi %min3A_1623 : vector<16xf32> to vector<16xi32>
      %lt3A_1625 = arith.cmpf olt, %get3A_1621, %broadcast_in_dim3A_98 : vector<16xf32>
      %gt3A_1626 = arith.cmpf ogt, %get3A_1621, %broadcast_in_dim3A_98 : vector<16xf32>
      %select_n3A_1627 = arith.select %gt3A_1626, %broadcast_in_dim3A_104, %broadcast_in_dim3A_106 : vector<16xi1>, vector<16xi32>
      %select_n3A_1628 = arith.select %lt3A_1625, %broadcast_in_dim3A_102, %select_n3A_1627 : vector<16xi1>, vector<16xi32>
      %or3A_1629 = arith.ori %select_n3A_1628, %convert_element_type3A_1624 : vector<16xi32>
      %mul3A_1630 = arith.muli %or3A_1629, %add3A_113 : vector<16xi32>
      %get3A_1631 = arith.constant 2 : i64
      %get3A_1632 = arith.index_cast %add3A_1616 : i32 to index
      %get3A_1633 = arith.index_cast %get3A_1631 : i64 to index
      %get3A_1634 = arith.constant 16 : index
      %get3A_1635 = tpu.vector_load %arg6[%get3A_1632, %get3A_1633, %get3A_1634] {strides = array<i32>} : memref<128x8x64xf32, #tpu.memory_space<vmem>>, vector<16xf32>,
      %abs3A_1636 = math.absf %get3A_1635 : vector<16xf32>
      %min3A_1637 = arith.minimumf %abs3A_1636, %broadcast_in_dim3A_100 : vector<16xf32>
      %convert_element_type3A_1638 = arith.fptosi %min3A_1637 : vector<16xf32> to vector<16xi32>
      %lt3A_1639 = arith.cmpf olt, %get3A_1635, %broadcast_in_dim3A_98 : vector<16xf32>
      %gt3A_1640 = arith.cmpf ogt, %get3A_1635, %broadcast_in_dim3A_98 : vector<16xf32>
      %select_n3A_1641 = arith.select %gt3A_1640, %broadcast_in_dim3A_104, %broadcast_in_dim3A_106 : vector<16xi1>, vector<16xi32>
      %select_n3A_1642 = arith.select %lt3A_1639, %broadcast_in_dim3A_102, %select_n3A_1641 : vector<16xi1>, vector<16xi32>
      %or3A_1643 = arith.ori %select_n3A_1642, %convert_element_type3A_1638 : vector<16xi32>
      %mul3A_1644 = arith.muli %or3A_1643, %add3A_116 : vector<16xi32>
      %xor3A_1645 = arith.xori %mul3A_1630, %mul3A_1644 : vector<16xi32>
      %get3A_1646 = arith.constant 2 : i64
      %get3A_1647 = arith.index_cast %add3A_1616 : i32 to index
      %get3A_1648 = arith.index_cast %get3A_1646 : i64 to index
      %get3A_1649 = arith.constant 32 : index
      %get3A_1650 = tpu.vector_load %arg6[%get3A_1647, %get3A_1648, %get3A_1649] {strides = array<i32>} : memref<128x8x64xf32, #tpu.memory_space<vmem>>, vector<16xf32>,
      %abs3A_1651 = math.absf %get3A_1650 : vector<16xf32>
      %min3A_1652 = arith.minimumf %abs3A_1651, %broadcast_in_dim3A_100 : vector<16xf32>
      %convert_element_type3A_1653 = arith.fptosi %min3A_1652 : vector<16xf32> to vector<16xi32>
      %lt3A_1654 = arith.cmpf olt, %get3A_1650, %broadcast_in_dim3A_98 : vector<16xf32>
      %gt3A_1655 = arith.cmpf ogt, %get3A_1650, %broadcast_in_dim3A_98 : vector<16xf32>
      %select_n3A_1656 = arith.select %gt3A_1655, %broadcast_in_dim3A_104, %broadcast_in_dim3A_106 : vector<16xi1>, vector<16xi32>
      %select_n3A_1657 = arith.select %lt3A_1654, %broadcast_in_dim3A_102, %select_n3A_1656 : vector<16xi1>, vector<16xi32>
      %or3A_1658 = arith.ori %select_n3A_1657, %convert_element_type3A_1653 : vector<16xi32>
      %mul3A_1659 = arith.muli %or3A_1658, %add3A_119 : vector<16xi32>
      %xor3A_1660 = arith.xori %xor3A_1645, %mul3A_1659 : vector<16xi32>
      %get3A_1661 = arith.constant 2 : i64
      %get3A_1662 = arith.index_cast %add3A_1616 : i32 to index
      %get3A_1663 = arith.index_cast %get3A_1661 : i64 to index
      %get3A_1664 = arith.constant 48 : index
      %get3A_1665 = tpu.vector_load %arg6[%get3A_1662, %get3A_1663, %get3A_1664] {strides = array<i32>} : memref<128x8x64xf32, #tpu.memory_space<vmem>>, vector<16xf32>,
      %abs3A_1666 = math.absf %get3A_1665 : vector<16xf32>
      %min3A_1667 = arith.minimumf %abs3A_1666, %broadcast_in_dim3A_100 : vector<16xf32>
      %convert_element_type3A_1668 = arith.fptosi %min3A_1667 : vector<16xf32> to vector<16xi32>
      %lt3A_1669 = arith.cmpf olt, %get3A_1665, %broadcast_in_dim3A_98 : vector<16xf32>
      %gt3A_1670 = arith.cmpf ogt, %get3A_1665, %broadcast_in_dim3A_98 : vector<16xf32>
      %select_n3A_1671 = arith.select %gt3A_1670, %broadcast_in_dim3A_104, %broadcast_in_dim3A_106 : vector<16xi1>, vector<16xi32>
      %select_n3A_1672 = arith.select %lt3A_1669, %broadcast_in_dim3A_102, %select_n3A_1671 : vector<16xi1>, vector<16xi32>
      %or3A_1673 = arith.ori %select_n3A_1672, %convert_element_type3A_1668 : vector<16xi32>
      %mul3A_1674 = arith.muli %or3A_1673, %add3A_122 : vector<16xi32>
      %xor3A_1675 = arith.xori %xor3A_1660, %mul3A_1674 : vector<16xi32>
      %swap3A_1676 = arith.constant 10 : i64
      %swap3A_1677 = arith.index_cast %swap3A_1676 : i64 to index
      %swap3A_1678 = arith.constant 0 : index
      %swap3A_1679 = tpu.vector_load %arg7[%swap3A_1677, %swap3A_1678] {strides = array<i32>} : memref<16x17xi32, #tpu.memory_space<vmem>>, vector<16xi32>,
      tpu.vector_store %arg7[%swap3A_1677, %swap3A_1678], %xor3A_1675 {strides = array<i32>} : memref<16x17xi32, #tpu.memory_space<vmem>>, vector<16xi32>,
      %add3A_1680 = arith.constant 1 : i32
      %add3A_1681 = arith.addi %mul3A_970, %add3A_1680 : i32
      %get3A_1682 = arith.constant 3 : i64
      %get3A_1683 = arith.index_cast %add3A_1681 : i32 to index
      %get3A_1684 = arith.index_cast %get3A_1682 : i64 to index
      %get3A_1685 = arith.constant 0 : index
      %get3A_1686 = tpu.vector_load %arg6[%get3A_1683, %get3A_1684, %get3A_1685] {strides = array<i32>} : memref<128x8x64xf32, #tpu.memory_space<vmem>>, vector<16xf32>,
      %abs3A_1687 = math.absf %get3A_1686 : vector<16xf32>
      %min3A_1688 = arith.minimumf %abs3A_1687, %broadcast_in_dim3A_100 : vector<16xf32>
      %convert_element_type3A_1689 = arith.fptosi %min3A_1688 : vector<16xf32> to vector<16xi32>
      %lt3A_1690 = arith.cmpf olt, %get3A_1686, %broadcast_in_dim3A_98 : vector<16xf32>
      %gt3A_1691 = arith.cmpf ogt, %get3A_1686, %broadcast_in_dim3A_98 : vector<16xf32>
      %select_n3A_1692 = arith.select %gt3A_1691, %broadcast_in_dim3A_104, %broadcast_in_dim3A_106 : vector<16xi1>, vector<16xi32>
      %select_n3A_1693 = arith.select %lt3A_1690, %broadcast_in_dim3A_102, %select_n3A_1692 : vector<16xi1>, vector<16xi32>
      %or3A_1694 = arith.ori %select_n3A_1693, %convert_element_type3A_1689 : vector<16xi32>
      %mul3A_1695 = arith.muli %or3A_1694, %add3A_113 : vector<16xi32>
      %get3A_1696 = arith.constant 3 : i64
      %get3A_1697 = arith.index_cast %add3A_1681 : i32 to index
      %get3A_1698 = arith.index_cast %get3A_1696 : i64 to index
      %get3A_1699 = arith.constant 16 : index
      %get3A_1700 = tpu.vector_load %arg6[%get3A_1697, %get3A_1698, %get3A_1699] {strides = array<i32>} : memref<128x8x64xf32, #tpu.memory_space<vmem>>, vector<16xf32>,
      %abs3A_1701 = math.absf %get3A_1700 : vector<16xf32>
      %min3A_1702 = arith.minimumf %abs3A_1701, %broadcast_in_dim3A_100 : vector<16xf32>
      %convert_element_type3A_1703 = arith.fptosi %min3A_1702 : vector<16xf32> to vector<16xi32>
      %lt3A_1704 = arith.cmpf olt, %get3A_1700, %broadcast_in_dim3A_98 : vector<16xf32>
      %gt3A_1705 = arith.cmpf ogt, %get3A_1700, %broadcast_in_dim3A_98 : vector<16xf32>
      %select_n3A_1706 = arith.select %gt3A_1705, %broadcast_in_dim3A_104, %broadcast_in_dim3A_106 : vector<16xi1>, vector<16xi32>
      %select_n3A_1707 = arith.select %lt3A_1704, %broadcast_in_dim3A_102, %select_n3A_1706 : vector<16xi1>, vector<16xi32>
      %or3A_1708 = arith.ori %select_n3A_1707, %convert_element_type3A_1703 : vector<16xi32>
      %mul3A_1709 = arith.muli %or3A_1708, %add3A_116 : vector<16xi32>
      %xor3A_1710 = arith.xori %mul3A_1695, %mul3A_1709 : vector<16xi32>
      %get3A_1711 = arith.constant 3 : i64
      %get3A_1712 = arith.index_cast %add3A_1681 : i32 to index
      %get3A_1713 = arith.index_cast %get3A_1711 : i64 to index
      %get3A_1714 = arith.constant 32 : index
      %get3A_1715 = tpu.vector_load %arg6[%get3A_1712, %get3A_1713, %get3A_1714] {strides = array<i32>} : memref<128x8x64xf32, #tpu.memory_space<vmem>>, vector<16xf32>,
      %abs3A_1716 = math.absf %get3A_1715 : vector<16xf32>
      %min3A_1717 = arith.minimumf %abs3A_1716, %broadcast_in_dim3A_100 : vector<16xf32>
      %convert_element_type3A_1718 = arith.fptosi %min3A_1717 : vector<16xf32> to vector<16xi32>
      %lt3A_1719 = arith.cmpf olt, %get3A_1715, %broadcast_in_dim3A_98 : vector<16xf32>
      %gt3A_1720 = arith.cmpf ogt, %get3A_1715, %broadcast_in_dim3A_98 : vector<16xf32>
      %select_n3A_1721 = arith.select %gt3A_1720, %broadcast_in_dim3A_104, %broadcast_in_dim3A_106 : vector<16xi1>, vector<16xi32>
      %select_n3A_1722 = arith.select %lt3A_1719, %broadcast_in_dim3A_102, %select_n3A_1721 : vector<16xi1>, vector<16xi32>
      %or3A_1723 = arith.ori %select_n3A_1722, %convert_element_type3A_1718 : vector<16xi32>
      %mul3A_1724 = arith.muli %or3A_1723, %add3A_119 : vector<16xi32>
      %xor3A_1725 = arith.xori %xor3A_1710, %mul3A_1724 : vector<16xi32>
      %get3A_1726 = arith.constant 3 : i64
      %get3A_1727 = arith.index_cast %add3A_1681 : i32 to index
      %get3A_1728 = arith.index_cast %get3A_1726 : i64 to index
      %get3A_1729 = arith.constant 48 : index
      %get3A_1730 = tpu.vector_load %arg6[%get3A_1727, %get3A_1728, %get3A_1729] {strides = array<i32>} : memref<128x8x64xf32, #tpu.memory_space<vmem>>, vector<16xf32>,
      %abs3A_1731 = math.absf %get3A_1730 : vector<16xf32>
      %min3A_1732 = arith.minimumf %abs3A_1731, %broadcast_in_dim3A_100 : vector<16xf32>
      %convert_element_type3A_1733 = arith.fptosi %min3A_1732 : vector<16xf32> to vector<16xi32>
      %lt3A_1734 = arith.cmpf olt, %get3A_1730, %broadcast_in_dim3A_98 : vector<16xf32>
      %gt3A_1735 = arith.cmpf ogt, %get3A_1730, %broadcast_in_dim3A_98 : vector<16xf32>
      %select_n3A_1736 = arith.select %gt3A_1735, %broadcast_in_dim3A_104, %broadcast_in_dim3A_106 : vector<16xi1>, vector<16xi32>
      %select_n3A_1737 = arith.select %lt3A_1734, %broadcast_in_dim3A_102, %select_n3A_1736 : vector<16xi1>, vector<16xi32>
      %or3A_1738 = arith.ori %select_n3A_1737, %convert_element_type3A_1733 : vector<16xi32>
      %mul3A_1739 = arith.muli %or3A_1738, %add3A_122 : vector<16xi32>
      %xor3A_1740 = arith.xori %xor3A_1725, %mul3A_1739 : vector<16xi32>
      %swap3A_1741 = arith.constant 11 : i64
      %swap3A_1742 = arith.index_cast %swap3A_1741 : i64 to index
      %swap3A_1743 = arith.constant 0 : index
      %swap3A_1744 = tpu.vector_load %arg7[%swap3A_1742, %swap3A_1743] {strides = array<i32>} : memref<16x17xi32, #tpu.memory_space<vmem>>, vector<16xi32>,
      tpu.vector_store %arg7[%swap3A_1742, %swap3A_1743], %xor3A_1740 {strides = array<i32>} : memref<16x17xi32, #tpu.memory_space<vmem>>, vector<16xi32>,
      %add3A_1745 = arith.constant 1 : i32
      %add3A_1746 = arith.addi %mul3A_970, %add3A_1745 : i32
      %get3A_1747 = arith.constant 4 : i64
      %get3A_1748 = arith.index_cast %add3A_1746 : i32 to index
      %get3A_1749 = arith.index_cast %get3A_1747 : i64 to index
      %get3A_1750 = arith.constant 0 : index
      %get3A_1751 = tpu.vector_load %arg6[%get3A_1748, %get3A_1749, %get3A_1750] {strides = array<i32>} : memref<128x8x64xf32, #tpu.memory_space<vmem>>, vector<16xf32>,
      %abs3A_1752 = math.absf %get3A_1751 : vector<16xf32>
      %min3A_1753 = arith.minimumf %abs3A_1752, %broadcast_in_dim3A_100 : vector<16xf32>
      %convert_element_type3A_1754 = arith.fptosi %min3A_1753 : vector<16xf32> to vector<16xi32>
      %lt3A_1755 = arith.cmpf olt, %get3A_1751, %broadcast_in_dim3A_98 : vector<16xf32>
      %gt3A_1756 = arith.cmpf ogt, %get3A_1751, %broadcast_in_dim3A_98 : vector<16xf32>
      %select_n3A_1757 = arith.select %gt3A_1756, %broadcast_in_dim3A_104, %broadcast_in_dim3A_106 : vector<16xi1>, vector<16xi32>
      %select_n3A_1758 = arith.select %lt3A_1755, %broadcast_in_dim3A_102, %select_n3A_1757 : vector<16xi1>, vector<16xi32>
      %or3A_1759 = arith.ori %select_n3A_1758, %convert_element_type3A_1754 : vector<16xi32>
      %mul3A_1760 = arith.muli %or3A_1759, %add3A_113 : vector<16xi32>
      %get3A_1761 = arith.constant 4 : i64
      %get3A_1762 = arith.index_cast %add3A_1746 : i32 to index
      %get3A_1763 = arith.index_cast %get3A_1761 : i64 to index
      %get3A_1764 = arith.constant 16 : index
      %get3A_1765 = tpu.vector_load %arg6[%get3A_1762, %get3A_1763, %get3A_1764] {strides = array<i32>} : memref<128x8x64xf32, #tpu.memory_space<vmem>>, vector<16xf32>,
      %abs3A_1766 = math.absf %get3A_1765 : vector<16xf32>
      %min3A_1767 = arith.minimumf %abs3A_1766, %broadcast_in_dim3A_100 : vector<16xf32>
      %convert_element_type3A_1768 = arith.fptosi %min3A_1767 : vector<16xf32> to vector<16xi32>
      %lt3A_1769 = arith.cmpf olt, %get3A_1765, %broadcast_in_dim3A_98 : vector<16xf32>
      %gt3A_1770 = arith.cmpf ogt, %get3A_1765, %broadcast_in_dim3A_98 : vector<16xf32>
      %select_n3A_1771 = arith.select %gt3A_1770, %broadcast_in_dim3A_104, %broadcast_in_dim3A_106 : vector<16xi1>, vector<16xi32>
      %select_n3A_1772 = arith.select %lt3A_1769, %broadcast_in_dim3A_102, %select_n3A_1771 : vector<16xi1>, vector<16xi32>
      %or3A_1773 = arith.ori %select_n3A_1772, %convert_element_type3A_1768 : vector<16xi32>
      %mul3A_1774 = arith.muli %or3A_1773, %add3A_116 : vector<16xi32>
      %xor3A_1775 = arith.xori %mul3A_1760, %mul3A_1774 : vector<16xi32>
      %get3A_1776 = arith.constant 4 : i64
      %get3A_1777 = arith.index_cast %add3A_1746 : i32 to index
      %get3A_1778 = arith.index_cast %get3A_1776 : i64 to index
      %get3A_1779 = arith.constant 32 : index
      %get3A_1780 = tpu.vector_load %arg6[%get3A_1777, %get3A_1778, %get3A_1779] {strides = array<i32>} : memref<128x8x64xf32, #tpu.memory_space<vmem>>, vector<16xf32>,
      %abs3A_1781 = math.absf %get3A_1780 : vector<16xf32>
      %min3A_1782 = arith.minimumf %abs3A_1781, %broadcast_in_dim3A_100 : vector<16xf32>
      %convert_element_type3A_1783 = arith.fptosi %min3A_1782 : vector<16xf32> to vector<16xi32>
      %lt3A_1784 = arith.cmpf olt, %get3A_1780, %broadcast_in_dim3A_98 : vector<16xf32>
      %gt3A_1785 = arith.cmpf ogt, %get3A_1780, %broadcast_in_dim3A_98 : vector<16xf32>
      %select_n3A_1786 = arith.select %gt3A_1785, %broadcast_in_dim3A_104, %broadcast_in_dim3A_106 : vector<16xi1>, vector<16xi32>
      %select_n3A_1787 = arith.select %lt3A_1784, %broadcast_in_dim3A_102, %select_n3A_1786 : vector<16xi1>, vector<16xi32>
      %or3A_1788 = arith.ori %select_n3A_1787, %convert_element_type3A_1783 : vector<16xi32>
      %mul3A_1789 = arith.muli %or3A_1788, %add3A_119 : vector<16xi32>
      %xor3A_1790 = arith.xori %xor3A_1775, %mul3A_1789 : vector<16xi32>
      %get3A_1791 = arith.constant 4 : i64
      %get3A_1792 = arith.index_cast %add3A_1746 : i32 to index
      %get3A_1793 = arith.index_cast %get3A_1791 : i64 to index
      %get3A_1794 = arith.constant 48 : index
      %get3A_1795 = tpu.vector_load %arg6[%get3A_1792, %get3A_1793, %get3A_1794] {strides = array<i32>} : memref<128x8x64xf32, #tpu.memory_space<vmem>>, vector<16xf32>,
      %abs3A_1796 = math.absf %get3A_1795 : vector<16xf32>
      %min3A_1797 = arith.minimumf %abs3A_1796, %broadcast_in_dim3A_100 : vector<16xf32>
      %convert_element_type3A_1798 = arith.fptosi %min3A_1797 : vector<16xf32> to vector<16xi32>
      %lt3A_1799 = arith.cmpf olt, %get3A_1795, %broadcast_in_dim3A_98 : vector<16xf32>
      %gt3A_1800 = arith.cmpf ogt, %get3A_1795, %broadcast_in_dim3A_98 : vector<16xf32>
      %select_n3A_1801 = arith.select %gt3A_1800, %broadcast_in_dim3A_104, %broadcast_in_dim3A_106 : vector<16xi1>, vector<16xi32>
      %select_n3A_1802 = arith.select %lt3A_1799, %broadcast_in_dim3A_102, %select_n3A_1801 : vector<16xi1>, vector<16xi32>
      %or3A_1803 = arith.ori %select_n3A_1802, %convert_element_type3A_1798 : vector<16xi32>
      %mul3A_1804 = arith.muli %or3A_1803, %add3A_122 : vector<16xi32>
      %xor3A_1805 = arith.xori %xor3A_1790, %mul3A_1804 : vector<16xi32>
      %swap3A_1806 = arith.constant 12 : i64
      %swap3A_1807 = arith.index_cast %swap3A_1806 : i64 to index
      %swap3A_1808 = arith.constant 0 : index
      %swap3A_1809 = tpu.vector_load %arg7[%swap3A_1807, %swap3A_1808] {strides = array<i32>} : memref<16x17xi32, #tpu.memory_space<vmem>>, vector<16xi32>,
      tpu.vector_store %arg7[%swap3A_1807, %swap3A_1808], %xor3A_1805 {strides = array<i32>} : memref<16x17xi32, #tpu.memory_space<vmem>>, vector<16xi32>,
      %add3A_1810 = arith.constant 1 : i32
      %add3A_1811 = arith.addi %mul3A_970, %add3A_1810 : i32
      %get3A_1812 = arith.constant 5 : i64
      %get3A_1813 = arith.index_cast %add3A_1811 : i32 to index
      %get3A_1814 = arith.index_cast %get3A_1812 : i64 to index
      %get3A_1815 = arith.constant 0 : index
      %get3A_1816 = tpu.vector_load %arg6[%get3A_1813, %get3A_1814, %get3A_1815] {strides = array<i32>} : memref<128x8x64xf32, #tpu.memory_space<vmem>>, vector<16xf32>,
      %abs3A_1817 = math.absf %get3A_1816 : vector<16xf32>
      %min3A_1818 = arith.minimumf %abs3A_1817, %broadcast_in_dim3A_100 : vector<16xf32>
      %convert_element_type3A_1819 = arith.fptosi %min3A_1818 : vector<16xf32> to vector<16xi32>
      %lt3A_1820 = arith.cmpf olt, %get3A_1816, %broadcast_in_dim3A_98 : vector<16xf32>
      %gt3A_1821 = arith.cmpf ogt, %get3A_1816, %broadcast_in_dim3A_98 : vector<16xf32>
      %select_n3A_1822 = arith.select %gt3A_1821, %broadcast_in_dim3A_104, %broadcast_in_dim3A_106 : vector<16xi1>, vector<16xi32>
      %select_n3A_1823 = arith.select %lt3A_1820, %broadcast_in_dim3A_102, %select_n3A_1822 : vector<16xi1>, vector<16xi32>
      %or3A_1824 = arith.ori %select_n3A_1823, %convert_element_type3A_1819 : vector<16xi32>
      %mul3A_1825 = arith.muli %or3A_1824, %add3A_113 : vector<16xi32>
      %get3A_1826 = arith.constant 5 : i64
      %get3A_1827 = arith.index_cast %add3A_1811 : i32 to index
      %get3A_1828 = arith.index_cast %get3A_1826 : i64 to index
      %get3A_1829 = arith.constant 16 : index
      %get3A_1830 = tpu.vector_load %arg6[%get3A_1827, %get3A_1828, %get3A_1829] {strides = array<i32>} : memref<128x8x64xf32, #tpu.memory_space<vmem>>, vector<16xf32>,
      %abs3A_1831 = math.absf %get3A_1830 : vector<16xf32>
      %min3A_1832 = arith.minimumf %abs3A_1831, %broadcast_in_dim3A_100 : vector<16xf32>
      %convert_element_type3A_1833 = arith.fptosi %min3A_1832 : vector<16xf32> to vector<16xi32>
      %lt3A_1834 = arith.cmpf olt, %get3A_1830, %broadcast_in_dim3A_98 : vector<16xf32>
      %gt3A_1835 = arith.cmpf ogt, %get3A_1830, %broadcast_in_dim3A_98 : vector<16xf32>
      %select_n3A_1836 = arith.select %gt3A_1835, %broadcast_in_dim3A_104, %broadcast_in_dim3A_106 : vector<16xi1>, vector<16xi32>
      %select_n3A_1837 = arith.select %lt3A_1834, %broadcast_in_dim3A_102, %select_n3A_1836 : vector<16xi1>, vector<16xi32>
      %or3A_1838 = arith.ori %select_n3A_1837, %convert_element_type3A_1833 : vector<16xi32>
      %mul3A_1839 = arith.muli %or3A_1838, %add3A_116 : vector<16xi32>
      %xor3A_1840 = arith.xori %mul3A_1825, %mul3A_1839 : vector<16xi32>
      %get3A_1841 = arith.constant 5 : i64
      %get3A_1842 = arith.index_cast %add3A_1811 : i32 to index
      %get3A_1843 = arith.index_cast %get3A_1841 : i64 to index
      %get3A_1844 = arith.constant 32 : index
      %get3A_1845 = tpu.vector_load %arg6[%get3A_1842, %get3A_1843, %get3A_1844] {strides = array<i32>} : memref<128x8x64xf32, #tpu.memory_space<vmem>>, vector<16xf32>,
      %abs3A_1846 = math.absf %get3A_1845 : vector<16xf32>
      %min3A_1847 = arith.minimumf %abs3A_1846, %broadcast_in_dim3A_100 : vector<16xf32>
      %convert_element_type3A_1848 = arith.fptosi %min3A_1847 : vector<16xf32> to vector<16xi32>
      %lt3A_1849 = arith.cmpf olt, %get3A_1845, %broadcast_in_dim3A_98 : vector<16xf32>
      %gt3A_1850 = arith.cmpf ogt, %get3A_1845, %broadcast_in_dim3A_98 : vector<16xf32>
      %select_n3A_1851 = arith.select %gt3A_1850, %broadcast_in_dim3A_104, %broadcast_in_dim3A_106 : vector<16xi1>, vector<16xi32>
      %select_n3A_1852 = arith.select %lt3A_1849, %broadcast_in_dim3A_102, %select_n3A_1851 : vector<16xi1>, vector<16xi32>
      %or3A_1853 = arith.ori %select_n3A_1852, %convert_element_type3A_1848 : vector<16xi32>
      %mul3A_1854 = arith.muli %or3A_1853, %add3A_119 : vector<16xi32>
      %xor3A_1855 = arith.xori %xor3A_1840, %mul3A_1854 : vector<16xi32>
      %get3A_1856 = arith.constant 5 : i64
      %get3A_1857 = arith.index_cast %add3A_1811 : i32 to index
      %get3A_1858 = arith.index_cast %get3A_1856 : i64 to index
      %get3A_1859 = arith.constant 48 : index
      %get3A_1860 = tpu.vector_load %arg6[%get3A_1857, %get3A_1858, %get3A_1859] {strides = array<i32>} : memref<128x8x64xf32, #tpu.memory_space<vmem>>, vector<16xf32>,
      %abs3A_1861 = math.absf %get3A_1860 : vector<16xf32>
      %min3A_1862 = arith.minimumf %abs3A_1861, %broadcast_in_dim3A_100 : vector<16xf32>
      %convert_element_type3A_1863 = arith.fptosi %min3A_1862 : vector<16xf32> to vector<16xi32>
      %lt3A_1864 = arith.cmpf olt, %get3A_1860, %broadcast_in_dim3A_98 : vector<16xf32>
      %gt3A_1865 = arith.cmpf ogt, %get3A_1860, %broadcast_in_dim3A_98 : vector<16xf32>
      %select_n3A_1866 = arith.select %gt3A_1865, %broadcast_in_dim3A_104, %broadcast_in_dim3A_106 : vector<16xi1>, vector<16xi32>
      %select_n3A_1867 = arith.select %lt3A_1864, %broadcast_in_dim3A_102, %select_n3A_1866 : vector<16xi1>, vector<16xi32>
      %or3A_1868 = arith.ori %select_n3A_1867, %convert_element_type3A_1863 : vector<16xi32>
      %mul3A_1869 = arith.muli %or3A_1868, %add3A_122 : vector<16xi32>
      %xor3A_1870 = arith.xori %xor3A_1855, %mul3A_1869 : vector<16xi32>
      %swap3A_1871 = arith.constant 13 : i64
      %swap3A_1872 = arith.index_cast %swap3A_1871 : i64 to index
      %swap3A_1873 = arith.constant 0 : index
      %swap3A_1874 = tpu.vector_load %arg7[%swap3A_1872, %swap3A_1873] {strides = array<i32>} : memref<16x17xi32, #tpu.memory_space<vmem>>, vector<16xi32>,
      tpu.vector_store %arg7[%swap3A_1872, %swap3A_1873], %xor3A_1870 {strides = array<i32>} : memref<16x17xi32, #tpu.memory_space<vmem>>, vector<16xi32>,
      %add3A_1875 = arith.constant 1 : i32
      %add3A_1876 = arith.addi %mul3A_970, %add3A_1875 : i32
      %get3A_1877 = arith.constant 6 : i64
      %get3A_1878 = arith.index_cast %add3A_1876 : i32 to index
      %get3A_1879 = arith.index_cast %get3A_1877 : i64 to index
      %get3A_1880 = arith.constant 0 : index
      %get3A_1881 = tpu.vector_load %arg6[%get3A_1878, %get3A_1879, %get3A_1880] {strides = array<i32>} : memref<128x8x64xf32, #tpu.memory_space<vmem>>, vector<16xf32>,
      %abs3A_1882 = math.absf %get3A_1881 : vector<16xf32>
      %min3A_1883 = arith.minimumf %abs3A_1882, %broadcast_in_dim3A_100 : vector<16xf32>
      %convert_element_type3A_1884 = arith.fptosi %min3A_1883 : vector<16xf32> to vector<16xi32>
      %lt3A_1885 = arith.cmpf olt, %get3A_1881, %broadcast_in_dim3A_98 : vector<16xf32>
      %gt3A_1886 = arith.cmpf ogt, %get3A_1881, %broadcast_in_dim3A_98 : vector<16xf32>
      %select_n3A_1887 = arith.select %gt3A_1886, %broadcast_in_dim3A_104, %broadcast_in_dim3A_106 : vector<16xi1>, vector<16xi32>
      %select_n3A_1888 = arith.select %lt3A_1885, %broadcast_in_dim3A_102, %select_n3A_1887 : vector<16xi1>, vector<16xi32>
      %or3A_1889 = arith.ori %select_n3A_1888, %convert_element_type3A_1884 : vector<16xi32>
      %mul3A_1890 = arith.muli %or3A_1889, %add3A_113 : vector<16xi32>
      %get3A_1891 = arith.constant 6 : i64
      %get3A_1892 = arith.index_cast %add3A_1876 : i32 to index
      %get3A_1893 = arith.index_cast %get3A_1891 : i64 to index
      %get3A_1894 = arith.constant 16 : index
      %get3A_1895 = tpu.vector_load %arg6[%get3A_1892, %get3A_1893, %get3A_1894] {strides = array<i32>} : memref<128x8x64xf32, #tpu.memory_space<vmem>>, vector<16xf32>,
      %abs3A_1896 = math.absf %get3A_1895 : vector<16xf32>
      %min3A_1897 = arith.minimumf %abs3A_1896, %broadcast_in_dim3A_100 : vector<16xf32>
      %convert_element_type3A_1898 = arith.fptosi %min3A_1897 : vector<16xf32> to vector<16xi32>
      %lt3A_1899 = arith.cmpf olt, %get3A_1895, %broadcast_in_dim3A_98 : vector<16xf32>
      %gt3A_1900 = arith.cmpf ogt, %get3A_1895, %broadcast_in_dim3A_98 : vector<16xf32>
      %select_n3A_1901 = arith.select %gt3A_1900, %broadcast_in_dim3A_104, %broadcast_in_dim3A_106 : vector<16xi1>, vector<16xi32>
      %select_n3A_1902 = arith.select %lt3A_1899, %broadcast_in_dim3A_102, %select_n3A_1901 : vector<16xi1>, vector<16xi32>
      %or3A_1903 = arith.ori %select_n3A_1902, %convert_element_type3A_1898 : vector<16xi32>
      %mul3A_1904 = arith.muli %or3A_1903, %add3A_116 : vector<16xi32>
      %xor3A_1905 = arith.xori %mul3A_1890, %mul3A_1904 : vector<16xi32>
      %get3A_1906 = arith.constant 6 : i64
      %get3A_1907 = arith.index_cast %add3A_1876 : i32 to index
      %get3A_1908 = arith.index_cast %get3A_1906 : i64 to index
      %get3A_1909 = arith.constant 32 : index
      %get3A_1910 = tpu.vector_load %arg6[%get3A_1907, %get3A_1908, %get3A_1909] {strides = array<i32>} : memref<128x8x64xf32, #tpu.memory_space<vmem>>, vector<16xf32>,
      %abs3A_1911 = math.absf %get3A_1910 : vector<16xf32>
      %min3A_1912 = arith.minimumf %abs3A_1911, %broadcast_in_dim3A_100 : vector<16xf32>
      %convert_element_type3A_1913 = arith.fptosi %min3A_1912 : vector<16xf32> to vector<16xi32>
      %lt3A_1914 = arith.cmpf olt, %get3A_1910, %broadcast_in_dim3A_98 : vector<16xf32>
      %gt3A_1915 = arith.cmpf ogt, %get3A_1910, %broadcast_in_dim3A_98 : vector<16xf32>
      %select_n3A_1916 = arith.select %gt3A_1915, %broadcast_in_dim3A_104, %broadcast_in_dim3A_106 : vector<16xi1>, vector<16xi32>
      %select_n3A_1917 = arith.select %lt3A_1914, %broadcast_in_dim3A_102, %select_n3A_1916 : vector<16xi1>, vector<16xi32>
      %or3A_1918 = arith.ori %select_n3A_1917, %convert_element_type3A_1913 : vector<16xi32>
      %mul3A_1919 = arith.muli %or3A_1918, %add3A_119 : vector<16xi32>
      %xor3A_1920 = arith.xori %xor3A_1905, %mul3A_1919 : vector<16xi32>
      %get3A_1921 = arith.constant 6 : i64
      %get3A_1922 = arith.index_cast %add3A_1876 : i32 to index
      %get3A_1923 = arith.index_cast %get3A_1921 : i64 to index
      %get3A_1924 = arith.constant 48 : index
      %get3A_1925 = tpu.vector_load %arg6[%get3A_1922, %get3A_1923, %get3A_1924] {strides = array<i32>} : memref<128x8x64xf32, #tpu.memory_space<vmem>>, vector<16xf32>,
      %abs3A_1926 = math.absf %get3A_1925 : vector<16xf32>
      %min3A_1927 = arith.minimumf %abs3A_1926, %broadcast_in_dim3A_100 : vector<16xf32>
      %convert_element_type3A_1928 = arith.fptosi %min3A_1927 : vector<16xf32> to vector<16xi32>
      %lt3A_1929 = arith.cmpf olt, %get3A_1925, %broadcast_in_dim3A_98 : vector<16xf32>
      %gt3A_1930 = arith.cmpf ogt, %get3A_1925, %broadcast_in_dim3A_98 : vector<16xf32>
      %select_n3A_1931 = arith.select %gt3A_1930, %broadcast_in_dim3A_104, %broadcast_in_dim3A_106 : vector<16xi1>, vector<16xi32>
      %select_n3A_1932 = arith.select %lt3A_1929, %broadcast_in_dim3A_102, %select_n3A_1931 : vector<16xi1>, vector<16xi32>
      %or3A_1933 = arith.ori %select_n3A_1932, %convert_element_type3A_1928 : vector<16xi32>
      %mul3A_1934 = arith.muli %or3A_1933, %add3A_122 : vector<16xi32>
      %xor3A_1935 = arith.xori %xor3A_1920, %mul3A_1934 : vector<16xi32>
      %swap3A_1936 = arith.constant 14 : i64
      %swap3A_1937 = arith.index_cast %swap3A_1936 : i64 to index
      %swap3A_1938 = arith.constant 0 : index
      %swap3A_1939 = tpu.vector_load %arg7[%swap3A_1937, %swap3A_1938] {strides = array<i32>} : memref<16x17xi32, #tpu.memory_space<vmem>>, vector<16xi32>,
      tpu.vector_store %arg7[%swap3A_1937, %swap3A_1938], %xor3A_1935 {strides = array<i32>} : memref<16x17xi32, #tpu.memory_space<vmem>>, vector<16xi32>,
      %add3A_1940 = arith.constant 1 : i32
      %add3A_1941 = arith.addi %mul3A_970, %add3A_1940 : i32
      %get3A_1942 = arith.constant 7 : i64
      %get3A_1943 = arith.index_cast %add3A_1941 : i32 to index
      %get3A_1944 = arith.index_cast %get3A_1942 : i64 to index
      %get3A_1945 = arith.constant 0 : index
      %get3A_1946 = tpu.vector_load %arg6[%get3A_1943, %get3A_1944, %get3A_1945] {strides = array<i32>} : memref<128x8x64xf32, #tpu.memory_space<vmem>>, vector<16xf32>,
      %abs3A_1947 = math.absf %get3A_1946 : vector<16xf32>
      %min3A_1948 = arith.minimumf %abs3A_1947, %broadcast_in_dim3A_100 : vector<16xf32>
      %convert_element_type3A_1949 = arith.fptosi %min3A_1948 : vector<16xf32> to vector<16xi32>
      %lt3A_1950 = arith.cmpf olt, %get3A_1946, %broadcast_in_dim3A_98 : vector<16xf32>
      %gt3A_1951 = arith.cmpf ogt, %get3A_1946, %broadcast_in_dim3A_98 : vector<16xf32>
      %select_n3A_1952 = arith.select %gt3A_1951, %broadcast_in_dim3A_104, %broadcast_in_dim3A_106 : vector<16xi1>, vector<16xi32>
      %select_n3A_1953 = arith.select %lt3A_1950, %broadcast_in_dim3A_102, %select_n3A_1952 : vector<16xi1>, vector<16xi32>
      %or3A_1954 = arith.ori %select_n3A_1953, %convert_element_type3A_1949 : vector<16xi32>
      %mul3A_1955 = arith.muli %or3A_1954, %add3A_113 : vector<16xi32>
      %get3A_1956 = arith.constant 7 : i64
      %get3A_1957 = arith.index_cast %add3A_1941 : i32 to index
      %get3A_1958 = arith.index_cast %get3A_1956 : i64 to index
      %get3A_1959 = arith.constant 16 : index
      %get3A_1960 = tpu.vector_load %arg6[%get3A_1957, %get3A_1958, %get3A_1959] {strides = array<i32>} : memref<128x8x64xf32, #tpu.memory_space<vmem>>, vector<16xf32>,
      %abs3A_1961 = math.absf %get3A_1960 : vector<16xf32>
      %min3A_1962 = arith.minimumf %abs3A_1961, %broadcast_in_dim3A_100 : vector<16xf32>
      %convert_element_type3A_1963 = arith.fptosi %min3A_1962 : vector<16xf32> to vector<16xi32>
      %lt3A_1964 = arith.cmpf olt, %get3A_1960, %broadcast_in_dim3A_98 : vector<16xf32>
      %gt3A_1965 = arith.cmpf ogt, %get3A_1960, %broadcast_in_dim3A_98 : vector<16xf32>
      %select_n3A_1966 = arith.select %gt3A_1965, %broadcast_in_dim3A_104, %broadcast_in_dim3A_106 : vector<16xi1>, vector<16xi32>
      %select_n3A_1967 = arith.select %lt3A_1964, %broadcast_in_dim3A_102, %select_n3A_1966 : vector<16xi1>, vector<16xi32>
      %or3A_1968 = arith.ori %select_n3A_1967, %convert_element_type3A_1963 : vector<16xi32>
      %mul3A_1969 = arith.muli %or3A_1968, %add3A_116 : vector<16xi32>
      %xor3A_1970 = arith.xori %mul3A_1955, %mul3A_1969 : vector<16xi32>
      %get3A_1971 = arith.constant 7 : i64
      %get3A_1972 = arith.index_cast %add3A_1941 : i32 to index
      %get3A_1973 = arith.index_cast %get3A_1971 : i64 to index
      %get3A_1974 = arith.constant 32 : index
      %get3A_1975 = tpu.vector_load %arg6[%get3A_1972, %get3A_1973, %get3A_1974] {strides = array<i32>} : memref<128x8x64xf32, #tpu.memory_space<vmem>>, vector<16xf32>,
      %abs3A_1976 = math.absf %get3A_1975 : vector<16xf32>
      %min3A_1977 = arith.minimumf %abs3A_1976, %broadcast_in_dim3A_100 : vector<16xf32>
      %convert_element_type3A_1978 = arith.fptosi %min3A_1977 : vector<16xf32> to vector<16xi32>
      %lt3A_1979 = arith.cmpf olt, %get3A_1975, %broadcast_in_dim3A_98 : vector<16xf32>
      %gt3A_1980 = arith.cmpf ogt, %get3A_1975, %broadcast_in_dim3A_98 : vector<16xf32>
      %select_n3A_1981 = arith.select %gt3A_1980, %broadcast_in_dim3A_104, %broadcast_in_dim3A_106 : vector<16xi1>, vector<16xi32>
      %select_n3A_1982 = arith.select %lt3A_1979, %broadcast_in_dim3A_102, %select_n3A_1981 : vector<16xi1>, vector<16xi32>
      %or3A_1983 = arith.ori %select_n3A_1982, %convert_element_type3A_1978 : vector<16xi32>
      %mul3A_1984 = arith.muli %or3A_1983, %add3A_119 : vector<16xi32>
      %xor3A_1985 = arith.xori %xor3A_1970, %mul3A_1984 : vector<16xi32>
      %get3A_1986 = arith.constant 7 : i64
      %get3A_1987 = arith.index_cast %add3A_1941 : i32 to index
      %get3A_1988 = arith.index_cast %get3A_1986 : i64 to index
      %get3A_1989 = arith.constant 48 : index
      %get3A_1990 = tpu.vector_load %arg6[%get3A_1987, %get3A_1988, %get3A_1989] {strides = array<i32>} : memref<128x8x64xf32, #tpu.memory_space<vmem>>, vector<16xf32>,
      %abs3A_1991 = math.absf %get3A_1990 : vector<16xf32>
      %min3A_1992 = arith.minimumf %abs3A_1991, %broadcast_in_dim3A_100 : vector<16xf32>
      %convert_element_type3A_1993 = arith.fptosi %min3A_1992 : vector<16xf32> to vector<16xi32>
      %lt3A_1994 = arith.cmpf olt, %get3A_1990, %broadcast_in_dim3A_98 : vector<16xf32>
      %gt3A_1995 = arith.cmpf ogt, %get3A_1990, %broadcast_in_dim3A_98 : vector<16xf32>
      %select_n3A_1996 = arith.select %gt3A_1995, %broadcast_in_dim3A_104, %broadcast_in_dim3A_106 : vector<16xi1>, vector<16xi32>
      %select_n3A_1997 = arith.select %lt3A_1994, %broadcast_in_dim3A_102, %select_n3A_1996 : vector<16xi1>, vector<16xi32>
      %or3A_1998 = arith.ori %select_n3A_1997, %convert_element_type3A_1993 : vector<16xi32>
      %mul3A_1999 = arith.muli %or3A_1998, %add3A_122 : vector<16xi32>
      %xor3A_2000 = arith.xori %xor3A_1985, %mul3A_1999 : vector<16xi32>
      %swap3A_2001 = arith.constant 15 : i64
      %swap3A_2002 = arith.index_cast %swap3A_2001 : i64 to index
      %swap3A_2003 = arith.constant 0 : index
      %swap3A_2004 = tpu.vector_load %arg7[%swap3A_2002, %swap3A_2003] {strides = array<i32>} : memref<16x17xi32, #tpu.memory_space<vmem>>, vector<16xi32>,
      tpu.vector_store %arg7[%swap3A_2002, %swap3A_2003], %xor3A_2000 {strides = array<i32>} : memref<16x17xi32, #tpu.memory_space<vmem>>, vector<16xi32>,
      %broadcast_in_dim3A_2005 = arith.constant 0 : i32
      %broadcast_in_dim3A_2006 = vector.broadcast %broadcast_in_dim3A_2005 : i32 to vector<16xi32>
      %gather3A = tpu.vector_load_idx %arg7[%iota3A, %broadcast_in_dim3A_2006] : memref<16x17xi32, #tpu.memory_space<vmem>>[vector<16xi32>, vector<16xi32>], vector<16xi32>,
      %broadcast_in_dim3A_2007 = arith.constant 1 : i32
      %broadcast_in_dim3A_2008 = vector.broadcast %broadcast_in_dim3A_2007 : i32 to vector<16xi32>
      %gather3A_2009 = tpu.vector_load_idx %arg7[%iota3A, %broadcast_in_dim3A_2008] : memref<16x17xi32, #tpu.memory_space<vmem>>[vector<16xi32>, vector<16xi32>], vector<16xi32>,
      %broadcast_in_dim3A_2010 = arith.constant 2 : i32
      %broadcast_in_dim3A_2011 = vector.broadcast %broadcast_in_dim3A_2010 : i32 to vector<16xi32>
      %gather3A_2012 = tpu.vector_load_idx %arg7[%iota3A, %broadcast_in_dim3A_2011] : memref<16x17xi32, #tpu.memory_space<vmem>>[vector<16xi32>, vector<16xi32>], vector<16xi32>,
      %broadcast_in_dim3A_2013 = arith.constant 3 : i32
      %broadcast_in_dim3A_2014 = vector.broadcast %broadcast_in_dim3A_2013 : i32 to vector<16xi32>
      %gather3A_2015 = tpu.vector_load_idx %arg7[%iota3A, %broadcast_in_dim3A_2014] : memref<16x17xi32, #tpu.memory_space<vmem>>[vector<16xi32>, vector<16xi32>], vector<16xi32>,
      %broadcast_in_dim3A_2016 = arith.constant 4 : i32
      %broadcast_in_dim3A_2017 = vector.broadcast %broadcast_in_dim3A_2016 : i32 to vector<16xi32>
      %gather3A_2018 = tpu.vector_load_idx %arg7[%iota3A, %broadcast_in_dim3A_2017] : memref<16x17xi32, #tpu.memory_space<vmem>>[vector<16xi32>, vector<16xi32>], vector<16xi32>,
      %broadcast_in_dim3A_2019 = arith.constant 5 : i32
      %broadcast_in_dim3A_2020 = vector.broadcast %broadcast_in_dim3A_2019 : i32 to vector<16xi32>
      %gather3A_2021 = tpu.vector_load_idx %arg7[%iota3A, %broadcast_in_dim3A_2020] : memref<16x17xi32, #tpu.memory_space<vmem>>[vector<16xi32>, vector<16xi32>], vector<16xi32>,
      %broadcast_in_dim3A_2022 = arith.constant 6 : i32
      %broadcast_in_dim3A_2023 = vector.broadcast %broadcast_in_dim3A_2022 : i32 to vector<16xi32>
      %gather3A_2024 = tpu.vector_load_idx %arg7[%iota3A, %broadcast_in_dim3A_2023] : memref<16x17xi32, #tpu.memory_space<vmem>>[vector<16xi32>, vector<16xi32>], vector<16xi32>,
      %broadcast_in_dim3A_2025 = arith.constant 7 : i32
      %broadcast_in_dim3A_2026 = vector.broadcast %broadcast_in_dim3A_2025 : i32 to vector<16xi32>
      %gather3A_2027 = tpu.vector_load_idx %arg7[%iota3A, %broadcast_in_dim3A_2026] : memref<16x17xi32, #tpu.memory_space<vmem>>[vector<16xi32>, vector<16xi32>], vector<16xi32>,
      %broadcast_in_dim3A_2028 = arith.constant 8 : i32
      %broadcast_in_dim3A_2029 = vector.broadcast %broadcast_in_dim3A_2028 : i32 to vector<16xi32>
      %gather3A_2030 = tpu.vector_load_idx %arg7[%iota3A, %broadcast_in_dim3A_2029] : memref<16x17xi32, #tpu.memory_space<vmem>>[vector<16xi32>, vector<16xi32>], vector<16xi32>,
      %broadcast_in_dim3A_2031 = arith.constant 9 : i32
      %broadcast_in_dim3A_2032 = vector.broadcast %broadcast_in_dim3A_2031 : i32 to vector<16xi32>
      %gather3A_2033 = tpu.vector_load_idx %arg7[%iota3A, %broadcast_in_dim3A_2032] : memref<16x17xi32, #tpu.memory_space<vmem>>[vector<16xi32>, vector<16xi32>], vector<16xi32>,
      %broadcast_in_dim3A_2034 = arith.constant 10 : i32
      %broadcast_in_dim3A_2035 = vector.broadcast %broadcast_in_dim3A_2034 : i32 to vector<16xi32>
      %gather3A_2036 = tpu.vector_load_idx %arg7[%iota3A, %broadcast_in_dim3A_2035] : memref<16x17xi32, #tpu.memory_space<vmem>>[vector<16xi32>, vector<16xi32>], vector<16xi32>,
      %broadcast_in_dim3A_2037 = arith.constant 11 : i32
      %broadcast_in_dim3A_2038 = vector.broadcast %broadcast_in_dim3A_2037 : i32 to vector<16xi32>
      %gather3A_2039 = tpu.vector_load_idx %arg7[%iota3A, %broadcast_in_dim3A_2038] : memref<16x17xi32, #tpu.memory_space<vmem>>[vector<16xi32>, vector<16xi32>], vector<16xi32>,
      %broadcast_in_dim3A_2040 = arith.constant 12 : i32
      %broadcast_in_dim3A_2041 = vector.broadcast %broadcast_in_dim3A_2040 : i32 to vector<16xi32>
      %gather3A_2042 = tpu.vector_load_idx %arg7[%iota3A, %broadcast_in_dim3A_2041] : memref<16x17xi32, #tpu.memory_space<vmem>>[vector<16xi32>, vector<16xi32>], vector<16xi32>,
      %broadcast_in_dim3A_2043 = arith.constant 13 : i32
      %broadcast_in_dim3A_2044 = vector.broadcast %broadcast_in_dim3A_2043 : i32 to vector<16xi32>
      %gather3A_2045 = tpu.vector_load_idx %arg7[%iota3A, %broadcast_in_dim3A_2044] : memref<16x17xi32, #tpu.memory_space<vmem>>[vector<16xi32>, vector<16xi32>], vector<16xi32>,
      %broadcast_in_dim3A_2046 = arith.constant 14 : i32
      %broadcast_in_dim3A_2047 = vector.broadcast %broadcast_in_dim3A_2046 : i32 to vector<16xi32>
      %gather3A_2048 = tpu.vector_load_idx %arg7[%iota3A, %broadcast_in_dim3A_2047] : memref<16x17xi32, #tpu.memory_space<vmem>>[vector<16xi32>, vector<16xi32>], vector<16xi32>,
      %broadcast_in_dim3A_2049 = arith.constant 15 : i32
      %broadcast_in_dim3A_2050 = vector.broadcast %broadcast_in_dim3A_2049 : i32 to vector<16xi32>
      %gather3A_2051 = tpu.vector_load_idx %arg7[%iota3A, %broadcast_in_dim3A_2050] : memref<16x17xi32, #tpu.memory_space<vmem>>[vector<16xi32>, vector<16xi32>], vector<16xi32>,
      %xor3A_2052 = arith.xori %gather3A, %gather3A_2009 : vector<16xi32>
      %xor3A_2053 = arith.xori %gather3A_2012, %gather3A_2015 : vector<16xi32>
      %xor3A_2054 = arith.xori %gather3A_2018, %gather3A_2021 : vector<16xi32>
      %xor3A_2055 = arith.xori %gather3A_2024, %gather3A_2027 : vector<16xi32>
      %xor3A_2056 = arith.xori %gather3A_2030, %gather3A_2033 : vector<16xi32>
      %xor3A_2057 = arith.xori %gather3A_2036, %gather3A_2039 : vector<16xi32>
      %xor3A_2058 = arith.xori %gather3A_2042, %gather3A_2045 : vector<16xi32>
      %xor3A_2059 = arith.xori %gather3A_2048, %gather3A_2051 : vector<16xi32>
      %xor3A_2060 = arith.xori %xor3A_2052, %xor3A_2053 : vector<16xi32>
      %xor3A_2061 = arith.xori %xor3A_2054, %xor3A_2055 : vector<16xi32>
      %xor3A_2062 = arith.xori %xor3A_2056, %xor3A_2057 : vector<16xi32>
      %xor3A_2063 = arith.xori %xor3A_2058, %xor3A_2059 : vector<16xi32>
      %xor3A_2064 = arith.xori %xor3A_2060, %xor3A_2061 : vector<16xi32>
      %xor3A_2065 = arith.xori %xor3A_2062, %xor3A_2063 : vector<16xi32>
      %xor3A_2066 = arith.xori %xor3A_2064, %xor3A_2065 : vector<16xi32>
      %xor3A_2067 = arith.xori %xor3A_2066, %get3A_125 : vector<16xi32>
      %and3A_2068 = arith.andi %xor3A_2067, %broadcast_in_dim3A_110 : vector<16xi32>
      %xor3A_2069 = arith.xori %xor3A_2066, %get3A_129 : vector<16xi32>
      %and3A_2070 = arith.andi %xor3A_2069, %broadcast_in_dim3A_110 : vector<16xi32>
      %xor3A_2071 = arith.xori %xor3A_2066, %get3A_133 : vector<16xi32>
      %and3A_2072 = arith.andi %xor3A_2071, %broadcast_in_dim3A_110 : vector<16xi32>
      %xor3A_2073 = arith.xori %xor3A_2066, %get3A_137 : vector<16xi32>
      %and3A_2074 = arith.andi %xor3A_2073, %broadcast_in_dim3A_110 : vector<16xi32>
      %min3A_2075 = arith.minsi %and3A_2068, %and3A_2070 : vector<16xi32>
      %max3A = arith.maxsi %and3A_2068, %and3A_2070 : vector<16xi32>
      %min3A_2076 = arith.minsi %and3A_2072, %and3A_2074 : vector<16xi32>
      %max3A_2077 = arith.maxsi %and3A_2072, %and3A_2074 : vector<16xi32>
      %min3A_2078 = arith.minsi %min3A_2075, %min3A_2076 : vector<16xi32>
      %max3A_2079 = arith.maxsi %min3A_2075, %min3A_2076 : vector<16xi32>
      %min3A_2080 = arith.minsi %max3A, %max3A_2077 : vector<16xi32>
      %min3A_2081 = arith.minsi %max3A_2079, %min3A_2080 : vector<16xi32>
      %swap3A_2082 = arith.constant 0 : i64
      %swap3A_2083 = arith.index_cast %swap3A_2082 : i64 to index
      %swap3A_2084 = arith.index_cast %mul3A_958 : i32 to index
      %swap3A_2085 = tpu.vector_load %arg9[%swap3A_2083, %swap3A_2084] {strides = array<i32>} : memref<2x1024xi32, #tpu.memory_space<vmem>>, vector<16xi32>,
      tpu.vector_store %arg9[%swap3A_2083, %swap3A_2084], %min3A_2078 {strides = array<i32>} : memref<2x1024xi32, #tpu.memory_space<vmem>>, vector<16xi32>,
      %swap3A_2086 = arith.constant 1 : i64
      %swap3A_2087 = arith.index_cast %swap3A_2086 : i64 to index
      %swap3A_2088 = arith.index_cast %mul3A_958 : i32 to index
      %swap3A_2089 = tpu.vector_load %arg9[%swap3A_2087, %swap3A_2088] {strides = array<i32>} : memref<2x1024xi32, #tpu.memory_space<vmem>>, vector<16xi32>,
      tpu.vector_store %arg9[%swap3A_2087, %swap3A_2088], %min3A_2081 {strides = array<i32>} : memref<2x1024xi32, #tpu.memory_space<vmem>>, vector<16xi32>,
      %shift_right_arithmetic3A_2090 = arith.constant 3 : i32
      %shift_right_arithmetic3A_2091 = vector.broadcast %shift_right_arithmetic3A_2090 : i32 to vector<16xi32>
      %shift_right_arithmetic3A_2092 = arith.shrsi %min3A_2078, %shift_right_arithmetic3A_2091 : vector<16xi32>
      %and3A_2093 = arith.andi %min3A_2078, %broadcast_in_dim3A_139 : vector<16xi32>
      tpu.vector_store_idx %arg11[%shift_right_arithmetic3A_2092, %and3A_2093, %iota3A], %broadcast_in_dim3A_108 : memref<8x8x16xf32, #tpu.memory_space<vmem>>[vector<16xi32>, vector<16xi32>, vector<16xi32>], vector<16xf32>,
      %shift_right_arithmetic3A_2094 = arith.constant 3 : i32
      %shift_right_arithmetic3A_2095 = vector.broadcast %shift_right_arithmetic3A_2094 : i32 to vector<16xi32>
      %shift_right_arithmetic3A_2096 = arith.shrsi %min3A_2081, %shift_right_arithmetic3A_2095 : vector<16xi32>
      %and3A_2097 = arith.andi %min3A_2081, %broadcast_in_dim3A_139 : vector<16xi32>
      tpu.vector_store_idx %arg11[%shift_right_arithmetic3A_2096, %and3A_2097, %iota3A], %broadcast_in_dim3A_108 : memref<8x8x16xf32, #tpu.memory_space<vmem>>[vector<16xi32>, vector<16xi32>, vector<16xi32>], vector<16xf32>,
      %add3A_2098 = arith.addi %mul3A_2, %mul3A_958 : i32
      %shift_right_arithmetic3A_2099 = arith.constant 7 : i32
      %shift_right_arithmetic3A_2100 = arith.shrsi %add3A_2098, %shift_right_arithmetic3A_2099 : i32
      %and3A_2101 = arith.constant 127 : i32
      %and3A_2102 = arith.andi %add3A_2098, %and3A_2101 : i32
      %multiple_of3A = tpu.assume_multiple %and3A_2102, 16 : i32
      %dma_start3A_2103 = arith.constant 0 : i32
      %dma_start3A_2104 = arith.constant 0 : i32
      %dma_start3A_2105 = tpu.memref_slice %arg5[%dma_start3A_2103, %shift_right_arithmetic3A_2100, %dma_start3A_2104, %multiple_of3A] : memref<8x256x8x128xf32, #tpu.memory_space<hbm>> -> memref<8x1x8x16xf32, #tpu.memory_space<hbm>>
      %dma_start3A_2106 = tpu.memref_squeeze %dma_start3A_2105 : memref<8x1x8x16xf32, #tpu.memory_space<hbm>> -> memref<8x8x16xf32, #tpu.memory_space<hbm>>
      %dma_start3A_2107 = arith.constant 0 : i32
      %dma_start3A_2108 = arith.constant 0 : i32
      %dma_start3A_2109 = tpu.memref_slice %arg5[%dma_start3A_2107, %shift_right_arithmetic3A_2100, %dma_start3A_2108, %multiple_of3A] : memref<8x256x8x128xf32, #tpu.memory_space<hbm>> -> memref<8x1x8x16xf32, #tpu.memory_space<hbm>>
      %dma_start3A_2110 = tpu.memref_squeeze %dma_start3A_2109 : memref<8x1x8x16xf32, #tpu.memory_space<hbm>> -> memref<8x8x16xf32, #tpu.memory_space<hbm>>
      tpu.enqueue_dma source(%arg11 : memref<8x8x16xf32, #tpu.memory_space<vmem>>) target(%dma_start3A_2110 : memref<8x8x16xf32, #tpu.memory_space<hbm>>) target_semaphore(%arg13 : memref<!tpu.dma_semaphore, #tpu.memory_space<semaphore_mem>>)
      %mul3A_2111 = arith.constant 2 : i32
      %mul3A_2112 = arith.muli %scan3A_936, %mul3A_2111 : i32
      %add3A_2113 = arith.constant 1 : i32
      %add3A_2114 = arith.addi %mul3A_2112, %add3A_2113 : i32
      %mul3A_2115 = arith.constant 16 : i32
      %mul3A_2116 = arith.muli %add3A_2114, %mul3A_2115 : i32
      %gt3A_2117 = arith.constant 0 : i32
      %gt3A_2118 = arith.cmpi sgt, %scan3A_936, %gt3A_2117 : i32
      %convert_element_type3A_2119 = arith.extui %gt3A_2118 : i1 to i32
      %cond3A_2120 = arith.constant 0 : i32
      %cond3A_2121 = arith.cmpi ne, %convert_element_type3A_2119, %cond3A_2120 : i32
      scf.if %cond3A_2121 {
        %dma_wait3A_3283 = arith.constant 0 : i32
        %dma_wait3A_3284 = arith.constant 0 : i32
        %dma_wait3A_3285 = arith.constant 0 : i32
        %dma_wait3A_3286 = arith.constant 0 : i32
        %dma_wait3A_3287 = tpu.memref_slice %arg5[%dma_wait3A_3284, %dma_wait3A_3283, %dma_wait3A_3285, %dma_wait3A_3286] : memref<8x256x8x128xf32, #tpu.memory_space<hbm>> -> memref<8x1x8x16xf32, #tpu.memory_space<hbm>>
        %dma_wait3A_3288 = tpu.memref_squeeze %dma_wait3A_3287 : memref<8x1x8x16xf32, #tpu.memory_space<hbm>> -> memref<8x8x16xf32, #tpu.memory_space<hbm>>
        %dma_wait3A_3289 = arith.constant 0 : i32
        %dma_wait3A_3290 = arith.constant 0 : i32
        %dma_wait3A_3291 = arith.constant 0 : i32
        %dma_wait3A_3292 = tpu.memref_slice %arg5[%dma_wait3A_3289, %dma_wait3A_3283, %dma_wait3A_3290, %dma_wait3A_3291] : memref<8x256x8x128xf32, #tpu.memory_space<hbm>> -> memref<8x1x8x16xf32, #tpu.memory_space<hbm>>
        %dma_wait3A_3293 = tpu.memref_squeeze %dma_wait3A_3292 : memref<8x1x8x16xf32, #tpu.memory_space<hbm>> -> memref<8x8x16xf32, #tpu.memory_space<hbm>>
        tpu.wait_dma2 semaphore(%arg14 : memref<!tpu.dma_semaphore, #tpu.memory_space<semaphore_mem>>) src(%arg12 : memref<8x8x16xf32, #tpu.memory_space<vmem>>) dst(%dma_wait3A_3293 : memref<8x8x16xf32, #tpu.memory_space<hbm>>)
      } else {
      }
      %shift_right_arithmetic3A_2122 = arith.constant 3 : i32
      %shift_right_arithmetic3A_2123 = vector.broadcast %shift_right_arithmetic3A_2122 : i32 to vector<16xi32>
      %shift_right_arithmetic3A_2124 = arith.shrsi %scan3A_939, %shift_right_arithmetic3A_2123 : vector<16xi32>
      %and3A_2125 = arith.andi %scan3A_939, %broadcast_in_dim3A_139 : vector<16xi32>
      tpu.vector_store_idx %arg12[%shift_right_arithmetic3A_2124, %and3A_2125, %iota3A], %broadcast_in_dim3A_98 : memref<8x8x16xf32, #tpu.memory_space<vmem>>[vector<16xi32>, vector<16xi32>, vector<16xi32>], vector<16xf32>,
      %shift_right_arithmetic3A_2126 = arith.constant 3 : i32
      %shift_right_arithmetic3A_2127 = vector.broadcast %shift_right_arithmetic3A_2126 : i32 to vector<16xi32>
      %shift_right_arithmetic3A_2128 = arith.shrsi %scan3A_940, %shift_right_arithmetic3A_2127 : vector<16xi32>
      %and3A_2129 = arith.andi %scan3A_940, %broadcast_in_dim3A_139 : vector<16xi32>
      tpu.vector_store_idx %arg12[%shift_right_arithmetic3A_2128, %and3A_2129, %iota3A], %broadcast_in_dim3A_98 : memref<8x8x16xf32, #tpu.memory_space<vmem>>[vector<16xi32>, vector<16xi32>, vector<16xi32>], vector<16xf32>,
      %mul3A_2130 = arith.constant 2 : i32
      %mul3A_2131 = arith.muli %add3A_2114, %mul3A_2130 : i32
      %add3A_2132 = arith.constant 0 : i32
      %add3A_2133 = arith.addi %mul3A_2131, %add3A_2132 : i32
      %get3A_2134 = arith.constant 0 : i64
      %get3A_2135 = arith.index_cast %add3A_2133 : i32 to index
      %get3A_2136 = arith.index_cast %get3A_2134 : i64 to index
      %get3A_2137 = arith.constant 0 : index
      %get3A_2138 = tpu.vector_load %arg6[%get3A_2135, %get3A_2136, %get3A_2137] {strides = array<i32>} : memref<128x8x64xf32, #tpu.memory_space<vmem>>, vector<16xf32>,
      %abs3A_2139 = math.absf %get3A_2138 : vector<16xf32>
      %min3A_2140 = arith.minimumf %abs3A_2139, %broadcast_in_dim3A_100 : vector<16xf32>
      %convert_element_type3A_2141 = arith.fptosi %min3A_2140 : vector<16xf32> to vector<16xi32>
      %lt3A_2142 = arith.cmpf olt, %get3A_2138, %broadcast_in_dim3A_98 : vector<16xf32>
      %gt3A_2143 = arith.cmpf ogt, %get3A_2138, %broadcast_in_dim3A_98 : vector<16xf32>
      %select_n3A_2144 = arith.select %gt3A_2143, %broadcast_in_dim3A_104, %broadcast_in_dim3A_106 : vector<16xi1>, vector<16xi32>
      %select_n3A_2145 = arith.select %lt3A_2142, %broadcast_in_dim3A_102, %select_n3A_2144 : vector<16xi1>, vector<16xi32>
      %or3A_2146 = arith.ori %select_n3A_2145, %convert_element_type3A_2141 : vector<16xi32>
      %mul3A_2147 = arith.muli %or3A_2146, %add3A_113 : vector<16xi32>
      %get3A_2148 = arith.constant 0 : i64
      %get3A_2149 = arith.index_cast %add3A_2133 : i32 to index
      %get3A_2150 = arith.index_cast %get3A_2148 : i64 to index
      %get3A_2151 = arith.constant 16 : index
      %get3A_2152 = tpu.vector_load %arg6[%get3A_2149, %get3A_2150, %get3A_2151] {strides = array<i32>} : memref<128x8x64xf32, #tpu.memory_space<vmem>>, vector<16xf32>,
      %abs3A_2153 = math.absf %get3A_2152 : vector<16xf32>
      %min3A_2154 = arith.minimumf %abs3A_2153, %broadcast_in_dim3A_100 : vector<16xf32>
      %convert_element_type3A_2155 = arith.fptosi %min3A_2154 : vector<16xf32> to vector<16xi32>
      %lt3A_2156 = arith.cmpf olt, %get3A_2152, %broadcast_in_dim3A_98 : vector<16xf32>
      %gt3A_2157 = arith.cmpf ogt, %get3A_2152, %broadcast_in_dim3A_98 : vector<16xf32>
      %select_n3A_2158 = arith.select %gt3A_2157, %broadcast_in_dim3A_104, %broadcast_in_dim3A_106 : vector<16xi1>, vector<16xi32>
      %select_n3A_2159 = arith.select %lt3A_2156, %broadcast_in_dim3A_102, %select_n3A_2158 : vector<16xi1>, vector<16xi32>
      %or3A_2160 = arith.ori %select_n3A_2159, %convert_element_type3A_2155 : vector<16xi32>
      %mul3A_2161 = arith.muli %or3A_2160, %add3A_116 : vector<16xi32>
      %xor3A_2162 = arith.xori %mul3A_2147, %mul3A_2161 : vector<16xi32>
      %get3A_2163 = arith.constant 0 : i64
      %get3A_2164 = arith.index_cast %add3A_2133 : i32 to index
      %get3A_2165 = arith.index_cast %get3A_2163 : i64 to index
      %get3A_2166 = arith.constant 32 : index
      %get3A_2167 = tpu.vector_load %arg6[%get3A_2164, %get3A_2165, %get3A_2166] {strides = array<i32>} : memref<128x8x64xf32, #tpu.memory_space<vmem>>, vector<16xf32>,
      %abs3A_2168 = math.absf %get3A_2167 : vector<16xf32>
      %min3A_2169 = arith.minimumf %abs3A_2168, %broadcast_in_dim3A_100 : vector<16xf32>
      %convert_element_type3A_2170 = arith.fptosi %min3A_2169 : vector<16xf32> to vector<16xi32>
      %lt3A_2171 = arith.cmpf olt, %get3A_2167, %broadcast_in_dim3A_98 : vector<16xf32>
      %gt3A_2172 = arith.cmpf ogt, %get3A_2167, %broadcast_in_dim3A_98 : vector<16xf32>
      %select_n3A_2173 = arith.select %gt3A_2172, %broadcast_in_dim3A_104, %broadcast_in_dim3A_106 : vector<16xi1>, vector<16xi32>
      %select_n3A_2174 = arith.select %lt3A_2171, %broadcast_in_dim3A_102, %select_n3A_2173 : vector<16xi1>, vector<16xi32>
      %or3A_2175 = arith.ori %select_n3A_2174, %convert_element_type3A_2170 : vector<16xi32>
      %mul3A_2176 = arith.muli %or3A_2175, %add3A_119 : vector<16xi32>
      %xor3A_2177 = arith.xori %xor3A_2162, %mul3A_2176 : vector<16xi32>
      %get3A_2178 = arith.constant 0 : i64
      %get3A_2179 = arith.index_cast %add3A_2133 : i32 to index
      %get3A_2180 = arith.index_cast %get3A_2178 : i64 to index
      %get3A_2181 = arith.constant 48 : index
      %get3A_2182 = tpu.vector_load %arg6[%get3A_2179, %get3A_2180, %get3A_2181] {strides = array<i32>} : memref<128x8x64xf32, #tpu.memory_space<vmem>>, vector<16xf32>,
      %abs3A_2183 = math.absf %get3A_2182 : vector<16xf32>
      %min3A_2184 = arith.minimumf %abs3A_2183, %broadcast_in_dim3A_100 : vector<16xf32>
      %convert_element_type3A_2185 = arith.fptosi %min3A_2184 : vector<16xf32> to vector<16xi32>
      %lt3A_2186 = arith.cmpf olt, %get3A_2182, %broadcast_in_dim3A_98 : vector<16xf32>
      %gt3A_2187 = arith.cmpf ogt, %get3A_2182, %broadcast_in_dim3A_98 : vector<16xf32>
      %select_n3A_2188 = arith.select %gt3A_2187, %broadcast_in_dim3A_104, %broadcast_in_dim3A_106 : vector<16xi1>, vector<16xi32>
      %select_n3A_2189 = arith.select %lt3A_2186, %broadcast_in_dim3A_102, %select_n3A_2188 : vector<16xi1>, vector<16xi32>
      %or3A_2190 = arith.ori %select_n3A_2189, %convert_element_type3A_2185 : vector<16xi32>
      %mul3A_2191 = arith.muli %or3A_2190, %add3A_122 : vector<16xi32>
      %xor3A_2192 = arith.xori %xor3A_2177, %mul3A_2191 : vector<16xi32>
      %swap3A_2193 = arith.constant 0 : i64
      %swap3A_2194 = arith.index_cast %swap3A_2193 : i64 to index
      %swap3A_2195 = arith.constant 0 : index
      %swap3A_2196 = tpu.vector_load %arg8[%swap3A_2194, %swap3A_2195] {strides = array<i32>} : memref<16x17xi32, #tpu.memory_space<vmem>>, vector<16xi32>,
      tpu.vector_store %arg8[%swap3A_2194, %swap3A_2195], %xor3A_2192 {strides = array<i32>} : memref<16x17xi32, #tpu.memory_space<vmem>>, vector<16xi32>,
      %add3A_2197 = arith.constant 0 : i32
      %add3A_2198 = arith.addi %mul3A_2131, %add3A_2197 : i32
      %get3A_2199 = arith.constant 1 : i64
      %get3A_2200 = arith.index_cast %add3A_2198 : i32 to index
      %get3A_2201 = arith.index_cast %get3A_2199 : i64 to index
      %get3A_2202 = arith.constant 0 : index
      %get3A_2203 = tpu.vector_load %arg6[%get3A_2200, %get3A_2201, %get3A_2202] {strides = array<i32>} : memref<128x8x64xf32, #tpu.memory_space<vmem>>, vector<16xf32>,
      %abs3A_2204 = math.absf %get3A_2203 : vector<16xf32>
      %min3A_2205 = arith.minimumf %abs3A_2204, %broadcast_in_dim3A_100 : vector<16xf32>
      %convert_element_type3A_2206 = arith.fptosi %min3A_2205 : vector<16xf32> to vector<16xi32>
      %lt3A_2207 = arith.cmpf olt, %get3A_2203, %broadcast_in_dim3A_98 : vector<16xf32>
      %gt3A_2208 = arith.cmpf ogt, %get3A_2203, %broadcast_in_dim3A_98 : vector<16xf32>
      %select_n3A_2209 = arith.select %gt3A_2208, %broadcast_in_dim3A_104, %broadcast_in_dim3A_106 : vector<16xi1>, vector<16xi32>
      %select_n3A_2210 = arith.select %lt3A_2207, %broadcast_in_dim3A_102, %select_n3A_2209 : vector<16xi1>, vector<16xi32>
      %or3A_2211 = arith.ori %select_n3A_2210, %convert_element_type3A_2206 : vector<16xi32>
      %mul3A_2212 = arith.muli %or3A_2211, %add3A_113 : vector<16xi32>
      %get3A_2213 = arith.constant 1 : i64
      %get3A_2214 = arith.index_cast %add3A_2198 : i32 to index
      %get3A_2215 = arith.index_cast %get3A_2213 : i64 to index
      %get3A_2216 = arith.constant 16 : index
      %get3A_2217 = tpu.vector_load %arg6[%get3A_2214, %get3A_2215, %get3A_2216] {strides = array<i32>} : memref<128x8x64xf32, #tpu.memory_space<vmem>>, vector<16xf32>,
      %abs3A_2218 = math.absf %get3A_2217 : vector<16xf32>
      %min3A_2219 = arith.minimumf %abs3A_2218, %broadcast_in_dim3A_100 : vector<16xf32>
      %convert_element_type3A_2220 = arith.fptosi %min3A_2219 : vector<16xf32> to vector<16xi32>
      %lt3A_2221 = arith.cmpf olt, %get3A_2217, %broadcast_in_dim3A_98 : vector<16xf32>
      %gt3A_2222 = arith.cmpf ogt, %get3A_2217, %broadcast_in_dim3A_98 : vector<16xf32>
      %select_n3A_2223 = arith.select %gt3A_2222, %broadcast_in_dim3A_104, %broadcast_in_dim3A_106 : vector<16xi1>, vector<16xi32>
      %select_n3A_2224 = arith.select %lt3A_2221, %broadcast_in_dim3A_102, %select_n3A_2223 : vector<16xi1>, vector<16xi32>
      %or3A_2225 = arith.ori %select_n3A_2224, %convert_element_type3A_2220 : vector<16xi32>
      %mul3A_2226 = arith.muli %or3A_2225, %add3A_116 : vector<16xi32>
      %xor3A_2227 = arith.xori %mul3A_2212, %mul3A_2226 : vector<16xi32>
      %get3A_2228 = arith.constant 1 : i64
      %get3A_2229 = arith.index_cast %add3A_2198 : i32 to index
      %get3A_2230 = arith.index_cast %get3A_2228 : i64 to index
      %get3A_2231 = arith.constant 32 : index
      %get3A_2232 = tpu.vector_load %arg6[%get3A_2229, %get3A_2230, %get3A_2231] {strides = array<i32>} : memref<128x8x64xf32, #tpu.memory_space<vmem>>, vector<16xf32>,
      %abs3A_2233 = math.absf %get3A_2232 : vector<16xf32>
      %min3A_2234 = arith.minimumf %abs3A_2233, %broadcast_in_dim3A_100 : vector<16xf32>
      %convert_element_type3A_2235 = arith.fptosi %min3A_2234 : vector<16xf32> to vector<16xi32>
      %lt3A_2236 = arith.cmpf olt, %get3A_2232, %broadcast_in_dim3A_98 : vector<16xf32>
      %gt3A_2237 = arith.cmpf ogt, %get3A_2232, %broadcast_in_dim3A_98 : vector<16xf32>
      %select_n3A_2238 = arith.select %gt3A_2237, %broadcast_in_dim3A_104, %broadcast_in_dim3A_106 : vector<16xi1>, vector<16xi32>
      %select_n3A_2239 = arith.select %lt3A_2236, %broadcast_in_dim3A_102, %select_n3A_2238 : vector<16xi1>, vector<16xi32>
      %or3A_2240 = arith.ori %select_n3A_2239, %convert_element_type3A_2235 : vector<16xi32>
      %mul3A_2241 = arith.muli %or3A_2240, %add3A_119 : vector<16xi32>
      %xor3A_2242 = arith.xori %xor3A_2227, %mul3A_2241 : vector<16xi32>
      %get3A_2243 = arith.constant 1 : i64
      %get3A_2244 = arith.index_cast %add3A_2198 : i32 to index
      %get3A_2245 = arith.index_cast %get3A_2243 : i64 to index
      %get3A_2246 = arith.constant 48 : index
      %get3A_2247 = tpu.vector_load %arg6[%get3A_2244, %get3A_2245, %get3A_2246] {strides = array<i32>} : memref<128x8x64xf32, #tpu.memory_space<vmem>>, vector<16xf32>,
      %abs3A_2248 = math.absf %get3A_2247 : vector<16xf32>
      %min3A_2249 = arith.minimumf %abs3A_2248, %broadcast_in_dim3A_100 : vector<16xf32>
      %convert_element_type3A_2250 = arith.fptosi %min3A_2249 : vector<16xf32> to vector<16xi32>
      %lt3A_2251 = arith.cmpf olt, %get3A_2247, %broadcast_in_dim3A_98 : vector<16xf32>
      %gt3A_2252 = arith.cmpf ogt, %get3A_2247, %broadcast_in_dim3A_98 : vector<16xf32>
      %select_n3A_2253 = arith.select %gt3A_2252, %broadcast_in_dim3A_104, %broadcast_in_dim3A_106 : vector<16xi1>, vector<16xi32>
      %select_n3A_2254 = arith.select %lt3A_2251, %broadcast_in_dim3A_102, %select_n3A_2253 : vector<16xi1>, vector<16xi32>
      %or3A_2255 = arith.ori %select_n3A_2254, %convert_element_type3A_2250 : vector<16xi32>
      %mul3A_2256 = arith.muli %or3A_2255, %add3A_122 : vector<16xi32>
      %xor3A_2257 = arith.xori %xor3A_2242, %mul3A_2256 : vector<16xi32>
      %swap3A_2258 = arith.constant 1 : i64
      %swap3A_2259 = arith.index_cast %swap3A_2258 : i64 to index
      %swap3A_2260 = arith.constant 0 : index
      %swap3A_2261 = tpu.vector_load %arg8[%swap3A_2259, %swap3A_2260] {strides = array<i32>} : memref<16x17xi32, #tpu.memory_space<vmem>>, vector<16xi32>,
      tpu.vector_store %arg8[%swap3A_2259, %swap3A_2260], %xor3A_2257 {strides = array<i32>} : memref<16x17xi32, #tpu.memory_space<vmem>>, vector<16xi32>,
      %add3A_2262 = arith.constant 0 : i32
      %add3A_2263 = arith.addi %mul3A_2131, %add3A_2262 : i32
      %get3A_2264 = arith.constant 2 : i64
      %get3A_2265 = arith.index_cast %add3A_2263 : i32 to index
      %get3A_2266 = arith.index_cast %get3A_2264 : i64 to index
      %get3A_2267 = arith.constant 0 : index
      %get3A_2268 = tpu.vector_load %arg6[%get3A_2265, %get3A_2266, %get3A_2267] {strides = array<i32>} : memref<128x8x64xf32, #tpu.memory_space<vmem>>, vector<16xf32>,
      %abs3A_2269 = math.absf %get3A_2268 : vector<16xf32>
      %min3A_2270 = arith.minimumf %abs3A_2269, %broadcast_in_dim3A_100 : vector<16xf32>
      %convert_element_type3A_2271 = arith.fptosi %min3A_2270 : vector<16xf32> to vector<16xi32>
      %lt3A_2272 = arith.cmpf olt, %get3A_2268, %broadcast_in_dim3A_98 : vector<16xf32>
      %gt3A_2273 = arith.cmpf ogt, %get3A_2268, %broadcast_in_dim3A_98 : vector<16xf32>
      %select_n3A_2274 = arith.select %gt3A_2273, %broadcast_in_dim3A_104, %broadcast_in_dim3A_106 : vector<16xi1>, vector<16xi32>
      %select_n3A_2275 = arith.select %lt3A_2272, %broadcast_in_dim3A_102, %select_n3A_2274 : vector<16xi1>, vector<16xi32>
      %or3A_2276 = arith.ori %select_n3A_2275, %convert_element_type3A_2271 : vector<16xi32>
      %mul3A_2277 = arith.muli %or3A_2276, %add3A_113 : vector<16xi32>
      %get3A_2278 = arith.constant 2 : i64
      %get3A_2279 = arith.index_cast %add3A_2263 : i32 to index
      %get3A_2280 = arith.index_cast %get3A_2278 : i64 to index
      %get3A_2281 = arith.constant 16 : index
      %get3A_2282 = tpu.vector_load %arg6[%get3A_2279, %get3A_2280, %get3A_2281] {strides = array<i32>} : memref<128x8x64xf32, #tpu.memory_space<vmem>>, vector<16xf32>,
      %abs3A_2283 = math.absf %get3A_2282 : vector<16xf32>
      %min3A_2284 = arith.minimumf %abs3A_2283, %broadcast_in_dim3A_100 : vector<16xf32>
      %convert_element_type3A_2285 = arith.fptosi %min3A_2284 : vector<16xf32> to vector<16xi32>
      %lt3A_2286 = arith.cmpf olt, %get3A_2282, %broadcast_in_dim3A_98 : vector<16xf32>
      %gt3A_2287 = arith.cmpf ogt, %get3A_2282, %broadcast_in_dim3A_98 : vector<16xf32>
      %select_n3A_2288 = arith.select %gt3A_2287, %broadcast_in_dim3A_104, %broadcast_in_dim3A_106 : vector<16xi1>, vector<16xi32>
      %select_n3A_2289 = arith.select %lt3A_2286, %broadcast_in_dim3A_102, %select_n3A_2288 : vector<16xi1>, vector<16xi32>
      %or3A_2290 = arith.ori %select_n3A_2289, %convert_element_type3A_2285 : vector<16xi32>
      %mul3A_2291 = arith.muli %or3A_2290, %add3A_116 : vector<16xi32>
      %xor3A_2292 = arith.xori %mul3A_2277, %mul3A_2291 : vector<16xi32>
      %get3A_2293 = arith.constant 2 : i64
      %get3A_2294 = arith.index_cast %add3A_2263 : i32 to index
      %get3A_2295 = arith.index_cast %get3A_2293 : i64 to index
      %get3A_2296 = arith.constant 32 : index
      %get3A_2297 = tpu.vector_load %arg6[%get3A_2294, %get3A_2295, %get3A_2296] {strides = array<i32>} : memref<128x8x64xf32, #tpu.memory_space<vmem>>, vector<16xf32>,
      %abs3A_2298 = math.absf %get3A_2297 : vector<16xf32>
      %min3A_2299 = arith.minimumf %abs3A_2298, %broadcast_in_dim3A_100 : vector<16xf32>
      %convert_element_type3A_2300 = arith.fptosi %min3A_2299 : vector<16xf32> to vector<16xi32>
      %lt3A_2301 = arith.cmpf olt, %get3A_2297, %broadcast_in_dim3A_98 : vector<16xf32>
      %gt3A_2302 = arith.cmpf ogt, %get3A_2297, %broadcast_in_dim3A_98 : vector<16xf32>
      %select_n3A_2303 = arith.select %gt3A_2302, %broadcast_in_dim3A_104, %broadcast_in_dim3A_106 : vector<16xi1>, vector<16xi32>
      %select_n3A_2304 = arith.select %lt3A_2301, %broadcast_in_dim3A_102, %select_n3A_2303 : vector<16xi1>, vector<16xi32>
      %or3A_2305 = arith.ori %select_n3A_2304, %convert_element_type3A_2300 : vector<16xi32>
      %mul3A_2306 = arith.muli %or3A_2305, %add3A_119 : vector<16xi32>
      %xor3A_2307 = arith.xori %xor3A_2292, %mul3A_2306 : vector<16xi32>
      %get3A_2308 = arith.constant 2 : i64
      %get3A_2309 = arith.index_cast %add3A_2263 : i32 to index
      %get3A_2310 = arith.index_cast %get3A_2308 : i64 to index
      %get3A_2311 = arith.constant 48 : index
      %get3A_2312 = tpu.vector_load %arg6[%get3A_2309, %get3A_2310, %get3A_2311] {strides = array<i32>} : memref<128x8x64xf32, #tpu.memory_space<vmem>>, vector<16xf32>,
      %abs3A_2313 = math.absf %get3A_2312 : vector<16xf32>
      %min3A_2314 = arith.minimumf %abs3A_2313, %broadcast_in_dim3A_100 : vector<16xf32>
      %convert_element_type3A_2315 = arith.fptosi %min3A_2314 : vector<16xf32> to vector<16xi32>
      %lt3A_2316 = arith.cmpf olt, %get3A_2312, %broadcast_in_dim3A_98 : vector<16xf32>
      %gt3A_2317 = arith.cmpf ogt, %get3A_2312, %broadcast_in_dim3A_98 : vector<16xf32>
      %select_n3A_2318 = arith.select %gt3A_2317, %broadcast_in_dim3A_104, %broadcast_in_dim3A_106 : vector<16xi1>, vector<16xi32>
      %select_n3A_2319 = arith.select %lt3A_2316, %broadcast_in_dim3A_102, %select_n3A_2318 : vector<16xi1>, vector<16xi32>
      %or3A_2320 = arith.ori %select_n3A_2319, %convert_element_type3A_2315 : vector<16xi32>
      %mul3A_2321 = arith.muli %or3A_2320, %add3A_122 : vector<16xi32>
      %xor3A_2322 = arith.xori %xor3A_2307, %mul3A_2321 : vector<16xi32>
      %swap3A_2323 = arith.constant 2 : i64
      %swap3A_2324 = arith.index_cast %swap3A_2323 : i64 to index
      %swap3A_2325 = arith.constant 0 : index
      %swap3A_2326 = tpu.vector_load %arg8[%swap3A_2324, %swap3A_2325] {strides = array<i32>} : memref<16x17xi32, #tpu.memory_space<vmem>>, vector<16xi32>,
      tpu.vector_store %arg8[%swap3A_2324, %swap3A_2325], %xor3A_2322 {strides = array<i32>} : memref<16x17xi32, #tpu.memory_space<vmem>>, vector<16xi32>,
      %add3A_2327 = arith.constant 0 : i32
      %add3A_2328 = arith.addi %mul3A_2131, %add3A_2327 : i32
      %get3A_2329 = arith.constant 3 : i64
      %get3A_2330 = arith.index_cast %add3A_2328 : i32 to index
      %get3A_2331 = arith.index_cast %get3A_2329 : i64 to index
      %get3A_2332 = arith.constant 0 : index
      %get3A_2333 = tpu.vector_load %arg6[%get3A_2330, %get3A_2331, %get3A_2332] {strides = array<i32>} : memref<128x8x64xf32, #tpu.memory_space<vmem>>, vector<16xf32>,
      %abs3A_2334 = math.absf %get3A_2333 : vector<16xf32>
      %min3A_2335 = arith.minimumf %abs3A_2334, %broadcast_in_dim3A_100 : vector<16xf32>
      %convert_element_type3A_2336 = arith.fptosi %min3A_2335 : vector<16xf32> to vector<16xi32>
      %lt3A_2337 = arith.cmpf olt, %get3A_2333, %broadcast_in_dim3A_98 : vector<16xf32>
      %gt3A_2338 = arith.cmpf ogt, %get3A_2333, %broadcast_in_dim3A_98 : vector<16xf32>
      %select_n3A_2339 = arith.select %gt3A_2338, %broadcast_in_dim3A_104, %broadcast_in_dim3A_106 : vector<16xi1>, vector<16xi32>
      %select_n3A_2340 = arith.select %lt3A_2337, %broadcast_in_dim3A_102, %select_n3A_2339 : vector<16xi1>, vector<16xi32>
      %or3A_2341 = arith.ori %select_n3A_2340, %convert_element_type3A_2336 : vector<16xi32>
      %mul3A_2342 = arith.muli %or3A_2341, %add3A_113 : vector<16xi32>
      %get3A_2343 = arith.constant 3 : i64
      %get3A_2344 = arith.index_cast %add3A_2328 : i32 to index
      %get3A_2345 = arith.index_cast %get3A_2343 : i64 to index
      %get3A_2346 = arith.constant 16 : index
      %get3A_2347 = tpu.vector_load %arg6[%get3A_2344, %get3A_2345, %get3A_2346] {strides = array<i32>} : memref<128x8x64xf32, #tpu.memory_space<vmem>>, vector<16xf32>,
      %abs3A_2348 = math.absf %get3A_2347 : vector<16xf32>
      %min3A_2349 = arith.minimumf %abs3A_2348, %broadcast_in_dim3A_100 : vector<16xf32>
      %convert_element_type3A_2350 = arith.fptosi %min3A_2349 : vector<16xf32> to vector<16xi32>
      %lt3A_2351 = arith.cmpf olt, %get3A_2347, %broadcast_in_dim3A_98 : vector<16xf32>
      %gt3A_2352 = arith.cmpf ogt, %get3A_2347, %broadcast_in_dim3A_98 : vector<16xf32>
      %select_n3A_2353 = arith.select %gt3A_2352, %broadcast_in_dim3A_104, %broadcast_in_dim3A_106 : vector<16xi1>, vector<16xi32>
      %select_n3A_2354 = arith.select %lt3A_2351, %broadcast_in_dim3A_102, %select_n3A_2353 : vector<16xi1>, vector<16xi32>
      %or3A_2355 = arith.ori %select_n3A_2354, %convert_element_type3A_2350 : vector<16xi32>
      %mul3A_2356 = arith.muli %or3A_2355, %add3A_116 : vector<16xi32>
      %xor3A_2357 = arith.xori %mul3A_2342, %mul3A_2356 : vector<16xi32>
      %get3A_2358 = arith.constant 3 : i64
      %get3A_2359 = arith.index_cast %add3A_2328 : i32 to index
      %get3A_2360 = arith.index_cast %get3A_2358 : i64 to index
      %get3A_2361 = arith.constant 32 : index
      %get3A_2362 = tpu.vector_load %arg6[%get3A_2359, %get3A_2360, %get3A_2361] {strides = array<i32>} : memref<128x8x64xf32, #tpu.memory_space<vmem>>, vector<16xf32>,
      %abs3A_2363 = math.absf %get3A_2362 : vector<16xf32>
      %min3A_2364 = arith.minimumf %abs3A_2363, %broadcast_in_dim3A_100 : vector<16xf32>
      %convert_element_type3A_2365 = arith.fptosi %min3A_2364 : vector<16xf32> to vector<16xi32>
      %lt3A_2366 = arith.cmpf olt, %get3A_2362, %broadcast_in_dim3A_98 : vector<16xf32>
      %gt3A_2367 = arith.cmpf ogt, %get3A_2362, %broadcast_in_dim3A_98 : vector<16xf32>
      %select_n3A_2368 = arith.select %gt3A_2367, %broadcast_in_dim3A_104, %broadcast_in_dim3A_106 : vector<16xi1>, vector<16xi32>
      %select_n3A_2369 = arith.select %lt3A_2366, %broadcast_in_dim3A_102, %select_n3A_2368 : vector<16xi1>, vector<16xi32>
      %or3A_2370 = arith.ori %select_n3A_2369, %convert_element_type3A_2365 : vector<16xi32>
      %mul3A_2371 = arith.muli %or3A_2370, %add3A_119 : vector<16xi32>
      %xor3A_2372 = arith.xori %xor3A_2357, %mul3A_2371 : vector<16xi32>
      %get3A_2373 = arith.constant 3 : i64
      %get3A_2374 = arith.index_cast %add3A_2328 : i32 to index
      %get3A_2375 = arith.index_cast %get3A_2373 : i64 to index
      %get3A_2376 = arith.constant 48 : index
      %get3A_2377 = tpu.vector_load %arg6[%get3A_2374, %get3A_2375, %get3A_2376] {strides = array<i32>} : memref<128x8x64xf32, #tpu.memory_space<vmem>>, vector<16xf32>,
      %abs3A_2378 = math.absf %get3A_2377 : vector<16xf32>
      %min3A_2379 = arith.minimumf %abs3A_2378, %broadcast_in_dim3A_100 : vector<16xf32>
      %convert_element_type3A_2380 = arith.fptosi %min3A_2379 : vector<16xf32> to vector<16xi32>
      %lt3A_2381 = arith.cmpf olt, %get3A_2377, %broadcast_in_dim3A_98 : vector<16xf32>
      %gt3A_2382 = arith.cmpf ogt, %get3A_2377, %broadcast_in_dim3A_98 : vector<16xf32>
      %select_n3A_2383 = arith.select %gt3A_2382, %broadcast_in_dim3A_104, %broadcast_in_dim3A_106 : vector<16xi1>, vector<16xi32>
      %select_n3A_2384 = arith.select %lt3A_2381, %broadcast_in_dim3A_102, %select_n3A_2383 : vector<16xi1>, vector<16xi32>
      %or3A_2385 = arith.ori %select_n3A_2384, %convert_element_type3A_2380 : vector<16xi32>
      %mul3A_2386 = arith.muli %or3A_2385, %add3A_122 : vector<16xi32>
      %xor3A_2387 = arith.xori %xor3A_2372, %mul3A_2386 : vector<16xi32>
      %swap3A_2388 = arith.constant 3 : i64
      %swap3A_2389 = arith.index_cast %swap3A_2388 : i64 to index
      %swap3A_2390 = arith.constant 0 : index
      %swap3A_2391 = tpu.vector_load %arg8[%swap3A_2389, %swap3A_2390] {strides = array<i32>} : memref<16x17xi32, #tpu.memory_space<vmem>>, vector<16xi32>,
      tpu.vector_store %arg8[%swap3A_2389, %swap3A_2390], %xor3A_2387 {strides = array<i32>} : memref<16x17xi32, #tpu.memory_space<vmem>>, vector<16xi32>,
      %add3A_2392 = arith.constant 0 : i32
      %add3A_2393 = arith.addi %mul3A_2131, %add3A_2392 : i32
      %get3A_2394 = arith.constant 4 : i64
      %get3A_2395 = arith.index_cast %add3A_2393 : i32 to index
      %get3A_2396 = arith.index_cast %get3A_2394 : i64 to index
      %get3A_2397 = arith.constant 0 : index
      %get3A_2398 = tpu.vector_load %arg6[%get3A_2395, %get3A_2396, %get3A_2397] {strides = array<i32>} : memref<128x8x64xf32, #tpu.memory_space<vmem>>, vector<16xf32>,
      %abs3A_2399 = math.absf %get3A_2398 : vector<16xf32>
      %min3A_2400 = arith.minimumf %abs3A_2399, %broadcast_in_dim3A_100 : vector<16xf32>
      %convert_element_type3A_2401 = arith.fptosi %min3A_2400 : vector<16xf32> to vector<16xi32>
      %lt3A_2402 = arith.cmpf olt, %get3A_2398, %broadcast_in_dim3A_98 : vector<16xf32>
      %gt3A_2403 = arith.cmpf ogt, %get3A_2398, %broadcast_in_dim3A_98 : vector<16xf32>
      %select_n3A_2404 = arith.select %gt3A_2403, %broadcast_in_dim3A_104, %broadcast_in_dim3A_106 : vector<16xi1>, vector<16xi32>
      %select_n3A_2405 = arith.select %lt3A_2402, %broadcast_in_dim3A_102, %select_n3A_2404 : vector<16xi1>, vector<16xi32>
      %or3A_2406 = arith.ori %select_n3A_2405, %convert_element_type3A_2401 : vector<16xi32>
      %mul3A_2407 = arith.muli %or3A_2406, %add3A_113 : vector<16xi32>
      %get3A_2408 = arith.constant 4 : i64
      %get3A_2409 = arith.index_cast %add3A_2393 : i32 to index
      %get3A_2410 = arith.index_cast %get3A_2408 : i64 to index
      %get3A_2411 = arith.constant 16 : index
      %get3A_2412 = tpu.vector_load %arg6[%get3A_2409, %get3A_2410, %get3A_2411] {strides = array<i32>} : memref<128x8x64xf32, #tpu.memory_space<vmem>>, vector<16xf32>,
      %abs3A_2413 = math.absf %get3A_2412 : vector<16xf32>
      %min3A_2414 = arith.minimumf %abs3A_2413, %broadcast_in_dim3A_100 : vector<16xf32>
      %convert_element_type3A_2415 = arith.fptosi %min3A_2414 : vector<16xf32> to vector<16xi32>
      %lt3A_2416 = arith.cmpf olt, %get3A_2412, %broadcast_in_dim3A_98 : vector<16xf32>
      %gt3A_2417 = arith.cmpf ogt, %get3A_2412, %broadcast_in_dim3A_98 : vector<16xf32>
      %select_n3A_2418 = arith.select %gt3A_2417, %broadcast_in_dim3A_104, %broadcast_in_dim3A_106 : vector<16xi1>, vector<16xi32>
      %select_n3A_2419 = arith.select %lt3A_2416, %broadcast_in_dim3A_102, %select_n3A_2418 : vector<16xi1>, vector<16xi32>
      %or3A_2420 = arith.ori %select_n3A_2419, %convert_element_type3A_2415 : vector<16xi32>
      %mul3A_2421 = arith.muli %or3A_2420, %add3A_116 : vector<16xi32>
      %xor3A_2422 = arith.xori %mul3A_2407, %mul3A_2421 : vector<16xi32>
      %get3A_2423 = arith.constant 4 : i64
      %get3A_2424 = arith.index_cast %add3A_2393 : i32 to index
      %get3A_2425 = arith.index_cast %get3A_2423 : i64 to index
      %get3A_2426 = arith.constant 32 : index
      %get3A_2427 = tpu.vector_load %arg6[%get3A_2424, %get3A_2425, %get3A_2426] {strides = array<i32>} : memref<128x8x64xf32, #tpu.memory_space<vmem>>, vector<16xf32>,
      %abs3A_2428 = math.absf %get3A_2427 : vector<16xf32>
      %min3A_2429 = arith.minimumf %abs3A_2428, %broadcast_in_dim3A_100 : vector<16xf32>
      %convert_element_type3A_2430 = arith.fptosi %min3A_2429 : vector<16xf32> to vector<16xi32>
      %lt3A_2431 = arith.cmpf olt, %get3A_2427, %broadcast_in_dim3A_98 : vector<16xf32>
      %gt3A_2432 = arith.cmpf ogt, %get3A_2427, %broadcast_in_dim3A_98 : vector<16xf32>
      %select_n3A_2433 = arith.select %gt3A_2432, %broadcast_in_dim3A_104, %broadcast_in_dim3A_106 : vector<16xi1>, vector<16xi32>
      %select_n3A_2434 = arith.select %lt3A_2431, %broadcast_in_dim3A_102, %select_n3A_2433 : vector<16xi1>, vector<16xi32>
      %or3A_2435 = arith.ori %select_n3A_2434, %convert_element_type3A_2430 : vector<16xi32>
      %mul3A_2436 = arith.muli %or3A_2435, %add3A_119 : vector<16xi32>
      %xor3A_2437 = arith.xori %xor3A_2422, %mul3A_2436 : vector<16xi32>
      %get3A_2438 = arith.constant 4 : i64
      %get3A_2439 = arith.index_cast %add3A_2393 : i32 to index
      %get3A_2440 = arith.index_cast %get3A_2438 : i64 to index
      %get3A_2441 = arith.constant 48 : index
      %get3A_2442 = tpu.vector_load %arg6[%get3A_2439, %get3A_2440, %get3A_2441] {strides = array<i32>} : memref<128x8x64xf32, #tpu.memory_space<vmem>>, vector<16xf32>,
      %abs3A_2443 = math.absf %get3A_2442 : vector<16xf32>
      %min3A_2444 = arith.minimumf %abs3A_2443, %broadcast_in_dim3A_100 : vector<16xf32>
      %convert_element_type3A_2445 = arith.fptosi %min3A_2444 : vector<16xf32> to vector<16xi32>
      %lt3A_2446 = arith.cmpf olt, %get3A_2442, %broadcast_in_dim3A_98 : vector<16xf32>
      %gt3A_2447 = arith.cmpf ogt, %get3A_2442, %broadcast_in_dim3A_98 : vector<16xf32>
      %select_n3A_2448 = arith.select %gt3A_2447, %broadcast_in_dim3A_104, %broadcast_in_dim3A_106 : vector<16xi1>, vector<16xi32>
      %select_n3A_2449 = arith.select %lt3A_2446, %broadcast_in_dim3A_102, %select_n3A_2448 : vector<16xi1>, vector<16xi32>
      %or3A_2450 = arith.ori %select_n3A_2449, %convert_element_type3A_2445 : vector<16xi32>
      %mul3A_2451 = arith.muli %or3A_2450, %add3A_122 : vector<16xi32>
      %xor3A_2452 = arith.xori %xor3A_2437, %mul3A_2451 : vector<16xi32>
      %swap3A_2453 = arith.constant 4 : i64
      %swap3A_2454 = arith.index_cast %swap3A_2453 : i64 to index
      %swap3A_2455 = arith.constant 0 : index
      %swap3A_2456 = tpu.vector_load %arg8[%swap3A_2454, %swap3A_2455] {strides = array<i32>} : memref<16x17xi32, #tpu.memory_space<vmem>>, vector<16xi32>,
      tpu.vector_store %arg8[%swap3A_2454, %swap3A_2455], %xor3A_2452 {strides = array<i32>} : memref<16x17xi32, #tpu.memory_space<vmem>>, vector<16xi32>,
      %add3A_2457 = arith.constant 0 : i32
      %add3A_2458 = arith.addi %mul3A_2131, %add3A_2457 : i32
      %get3A_2459 = arith.constant 5 : i64
      %get3A_2460 = arith.index_cast %add3A_2458 : i32 to index
      %get3A_2461 = arith.index_cast %get3A_2459 : i64 to index
      %get3A_2462 = arith.constant 0 : index
      %get3A_2463 = tpu.vector_load %arg6[%get3A_2460, %get3A_2461, %get3A_2462] {strides = array<i32>} : memref<128x8x64xf32, #tpu.memory_space<vmem>>, vector<16xf32>,
      %abs3A_2464 = math.absf %get3A_2463 : vector<16xf32>
      %min3A_2465 = arith.minimumf %abs3A_2464, %broadcast_in_dim3A_100 : vector<16xf32>
      %convert_element_type3A_2466 = arith.fptosi %min3A_2465 : vector<16xf32> to vector<16xi32>
      %lt3A_2467 = arith.cmpf olt, %get3A_2463, %broadcast_in_dim3A_98 : vector<16xf32>
      %gt3A_2468 = arith.cmpf ogt, %get3A_2463, %broadcast_in_dim3A_98 : vector<16xf32>
      %select_n3A_2469 = arith.select %gt3A_2468, %broadcast_in_dim3A_104, %broadcast_in_dim3A_106 : vector<16xi1>, vector<16xi32>
      %select_n3A_2470 = arith.select %lt3A_2467, %broadcast_in_dim3A_102, %select_n3A_2469 : vector<16xi1>, vector<16xi32>
      %or3A_2471 = arith.ori %select_n3A_2470, %convert_element_type3A_2466 : vector<16xi32>
      %mul3A_2472 = arith.muli %or3A_2471, %add3A_113 : vector<16xi32>
      %get3A_2473 = arith.constant 5 : i64
      %get3A_2474 = arith.index_cast %add3A_2458 : i32 to index
      %get3A_2475 = arith.index_cast %get3A_2473 : i64 to index
      %get3A_2476 = arith.constant 16 : index
      %get3A_2477 = tpu.vector_load %arg6[%get3A_2474, %get3A_2475, %get3A_2476] {strides = array<i32>} : memref<128x8x64xf32, #tpu.memory_space<vmem>>, vector<16xf32>,
      %abs3A_2478 = math.absf %get3A_2477 : vector<16xf32>
      %min3A_2479 = arith.minimumf %abs3A_2478, %broadcast_in_dim3A_100 : vector<16xf32>
      %convert_element_type3A_2480 = arith.fptosi %min3A_2479 : vector<16xf32> to vector<16xi32>
      %lt3A_2481 = arith.cmpf olt, %get3A_2477, %broadcast_in_dim3A_98 : vector<16xf32>
      %gt3A_2482 = arith.cmpf ogt, %get3A_2477, %broadcast_in_dim3A_98 : vector<16xf32>
      %select_n3A_2483 = arith.select %gt3A_2482, %broadcast_in_dim3A_104, %broadcast_in_dim3A_106 : vector<16xi1>, vector<16xi32>
      %select_n3A_2484 = arith.select %lt3A_2481, %broadcast_in_dim3A_102, %select_n3A_2483 : vector<16xi1>, vector<16xi32>
      %or3A_2485 = arith.ori %select_n3A_2484, %convert_element_type3A_2480 : vector<16xi32>
      %mul3A_2486 = arith.muli %or3A_2485, %add3A_116 : vector<16xi32>
      %xor3A_2487 = arith.xori %mul3A_2472, %mul3A_2486 : vector<16xi32>
      %get3A_2488 = arith.constant 5 : i64
      %get3A_2489 = arith.index_cast %add3A_2458 : i32 to index
      %get3A_2490 = arith.index_cast %get3A_2488 : i64 to index
      %get3A_2491 = arith.constant 32 : index
      %get3A_2492 = tpu.vector_load %arg6[%get3A_2489, %get3A_2490, %get3A_2491] {strides = array<i32>} : memref<128x8x64xf32, #tpu.memory_space<vmem>>, vector<16xf32>,
      %abs3A_2493 = math.absf %get3A_2492 : vector<16xf32>
      %min3A_2494 = arith.minimumf %abs3A_2493, %broadcast_in_dim3A_100 : vector<16xf32>
      %convert_element_type3A_2495 = arith.fptosi %min3A_2494 : vector<16xf32> to vector<16xi32>
      %lt3A_2496 = arith.cmpf olt, %get3A_2492, %broadcast_in_dim3A_98 : vector<16xf32>
      %gt3A_2497 = arith.cmpf ogt, %get3A_2492, %broadcast_in_dim3A_98 : vector<16xf32>
      %select_n3A_2498 = arith.select %gt3A_2497, %broadcast_in_dim3A_104, %broadcast_in_dim3A_106 : vector<16xi1>, vector<16xi32>
      %select_n3A_2499 = arith.select %lt3A_2496, %broadcast_in_dim3A_102, %select_n3A_2498 : vector<16xi1>, vector<16xi32>
      %or3A_2500 = arith.ori %select_n3A_2499, %convert_element_type3A_2495 : vector<16xi32>
      %mul3A_2501 = arith.muli %or3A_2500, %add3A_119 : vector<16xi32>
      %xor3A_2502 = arith.xori %xor3A_2487, %mul3A_2501 : vector<16xi32>
      %get3A_2503 = arith.constant 5 : i64
      %get3A_2504 = arith.index_cast %add3A_2458 : i32 to index
      %get3A_2505 = arith.index_cast %get3A_2503 : i64 to index
      %get3A_2506 = arith.constant 48 : index
      %get3A_2507 = tpu.vector_load %arg6[%get3A_2504, %get3A_2505, %get3A_2506] {strides = array<i32>} : memref<128x8x64xf32, #tpu.memory_space<vmem>>, vector<16xf32>,
      %abs3A_2508 = math.absf %get3A_2507 : vector<16xf32>
      %min3A_2509 = arith.minimumf %abs3A_2508, %broadcast_in_dim3A_100 : vector<16xf32>
      %convert_element_type3A_2510 = arith.fptosi %min3A_2509 : vector<16xf32> to vector<16xi32>
      %lt3A_2511 = arith.cmpf olt, %get3A_2507, %broadcast_in_dim3A_98 : vector<16xf32>
      %gt3A_2512 = arith.cmpf ogt, %get3A_2507, %broadcast_in_dim3A_98 : vector<16xf32>
      %select_n3A_2513 = arith.select %gt3A_2512, %broadcast_in_dim3A_104, %broadcast_in_dim3A_106 : vector<16xi1>, vector<16xi32>
      %select_n3A_2514 = arith.select %lt3A_2511, %broadcast_in_dim3A_102, %select_n3A_2513 : vector<16xi1>, vector<16xi32>
      %or3A_2515 = arith.ori %select_n3A_2514, %convert_element_type3A_2510 : vector<16xi32>
      %mul3A_2516 = arith.muli %or3A_2515, %add3A_122 : vector<16xi32>
      %xor3A_2517 = arith.xori %xor3A_2502, %mul3A_2516 : vector<16xi32>
      %swap3A_2518 = arith.constant 5 : i64
      %swap3A_2519 = arith.index_cast %swap3A_2518 : i64 to index
      %swap3A_2520 = arith.constant 0 : index
      %swap3A_2521 = tpu.vector_load %arg8[%swap3A_2519, %swap3A_2520] {strides = array<i32>} : memref<16x17xi32, #tpu.memory_space<vmem>>, vector<16xi32>,
      tpu.vector_store %arg8[%swap3A_2519, %swap3A_2520], %xor3A_2517 {strides = array<i32>} : memref<16x17xi32, #tpu.memory_space<vmem>>, vector<16xi32>,
      %add3A_2522 = arith.constant 0 : i32
      %add3A_2523 = arith.addi %mul3A_2131, %add3A_2522 : i32
      %get3A_2524 = arith.constant 6 : i64
      %get3A_2525 = arith.index_cast %add3A_2523 : i32 to index
      %get3A_2526 = arith.index_cast %get3A_2524 : i64 to index
      %get3A_2527 = arith.constant 0 : index
      %get3A_2528 = tpu.vector_load %arg6[%get3A_2525, %get3A_2526, %get3A_2527] {strides = array<i32>} : memref<128x8x64xf32, #tpu.memory_space<vmem>>, vector<16xf32>,
      %abs3A_2529 = math.absf %get3A_2528 : vector<16xf32>
      %min3A_2530 = arith.minimumf %abs3A_2529, %broadcast_in_dim3A_100 : vector<16xf32>
      %convert_element_type3A_2531 = arith.fptosi %min3A_2530 : vector<16xf32> to vector<16xi32>
      %lt3A_2532 = arith.cmpf olt, %get3A_2528, %broadcast_in_dim3A_98 : vector<16xf32>
      %gt3A_2533 = arith.cmpf ogt, %get3A_2528, %broadcast_in_dim3A_98 : vector<16xf32>
      %select_n3A_2534 = arith.select %gt3A_2533, %broadcast_in_dim3A_104, %broadcast_in_dim3A_106 : vector<16xi1>, vector<16xi32>
      %select_n3A_2535 = arith.select %lt3A_2532, %broadcast_in_dim3A_102, %select_n3A_2534 : vector<16xi1>, vector<16xi32>
      %or3A_2536 = arith.ori %select_n3A_2535, %convert_element_type3A_2531 : vector<16xi32>
      %mul3A_2537 = arith.muli %or3A_2536, %add3A_113 : vector<16xi32>
      %get3A_2538 = arith.constant 6 : i64
      %get3A_2539 = arith.index_cast %add3A_2523 : i32 to index
      %get3A_2540 = arith.index_cast %get3A_2538 : i64 to index
      %get3A_2541 = arith.constant 16 : index
      %get3A_2542 = tpu.vector_load %arg6[%get3A_2539, %get3A_2540, %get3A_2541] {strides = array<i32>} : memref<128x8x64xf32, #tpu.memory_space<vmem>>, vector<16xf32>,
      %abs3A_2543 = math.absf %get3A_2542 : vector<16xf32>
      %min3A_2544 = arith.minimumf %abs3A_2543, %broadcast_in_dim3A_100 : vector<16xf32>
      %convert_element_type3A_2545 = arith.fptosi %min3A_2544 : vector<16xf32> to vector<16xi32>
      %lt3A_2546 = arith.cmpf olt, %get3A_2542, %broadcast_in_dim3A_98 : vector<16xf32>
      %gt3A_2547 = arith.cmpf ogt, %get3A_2542, %broadcast_in_dim3A_98 : vector<16xf32>
      %select_n3A_2548 = arith.select %gt3A_2547, %broadcast_in_dim3A_104, %broadcast_in_dim3A_106 : vector<16xi1>, vector<16xi32>
      %select_n3A_2549 = arith.select %lt3A_2546, %broadcast_in_dim3A_102, %select_n3A_2548 : vector<16xi1>, vector<16xi32>
      %or3A_2550 = arith.ori %select_n3A_2549, %convert_element_type3A_2545 : vector<16xi32>
      %mul3A_2551 = arith.muli %or3A_2550, %add3A_116 : vector<16xi32>
      %xor3A_2552 = arith.xori %mul3A_2537, %mul3A_2551 : vector<16xi32>
      %get3A_2553 = arith.constant 6 : i64
      %get3A_2554 = arith.index_cast %add3A_2523 : i32 to index
      %get3A_2555 = arith.index_cast %get3A_2553 : i64 to index
      %get3A_2556 = arith.constant 32 : index
      %get3A_2557 = tpu.vector_load %arg6[%get3A_2554, %get3A_2555, %get3A_2556] {strides = array<i32>} : memref<128x8x64xf32, #tpu.memory_space<vmem>>, vector<16xf32>,
      %abs3A_2558 = math.absf %get3A_2557 : vector<16xf32>
      %min3A_2559 = arith.minimumf %abs3A_2558, %broadcast_in_dim3A_100 : vector<16xf32>
      %convert_element_type3A_2560 = arith.fptosi %min3A_2559 : vector<16xf32> to vector<16xi32>
      %lt3A_2561 = arith.cmpf olt, %get3A_2557, %broadcast_in_dim3A_98 : vector<16xf32>
      %gt3A_2562 = arith.cmpf ogt, %get3A_2557, %broadcast_in_dim3A_98 : vector<16xf32>
      %select_n3A_2563 = arith.select %gt3A_2562, %broadcast_in_dim3A_104, %broadcast_in_dim3A_106 : vector<16xi1>, vector<16xi32>
      %select_n3A_2564 = arith.select %lt3A_2561, %broadcast_in_dim3A_102, %select_n3A_2563 : vector<16xi1>, vector<16xi32>
      %or3A_2565 = arith.ori %select_n3A_2564, %convert_element_type3A_2560 : vector<16xi32>
      %mul3A_2566 = arith.muli %or3A_2565, %add3A_119 : vector<16xi32>
      %xor3A_2567 = arith.xori %xor3A_2552, %mul3A_2566 : vector<16xi32>
      %get3A_2568 = arith.constant 6 : i64
      %get3A_2569 = arith.index_cast %add3A_2523 : i32 to index
      %get3A_2570 = arith.index_cast %get3A_2568 : i64 to index
      %get3A_2571 = arith.constant 48 : index
      %get3A_2572 = tpu.vector_load %arg6[%get3A_2569, %get3A_2570, %get3A_2571] {strides = array<i32>} : memref<128x8x64xf32, #tpu.memory_space<vmem>>, vector<16xf32>,
      %abs3A_2573 = math.absf %get3A_2572 : vector<16xf32>
      %min3A_2574 = arith.minimumf %abs3A_2573, %broadcast_in_dim3A_100 : vector<16xf32>
      %convert_element_type3A_2575 = arith.fptosi %min3A_2574 : vector<16xf32> to vector<16xi32>
      %lt3A_2576 = arith.cmpf olt, %get3A_2572, %broadcast_in_dim3A_98 : vector<16xf32>
      %gt3A_2577 = arith.cmpf ogt, %get3A_2572, %broadcast_in_dim3A_98 : vector<16xf32>
      %select_n3A_2578 = arith.select %gt3A_2577, %broadcast_in_dim3A_104, %broadcast_in_dim3A_106 : vector<16xi1>, vector<16xi32>
      %select_n3A_2579 = arith.select %lt3A_2576, %broadcast_in_dim3A_102, %select_n3A_2578 : vector<16xi1>, vector<16xi32>
      %or3A_2580 = arith.ori %select_n3A_2579, %convert_element_type3A_2575 : vector<16xi32>
      %mul3A_2581 = arith.muli %or3A_2580, %add3A_122 : vector<16xi32>
      %xor3A_2582 = arith.xori %xor3A_2567, %mul3A_2581 : vector<16xi32>
      %swap3A_2583 = arith.constant 6 : i64
      %swap3A_2584 = arith.index_cast %swap3A_2583 : i64 to index
      %swap3A_2585 = arith.constant 0 : index
      %swap3A_2586 = tpu.vector_load %arg8[%swap3A_2584, %swap3A_2585] {strides = array<i32>} : memref<16x17xi32, #tpu.memory_space<vmem>>, vector<16xi32>,
      tpu.vector_store %arg8[%swap3A_2584, %swap3A_2585], %xor3A_2582 {strides = array<i32>} : memref<16x17xi32, #tpu.memory_space<vmem>>, vector<16xi32>,
      %add3A_2587 = arith.constant 0 : i32
      %add3A_2588 = arith.addi %mul3A_2131, %add3A_2587 : i32
      %get3A_2589 = arith.constant 7 : i64
      %get3A_2590 = arith.index_cast %add3A_2588 : i32 to index
      %get3A_2591 = arith.index_cast %get3A_2589 : i64 to index
      %get3A_2592 = arith.constant 0 : index
      %get3A_2593 = tpu.vector_load %arg6[%get3A_2590, %get3A_2591, %get3A_2592] {strides = array<i32>} : memref<128x8x64xf32, #tpu.memory_space<vmem>>, vector<16xf32>,
      %abs3A_2594 = math.absf %get3A_2593 : vector<16xf32>
      %min3A_2595 = arith.minimumf %abs3A_2594, %broadcast_in_dim3A_100 : vector<16xf32>
      %convert_element_type3A_2596 = arith.fptosi %min3A_2595 : vector<16xf32> to vector<16xi32>
      %lt3A_2597 = arith.cmpf olt, %get3A_2593, %broadcast_in_dim3A_98 : vector<16xf32>
      %gt3A_2598 = arith.cmpf ogt, %get3A_2593, %broadcast_in_dim3A_98 : vector<16xf32>
      %select_n3A_2599 = arith.select %gt3A_2598, %broadcast_in_dim3A_104, %broadcast_in_dim3A_106 : vector<16xi1>, vector<16xi32>
      %select_n3A_2600 = arith.select %lt3A_2597, %broadcast_in_dim3A_102, %select_n3A_2599 : vector<16xi1>, vector<16xi32>
      %or3A_2601 = arith.ori %select_n3A_2600, %convert_element_type3A_2596 : vector<16xi32>
      %mul3A_2602 = arith.muli %or3A_2601, %add3A_113 : vector<16xi32>
      %get3A_2603 = arith.constant 7 : i64
      %get3A_2604 = arith.index_cast %add3A_2588 : i32 to index
      %get3A_2605 = arith.index_cast %get3A_2603 : i64 to index
      %get3A_2606 = arith.constant 16 : index
      %get3A_2607 = tpu.vector_load %arg6[%get3A_2604, %get3A_2605, %get3A_2606] {strides = array<i32>} : memref<128x8x64xf32, #tpu.memory_space<vmem>>, vector<16xf32>,
      %abs3A_2608 = math.absf %get3A_2607 : vector<16xf32>
      %min3A_2609 = arith.minimumf %abs3A_2608, %broadcast_in_dim3A_100 : vector<16xf32>
      %convert_element_type3A_2610 = arith.fptosi %min3A_2609 : vector<16xf32> to vector<16xi32>
      %lt3A_2611 = arith.cmpf olt, %get3A_2607, %broadcast_in_dim3A_98 : vector<16xf32>
      %gt3A_2612 = arith.cmpf ogt, %get3A_2607, %broadcast_in_dim3A_98 : vector<16xf32>
      %select_n3A_2613 = arith.select %gt3A_2612, %broadcast_in_dim3A_104, %broadcast_in_dim3A_106 : vector<16xi1>, vector<16xi32>
      %select_n3A_2614 = arith.select %lt3A_2611, %broadcast_in_dim3A_102, %select_n3A_2613 : vector<16xi1>, vector<16xi32>
      %or3A_2615 = arith.ori %select_n3A_2614, %convert_element_type3A_2610 : vector<16xi32>
      %mul3A_2616 = arith.muli %or3A_2615, %add3A_116 : vector<16xi32>
      %xor3A_2617 = arith.xori %mul3A_2602, %mul3A_2616 : vector<16xi32>
      %get3A_2618 = arith.constant 7 : i64
      %get3A_2619 = arith.index_cast %add3A_2588 : i32 to index
      %get3A_2620 = arith.index_cast %get3A_2618 : i64 to index
      %get3A_2621 = arith.constant 32 : index
      %get3A_2622 = tpu.vector_load %arg6[%get3A_2619, %get3A_2620, %get3A_2621] {strides = array<i32>} : memref<128x8x64xf32, #tpu.memory_space<vmem>>, vector<16xf32>,
      %abs3A_2623 = math.absf %get3A_2622 : vector<16xf32>
      %min3A_2624 = arith.minimumf %abs3A_2623, %broadcast_in_dim3A_100 : vector<16xf32>
      %convert_element_type3A_2625 = arith.fptosi %min3A_2624 : vector<16xf32> to vector<16xi32>
      %lt3A_2626 = arith.cmpf olt, %get3A_2622, %broadcast_in_dim3A_98 : vector<16xf32>
      %gt3A_2627 = arith.cmpf ogt, %get3A_2622, %broadcast_in_dim3A_98 : vector<16xf32>
      %select_n3A_2628 = arith.select %gt3A_2627, %broadcast_in_dim3A_104, %broadcast_in_dim3A_106 : vector<16xi1>, vector<16xi32>
      %select_n3A_2629 = arith.select %lt3A_2626, %broadcast_in_dim3A_102, %select_n3A_2628 : vector<16xi1>, vector<16xi32>
      %or3A_2630 = arith.ori %select_n3A_2629, %convert_element_type3A_2625 : vector<16xi32>
      %mul3A_2631 = arith.muli %or3A_2630, %add3A_119 : vector<16xi32>
      %xor3A_2632 = arith.xori %xor3A_2617, %mul3A_2631 : vector<16xi32>
      %get3A_2633 = arith.constant 7 : i64
      %get3A_2634 = arith.index_cast %add3A_2588 : i32 to index
      %get3A_2635 = arith.index_cast %get3A_2633 : i64 to index
      %get3A_2636 = arith.constant 48 : index
      %get3A_2637 = tpu.vector_load %arg6[%get3A_2634, %get3A_2635, %get3A_2636] {strides = array<i32>} : memref<128x8x64xf32, #tpu.memory_space<vmem>>, vector<16xf32>,
      %abs3A_2638 = math.absf %get3A_2637 : vector<16xf32>
      %min3A_2639 = arith.minimumf %abs3A_2638, %broadcast_in_dim3A_100 : vector<16xf32>
      %convert_element_type3A_2640 = arith.fptosi %min3A_2639 : vector<16xf32> to vector<16xi32>
      %lt3A_2641 = arith.cmpf olt, %get3A_2637, %broadcast_in_dim3A_98 : vector<16xf32>
      %gt3A_2642 = arith.cmpf ogt, %get3A_2637, %broadcast_in_dim3A_98 : vector<16xf32>
      %select_n3A_2643 = arith.select %gt3A_2642, %broadcast_in_dim3A_104, %broadcast_in_dim3A_106 : vector<16xi1>, vector<16xi32>
      %select_n3A_2644 = arith.select %lt3A_2641, %broadcast_in_dim3A_102, %select_n3A_2643 : vector<16xi1>, vector<16xi32>
      %or3A_2645 = arith.ori %select_n3A_2644, %convert_element_type3A_2640 : vector<16xi32>
      %mul3A_2646 = arith.muli %or3A_2645, %add3A_122 : vector<16xi32>
      %xor3A_2647 = arith.xori %xor3A_2632, %mul3A_2646 : vector<16xi32>
      %swap3A_2648 = arith.constant 7 : i64
      %swap3A_2649 = arith.index_cast %swap3A_2648 : i64 to index
      %swap3A_2650 = arith.constant 0 : index
      %swap3A_2651 = tpu.vector_load %arg8[%swap3A_2649, %swap3A_2650] {strides = array<i32>} : memref<16x17xi32, #tpu.memory_space<vmem>>, vector<16xi32>,
      tpu.vector_store %arg8[%swap3A_2649, %swap3A_2650], %xor3A_2647 {strides = array<i32>} : memref<16x17xi32, #tpu.memory_space<vmem>>, vector<16xi32>,
      %add3A_2652 = arith.constant 1 : i32
      %add3A_2653 = arith.addi %mul3A_2131, %add3A_2652 : i32
      %get3A_2654 = arith.constant 0 : i64
      %get3A_2655 = arith.index_cast %add3A_2653 : i32 to index
      %get3A_2656 = arith.index_cast %get3A_2654 : i64 to index
      %get3A_2657 = arith.constant 0 : index
      %get3A_2658 = tpu.vector_load %arg6[%get3A_2655, %get3A_2656, %get3A_2657] {strides = array<i32>} : memref<128x8x64xf32, #tpu.memory_space<vmem>>, vector<16xf32>,
      %abs3A_2659 = math.absf %get3A_2658 : vector<16xf32>
      %min3A_2660 = arith.minimumf %abs3A_2659, %broadcast_in_dim3A_100 : vector<16xf32>
      %convert_element_type3A_2661 = arith.fptosi %min3A_2660 : vector<16xf32> to vector<16xi32>
      %lt3A_2662 = arith.cmpf olt, %get3A_2658, %broadcast_in_dim3A_98 : vector<16xf32>
      %gt3A_2663 = arith.cmpf ogt, %get3A_2658, %broadcast_in_dim3A_98 : vector<16xf32>
      %select_n3A_2664 = arith.select %gt3A_2663, %broadcast_in_dim3A_104, %broadcast_in_dim3A_106 : vector<16xi1>, vector<16xi32>
      %select_n3A_2665 = arith.select %lt3A_2662, %broadcast_in_dim3A_102, %select_n3A_2664 : vector<16xi1>, vector<16xi32>
      %or3A_2666 = arith.ori %select_n3A_2665, %convert_element_type3A_2661 : vector<16xi32>
      %mul3A_2667 = arith.muli %or3A_2666, %add3A_113 : vector<16xi32>
      %get3A_2668 = arith.constant 0 : i64
      %get3A_2669 = arith.index_cast %add3A_2653 : i32 to index
      %get3A_2670 = arith.index_cast %get3A_2668 : i64 to index
      %get3A_2671 = arith.constant 16 : index
      %get3A_2672 = tpu.vector_load %arg6[%get3A_2669, %get3A_2670, %get3A_2671] {strides = array<i32>} : memref<128x8x64xf32, #tpu.memory_space<vmem>>, vector<16xf32>,
      %abs3A_2673 = math.absf %get3A_2672 : vector<16xf32>
      %min3A_2674 = arith.minimumf %abs3A_2673, %broadcast_in_dim3A_100 : vector<16xf32>
      %convert_element_type3A_2675 = arith.fptosi %min3A_2674 : vector<16xf32> to vector<16xi32>
      %lt3A_2676 = arith.cmpf olt, %get3A_2672, %broadcast_in_dim3A_98 : vector<16xf32>
      %gt3A_2677 = arith.cmpf ogt, %get3A_2672, %broadcast_in_dim3A_98 : vector<16xf32>
      %select_n3A_2678 = arith.select %gt3A_2677, %broadcast_in_dim3A_104, %broadcast_in_dim3A_106 : vector<16xi1>, vector<16xi32>
      %select_n3A_2679 = arith.select %lt3A_2676, %broadcast_in_dim3A_102, %select_n3A_2678 : vector<16xi1>, vector<16xi32>
      %or3A_2680 = arith.ori %select_n3A_2679, %convert_element_type3A_2675 : vector<16xi32>
      %mul3A_2681 = arith.muli %or3A_2680, %add3A_116 : vector<16xi32>
      %xor3A_2682 = arith.xori %mul3A_2667, %mul3A_2681 : vector<16xi32>
      %get3A_2683 = arith.constant 0 : i64
      %get3A_2684 = arith.index_cast %add3A_2653 : i32 to index
      %get3A_2685 = arith.index_cast %get3A_2683 : i64 to index
      %get3A_2686 = arith.constant 32 : index
      %get3A_2687 = tpu.vector_load %arg6[%get3A_2684, %get3A_2685, %get3A_2686] {strides = array<i32>} : memref<128x8x64xf32, #tpu.memory_space<vmem>>, vector<16xf32>,
      %abs3A_2688 = math.absf %get3A_2687 : vector<16xf32>
      %min3A_2689 = arith.minimumf %abs3A_2688, %broadcast_in_dim3A_100 : vector<16xf32>
      %convert_element_type3A_2690 = arith.fptosi %min3A_2689 : vector<16xf32> to vector<16xi32>
      %lt3A_2691 = arith.cmpf olt, %get3A_2687, %broadcast_in_dim3A_98 : vector<16xf32>
      %gt3A_2692 = arith.cmpf ogt, %get3A_2687, %broadcast_in_dim3A_98 : vector<16xf32>
      %select_n3A_2693 = arith.select %gt3A_2692, %broadcast_in_dim3A_104, %broadcast_in_dim3A_106 : vector<16xi1>, vector<16xi32>
      %select_n3A_2694 = arith.select %lt3A_2691, %broadcast_in_dim3A_102, %select_n3A_2693 : vector<16xi1>, vector<16xi32>
      %or3A_2695 = arith.ori %select_n3A_2694, %convert_element_type3A_2690 : vector<16xi32>
      %mul3A_2696 = arith.muli %or3A_2695, %add3A_119 : vector<16xi32>
      %xor3A_2697 = arith.xori %xor3A_2682, %mul3A_2696 : vector<16xi32>
      %get3A_2698 = arith.constant 0 : i64
      %get3A_2699 = arith.index_cast %add3A_2653 : i32 to index
      %get3A_2700 = arith.index_cast %get3A_2698 : i64 to index
      %get3A_2701 = arith.constant 48 : index
      %get3A_2702 = tpu.vector_load %arg6[%get3A_2699, %get3A_2700, %get3A_2701] {strides = array<i32>} : memref<128x8x64xf32, #tpu.memory_space<vmem>>, vector<16xf32>,
      %abs3A_2703 = math.absf %get3A_2702 : vector<16xf32>
      %min3A_2704 = arith.minimumf %abs3A_2703, %broadcast_in_dim3A_100 : vector<16xf32>
      %convert_element_type3A_2705 = arith.fptosi %min3A_2704 : vector<16xf32> to vector<16xi32>
      %lt3A_2706 = arith.cmpf olt, %get3A_2702, %broadcast_in_dim3A_98 : vector<16xf32>
      %gt3A_2707 = arith.cmpf ogt, %get3A_2702, %broadcast_in_dim3A_98 : vector<16xf32>
      %select_n3A_2708 = arith.select %gt3A_2707, %broadcast_in_dim3A_104, %broadcast_in_dim3A_106 : vector<16xi1>, vector<16xi32>
      %select_n3A_2709 = arith.select %lt3A_2706, %broadcast_in_dim3A_102, %select_n3A_2708 : vector<16xi1>, vector<16xi32>
      %or3A_2710 = arith.ori %select_n3A_2709, %convert_element_type3A_2705 : vector<16xi32>
      %mul3A_2711 = arith.muli %or3A_2710, %add3A_122 : vector<16xi32>
      %xor3A_2712 = arith.xori %xor3A_2697, %mul3A_2711 : vector<16xi32>
      %swap3A_2713 = arith.constant 8 : i64
      %swap3A_2714 = arith.index_cast %swap3A_2713 : i64 to index
      %swap3A_2715 = arith.constant 0 : index
      %swap3A_2716 = tpu.vector_load %arg8[%swap3A_2714, %swap3A_2715] {strides = array<i32>} : memref<16x17xi32, #tpu.memory_space<vmem>>, vector<16xi32>,
      tpu.vector_store %arg8[%swap3A_2714, %swap3A_2715], %xor3A_2712 {strides = array<i32>} : memref<16x17xi32, #tpu.memory_space<vmem>>, vector<16xi32>,
      %add3A_2717 = arith.constant 1 : i32
      %add3A_2718 = arith.addi %mul3A_2131, %add3A_2717 : i32
      %get3A_2719 = arith.constant 1 : i64
      %get3A_2720 = arith.index_cast %add3A_2718 : i32 to index
      %get3A_2721 = arith.index_cast %get3A_2719 : i64 to index
      %get3A_2722 = arith.constant 0 : index
      %get3A_2723 = tpu.vector_load %arg6[%get3A_2720, %get3A_2721, %get3A_2722] {strides = array<i32>} : memref<128x8x64xf32, #tpu.memory_space<vmem>>, vector<16xf32>,
      %abs3A_2724 = math.absf %get3A_2723 : vector<16xf32>
      %min3A_2725 = arith.minimumf %abs3A_2724, %broadcast_in_dim3A_100 : vector<16xf32>
      %convert_element_type3A_2726 = arith.fptosi %min3A_2725 : vector<16xf32> to vector<16xi32>
      %lt3A_2727 = arith.cmpf olt, %get3A_2723, %broadcast_in_dim3A_98 : vector<16xf32>
      %gt3A_2728 = arith.cmpf ogt, %get3A_2723, %broadcast_in_dim3A_98 : vector<16xf32>
      %select_n3A_2729 = arith.select %gt3A_2728, %broadcast_in_dim3A_104, %broadcast_in_dim3A_106 : vector<16xi1>, vector<16xi32>
      %select_n3A_2730 = arith.select %lt3A_2727, %broadcast_in_dim3A_102, %select_n3A_2729 : vector<16xi1>, vector<16xi32>
      %or3A_2731 = arith.ori %select_n3A_2730, %convert_element_type3A_2726 : vector<16xi32>
      %mul3A_2732 = arith.muli %or3A_2731, %add3A_113 : vector<16xi32>
      %get3A_2733 = arith.constant 1 : i64
      %get3A_2734 = arith.index_cast %add3A_2718 : i32 to index
      %get3A_2735 = arith.index_cast %get3A_2733 : i64 to index
      %get3A_2736 = arith.constant 16 : index
      %get3A_2737 = tpu.vector_load %arg6[%get3A_2734, %get3A_2735, %get3A_2736] {strides = array<i32>} : memref<128x8x64xf32, #tpu.memory_space<vmem>>, vector<16xf32>,
      %abs3A_2738 = math.absf %get3A_2737 : vector<16xf32>
      %min3A_2739 = arith.minimumf %abs3A_2738, %broadcast_in_dim3A_100 : vector<16xf32>
      %convert_element_type3A_2740 = arith.fptosi %min3A_2739 : vector<16xf32> to vector<16xi32>
      %lt3A_2741 = arith.cmpf olt, %get3A_2737, %broadcast_in_dim3A_98 : vector<16xf32>
      %gt3A_2742 = arith.cmpf ogt, %get3A_2737, %broadcast_in_dim3A_98 : vector<16xf32>
      %select_n3A_2743 = arith.select %gt3A_2742, %broadcast_in_dim3A_104, %broadcast_in_dim3A_106 : vector<16xi1>, vector<16xi32>
      %select_n3A_2744 = arith.select %lt3A_2741, %broadcast_in_dim3A_102, %select_n3A_2743 : vector<16xi1>, vector<16xi32>
      %or3A_2745 = arith.ori %select_n3A_2744, %convert_element_type3A_2740 : vector<16xi32>
      %mul3A_2746 = arith.muli %or3A_2745, %add3A_116 : vector<16xi32>
      %xor3A_2747 = arith.xori %mul3A_2732, %mul3A_2746 : vector<16xi32>
      %get3A_2748 = arith.constant 1 : i64
      %get3A_2749 = arith.index_cast %add3A_2718 : i32 to index
      %get3A_2750 = arith.index_cast %get3A_2748 : i64 to index
      %get3A_2751 = arith.constant 32 : index
      %get3A_2752 = tpu.vector_load %arg6[%get3A_2749, %get3A_2750, %get3A_2751] {strides = array<i32>} : memref<128x8x64xf32, #tpu.memory_space<vmem>>, vector<16xf32>,
      %abs3A_2753 = math.absf %get3A_2752 : vector<16xf32>
      %min3A_2754 = arith.minimumf %abs3A_2753, %broadcast_in_dim3A_100 : vector<16xf32>
      %convert_element_type3A_2755 = arith.fptosi %min3A_2754 : vector<16xf32> to vector<16xi32>
      %lt3A_2756 = arith.cmpf olt, %get3A_2752, %broadcast_in_dim3A_98 : vector<16xf32>
      %gt3A_2757 = arith.cmpf ogt, %get3A_2752, %broadcast_in_dim3A_98 : vector<16xf32>
      %select_n3A_2758 = arith.select %gt3A_2757, %broadcast_in_dim3A_104, %broadcast_in_dim3A_106 : vector<16xi1>, vector<16xi32>
      %select_n3A_2759 = arith.select %lt3A_2756, %broadcast_in_dim3A_102, %select_n3A_2758 : vector<16xi1>, vector<16xi32>
      %or3A_2760 = arith.ori %select_n3A_2759, %convert_element_type3A_2755 : vector<16xi32>
      %mul3A_2761 = arith.muli %or3A_2760, %add3A_119 : vector<16xi32>
      %xor3A_2762 = arith.xori %xor3A_2747, %mul3A_2761 : vector<16xi32>
      %get3A_2763 = arith.constant 1 : i64
      %get3A_2764 = arith.index_cast %add3A_2718 : i32 to index
      %get3A_2765 = arith.index_cast %get3A_2763 : i64 to index
      %get3A_2766 = arith.constant 48 : index
      %get3A_2767 = tpu.vector_load %arg6[%get3A_2764, %get3A_2765, %get3A_2766] {strides = array<i32>} : memref<128x8x64xf32, #tpu.memory_space<vmem>>, vector<16xf32>,
      %abs3A_2768 = math.absf %get3A_2767 : vector<16xf32>
      %min3A_2769 = arith.minimumf %abs3A_2768, %broadcast_in_dim3A_100 : vector<16xf32>
      %convert_element_type3A_2770 = arith.fptosi %min3A_2769 : vector<16xf32> to vector<16xi32>
      %lt3A_2771 = arith.cmpf olt, %get3A_2767, %broadcast_in_dim3A_98 : vector<16xf32>
      %gt3A_2772 = arith.cmpf ogt, %get3A_2767, %broadcast_in_dim3A_98 : vector<16xf32>
      %select_n3A_2773 = arith.select %gt3A_2772, %broadcast_in_dim3A_104, %broadcast_in_dim3A_106 : vector<16xi1>, vector<16xi32>
      %select_n3A_2774 = arith.select %lt3A_2771, %broadcast_in_dim3A_102, %select_n3A_2773 : vector<16xi1>, vector<16xi32>
      %or3A_2775 = arith.ori %select_n3A_2774, %convert_element_type3A_2770 : vector<16xi32>
      %mul3A_2776 = arith.muli %or3A_2775, %add3A_122 : vector<16xi32>
      %xor3A_2777 = arith.xori %xor3A_2762, %mul3A_2776 : vector<16xi32>
      %swap3A_2778 = arith.constant 9 : i64
      %swap3A_2779 = arith.index_cast %swap3A_2778 : i64 to index
      %swap3A_2780 = arith.constant 0 : index
      %swap3A_2781 = tpu.vector_load %arg8[%swap3A_2779, %swap3A_2780] {strides = array<i32>} : memref<16x17xi32, #tpu.memory_space<vmem>>, vector<16xi32>,
      tpu.vector_store %arg8[%swap3A_2779, %swap3A_2780], %xor3A_2777 {strides = array<i32>} : memref<16x17xi32, #tpu.memory_space<vmem>>, vector<16xi32>,
      %add3A_2782 = arith.constant 1 : i32
      %add3A_2783 = arith.addi %mul3A_2131, %add3A_2782 : i32
      %get3A_2784 = arith.constant 2 : i64
      %get3A_2785 = arith.index_cast %add3A_2783 : i32 to index
      %get3A_2786 = arith.index_cast %get3A_2784 : i64 to index
      %get3A_2787 = arith.constant 0 : index
      %get3A_2788 = tpu.vector_load %arg6[%get3A_2785, %get3A_2786, %get3A_2787] {strides = array<i32>} : memref<128x8x64xf32, #tpu.memory_space<vmem>>, vector<16xf32>,
      %abs3A_2789 = math.absf %get3A_2788 : vector<16xf32>
      %min3A_2790 = arith.minimumf %abs3A_2789, %broadcast_in_dim3A_100 : vector<16xf32>
      %convert_element_type3A_2791 = arith.fptosi %min3A_2790 : vector<16xf32> to vector<16xi32>
      %lt3A_2792 = arith.cmpf olt, %get3A_2788, %broadcast_in_dim3A_98 : vector<16xf32>
      %gt3A_2793 = arith.cmpf ogt, %get3A_2788, %broadcast_in_dim3A_98 : vector<16xf32>
      %select_n3A_2794 = arith.select %gt3A_2793, %broadcast_in_dim3A_104, %broadcast_in_dim3A_106 : vector<16xi1>, vector<16xi32>
      %select_n3A_2795 = arith.select %lt3A_2792, %broadcast_in_dim3A_102, %select_n3A_2794 : vector<16xi1>, vector<16xi32>
      %or3A_2796 = arith.ori %select_n3A_2795, %convert_element_type3A_2791 : vector<16xi32>
      %mul3A_2797 = arith.muli %or3A_2796, %add3A_113 : vector<16xi32>
      %get3A_2798 = arith.constant 2 : i64
      %get3A_2799 = arith.index_cast %add3A_2783 : i32 to index
      %get3A_2800 = arith.index_cast %get3A_2798 : i64 to index
      %get3A_2801 = arith.constant 16 : index
      %get3A_2802 = tpu.vector_load %arg6[%get3A_2799, %get3A_2800, %get3A_2801] {strides = array<i32>} : memref<128x8x64xf32, #tpu.memory_space<vmem>>, vector<16xf32>,
      %abs3A_2803 = math.absf %get3A_2802 : vector<16xf32>
      %min3A_2804 = arith.minimumf %abs3A_2803, %broadcast_in_dim3A_100 : vector<16xf32>
      %convert_element_type3A_2805 = arith.fptosi %min3A_2804 : vector<16xf32> to vector<16xi32>
      %lt3A_2806 = arith.cmpf olt, %get3A_2802, %broadcast_in_dim3A_98 : vector<16xf32>
      %gt3A_2807 = arith.cmpf ogt, %get3A_2802, %broadcast_in_dim3A_98 : vector<16xf32>
      %select_n3A_2808 = arith.select %gt3A_2807, %broadcast_in_dim3A_104, %broadcast_in_dim3A_106 : vector<16xi1>, vector<16xi32>
      %select_n3A_2809 = arith.select %lt3A_2806, %broadcast_in_dim3A_102, %select_n3A_2808 : vector<16xi1>, vector<16xi32>
      %or3A_2810 = arith.ori %select_n3A_2809, %convert_element_type3A_2805 : vector<16xi32>
      %mul3A_2811 = arith.muli %or3A_2810, %add3A_116 : vector<16xi32>
      %xor3A_2812 = arith.xori %mul3A_2797, %mul3A_2811 : vector<16xi32>
      %get3A_2813 = arith.constant 2 : i64
      %get3A_2814 = arith.index_cast %add3A_2783 : i32 to index
      %get3A_2815 = arith.index_cast %get3A_2813 : i64 to index
      %get3A_2816 = arith.constant 32 : index
      %get3A_2817 = tpu.vector_load %arg6[%get3A_2814, %get3A_2815, %get3A_2816] {strides = array<i32>} : memref<128x8x64xf32, #tpu.memory_space<vmem>>, vector<16xf32>,
      %abs3A_2818 = math.absf %get3A_2817 : vector<16xf32>
      %min3A_2819 = arith.minimumf %abs3A_2818, %broadcast_in_dim3A_100 : vector<16xf32>
      %convert_element_type3A_2820 = arith.fptosi %min3A_2819 : vector<16xf32> to vector<16xi32>
      %lt3A_2821 = arith.cmpf olt, %get3A_2817, %broadcast_in_dim3A_98 : vector<16xf32>
      %gt3A_2822 = arith.cmpf ogt, %get3A_2817, %broadcast_in_dim3A_98 : vector<16xf32>
      %select_n3A_2823 = arith.select %gt3A_2822, %broadcast_in_dim3A_104, %broadcast_in_dim3A_106 : vector<16xi1>, vector<16xi32>
      %select_n3A_2824 = arith.select %lt3A_2821, %broadcast_in_dim3A_102, %select_n3A_2823 : vector<16xi1>, vector<16xi32>
      %or3A_2825 = arith.ori %select_n3A_2824, %convert_element_type3A_2820 : vector<16xi32>
      %mul3A_2826 = arith.muli %or3A_2825, %add3A_119 : vector<16xi32>
      %xor3A_2827 = arith.xori %xor3A_2812, %mul3A_2826 : vector<16xi32>
      %get3A_2828 = arith.constant 2 : i64
      %get3A_2829 = arith.index_cast %add3A_2783 : i32 to index
      %get3A_2830 = arith.index_cast %get3A_2828 : i64 to index
      %get3A_2831 = arith.constant 48 : index
      %get3A_2832 = tpu.vector_load %arg6[%get3A_2829, %get3A_2830, %get3A_2831] {strides = array<i32>} : memref<128x8x64xf32, #tpu.memory_space<vmem>>, vector<16xf32>,
      %abs3A_2833 = math.absf %get3A_2832 : vector<16xf32>
      %min3A_2834 = arith.minimumf %abs3A_2833, %broadcast_in_dim3A_100 : vector<16xf32>
      %convert_element_type3A_2835 = arith.fptosi %min3A_2834 : vector<16xf32> to vector<16xi32>
      %lt3A_2836 = arith.cmpf olt, %get3A_2832, %broadcast_in_dim3A_98 : vector<16xf32>
      %gt3A_2837 = arith.cmpf ogt, %get3A_2832, %broadcast_in_dim3A_98 : vector<16xf32>
      %select_n3A_2838 = arith.select %gt3A_2837, %broadcast_in_dim3A_104, %broadcast_in_dim3A_106 : vector<16xi1>, vector<16xi32>
      %select_n3A_2839 = arith.select %lt3A_2836, %broadcast_in_dim3A_102, %select_n3A_2838 : vector<16xi1>, vector<16xi32>
      %or3A_2840 = arith.ori %select_n3A_2839, %convert_element_type3A_2835 : vector<16xi32>
      %mul3A_2841 = arith.muli %or3A_2840, %add3A_122 : vector<16xi32>
      %xor3A_2842 = arith.xori %xor3A_2827, %mul3A_2841 : vector<16xi32>
      %swap3A_2843 = arith.constant 10 : i64
      %swap3A_2844 = arith.index_cast %swap3A_2843 : i64 to index
      %swap3A_2845 = arith.constant 0 : index
      %swap3A_2846 = tpu.vector_load %arg8[%swap3A_2844, %swap3A_2845] {strides = array<i32>} : memref<16x17xi32, #tpu.memory_space<vmem>>, vector<16xi32>,
      tpu.vector_store %arg8[%swap3A_2844, %swap3A_2845], %xor3A_2842 {strides = array<i32>} : memref<16x17xi32, #tpu.memory_space<vmem>>, vector<16xi32>,
      %add3A_2847 = arith.constant 1 : i32
      %add3A_2848 = arith.addi %mul3A_2131, %add3A_2847 : i32
      %get3A_2849 = arith.constant 3 : i64
      %get3A_2850 = arith.index_cast %add3A_2848 : i32 to index
      %get3A_2851 = arith.index_cast %get3A_2849 : i64 to index
      %get3A_2852 = arith.constant 0 : index
      %get3A_2853 = tpu.vector_load %arg6[%get3A_2850, %get3A_2851, %get3A_2852] {strides = array<i32>} : memref<128x8x64xf32, #tpu.memory_space<vmem>>, vector<16xf32>,
      %abs3A_2854 = math.absf %get3A_2853 : vector<16xf32>
      %min3A_2855 = arith.minimumf %abs3A_2854, %broadcast_in_dim3A_100 : vector<16xf32>
      %convert_element_type3A_2856 = arith.fptosi %min3A_2855 : vector<16xf32> to vector<16xi32>
      %lt3A_2857 = arith.cmpf olt, %get3A_2853, %broadcast_in_dim3A_98 : vector<16xf32>
      %gt3A_2858 = arith.cmpf ogt, %get3A_2853, %broadcast_in_dim3A_98 : vector<16xf32>
      %select_n3A_2859 = arith.select %gt3A_2858, %broadcast_in_dim3A_104, %broadcast_in_dim3A_106 : vector<16xi1>, vector<16xi32>
      %select_n3A_2860 = arith.select %lt3A_2857, %broadcast_in_dim3A_102, %select_n3A_2859 : vector<16xi1>, vector<16xi32>
      %or3A_2861 = arith.ori %select_n3A_2860, %convert_element_type3A_2856 : vector<16xi32>
      %mul3A_2862 = arith.muli %or3A_2861, %add3A_113 : vector<16xi32>
      %get3A_2863 = arith.constant 3 : i64
      %get3A_2864 = arith.index_cast %add3A_2848 : i32 to index
      %get3A_2865 = arith.index_cast %get3A_2863 : i64 to index
      %get3A_2866 = arith.constant 16 : index
      %get3A_2867 = tpu.vector_load %arg6[%get3A_2864, %get3A_2865, %get3A_2866] {strides = array<i32>} : memref<128x8x64xf32, #tpu.memory_space<vmem>>, vector<16xf32>,
      %abs3A_2868 = math.absf %get3A_2867 : vector<16xf32>
      %min3A_2869 = arith.minimumf %abs3A_2868, %broadcast_in_dim3A_100 : vector<16xf32>
      %convert_element_type3A_2870 = arith.fptosi %min3A_2869 : vector<16xf32> to vector<16xi32>
      %lt3A_2871 = arith.cmpf olt, %get3A_2867, %broadcast_in_dim3A_98 : vector<16xf32>
      %gt3A_2872 = arith.cmpf ogt, %get3A_2867, %broadcast_in_dim3A_98 : vector<16xf32>
      %select_n3A_2873 = arith.select %gt3A_2872, %broadcast_in_dim3A_104, %broadcast_in_dim3A_106 : vector<16xi1>, vector<16xi32>
      %select_n3A_2874 = arith.select %lt3A_2871, %broadcast_in_dim3A_102, %select_n3A_2873 : vector<16xi1>, vector<16xi32>
      %or3A_2875 = arith.ori %select_n3A_2874, %convert_element_type3A_2870 : vector<16xi32>
      %mul3A_2876 = arith.muli %or3A_2875, %add3A_116 : vector<16xi32>
      %xor3A_2877 = arith.xori %mul3A_2862, %mul3A_2876 : vector<16xi32>
      %get3A_2878 = arith.constant 3 : i64
      %get3A_2879 = arith.index_cast %add3A_2848 : i32 to index
      %get3A_2880 = arith.index_cast %get3A_2878 : i64 to index
      %get3A_2881 = arith.constant 32 : index
      %get3A_2882 = tpu.vector_load %arg6[%get3A_2879, %get3A_2880, %get3A_2881] {strides = array<i32>} : memref<128x8x64xf32, #tpu.memory_space<vmem>>, vector<16xf32>,
      %abs3A_2883 = math.absf %get3A_2882 : vector<16xf32>
      %min3A_2884 = arith.minimumf %abs3A_2883, %broadcast_in_dim3A_100 : vector<16xf32>
      %convert_element_type3A_2885 = arith.fptosi %min3A_2884 : vector<16xf32> to vector<16xi32>
      %lt3A_2886 = arith.cmpf olt, %get3A_2882, %broadcast_in_dim3A_98 : vector<16xf32>
      %gt3A_2887 = arith.cmpf ogt, %get3A_2882, %broadcast_in_dim3A_98 : vector<16xf32>
      %select_n3A_2888 = arith.select %gt3A_2887, %broadcast_in_dim3A_104, %broadcast_in_dim3A_106 : vector<16xi1>, vector<16xi32>
      %select_n3A_2889 = arith.select %lt3A_2886, %broadcast_in_dim3A_102, %select_n3A_2888 : vector<16xi1>, vector<16xi32>
      %or3A_2890 = arith.ori %select_n3A_2889, %convert_element_type3A_2885 : vector<16xi32>
      %mul3A_2891 = arith.muli %or3A_2890, %add3A_119 : vector<16xi32>
      %xor3A_2892 = arith.xori %xor3A_2877, %mul3A_2891 : vector<16xi32>
      %get3A_2893 = arith.constant 3 : i64
      %get3A_2894 = arith.index_cast %add3A_2848 : i32 to index
      %get3A_2895 = arith.index_cast %get3A_2893 : i64 to index
      %get3A_2896 = arith.constant 48 : index
      %get3A_2897 = tpu.vector_load %arg6[%get3A_2894, %get3A_2895, %get3A_2896] {strides = array<i32>} : memref<128x8x64xf32, #tpu.memory_space<vmem>>, vector<16xf32>,
      %abs3A_2898 = math.absf %get3A_2897 : vector<16xf32>
      %min3A_2899 = arith.minimumf %abs3A_2898, %broadcast_in_dim3A_100 : vector<16xf32>
      %convert_element_type3A_2900 = arith.fptosi %min3A_2899 : vector<16xf32> to vector<16xi32>
      %lt3A_2901 = arith.cmpf olt, %get3A_2897, %broadcast_in_dim3A_98 : vector<16xf32>
      %gt3A_2902 = arith.cmpf ogt, %get3A_2897, %broadcast_in_dim3A_98 : vector<16xf32>
      %select_n3A_2903 = arith.select %gt3A_2902, %broadcast_in_dim3A_104, %broadcast_in_dim3A_106 : vector<16xi1>, vector<16xi32>
      %select_n3A_2904 = arith.select %lt3A_2901, %broadcast_in_dim3A_102, %select_n3A_2903 : vector<16xi1>, vector<16xi32>
      %or3A_2905 = arith.ori %select_n3A_2904, %convert_element_type3A_2900 : vector<16xi32>
      %mul3A_2906 = arith.muli %or3A_2905, %add3A_122 : vector<16xi32>
      %xor3A_2907 = arith.xori %xor3A_2892, %mul3A_2906 : vector<16xi32>
      %swap3A_2908 = arith.constant 11 : i64
      %swap3A_2909 = arith.index_cast %swap3A_2908 : i64 to index
      %swap3A_2910 = arith.constant 0 : index
      %swap3A_2911 = tpu.vector_load %arg8[%swap3A_2909, %swap3A_2910] {strides = array<i32>} : memref<16x17xi32, #tpu.memory_space<vmem>>, vector<16xi32>,
      tpu.vector_store %arg8[%swap3A_2909, %swap3A_2910], %xor3A_2907 {strides = array<i32>} : memref<16x17xi32, #tpu.memory_space<vmem>>, vector<16xi32>,
      %add3A_2912 = arith.constant 1 : i32
      %add3A_2913 = arith.addi %mul3A_2131, %add3A_2912 : i32
      %get3A_2914 = arith.constant 4 : i64
      %get3A_2915 = arith.index_cast %add3A_2913 : i32 to index
      %get3A_2916 = arith.index_cast %get3A_2914 : i64 to index
      %get3A_2917 = arith.constant 0 : index
      %get3A_2918 = tpu.vector_load %arg6[%get3A_2915, %get3A_2916, %get3A_2917] {strides = array<i32>} : memref<128x8x64xf32, #tpu.memory_space<vmem>>, vector<16xf32>,
      %abs3A_2919 = math.absf %get3A_2918 : vector<16xf32>
      %min3A_2920 = arith.minimumf %abs3A_2919, %broadcast_in_dim3A_100 : vector<16xf32>
      %convert_element_type3A_2921 = arith.fptosi %min3A_2920 : vector<16xf32> to vector<16xi32>
      %lt3A_2922 = arith.cmpf olt, %get3A_2918, %broadcast_in_dim3A_98 : vector<16xf32>
      %gt3A_2923 = arith.cmpf ogt, %get3A_2918, %broadcast_in_dim3A_98 : vector<16xf32>
      %select_n3A_2924 = arith.select %gt3A_2923, %broadcast_in_dim3A_104, %broadcast_in_dim3A_106 : vector<16xi1>, vector<16xi32>
      %select_n3A_2925 = arith.select %lt3A_2922, %broadcast_in_dim3A_102, %select_n3A_2924 : vector<16xi1>, vector<16xi32>
      %or3A_2926 = arith.ori %select_n3A_2925, %convert_element_type3A_2921 : vector<16xi32>
      %mul3A_2927 = arith.muli %or3A_2926, %add3A_113 : vector<16xi32>
      %get3A_2928 = arith.constant 4 : i64
      %get3A_2929 = arith.index_cast %add3A_2913 : i32 to index
      %get3A_2930 = arith.index_cast %get3A_2928 : i64 to index
      %get3A_2931 = arith.constant 16 : index
      %get3A_2932 = tpu.vector_load %arg6[%get3A_2929, %get3A_2930, %get3A_2931] {strides = array<i32>} : memref<128x8x64xf32, #tpu.memory_space<vmem>>, vector<16xf32>,
      %abs3A_2933 = math.absf %get3A_2932 : vector<16xf32>
      %min3A_2934 = arith.minimumf %abs3A_2933, %broadcast_in_dim3A_100 : vector<16xf32>
      %convert_element_type3A_2935 = arith.fptosi %min3A_2934 : vector<16xf32> to vector<16xi32>
      %lt3A_2936 = arith.cmpf olt, %get3A_2932, %broadcast_in_dim3A_98 : vector<16xf32>
      %gt3A_2937 = arith.cmpf ogt, %get3A_2932, %broadcast_in_dim3A_98 : vector<16xf32>
      %select_n3A_2938 = arith.select %gt3A_2937, %broadcast_in_dim3A_104, %broadcast_in_dim3A_106 : vector<16xi1>, vector<16xi32>
      %select_n3A_2939 = arith.select %lt3A_2936, %broadcast_in_dim3A_102, %select_n3A_2938 : vector<16xi1>, vector<16xi32>
      %or3A_2940 = arith.ori %select_n3A_2939, %convert_element_type3A_2935 : vector<16xi32>
      %mul3A_2941 = arith.muli %or3A_2940, %add3A_116 : vector<16xi32>
      %xor3A_2942 = arith.xori %mul3A_2927, %mul3A_2941 : vector<16xi32>
      %get3A_2943 = arith.constant 4 : i64
      %get3A_2944 = arith.index_cast %add3A_2913 : i32 to index
      %get3A_2945 = arith.index_cast %get3A_2943 : i64 to index
      %get3A_2946 = arith.constant 32 : index
      %get3A_2947 = tpu.vector_load %arg6[%get3A_2944, %get3A_2945, %get3A_2946] {strides = array<i32>} : memref<128x8x64xf32, #tpu.memory_space<vmem>>, vector<16xf32>,
      %abs3A_2948 = math.absf %get3A_2947 : vector<16xf32>
      %min3A_2949 = arith.minimumf %abs3A_2948, %broadcast_in_dim3A_100 : vector<16xf32>
      %convert_element_type3A_2950 = arith.fptosi %min3A_2949 : vector<16xf32> to vector<16xi32>
      %lt3A_2951 = arith.cmpf olt, %get3A_2947, %broadcast_in_dim3A_98 : vector<16xf32>
      %gt3A_2952 = arith.cmpf ogt, %get3A_2947, %broadcast_in_dim3A_98 : vector<16xf32>
      %select_n3A_2953 = arith.select %gt3A_2952, %broadcast_in_dim3A_104, %broadcast_in_dim3A_106 : vector<16xi1>, vector<16xi32>
      %select_n3A_2954 = arith.select %lt3A_2951, %broadcast_in_dim3A_102, %select_n3A_2953 : vector<16xi1>, vector<16xi32>
      %or3A_2955 = arith.ori %select_n3A_2954, %convert_element_type3A_2950 : vector<16xi32>
      %mul3A_2956 = arith.muli %or3A_2955, %add3A_119 : vector<16xi32>
      %xor3A_2957 = arith.xori %xor3A_2942, %mul3A_2956 : vector<16xi32>
      %get3A_2958 = arith.constant 4 : i64
      %get3A_2959 = arith.index_cast %add3A_2913 : i32 to index
      %get3A_2960 = arith.index_cast %get3A_2958 : i64 to index
      %get3A_2961 = arith.constant 48 : index
      %get3A_2962 = tpu.vector_load %arg6[%get3A_2959, %get3A_2960, %get3A_2961] {strides = array<i32>} : memref<128x8x64xf32, #tpu.memory_space<vmem>>, vector<16xf32>,
      %abs3A_2963 = math.absf %get3A_2962 : vector<16xf32>
      %min3A_2964 = arith.minimumf %abs3A_2963, %broadcast_in_dim3A_100 : vector<16xf32>
      %convert_element_type3A_2965 = arith.fptosi %min3A_2964 : vector<16xf32> to vector<16xi32>
      %lt3A_2966 = arith.cmpf olt, %get3A_2962, %broadcast_in_dim3A_98 : vector<16xf32>
      %gt3A_2967 = arith.cmpf ogt, %get3A_2962, %broadcast_in_dim3A_98 : vector<16xf32>
      %select_n3A_2968 = arith.select %gt3A_2967, %broadcast_in_dim3A_104, %broadcast_in_dim3A_106 : vector<16xi1>, vector<16xi32>
      %select_n3A_2969 = arith.select %lt3A_2966, %broadcast_in_dim3A_102, %select_n3A_2968 : vector<16xi1>, vector<16xi32>
      %or3A_2970 = arith.ori %select_n3A_2969, %convert_element_type3A_2965 : vector<16xi32>
      %mul3A_2971 = arith.muli %or3A_2970, %add3A_122 : vector<16xi32>
      %xor3A_2972 = arith.xori %xor3A_2957, %mul3A_2971 : vector<16xi32>
      %swap3A_2973 = arith.constant 12 : i64
      %swap3A_2974 = arith.index_cast %swap3A_2973 : i64 to index
      %swap3A_2975 = arith.constant 0 : index
      %swap3A_2976 = tpu.vector_load %arg8[%swap3A_2974, %swap3A_2975] {strides = array<i32>} : memref<16x17xi32, #tpu.memory_space<vmem>>, vector<16xi32>,
      tpu.vector_store %arg8[%swap3A_2974, %swap3A_2975], %xor3A_2972 {strides = array<i32>} : memref<16x17xi32, #tpu.memory_space<vmem>>, vector<16xi32>,
      %add3A_2977 = arith.constant 1 : i32
      %add3A_2978 = arith.addi %mul3A_2131, %add3A_2977 : i32
      %get3A_2979 = arith.constant 5 : i64
      %get3A_2980 = arith.index_cast %add3A_2978 : i32 to index
      %get3A_2981 = arith.index_cast %get3A_2979 : i64 to index
      %get3A_2982 = arith.constant 0 : index
      %get3A_2983 = tpu.vector_load %arg6[%get3A_2980, %get3A_2981, %get3A_2982] {strides = array<i32>} : memref<128x8x64xf32, #tpu.memory_space<vmem>>, vector<16xf32>,
      %abs3A_2984 = math.absf %get3A_2983 : vector<16xf32>
      %min3A_2985 = arith.minimumf %abs3A_2984, %broadcast_in_dim3A_100 : vector<16xf32>
      %convert_element_type3A_2986 = arith.fptosi %min3A_2985 : vector<16xf32> to vector<16xi32>
      %lt3A_2987 = arith.cmpf olt, %get3A_2983, %broadcast_in_dim3A_98 : vector<16xf32>
      %gt3A_2988 = arith.cmpf ogt, %get3A_2983, %broadcast_in_dim3A_98 : vector<16xf32>
      %select_n3A_2989 = arith.select %gt3A_2988, %broadcast_in_dim3A_104, %broadcast_in_dim3A_106 : vector<16xi1>, vector<16xi32>
      %select_n3A_2990 = arith.select %lt3A_2987, %broadcast_in_dim3A_102, %select_n3A_2989 : vector<16xi1>, vector<16xi32>
      %or3A_2991 = arith.ori %select_n3A_2990, %convert_element_type3A_2986 : vector<16xi32>
      %mul3A_2992 = arith.muli %or3A_2991, %add3A_113 : vector<16xi32>
      %get3A_2993 = arith.constant 5 : i64
      %get3A_2994 = arith.index_cast %add3A_2978 : i32 to index
      %get3A_2995 = arith.index_cast %get3A_2993 : i64 to index
      %get3A_2996 = arith.constant 16 : index
      %get3A_2997 = tpu.vector_load %arg6[%get3A_2994, %get3A_2995, %get3A_2996] {strides = array<i32>} : memref<128x8x64xf32, #tpu.memory_space<vmem>>, vector<16xf32>,
      %abs3A_2998 = math.absf %get3A_2997 : vector<16xf32>
      %min3A_2999 = arith.minimumf %abs3A_2998, %broadcast_in_dim3A_100 : vector<16xf32>
      %convert_element_type3A_3000 = arith.fptosi %min3A_2999 : vector<16xf32> to vector<16xi32>
      %lt3A_3001 = arith.cmpf olt, %get3A_2997, %broadcast_in_dim3A_98 : vector<16xf32>
      %gt3A_3002 = arith.cmpf ogt, %get3A_2997, %broadcast_in_dim3A_98 : vector<16xf32>
      %select_n3A_3003 = arith.select %gt3A_3002, %broadcast_in_dim3A_104, %broadcast_in_dim3A_106 : vector<16xi1>, vector<16xi32>
      %select_n3A_3004 = arith.select %lt3A_3001, %broadcast_in_dim3A_102, %select_n3A_3003 : vector<16xi1>, vector<16xi32>
      %or3A_3005 = arith.ori %select_n3A_3004, %convert_element_type3A_3000 : vector<16xi32>
      %mul3A_3006 = arith.muli %or3A_3005, %add3A_116 : vector<16xi32>
      %xor3A_3007 = arith.xori %mul3A_2992, %mul3A_3006 : vector<16xi32>
      %get3A_3008 = arith.constant 5 : i64
      %get3A_3009 = arith.index_cast %add3A_2978 : i32 to index
      %get3A_3010 = arith.index_cast %get3A_3008 : i64 to index
      %get3A_3011 = arith.constant 32 : index
      %get3A_3012 = tpu.vector_load %arg6[%get3A_3009, %get3A_3010, %get3A_3011] {strides = array<i32>} : memref<128x8x64xf32, #tpu.memory_space<vmem>>, vector<16xf32>,
      %abs3A_3013 = math.absf %get3A_3012 : vector<16xf32>
      %min3A_3014 = arith.minimumf %abs3A_3013, %broadcast_in_dim3A_100 : vector<16xf32>
      %convert_element_type3A_3015 = arith.fptosi %min3A_3014 : vector<16xf32> to vector<16xi32>
      %lt3A_3016 = arith.cmpf olt, %get3A_3012, %broadcast_in_dim3A_98 : vector<16xf32>
      %gt3A_3017 = arith.cmpf ogt, %get3A_3012, %broadcast_in_dim3A_98 : vector<16xf32>
      %select_n3A_3018 = arith.select %gt3A_3017, %broadcast_in_dim3A_104, %broadcast_in_dim3A_106 : vector<16xi1>, vector<16xi32>
      %select_n3A_3019 = arith.select %lt3A_3016, %broadcast_in_dim3A_102, %select_n3A_3018 : vector<16xi1>, vector<16xi32>
      %or3A_3020 = arith.ori %select_n3A_3019, %convert_element_type3A_3015 : vector<16xi32>
      %mul3A_3021 = arith.muli %or3A_3020, %add3A_119 : vector<16xi32>
      %xor3A_3022 = arith.xori %xor3A_3007, %mul3A_3021 : vector<16xi32>
      %get3A_3023 = arith.constant 5 : i64
      %get3A_3024 = arith.index_cast %add3A_2978 : i32 to index
      %get3A_3025 = arith.index_cast %get3A_3023 : i64 to index
      %get3A_3026 = arith.constant 48 : index
      %get3A_3027 = tpu.vector_load %arg6[%get3A_3024, %get3A_3025, %get3A_3026] {strides = array<i32>} : memref<128x8x64xf32, #tpu.memory_space<vmem>>, vector<16xf32>,
      %abs3A_3028 = math.absf %get3A_3027 : vector<16xf32>
      %min3A_3029 = arith.minimumf %abs3A_3028, %broadcast_in_dim3A_100 : vector<16xf32>
      %convert_element_type3A_3030 = arith.fptosi %min3A_3029 : vector<16xf32> to vector<16xi32>
      %lt3A_3031 = arith.cmpf olt, %get3A_3027, %broadcast_in_dim3A_98 : vector<16xf32>
      %gt3A_3032 = arith.cmpf ogt, %get3A_3027, %broadcast_in_dim3A_98 : vector<16xf32>
      %select_n3A_3033 = arith.select %gt3A_3032, %broadcast_in_dim3A_104, %broadcast_in_dim3A_106 : vector<16xi1>, vector<16xi32>
      %select_n3A_3034 = arith.select %lt3A_3031, %broadcast_in_dim3A_102, %select_n3A_3033 : vector<16xi1>, vector<16xi32>
      %or3A_3035 = arith.ori %select_n3A_3034, %convert_element_type3A_3030 : vector<16xi32>
      %mul3A_3036 = arith.muli %or3A_3035, %add3A_122 : vector<16xi32>
      %xor3A_3037 = arith.xori %xor3A_3022, %mul3A_3036 : vector<16xi32>
      %swap3A_3038 = arith.constant 13 : i64
      %swap3A_3039 = arith.index_cast %swap3A_3038 : i64 to index
      %swap3A_3040 = arith.constant 0 : index
      %swap3A_3041 = tpu.vector_load %arg8[%swap3A_3039, %swap3A_3040] {strides = array<i32>} : memref<16x17xi32, #tpu.memory_space<vmem>>, vector<16xi32>,
      tpu.vector_store %arg8[%swap3A_3039, %swap3A_3040], %xor3A_3037 {strides = array<i32>} : memref<16x17xi32, #tpu.memory_space<vmem>>, vector<16xi32>,
      %add3A_3042 = arith.constant 1 : i32
      %add3A_3043 = arith.addi %mul3A_2131, %add3A_3042 : i32
      %get3A_3044 = arith.constant 6 : i64
      %get3A_3045 = arith.index_cast %add3A_3043 : i32 to index
      %get3A_3046 = arith.index_cast %get3A_3044 : i64 to index
      %get3A_3047 = arith.constant 0 : index
      %get3A_3048 = tpu.vector_load %arg6[%get3A_3045, %get3A_3046, %get3A_3047] {strides = array<i32>} : memref<128x8x64xf32, #tpu.memory_space<vmem>>, vector<16xf32>,
      %abs3A_3049 = math.absf %get3A_3048 : vector<16xf32>
      %min3A_3050 = arith.minimumf %abs3A_3049, %broadcast_in_dim3A_100 : vector<16xf32>
      %convert_element_type3A_3051 = arith.fptosi %min3A_3050 : vector<16xf32> to vector<16xi32>
      %lt3A_3052 = arith.cmpf olt, %get3A_3048, %broadcast_in_dim3A_98 : vector<16xf32>
      %gt3A_3053 = arith.cmpf ogt, %get3A_3048, %broadcast_in_dim3A_98 : vector<16xf32>
      %select_n3A_3054 = arith.select %gt3A_3053, %broadcast_in_dim3A_104, %broadcast_in_dim3A_106 : vector<16xi1>, vector<16xi32>
      %select_n3A_3055 = arith.select %lt3A_3052, %broadcast_in_dim3A_102, %select_n3A_3054 : vector<16xi1>, vector<16xi32>
      %or3A_3056 = arith.ori %select_n3A_3055, %convert_element_type3A_3051 : vector<16xi32>
      %mul3A_3057 = arith.muli %or3A_3056, %add3A_113 : vector<16xi32>
      %get3A_3058 = arith.constant 6 : i64
      %get3A_3059 = arith.index_cast %add3A_3043 : i32 to index
      %get3A_3060 = arith.index_cast %get3A_3058 : i64 to index
      %get3A_3061 = arith.constant 16 : index
      %get3A_3062 = tpu.vector_load %arg6[%get3A_3059, %get3A_3060, %get3A_3061] {strides = array<i32>} : memref<128x8x64xf32, #tpu.memory_space<vmem>>, vector<16xf32>,
      %abs3A_3063 = math.absf %get3A_3062 : vector<16xf32>
      %min3A_3064 = arith.minimumf %abs3A_3063, %broadcast_in_dim3A_100 : vector<16xf32>
      %convert_element_type3A_3065 = arith.fptosi %min3A_3064 : vector<16xf32> to vector<16xi32>
      %lt3A_3066 = arith.cmpf olt, %get3A_3062, %broadcast_in_dim3A_98 : vector<16xf32>
      %gt3A_3067 = arith.cmpf ogt, %get3A_3062, %broadcast_in_dim3A_98 : vector<16xf32>
      %select_n3A_3068 = arith.select %gt3A_3067, %broadcast_in_dim3A_104, %broadcast_in_dim3A_106 : vector<16xi1>, vector<16xi32>
      %select_n3A_3069 = arith.select %lt3A_3066, %broadcast_in_dim3A_102, %select_n3A_3068 : vector<16xi1>, vector<16xi32>
      %or3A_3070 = arith.ori %select_n3A_3069, %convert_element_type3A_3065 : vector<16xi32>
      %mul3A_3071 = arith.muli %or3A_3070, %add3A_116 : vector<16xi32>
      %xor3A_3072 = arith.xori %mul3A_3057, %mul3A_3071 : vector<16xi32>
      %get3A_3073 = arith.constant 6 : i64
      %get3A_3074 = arith.index_cast %add3A_3043 : i32 to index
      %get3A_3075 = arith.index_cast %get3A_3073 : i64 to index
      %get3A_3076 = arith.constant 32 : index
      %get3A_3077 = tpu.vector_load %arg6[%get3A_3074, %get3A_3075, %get3A_3076] {strides = array<i32>} : memref<128x8x64xf32, #tpu.memory_space<vmem>>, vector<16xf32>,
      %abs3A_3078 = math.absf %get3A_3077 : vector<16xf32>
      %min3A_3079 = arith.minimumf %abs3A_3078, %broadcast_in_dim3A_100 : vector<16xf32>
      %convert_element_type3A_3080 = arith.fptosi %min3A_3079 : vector<16xf32> to vector<16xi32>
      %lt3A_3081 = arith.cmpf olt, %get3A_3077, %broadcast_in_dim3A_98 : vector<16xf32>
      %gt3A_3082 = arith.cmpf ogt, %get3A_3077, %broadcast_in_dim3A_98 : vector<16xf32>
      %select_n3A_3083 = arith.select %gt3A_3082, %broadcast_in_dim3A_104, %broadcast_in_dim3A_106 : vector<16xi1>, vector<16xi32>
      %select_n3A_3084 = arith.select %lt3A_3081, %broadcast_in_dim3A_102, %select_n3A_3083 : vector<16xi1>, vector<16xi32>
      %or3A_3085 = arith.ori %select_n3A_3084, %convert_element_type3A_3080 : vector<16xi32>
      %mul3A_3086 = arith.muli %or3A_3085, %add3A_119 : vector<16xi32>
      %xor3A_3087 = arith.xori %xor3A_3072, %mul3A_3086 : vector<16xi32>
      %get3A_3088 = arith.constant 6 : i64
      %get3A_3089 = arith.index_cast %add3A_3043 : i32 to index
      %get3A_3090 = arith.index_cast %get3A_3088 : i64 to index
      %get3A_3091 = arith.constant 48 : index
      %get3A_3092 = tpu.vector_load %arg6[%get3A_3089, %get3A_3090, %get3A_3091] {strides = array<i32>} : memref<128x8x64xf32, #tpu.memory_space<vmem>>, vector<16xf32>,
      %abs3A_3093 = math.absf %get3A_3092 : vector<16xf32>
      %min3A_3094 = arith.minimumf %abs3A_3093, %broadcast_in_dim3A_100 : vector<16xf32>
      %convert_element_type3A_3095 = arith.fptosi %min3A_3094 : vector<16xf32> to vector<16xi32>
      %lt3A_3096 = arith.cmpf olt, %get3A_3092, %broadcast_in_dim3A_98 : vector<16xf32>
      %gt3A_3097 = arith.cmpf ogt, %get3A_3092, %broadcast_in_dim3A_98 : vector<16xf32>
      %select_n3A_3098 = arith.select %gt3A_3097, %broadcast_in_dim3A_104, %broadcast_in_dim3A_106 : vector<16xi1>, vector<16xi32>
      %select_n3A_3099 = arith.select %lt3A_3096, %broadcast_in_dim3A_102, %select_n3A_3098 : vector<16xi1>, vector<16xi32>
      %or3A_3100 = arith.ori %select_n3A_3099, %convert_element_type3A_3095 : vector<16xi32>
      %mul3A_3101 = arith.muli %or3A_3100, %add3A_122 : vector<16xi32>
      %xor3A_3102 = arith.xori %xor3A_3087, %mul3A_3101 : vector<16xi32>
      %swap3A_3103 = arith.constant 14 : i64
      %swap3A_3104 = arith.index_cast %swap3A_3103 : i64 to index
      %swap3A_3105 = arith.constant 0 : index
      %swap3A_3106 = tpu.vector_load %arg8[%swap3A_3104, %swap3A_3105] {strides = array<i32>} : memref<16x17xi32, #tpu.memory_space<vmem>>, vector<16xi32>,
      tpu.vector_store %arg8[%swap3A_3104, %swap3A_3105], %xor3A_3102 {strides = array<i32>} : memref<16x17xi32, #tpu.memory_space<vmem>>, vector<16xi32>,
      %add3A_3107 = arith.constant 1 : i32
      %add3A_3108 = arith.addi %mul3A_2131, %add3A_3107 : i32
      %get3A_3109 = arith.constant 7 : i64
      %get3A_3110 = arith.index_cast %add3A_3108 : i32 to index
      %get3A_3111 = arith.index_cast %get3A_3109 : i64 to index
      %get3A_3112 = arith.constant 0 : index
      %get3A_3113 = tpu.vector_load %arg6[%get3A_3110, %get3A_3111, %get3A_3112] {strides = array<i32>} : memref<128x8x64xf32, #tpu.memory_space<vmem>>, vector<16xf32>,
      %abs3A_3114 = math.absf %get3A_3113 : vector<16xf32>
      %min3A_3115 = arith.minimumf %abs3A_3114, %broadcast_in_dim3A_100 : vector<16xf32>
      %convert_element_type3A_3116 = arith.fptosi %min3A_3115 : vector<16xf32> to vector<16xi32>
      %lt3A_3117 = arith.cmpf olt, %get3A_3113, %broadcast_in_dim3A_98 : vector<16xf32>
      %gt3A_3118 = arith.cmpf ogt, %get3A_3113, %broadcast_in_dim3A_98 : vector<16xf32>
      %select_n3A_3119 = arith.select %gt3A_3118, %broadcast_in_dim3A_104, %broadcast_in_dim3A_106 : vector<16xi1>, vector<16xi32>
      %select_n3A_3120 = arith.select %lt3A_3117, %broadcast_in_dim3A_102, %select_n3A_3119 : vector<16xi1>, vector<16xi32>
      %or3A_3121 = arith.ori %select_n3A_3120, %convert_element_type3A_3116 : vector<16xi32>
      %mul3A_3122 = arith.muli %or3A_3121, %add3A_113 : vector<16xi32>
      %get3A_3123 = arith.constant 7 : i64
      %get3A_3124 = arith.index_cast %add3A_3108 : i32 to index
      %get3A_3125 = arith.index_cast %get3A_3123 : i64 to index
      %get3A_3126 = arith.constant 16 : index
      %get3A_3127 = tpu.vector_load %arg6[%get3A_3124, %get3A_3125, %get3A_3126] {strides = array<i32>} : memref<128x8x64xf32, #tpu.memory_space<vmem>>, vector<16xf32>,
      %abs3A_3128 = math.absf %get3A_3127 : vector<16xf32>
      %min3A_3129 = arith.minimumf %abs3A_3128, %broadcast_in_dim3A_100 : vector<16xf32>
      %convert_element_type3A_3130 = arith.fptosi %min3A_3129 : vector<16xf32> to vector<16xi32>
      %lt3A_3131 = arith.cmpf olt, %get3A_3127, %broadcast_in_dim3A_98 : vector<16xf32>
      %gt3A_3132 = arith.cmpf ogt, %get3A_3127, %broadcast_in_dim3A_98 : vector<16xf32>
      %select_n3A_3133 = arith.select %gt3A_3132, %broadcast_in_dim3A_104, %broadcast_in_dim3A_106 : vector<16xi1>, vector<16xi32>
      %select_n3A_3134 = arith.select %lt3A_3131, %broadcast_in_dim3A_102, %select_n3A_3133 : vector<16xi1>, vector<16xi32>
      %or3A_3135 = arith.ori %select_n3A_3134, %convert_element_type3A_3130 : vector<16xi32>
      %mul3A_3136 = arith.muli %or3A_3135, %add3A_116 : vector<16xi32>
      %xor3A_3137 = arith.xori %mul3A_3122, %mul3A_3136 : vector<16xi32>
      %get3A_3138 = arith.constant 7 : i64
      %get3A_3139 = arith.index_cast %add3A_3108 : i32 to index
      %get3A_3140 = arith.index_cast %get3A_3138 : i64 to index
      %get3A_3141 = arith.constant 32 : index
      %get3A_3142 = tpu.vector_load %arg6[%get3A_3139, %get3A_3140, %get3A_3141] {strides = array<i32>} : memref<128x8x64xf32, #tpu.memory_space<vmem>>, vector<16xf32>,
      %abs3A_3143 = math.absf %get3A_3142 : vector<16xf32>
      %min3A_3144 = arith.minimumf %abs3A_3143, %broadcast_in_dim3A_100 : vector<16xf32>
      %convert_element_type3A_3145 = arith.fptosi %min3A_3144 : vector<16xf32> to vector<16xi32>
      %lt3A_3146 = arith.cmpf olt, %get3A_3142, %broadcast_in_dim3A_98 : vector<16xf32>
      %gt3A_3147 = arith.cmpf ogt, %get3A_3142, %broadcast_in_dim3A_98 : vector<16xf32>
      %select_n3A_3148 = arith.select %gt3A_3147, %broadcast_in_dim3A_104, %broadcast_in_dim3A_106 : vector<16xi1>, vector<16xi32>
      %select_n3A_3149 = arith.select %lt3A_3146, %broadcast_in_dim3A_102, %select_n3A_3148 : vector<16xi1>, vector<16xi32>
      %or3A_3150 = arith.ori %select_n3A_3149, %convert_element_type3A_3145 : vector<16xi32>
      %mul3A_3151 = arith.muli %or3A_3150, %add3A_119 : vector<16xi32>
      %xor3A_3152 = arith.xori %xor3A_3137, %mul3A_3151 : vector<16xi32>
      %get3A_3153 = arith.constant 7 : i64
      %get3A_3154 = arith.index_cast %add3A_3108 : i32 to index
      %get3A_3155 = arith.index_cast %get3A_3153 : i64 to index
      %get3A_3156 = arith.constant 48 : index
      %get3A_3157 = tpu.vector_load %arg6[%get3A_3154, %get3A_3155, %get3A_3156] {strides = array<i32>} : memref<128x8x64xf32, #tpu.memory_space<vmem>>, vector<16xf32>,
      %abs3A_3158 = math.absf %get3A_3157 : vector<16xf32>
      %min3A_3159 = arith.minimumf %abs3A_3158, %broadcast_in_dim3A_100 : vector<16xf32>
      %convert_element_type3A_3160 = arith.fptosi %min3A_3159 : vector<16xf32> to vector<16xi32>
      %lt3A_3161 = arith.cmpf olt, %get3A_3157, %broadcast_in_dim3A_98 : vector<16xf32>
      %gt3A_3162 = arith.cmpf ogt, %get3A_3157, %broadcast_in_dim3A_98 : vector<16xf32>
      %select_n3A_3163 = arith.select %gt3A_3162, %broadcast_in_dim3A_104, %broadcast_in_dim3A_106 : vector<16xi1>, vector<16xi32>
      %select_n3A_3164 = arith.select %lt3A_3161, %broadcast_in_dim3A_102, %select_n3A_3163 : vector<16xi1>, vector<16xi32>
      %or3A_3165 = arith.ori %select_n3A_3164, %convert_element_type3A_3160 : vector<16xi32>
      %mul3A_3166 = arith.muli %or3A_3165, %add3A_122 : vector<16xi32>
      %xor3A_3167 = arith.xori %xor3A_3152, %mul3A_3166 : vector<16xi32>
      %swap3A_3168 = arith.constant 15 : i64
      %swap3A_3169 = arith.index_cast %swap3A_3168 : i64 to index
      %swap3A_3170 = arith.constant 0 : index
      %swap3A_3171 = tpu.vector_load %arg8[%swap3A_3169, %swap3A_3170] {strides = array<i32>} : memref<16x17xi32, #tpu.memory_space<vmem>>, vector<16xi32>,
      tpu.vector_store %arg8[%swap3A_3169, %swap3A_3170], %xor3A_3167 {strides = array<i32>} : memref<16x17xi32, #tpu.memory_space<vmem>>, vector<16xi32>,
      %broadcast_in_dim3A_3172 = arith.constant 0 : i32
      %broadcast_in_dim3A_3173 = vector.broadcast %broadcast_in_dim3A_3172 : i32 to vector<16xi32>
      %gather3A_3174 = tpu.vector_load_idx %arg8[%iota3A, %broadcast_in_dim3A_3173] : memref<16x17xi32, #tpu.memory_space<vmem>>[vector<16xi32>, vector<16xi32>], vector<16xi32>,
      %broadcast_in_dim3A_3175 = arith.constant 1 : i32
      %broadcast_in_dim3A_3176 = vector.broadcast %broadcast_in_dim3A_3175 : i32 to vector<16xi32>
      %gather3A_3177 = tpu.vector_load_idx %arg8[%iota3A, %broadcast_in_dim3A_3176] : memref<16x17xi32, #tpu.memory_space<vmem>>[vector<16xi32>, vector<16xi32>], vector<16xi32>,
      %broadcast_in_dim3A_3178 = arith.constant 2 : i32
      %broadcast_in_dim3A_3179 = vector.broadcast %broadcast_in_dim3A_3178 : i32 to vector<16xi32>
      %gather3A_3180 = tpu.vector_load_idx %arg8[%iota3A, %broadcast_in_dim3A_3179] : memref<16x17xi32, #tpu.memory_space<vmem>>[vector<16xi32>, vector<16xi32>], vector<16xi32>,
      %broadcast_in_dim3A_3181 = arith.constant 3 : i32
      %broadcast_in_dim3A_3182 = vector.broadcast %broadcast_in_dim3A_3181 : i32 to vector<16xi32>
      %gather3A_3183 = tpu.vector_load_idx %arg8[%iota3A, %broadcast_in_dim3A_3182] : memref<16x17xi32, #tpu.memory_space<vmem>>[vector<16xi32>, vector<16xi32>], vector<16xi32>,
      %broadcast_in_dim3A_3184 = arith.constant 4 : i32
      %broadcast_in_dim3A_3185 = vector.broadcast %broadcast_in_dim3A_3184 : i32 to vector<16xi32>
      %gather3A_3186 = tpu.vector_load_idx %arg8[%iota3A, %broadcast_in_dim3A_3185] : memref<16x17xi32, #tpu.memory_space<vmem>>[vector<16xi32>, vector<16xi32>], vector<16xi32>,
      %broadcast_in_dim3A_3187 = arith.constant 5 : i32
      %broadcast_in_dim3A_3188 = vector.broadcast %broadcast_in_dim3A_3187 : i32 to vector<16xi32>
      %gather3A_3189 = tpu.vector_load_idx %arg8[%iota3A, %broadcast_in_dim3A_3188] : memref<16x17xi32, #tpu.memory_space<vmem>>[vector<16xi32>, vector<16xi32>], vector<16xi32>,
      %broadcast_in_dim3A_3190 = arith.constant 6 : i32
      %broadcast_in_dim3A_3191 = vector.broadcast %broadcast_in_dim3A_3190 : i32 to vector<16xi32>
      %gather3A_3192 = tpu.vector_load_idx %arg8[%iota3A, %broadcast_in_dim3A_3191] : memref<16x17xi32, #tpu.memory_space<vmem>>[vector<16xi32>, vector<16xi32>], vector<16xi32>,
      %broadcast_in_dim3A_3193 = arith.constant 7 : i32
      %broadcast_in_dim3A_3194 = vector.broadcast %broadcast_in_dim3A_3193 : i32 to vector<16xi32>
      %gather3A_3195 = tpu.vector_load_idx %arg8[%iota3A, %broadcast_in_dim3A_3194] : memref<16x17xi32, #tpu.memory_space<vmem>>[vector<16xi32>, vector<16xi32>], vector<16xi32>,
      %broadcast_in_dim3A_3196 = arith.constant 8 : i32
      %broadcast_in_dim3A_3197 = vector.broadcast %broadcast_in_dim3A_3196 : i32 to vector<16xi32>
      %gather3A_3198 = tpu.vector_load_idx %arg8[%iota3A, %broadcast_in_dim3A_3197] : memref<16x17xi32, #tpu.memory_space<vmem>>[vector<16xi32>, vector<16xi32>], vector<16xi32>,
      %broadcast_in_dim3A_3199 = arith.constant 9 : i32
      %broadcast_in_dim3A_3200 = vector.broadcast %broadcast_in_dim3A_3199 : i32 to vector<16xi32>
      %gather3A_3201 = tpu.vector_load_idx %arg8[%iota3A, %broadcast_in_dim3A_3200] : memref<16x17xi32, #tpu.memory_space<vmem>>[vector<16xi32>, vector<16xi32>], vector<16xi32>,
      %broadcast_in_dim3A_3202 = arith.constant 10 : i32
      %broadcast_in_dim3A_3203 = vector.broadcast %broadcast_in_dim3A_3202 : i32 to vector<16xi32>
      %gather3A_3204 = tpu.vector_load_idx %arg8[%iota3A, %broadcast_in_dim3A_3203] : memref<16x17xi32, #tpu.memory_space<vmem>>[vector<16xi32>, vector<16xi32>], vector<16xi32>,
      %broadcast_in_dim3A_3205 = arith.constant 11 : i32
      %broadcast_in_dim3A_3206 = vector.broadcast %broadcast_in_dim3A_3205 : i32 to vector<16xi32>
      %gather3A_3207 = tpu.vector_load_idx %arg8[%iota3A, %broadcast_in_dim3A_3206] : memref<16x17xi32, #tpu.memory_space<vmem>>[vector<16xi32>, vector<16xi32>], vector<16xi32>,
      %broadcast_in_dim3A_3208 = arith.constant 12 : i32
      %broadcast_in_dim3A_3209 = vector.broadcast %broadcast_in_dim3A_3208 : i32 to vector<16xi32>
      %gather3A_3210 = tpu.vector_load_idx %arg8[%iota3A, %broadcast_in_dim3A_3209] : memref<16x17xi32, #tpu.memory_space<vmem>>[vector<16xi32>, vector<16xi32>], vector<16xi32>,
      %broadcast_in_dim3A_3211 = arith.constant 13 : i32
      %broadcast_in_dim3A_3212 = vector.broadcast %broadcast_in_dim3A_3211 : i32 to vector<16xi32>
      %gather3A_3213 = tpu.vector_load_idx %arg8[%iota3A, %broadcast_in_dim3A_3212] : memref<16x17xi32, #tpu.memory_space<vmem>>[vector<16xi32>, vector<16xi32>], vector<16xi32>,
      %broadcast_in_dim3A_3214 = arith.constant 14 : i32
      %broadcast_in_dim3A_3215 = vector.broadcast %broadcast_in_dim3A_3214 : i32 to vector<16xi32>
      %gather3A_3216 = tpu.vector_load_idx %arg8[%iota3A, %broadcast_in_dim3A_3215] : memref<16x17xi32, #tpu.memory_space<vmem>>[vector<16xi32>, vector<16xi32>], vector<16xi32>,
      %broadcast_in_dim3A_3217 = arith.constant 15 : i32
      %broadcast_in_dim3A_3218 = vector.broadcast %broadcast_in_dim3A_3217 : i32 to vector<16xi32>
      %gather3A_3219 = tpu.vector_load_idx %arg8[%iota3A, %broadcast_in_dim3A_3218] : memref<16x17xi32, #tpu.memory_space<vmem>>[vector<16xi32>, vector<16xi32>], vector<16xi32>,
      %xor3A_3220 = arith.xori %gather3A_3174, %gather3A_3177 : vector<16xi32>
      %xor3A_3221 = arith.xori %gather3A_3180, %gather3A_3183 : vector<16xi32>
      %xor3A_3222 = arith.xori %gather3A_3186, %gather3A_3189 : vector<16xi32>
      %xor3A_3223 = arith.xori %gather3A_3192, %gather3A_3195 : vector<16xi32>
      %xor3A_3224 = arith.xori %gather3A_3198, %gather3A_3201 : vector<16xi32>
      %xor3A_3225 = arith.xori %gather3A_3204, %gather3A_3207 : vector<16xi32>
      %xor3A_3226 = arith.xori %gather3A_3210, %gather3A_3213 : vector<16xi32>
      %xor3A_3227 = arith.xori %gather3A_3216, %gather3A_3219 : vector<16xi32>
      %xor3A_3228 = arith.xori %xor3A_3220, %xor3A_3221 : vector<16xi32>
      %xor3A_3229 = arith.xori %xor3A_3222, %xor3A_3223 : vector<16xi32>
      %xor3A_3230 = arith.xori %xor3A_3224, %xor3A_3225 : vector<16xi32>
      %xor3A_3231 = arith.xori %xor3A_3226, %xor3A_3227 : vector<16xi32>
      %xor3A_3232 = arith.xori %xor3A_3228, %xor3A_3229 : vector<16xi32>
      %xor3A_3233 = arith.xori %xor3A_3230, %xor3A_3231 : vector<16xi32>
      %xor3A_3234 = arith.xori %xor3A_3232, %xor3A_3233 : vector<16xi32>
      %xor3A_3235 = arith.xori %xor3A_3234, %get3A_125 : vector<16xi32>
      %and3A_3236 = arith.andi %xor3A_3235, %broadcast_in_dim3A_110 : vector<16xi32>
      %xor3A_3237 = arith.xori %xor3A_3234, %get3A_129 : vector<16xi32>
      %and3A_3238 = arith.andi %xor3A_3237, %broadcast_in_dim3A_110 : vector<16xi32>
      %xor3A_3239 = arith.xori %xor3A_3234, %get3A_133 : vector<16xi32>
      %and3A_3240 = arith.andi %xor3A_3239, %broadcast_in_dim3A_110 : vector<16xi32>
      %xor3A_3241 = arith.xori %xor3A_3234, %get3A_137 : vector<16xi32>
      %and3A_3242 = arith.andi %xor3A_3241, %broadcast_in_dim3A_110 : vector<16xi32>
      %min3A_3243 = arith.minsi %and3A_3236, %and3A_3238 : vector<16xi32>
      %max3A_3244 = arith.maxsi %and3A_3236, %and3A_3238 : vector<16xi32>
      %min3A_3245 = arith.minsi %and3A_3240, %and3A_3242 : vector<16xi32>
      %max3A_3246 = arith.maxsi %and3A_3240, %and3A_3242 : vector<16xi32>
      %min3A_3247 = arith.minsi %min3A_3243, %min3A_3245 : vector<16xi32>
      %max3A_3248 = arith.maxsi %min3A_3243, %min3A_3245 : vector<16xi32>
      %min3A_3249 = arith.minsi %max3A_3244, %max3A_3246 : vector<16xi32>
      %min3A_3250 = arith.minsi %max3A_3248, %min3A_3249 : vector<16xi32>
      %swap3A_3251 = arith.constant 0 : i64
      %swap3A_3252 = arith.index_cast %swap3A_3251 : i64 to index
      %swap3A_3253 = arith.index_cast %mul3A_2116 : i32 to index
      %swap3A_3254 = tpu.vector_load %arg9[%swap3A_3252, %swap3A_3253] {strides = array<i32>} : memref<2x1024xi32, #tpu.memory_space<vmem>>, vector<16xi32>,
      tpu.vector_store %arg9[%swap3A_3252, %swap3A_3253], %min3A_3247 {strides = array<i32>} : memref<2x1024xi32, #tpu.memory_space<vmem>>, vector<16xi32>,
      %swap3A_3255 = arith.constant 1 : i64
      %swap3A_3256 = arith.index_cast %swap3A_3255 : i64 to index
      %swap3A_3257 = arith.index_cast %mul3A_2116 : i32 to index
      %swap3A_3258 = tpu.vector_load %arg9[%swap3A_3256, %swap3A_3257] {strides = array<i32>} : memref<2x1024xi32, #tpu.memory_space<vmem>>, vector<16xi32>,
      tpu.vector_store %arg9[%swap3A_3256, %swap3A_3257], %min3A_3250 {strides = array<i32>} : memref<2x1024xi32, #tpu.memory_space<vmem>>, vector<16xi32>,
      %shift_right_arithmetic3A_3259 = arith.constant 3 : i32
      %shift_right_arithmetic3A_3260 = vector.broadcast %shift_right_arithmetic3A_3259 : i32 to vector<16xi32>
      %shift_right_arithmetic3A_3261 = arith.shrsi %min3A_3247, %shift_right_arithmetic3A_3260 : vector<16xi32>
      %and3A_3262 = arith.andi %min3A_3247, %broadcast_in_dim3A_139 : vector<16xi32>
      tpu.vector_store_idx %arg12[%shift_right_arithmetic3A_3261, %and3A_3262, %iota3A], %broadcast_in_dim3A_108 : memref<8x8x16xf32, #tpu.memory_space<vmem>>[vector<16xi32>, vector<16xi32>, vector<16xi32>], vector<16xf32>,
      %shift_right_arithmetic3A_3263 = arith.constant 3 : i32
      %shift_right_arithmetic3A_3264 = vector.broadcast %shift_right_arithmetic3A_3263 : i32 to vector<16xi32>
      %shift_right_arithmetic3A_3265 = arith.shrsi %min3A_3250, %shift_right_arithmetic3A_3264 : vector<16xi32>
      %and3A_3266 = arith.andi %min3A_3250, %broadcast_in_dim3A_139 : vector<16xi32>
      tpu.vector_store_idx %arg12[%shift_right_arithmetic3A_3265, %and3A_3266, %iota3A], %broadcast_in_dim3A_108 : memref<8x8x16xf32, #tpu.memory_space<vmem>>[vector<16xi32>, vector<16xi32>, vector<16xi32>], vector<16xf32>,
      %add3A_3267 = arith.addi %mul3A_2, %mul3A_2116 : i32
      %shift_right_arithmetic3A_3268 = arith.constant 7 : i32
      %shift_right_arithmetic3A_3269 = arith.shrsi %add3A_3267, %shift_right_arithmetic3A_3268 : i32
      %and3A_3270 = arith.constant 127 : i32
      %and3A_3271 = arith.andi %add3A_3267, %and3A_3270 : i32
      %multiple_of3A_3272 = tpu.assume_multiple %and3A_3271, 16 : i32
      %dma_start3A_3273 = arith.constant 0 : i32
      %dma_start3A_3274 = arith.constant 0 : i32
      %dma_start3A_3275 = tpu.memref_slice %arg5[%dma_start3A_3273, %shift_right_arithmetic3A_3269, %dma_start3A_3274, %multiple_of3A_3272] : memref<8x256x8x128xf32, #tpu.memory_space<hbm>> -> memref<8x1x8x16xf32, #tpu.memory_space<hbm>>
      %dma_start3A_3276 = tpu.memref_squeeze %dma_start3A_3275 : memref<8x1x8x16xf32, #tpu.memory_space<hbm>> -> memref<8x8x16xf32, #tpu.memory_space<hbm>>
      %dma_start3A_3277 = arith.constant 0 : i32
      %dma_start3A_3278 = arith.constant 0 : i32
      %dma_start3A_3279 = tpu.memref_slice %arg5[%dma_start3A_3277, %shift_right_arithmetic3A_3269, %dma_start3A_3278, %multiple_of3A_3272] : memref<8x256x8x128xf32, #tpu.memory_space<hbm>> -> memref<8x1x8x16xf32, #tpu.memory_space<hbm>>
      %dma_start3A_3280 = tpu.memref_squeeze %dma_start3A_3279 : memref<8x1x8x16xf32, #tpu.memory_space<hbm>> -> memref<8x8x16xf32, #tpu.memory_space<hbm>>
      tpu.enqueue_dma source(%arg12 : memref<8x8x16xf32, #tpu.memory_space<vmem>>) target(%dma_start3A_3280 : memref<8x8x16xf32, #tpu.memory_space<hbm>>) target_semaphore(%arg14 : memref<!tpu.dma_semaphore, #tpu.memory_space<semaphore_mem>>)
      %add3A_3281 = arith.constant 1 : i32
      %add3A_3282 = arith.addi %scan3A_936, %add3A_3281 : i32
      scf.yield %add3A_3282, %min3A_2078, %min3A_2081, %min3A_3247, %min3A_3250 : i32, vector<16xi32>, vector<16xi32>, vector<16xi32>, vector<16xi32>
    }
    %scan3A_912 = arith.constant 32 : i32
    %dma_wait3A_913 = arith.constant 0 : i32
    %dma_wait3A_914 = arith.constant 0 : i32
    %dma_wait3A_915 = arith.constant 0 : i32
    %dma_wait3A_916 = arith.constant 0 : i32
    %dma_wait3A_917 = tpu.memref_slice %arg5[%dma_wait3A_914, %dma_wait3A_913, %dma_wait3A_915, %dma_wait3A_916] : memref<8x256x8x128xf32, #tpu.memory_space<hbm>> -> memref<8x1x8x16xf32, #tpu.memory_space<hbm>>
    %dma_wait3A_918 = tpu.memref_squeeze %dma_wait3A_917 : memref<8x1x8x16xf32, #tpu.memory_space<hbm>> -> memref<8x8x16xf32, #tpu.memory_space<hbm>>
    %dma_wait3A_919 = arith.constant 0 : i32
    %dma_wait3A_920 = arith.constant 0 : i32
    %dma_wait3A_921 = arith.constant 0 : i32
    %dma_wait3A_922 = tpu.memref_slice %arg5[%dma_wait3A_919, %dma_wait3A_913, %dma_wait3A_920, %dma_wait3A_921] : memref<8x256x8x128xf32, #tpu.memory_space<hbm>> -> memref<8x1x8x16xf32, #tpu.memory_space<hbm>>
    %dma_wait3A_923 = tpu.memref_squeeze %dma_wait3A_922 : memref<8x1x8x16xf32, #tpu.memory_space<hbm>> -> memref<8x8x16xf32, #tpu.memory_space<hbm>>
    tpu.wait_dma2 semaphore(%arg13 : memref<!tpu.dma_semaphore, #tpu.memory_space<semaphore_mem>>) src(%arg11 : memref<8x8x16xf32, #tpu.memory_space<vmem>>) dst(%dma_wait3A_923 : memref<8x8x16xf32, #tpu.memory_space<hbm>>)
    %dma_wait3A_924 = arith.constant 0 : i32
    %dma_wait3A_925 = arith.constant 0 : i32
    %dma_wait3A_926 = arith.constant 0 : i32
    %dma_wait3A_927 = arith.constant 0 : i32
    %dma_wait3A_928 = tpu.memref_slice %arg5[%dma_wait3A_925, %dma_wait3A_924, %dma_wait3A_926, %dma_wait3A_927] : memref<8x256x8x128xf32, #tpu.memory_space<hbm>> -> memref<8x1x8x16xf32, #tpu.memory_space<hbm>>
    %dma_wait3A_929 = tpu.memref_squeeze %dma_wait3A_928 : memref<8x1x8x16xf32, #tpu.memory_space<hbm>> -> memref<8x8x16xf32, #tpu.memory_space<hbm>>
    %dma_wait3A_930 = arith.constant 0 : i32
    %dma_wait3A_931 = arith.constant 0 : i32
    %dma_wait3A_932 = arith.constant 0 : i32
    %dma_wait3A_933 = tpu.memref_slice %arg5[%dma_wait3A_930, %dma_wait3A_924, %dma_wait3A_931, %dma_wait3A_932] : memref<8x256x8x128xf32, #tpu.memory_space<hbm>> -> memref<8x1x8x16xf32, #tpu.memory_space<hbm>>
    %dma_wait3A_934 = tpu.memref_squeeze %dma_wait3A_933 : memref<8x1x8x16xf32, #tpu.memory_space<hbm>> -> memref<8x8x16xf32, #tpu.memory_space<hbm>>
    tpu.wait_dma2 semaphore(%arg14 : memref<!tpu.dma_semaphore, #tpu.memory_space<semaphore_mem>>) src(%arg12 : memref<8x8x16xf32, #tpu.memory_space<vmem>>) dst(%dma_wait3A_934 : memref<8x8x16xf32, #tpu.memory_space<hbm>>)
    "tpu.region"() ({
      %run_scoped3A = tpu.sem_alloc : memref<!tpu.dma_semaphore, #tpu.memory_space<semaphore_mem>>
      %dma_start3A_935 = arith.constant 0 : i32
      %dma_start3A_936 = tpu.memref_slice %arg4[%dma_start3A_935, %mul3A_2] : memref<2x32768xi32, #tpu.memory_space<hbm>> -> memref<2x1024xi32, #tpu.memory_space<hbm>>
      %dma_start3A_937 = arith.constant 0 : i32
      %dma_start3A_938 = tpu.memref_slice %arg4[%dma_start3A_937, %mul3A_2] : memref<2x32768xi32, #tpu.memory_space<hbm>> -> memref<2x1024xi32, #tpu.memory_space<hbm>>
      tpu.enqueue_dma source(%arg9 : memref<2x1024xi32, #tpu.memory_space<vmem>>) target(%dma_start3A_938 : memref<2x1024xi32, #tpu.memory_space<hbm>>) target_semaphore(%run_scoped3A : memref<!tpu.dma_semaphore, #tpu.memory_space<semaphore_mem>>)
      %dma_wait3A_939 = arith.constant 0 : i32
      %dma_wait3A_940 = tpu.memref_slice %arg4[%dma_wait3A_939, %mul3A_2] : memref<2x32768xi32, #tpu.memory_space<hbm>> -> memref<2x1024xi32, #tpu.memory_space<hbm>>
      %dma_wait3A_941 = arith.constant 0 : i32
      %dma_wait3A_942 = tpu.memref_slice %arg4[%dma_wait3A_941, %mul3A_2] : memref<2x32768xi32, #tpu.memory_space<hbm>> -> memref<2x1024xi32, #tpu.memory_space<hbm>>
      tpu.wait_dma2 semaphore(%run_scoped3A : memref<!tpu.dma_semaphore, #tpu.memory_space<semaphore_mem>>) src(%arg9 : memref<2x1024xi32, #tpu.memory_space<vmem>>) dst(%dma_wait3A_942 : memref<2x1024xi32, #tpu.memory_space<hbm>>)
      tpu.yield
    }) : () -> ()
    return
  }
}

</mosaic_0001>

<sc_bundles>
// kernel: kernel.3.cloned.1.call-start
scs
__scs_entry_jumppad:
0x0: {  	(pc) =	sbr.rel $0x88, $3  }
0x1: {  	(tag) =	ssettag $0x0;
	lr =	simm.s32 $0x1  }
0x2: {  	[smem:$0x3F9F] =	sst lr;
	_ =	strace $0xD0000000  }
0x3: {  	_ = 	snop  }
0x4: {  	_ = 	snop  }
0x5: {  	_ = 	snop  }
0x6: {  	_ = 	snop  }
0x7: {  	_ = 	snop  }
__scs_overlays_trampoline_lowered:
0x8: {  	[smem:$0x3FAE] =	sst s0  }
0x9: {  	[smem:$0x3FAF] =	sst s1  }
0xa: {  	[smem:$0x3FB0] =	sst s2  }
0xb: {  	[smem:$0x3FB1] =	sst s3  }
0xc: {  	[smem:$0x3FB2] =	sst s4  }
0xd: {  	[smem:$0x3FB3] =	sst s5  }
0xe: {  	[smem:$0x3FB4] =	sst s6  }
0xf: {  	[smem:$0x3FB5] =	sst s7  }
0x10: {  	[smem:$0x3FB6] =	sst s8  }
0x11: {  	[smem:$0x3FB7] =	sst s9;
	s0 =	simm.s32 @!p0 $0x0  }
0x12: {  	s1 =	sld [smem:$0x3F9D];
	s0 =	simm.s32 @p0 $0x1  }
0x13: {  	[smem:$0x3FB8] =	sst s0;
	s0 =	simm.s32 @!p1 $0x0  }
0x14: {  	s2 =	sld [smem:$0x3F9C];
	s0 =	simm.s32 @p1 $0x1  }
0x15: {  	[smem:$0x3FB9] =	sst s0;
	s0 =	simm.s32 @!p2 $0x0  }
0x16: {  	s3 =	sld [smem:$0x3FDB];
	s0 =	simm.s32 @p2 $0x1  }
0x17: {  	s4 =	simm.s32 $0x1BF5;
	[smem:$0x3FBB] =	sst s0  }
0x18: {  	s0 =	sld [smem:$0x3F9E];
	_ =	swait.ge [sflag:s4], $0x0  }
0x19: {  	s7 =	sld [smem:$0x3F9F]  }
0x1a: {  	s8 =	sadd.s32 $0xFFFFE003, lr  }
0x1b: {  	s9 =	sadd.s32 $0xFFFFFEF7, lr;
	s5 =	simm.s32 $0xFFFFFFFF;
	p2 =	slt.u32 s8, $0xFFFFF086  }
0x1c: {  	p1 =	slt.u32 s9, $0xF7A;
	s5 =	simm.s32 @!p2 $0x0  }
0x1d: {  	s5 =	simm.s32 @p1 $0x1;
	p0 =	seq.s32 s7, s2  }
0x1e: {  	s7 =	smul.u32 @!p0 $0xF7A, s2;
	p2 =	seq.s32 @!p0 s5, $0x0  }
0x1f: {  	s9 =	smul.u32 $0xF7A, s1;
	s8 =	simm.s32 @!p0 $0x1BF5;
	p2 =	por !p2, p0  }
0x20: {  	[sflag:s8] =	ssyncset.s32 @!p0 $0xFFFFF086;
	s6 =	sadd.s32 @!p0 s3, s7;
	s7 =	simm.s32 @!p0 $0x108  }
0x21: {  	s3 =	sadd.s32 s3, s9;
	s6 =	sadd.s32 @!p0 $0x88, s6;
	s7 =	simm.s32 @p2 $0x1082  }
0x22: {  	[simem:s7], [sflag:s8] =	dma.local @!p0 [hbm:s6], $0xF7A  }
0x23: {  	s9 =	sor.u32 $0xD0000000, s2;
	s6 =	simm.s32 $0x108;
	_ =	swait.ge @!p0 [sflag:s8], $0x0  }
0x24: {  	s3 =	sadd.s32 $0x88, s3;
	s6 =	simm.s32 @!p1 $0x1082;
	[sflag:s4] =	ssyncset.s32 $0xFFFFF086  }
0x25: {  	[simem:s6], [sflag:s4] =	dma.local [hbm:s3], $0xF7A  }
0x26: {  	[smem:$0x3F9F] =	sst s1;
	(tag) =	ssettag s2;
	_ =	strace s9  }
0x27: {  	s1 =	sld [smem:$0x3FAF]  }
0x28: {  	s2 =	sld [smem:$0x3FB0]  }
0x29: {  	s4 =	sld [smem:$0x3FB2]  }
0x2a: {  	p0 =	seq.s32 s5, $0x0;
	s5 =	sld [smem:$0x3FB3]  }
0x2b: {  	s6 =	sld [smem:$0x3FB4]  }
0x2c: {  	s7 =	sld [smem:$0x3FB5]  }
0x2d: {  	s3 =	simm.s32 $0x108;
	s8 =	sld [smem:$0x3FB6]  }
0x2e: {  	s3 =	simm.s32 @!p0 $0x1082;
	s9 =	sld [smem:$0x3FB7]  }
0x2f: {  	lr =	sadd.s32 s0, s3;
	s0 =	sld [smem:$0x3FAE]  }
0x30: {  	s3 =	sld [smem:$0x3FB1]  }
0x31: {  	[smem:$0x3FBA] =	sst s10  }
0x32: {  	s10 =	sld [smem:$0x3FB8];
	_ =	sdelay $0x3  }
0x33: {  	p0 =	seq.s32 s10, $0x1;
	s10 =	sld [smem:$0x3FBA];
	_ =	sdelay $0x3  }
0x34: {  	[smem:$0x3FBA] =	sst s10  }
0x35: {  	s10 =	sld [smem:$0x3FB9];
	_ =	sdelay $0x3  }
0x36: {  	p1 =	seq.s32 s10, $0x1;
	s10 =	sld [smem:$0x3FBA];
	_ =	sdelay $0x3  }
0x37: {  	[smem:$0x3FBA] =	sst s10  }
0x38: {  	s10 =	sld [smem:$0x3FBB]  }
0x39: {  	_ = 	snop;
	(pc) =	sbr.ind lr, $3  }
0x3a: {  	_ = 	snop  }
0x3b: {  	_ = 	snop  }
0x3c: {  	p2 =	seq.s32 s10, $0x1;
	s10 =	sld [smem:$0x3FBA]  }
0x3d: {  	_ =	shalt  }
0x3e: {  	_ =	shalt  }
0x3f: {  	_ =	shalt  }
0x40: {  	_ =	shalt  }
0x41: {  	_ =	shalt  }
0x42: {  	_ =	shalt  }
0x43: {  	_ =	shalt  }
0x44: {  	_ =	shalt  }
0x45: {  	_ =	shalt  }
0x46: {  	_ =	shalt  }
0x47: {  	_ =	shalt  }
0x48: {  	_ =	shalt  }
0x49: {  	_ =	shalt  }
0x4a: {  	_ =	shalt  }
0x4b: {  	_ =	shalt  }
0x4c: {  	_ =	shalt  }
0x4d: {  	_ =	shalt  }
0x4e: {  	_ =	shalt  }
0x4f: {  	_ =	shalt  }
0x50: {  	_ =	shalt  }
0x51: {  	_ =	shalt  }
0x52: {  	_ =	shalt  }
0x53: {  	_ =	shalt  }
0x54: {  	_ =	shalt  }
0x55: {  	_ =	shalt  }
0x56: {  	_ =	shalt  }
0x57: {  	_ =	shalt  }
0x58: {  	_ =	shalt  }
0x59: {  	_ =	shalt  }
0x5a: {  	_ =	shalt  }
0x5b: {  	_ =	shalt  }
0x5c: {  	_ =	shalt  }
0x5d: {  	_ =	shalt  }
0x5e: {  	_ =	shalt  }
0x5f: {  	_ =	shalt  }
0x60: {  	_ =	shalt  }
0x61: {  	_ =	shalt  }
0x62: {  	_ =	shalt  }
0x63: {  	_ =	shalt  }
0x64: {  	_ =	shalt  }
0x65: {  	_ =	shalt  }
0x66: {  	_ =	shalt  }
0x67: {  	_ =	shalt  }
0x68: {  	_ =	shalt  }
0x69: {  	_ =	shalt  }
0x6a: {  	_ =	shalt  }
0x6b: {  	_ =	shalt  }
0x6c: {  	_ =	shalt  }
0x6d: {  	_ =	shalt  }
0x6e: {  	_ =	shalt  }
0x6f: {  	_ =	shalt  }
0x70: {  	_ =	shalt  }
0x71: {  	_ =	shalt  }
0x72: {  	_ =	shalt  }
0x73: {  	_ =	shalt  }
0x74: {  	_ =	shalt  }
0x75: {  	_ =	shalt  }
0x76: {  	_ =	shalt  }
0x77: {  	_ =	shalt  }
0x78: {  	_ =	shalt  }
0x79: {  	_ =	shalt  }
0x7a: {  	_ =	shalt  }
0x7b: {  	_ =	shalt  }
0x7c: {  	_ =	shalt  }
0x7d: {  	_ =	shalt  }
0x7e: {  	_ =	shalt  }
0x7f: {  	_ =	shalt  }
0x80: {  	_ =	shalt  }
0x81: {  	_ =	shalt  }
0x82: {  	_ =	shalt  }
0x83: {  	_ =	shalt  }
0x84: {  	_ =	shalt  }
0x85: {  	_ =	shalt  }
0x86: {  	_ =	shalt  }
0x87: {  	_ =	shalt  }
.Lfunc_end0:
.L_simem_size_0:
called_computation_lowered:
.L_overlay_start_0:
0x88: {  	s2 =	sld [smem:$0x3FD9]  }
0x89: {  	s3 =	sld [smem:$0x3FFE];
	_ =	sdelay $0x1  }
0x8a: {  	s1 =	srdreg.scid  }
0x8b: {  	s0 =	sand.u32 $0x1, s1  }
0x8c: {  	s15 =	sshll.u32 s0, $0xA;
	s2 =	sadd.s32 s3, s2  }
0x8d: {  	s2 =	sadd.s32 s2, s15  }
0x8e: {  	[smem:$0x3FC6] =	sst s2  }
0x8f: {  	_ = 	snop  }
0x90: {  	s2 =	sld [smem:$0x3FD0];
	_ =	sdelay $0x2  }
0x91: {  	s4 =	simm.s32 $0xA;
	s5 =	simm.s32 $0x10;
	s16 =	sld [smem:$0x3FC9]  }
0x92: {  	[smem:s5], [sflag:s4] =	dma.local [hbm:s2], $0x1  }
0x93: {  	_ =	swait.eq [sflag:s4], $0x1  }
0x94: {  	s17 =	sld [smem:$0x10];
	[sflag:s4] =	ssyncset.done $0x0  }
0x95: {  	s18 =	sld [smem:$0x11];
	[sflag:s4] =	ssyncadd.s32 $0xFFFFFFFF  }
0x96: {  	s19 =	sld [smem:$0x12];
	(tm) =	ssettm $0x1  }
0x97: {  	s6 =	sld [smem:$0x3FFB];
	_ =	sdelay $0x3  }
0x98: {  	_ =	strace s6  }
0x99: {  	s6 =	sld [smem:$0x3FFC];
	_ =	sdelay $0x3  }
0x9a: {  	_ =	strace s6  }
0x9b: {  	s6 =	sld [smem:$0x3FFD];
	_ =	sdelay $0x3  }
0x9c: {  	_ =	strace s6  }
0x9d: {  	_ =	strace $0x8FFFFFFF  }
0x9e: {  	s20 =	sld [smem:$0x3FDB];
	_ =	sdelay $0x1  }
0x9f: {  	s7 =	simm.s32 $_scs_section_size  }
0xa0: {  	s8 =	simm.s32 $_size__tile_overlayer_lowered;
	s9 =	simm.s32 $_tile_overlayer_lowered  }
0xa1: {  	s23 =	simm.s32 $0x1BFF;
	s22 =	sshll.u32 s9, $0x1;
	s6 =	sadd.s32 s7, s20  }
0xa2: {  	s10 =	simm.s32 $0x0;
	s21 =	sshll.u32 s8, $0x1;
	s8 =	sadd.s32 s22, s6  }
0xa3: {  	[timem:s10], [sflag:s23] =	dma.local [hbm:s8], s21  }
0xa4: {  	_ =	swait.ge [sflag:s23], s21  }
0xa5: {  	s7 =	ssub.s32 $0x0, s21;
	[sflag:s23] =	ssyncset.done $0x0  }
0xa6: {  	[sflag:s23] =	ssyncadd.s32 s7;
	_ =	sdelay $0x1  }
0xa7: {  	s24 =	simm.s32 $0x1B8B  }
0xa8: {  	_ =	swait.ge [sflag:s24], $0x1  }
0xa9: {  	[sflag:s24] =	ssyncset.done $0x0  }
0xaa: {  	s25 =	simm.s32 $0x1B8E;
	[sflag:s24] =	ssyncadd.s32 $0xFFFFFFFF  }
0xab: {  	s26 =	simm.s32 $execute0_lowered;
	[smem:$0x3FD2] =	sst s25  }
0xac: {  	s7 =	sshll.u32 s26, $0x1;
	_ =	strace $0x80000046;
	[dreg:$0x1] =	wrdreg $0xFFFFFFFF  }
0xad: {  	s28 =	simm.s32 $_size_execute0_lowered;
	s6 =	sadd.s32 s6, s7;
	[dreg:$0x0] =	wrdreg $0x0  }
0xae: {  	s7 =	sshll.u32 s28, $0x1;
	[dreg:$0x2] =	wrdreg s6  }
0xaf: {  	[dreg:$0x3] =	wrdreg s7  }
0xb0: {  	[dreg:$0x4] =	wrdreg $0xC0  }
0xb1: {  	_ =	task [dreg:s10], $0x5FFFF  }
0xb2: {  	[dreg:$0x1] =	wrdreg $0xFFFFFFFF  }
0xb3: {  	[dreg:$0x0] =	wrdreg $0x60  }
0xb4: {  	[dreg:$0x2] =	wrdreg s16  }
0xb5: {  	[dreg:$0x3] =	wrdreg s17  }
0xb6: {  	[dreg:$0x4] =	wrdreg s18  }
0xb7: {  	[dreg:$0x5] =	wrdreg s19  }
0xb8: {  	[dreg:$0x6] =	wrdreg $0x9  }
0xb9: {  	_ =	task.clear_ibuf [dreg:s10], $0x7FFFF;
	_ =	strace $0x90000046  }
0xba: {  	s29 =	simm.s32 $0x9;
	_ =	strace $0x80000048  }
0xbb: {  	_ =	swait.ge [sflag:s29], $0x1  }
0xbc: {  	[sflag:s29] =	ssyncadd.s32 $0xFFFFFFFF  }
0xbd: {  	_ =	strace $0x90000048  }
0xbe: {  	_ =	sfence  }
0xbf: {  	s30 =	sld [smem:$0x0];
	_ =	sdelay $0x2  }
0xc0: {  	s31 =	sshll.u32 s1, $0xD;
	s1 =	sshrl.u32 s1, $0x2  }
0xc1: {  	s3 =	sand.u32 $0x4000, s31;
	s1 =	sadd.s32 s1, s30  }
0xc2: {  	s0 =	sor.u32 s3, s0;
	s1 =	sshll.u32 s1, $0x11  }
0xc3: {  	s0 =	sor.u32 s1, s0  }
0xc4: {  	s0 =	sadd.s32 $0x8F2B, s0  }
0xc5: {  	[sflag:s0] =	ssyncadd.remote.s32 $0x1  }
0xc6: {  	_ =	sfence.sel $0xFFFF  }
0xc7: {  	[dreg:$0x0] =	wrdreg $0xFFFFFFFF;
	(pc) =	sbr.abs _section_cstart, $3  }
0xc8: {  	[dreg:$0x1] =	wrdreg $0xFFFFFFFF  }
0xc9: {  	_ =	task.clear_ibuf [dreg:s10], $0x2FFFF;
	_ =	strace $0x9FFFFFFF  }
0xca: {  	(tm) =	ssettm $0x7FFFFFFF  }
0xcb: {  	_ =	shalt  }
tec
execute0_lowered:
.L_overlay_start_1:
0x0: {  	(tag) =	ssettag $0x1  }
0x1: {  	s0 =	rddreg [dreg:$0x0]  }
0x2: {  	s1 =	rddreg [dreg:$0x2]  }
0x3: {  	s3 =	rddreg [dreg:$0x3];
	s2 =	srdreg.scid  }
0x4: {  	s11 =	stileid.u32;
	s16 =	simm.s32 $0x0;
	s13 =	simm.s32 $0x40  }
0x5: {  	s14 =	simm.s32 $0x80;
	s22 =	simm.s32 $0x7;
	s18 =	simm.s32 $0x10B40  }
0x6: {  	s19 =	simm.s32 $0x10000;
	s20 =	simm.s32 $0x10;
	s28 =	simm.s32 $0x10EC0  }
0x7: {  	s29 =	simm.s32 $0x10F40;
	s30 =	simm.s32 $0x10180;
	s31 =	simm.s32 $0x10FC0  }
0x8: {  	s15 =	simm.s32 $0x111C0;
	s12 =	simm.s32 $0x1;
	s2 =	sand.u32 $0x1, s2  }
0x9: {  	s4 =	sshll.u32 s11, $0x1;
	[smem:$0x7FF] =	sst s16;
	s24 =	sshll.u32 s11, $0xE  }
0xa: {  	s11 =	simm.s32 $0x112C0;
	s5 =	ssub.s32 $0x2, s2;
	s4 =	sor.u32 s2, s4  }
0xb: {  	v0 =	vlaneseq.u32;
	v1 =	vimm.f32 $0.0e+00;
	v3 =	vimm.s32 $0x0;
	_ =	strace $0x80000047;
	s2 =	sshll.u32 s2, $0xD;
	s6 =	sshrl.u32 s5, $0x1  }
0xc: {  	v23 =	vimm.f32 $5.000000000e-01;
	v2 =	vmul.u32 $0x18, v0;
	v4 =	vadd.s32 $0x1, v0;
	s7 =	sshll.u32 s4, $0x11;
	s23 =	sshll.u32 s4, $0x7;
	s26 =	sor.u32 s2, s24  }
0xd: {  	v5 =	vadd.s32 $0x11, v0;
	v6 =	vadd.s32 $0x21, v0;
	v7 =	vadd.s32 $0x31, v0;
	s2 =	simm.s32 $0x110C0;
	s10 =	ssub.s32 s5, s6;
	s5 =	sshll.u32 s4, $0xA  }
.Ltmp0:
0xe: {  	v8 =	vor.u32 $0x1, v2;
	v9 =	vor.u32 $0x2, v2;
	v10 =	vor.u32 $0x3, v2;
	s6 =	sadd.s32 s0, s7;
	s0 =	sadd.s32 s1, s23;
	(pc) =	sbr.rel .LBB2_1-.Ltmp0, $4  }
0xf: {  	v11 =	vor.u32 $0x4, v2;
	v12 =	vor.u32 $0x5, v2;
	v13 =	vor.u32 $0x6, v2;
	s1 =	simm.s32 $0x11140;
	s7 =	sadd.s32 $0x8000, s6;
	s8 =	sadd.s32 $0x10000, s6  }
0x10: {  	v14 =	vor.u32 $0x7, v2;
	v15 =	vadd.s32 $0x8, v2;
	v16 =	vadd.s32 $0x9, v2;
	s9 =	sadd.s32 $0x18000, s6;
	[dreg:$0x6] =	wrdreg s0;
	s25 =	smax.u32 s10, $0x1  }
0x11: {  	v17 =	vadd.s32 $0xA, v2;
	v18 =	vadd.s32 $0xB, v2;
	v19 =	vadd.s32 $0xC, v2;
	s0 =	sor.u32 $0x80, s26;
	s26 =	simm.s32 $0x10E40;
	[dreg:$0x7] =	wrdreg s25  }
0x12: {  	v20 =	vadd.s32 $0xD, v2;
	v21 =	vadd.s32 $0xE, v2;
	v22 =	vadd.s32 $0xF, v2;
	s10 =	simm.s32 $0x11240;
	[dreg:$0x8] =	wrdreg s0;
	s0 =	simm.s32 $0x11040  }
.LBB2_21:
0x13: {  	_ =	swait.ge [sflag:s12], $0x400  }
0x14: {  	[sflag:s12] =	ssyncset.done $0x0  }
0x15: {  	s4 =	simm.s32 $0x2;
	[sflag:s12] =	ssyncadd.s32 $0xFFFFFC00  }
0x16: {  	s16 =	simm.s32 $0x400;
	_ =	swait.ge [sflag:s4], $0x400  }
0x17: {  	s17 =	simm.s32 $0x8000;
	s21 =	simm.s32 $0x10300;
	[sflag:s4] =	ssyncset.done $0x0  }
0x18: {  	s22 =	simm.s32 $0x7;
	s23 =	rddreg [dreg:$0x6];
	[sflag:s4] =	ssyncadd.s32 $0xFFFFFC00  }
0x19: {  	[hbm4b:s23+s16] =	stream.strided.scatter [tilespmem:s21], [sflag:$0x7], $0x800, s17, s16, $0x38;
	[tilespmem:$0x11340] =	vst v63  }
0x1a: {  	_ =	swait.ge [sflag:s22], $0x800  }
0x1b: {  	s24 =	rddreg [dreg:$0x5]  }
0x1c: {  	s25 =	rddreg [dreg:$0x7];
	s16 =	sadd.s32 $0x1, s24  }
0x1d: {  	p0 =	sne.s32 s16, s25  }
.Ltmp1:
0x1e: {  	_ = 	snop;
	(pc) =	sbr.rel @!p0 .LBB2_22-.Ltmp1, $3  }
0x1f: {  	_ =	sdelay $0x1  }
0x20: {  	[sflag:s22] =	ssyncset.done $0x0  }
0x21: {  	[sflag:s22] =	ssyncadd.s32 $0xFFFFF800  }
.LBB2_1:
0x22: {  	[dreg:$0x5] =	wrdreg s16;
	s4 =	simm.s32 $0x400  }
0x23: {  	s21 =	sadd.s32 $0x0, s6;
	s16 =	simm.s32 $0x200;
	s17 =	simm.s32 $0x0  }
.LBB2_2:
0x24: {  	[tilespmem:s17], [sflag:$0x3] =	stream.strided.gather [hbm4b:s21+s13], $0x200, s14, s13, $0x38;
	[tilespmem:$0x11340] =	vst v63  }
0x25: {  	s21 =	smov.u32 s4;
	s17 =	smov.u32 s16;
	p0 =	sne.s32 s4, $0x7C00  }
.Ltmp2:
0x26: {  	s4 =	sadd.s32 $0x400, s4;
	(pc) =	sbr.rel @p0 .LBB2_2-.Ltmp2, $2  }
0x27: {  	_ =	sdelay $0x2  }
0x28: {  	s16 =	sadd.s32 $0x200, s16;
	s21 =	sadd.s32 s21, s6  }
0x29: {  	[tilespmem:s17], [sflag:$0x3] =	stream.strided.gather [hbm4b:s21+s13], $0x200, s14, s13, $0x38;
	[tilespmem:$0x11340] =	vst v63  }
0x2a: {  	s4 =	simm.s32 $0x4000  }
0x2b: {  	s16 =	simm.s32 $0x400;
	s21 =	sadd.s32 $0x0, s7;
	s17 =	simm.s32 $0x4200  }
.LBB2_4:
0x2c: {  	[tilespmem:s4], [sflag:$0x4] =	stream.strided.gather [hbm4b:s21+s13], $0x200, s14, s13, $0x38;
	[tilespmem:$0x11340] =	vst v63  }
0x2d: {  	s21 =	smov.u32 s16;
	s4 =	smov.u32 s17;
	p0 =	sne.s32 s16, $0x7C00  }
.Ltmp3:
0x2e: {  	s16 =	sadd.s32 $0x400, s16;
	(pc) =	sbr.rel @p0 .LBB2_4-.Ltmp3, $2  }
0x2f: {  	_ =	sdelay $0x2  }
0x30: {  	s17 =	sadd.s32 $0x200, s17;
	s21 =	sadd.s32 s21, s7  }
0x31: {  	[tilespmem:s4], [sflag:$0x4] =	stream.strided.gather [hbm4b:s21+s13], $0x200, s14, s13, $0x38;
	[tilespmem:$0x11340] =	vst v63  }
0x32: {  	s4 =	simm.s32 $0x8000  }
0x33: {  	s16 =	simm.s32 $0x400;
	s21 =	sadd.s32 $0x0, s8;
	s17 =	simm.s32 $0x8200  }
.LBB2_6:
0x34: {  	[tilespmem:s4], [sflag:$0x5] =	stream.strided.gather [hbm4b:s21+s13], $0x200, s14, s13, $0x38;
	[tilespmem:$0x11340] =	vst v63  }
0x35: {  	s21 =	smov.u32 s16;
	s4 =	smov.u32 s17;
	p0 =	sne.s32 s16, $0x7C00  }
.Ltmp4:
0x36: {  	s16 =	sadd.s32 $0x400, s16;
	(pc) =	sbr.rel @p0 .LBB2_6-.Ltmp4, $2  }
0x37: {  	_ =	sdelay $0x2  }
0x38: {  	s17 =	sadd.s32 $0x200, s17;
	s21 =	sadd.s32 s21, s8  }
0x39: {  	[tilespmem:s4], [sflag:$0x5] =	stream.strided.gather [hbm4b:s21+s13], $0x200, s14, s13, $0x38;
	[tilespmem:$0x11340] =	vst v63  }
0x3a: {  	s4 =	simm.s32 $0xC000  }
0x3b: {  	s16 =	simm.s32 $0x400;
	s21 =	sadd.s32 $0x0, s9;
	s17 =	simm.s32 $0xC200  }
.LBB2_8:
0x3c: {  	[tilespmem:s4], [sflag:$0x6] =	stream.strided.gather [hbm4b:s21+s13], $0x200, s14, s13, $0x38;
	[tilespmem:$0x11340] =	vst v63  }
0x3d: {  	s21 =	smov.u32 s16;
	s4 =	smov.u32 s17;
	p0 =	sne.s32 s16, $0x7C00  }
.Ltmp5:
0x3e: {  	s16 =	sadd.s32 $0x400, s16;
	(pc) =	sbr.rel @p0 .LBB2_8-.Ltmp5, $2  }
0x3f: {  	_ =	sdelay $0x2  }
0x40: {  	s17 =	sadd.s32 $0x200, s17;
	s21 =	sadd.s32 s21, s9  }
0x41: {  	[tilespmem:s4], [sflag:$0x6] =	stream.strided.gather [hbm4b:s21+s13], $0x200, s14, s13, $0x38;
	[tilespmem:$0x11340] =	vst v63  }
0x42: {  	s23 =	simm.s32 $0x0;
	s24 =	rddreg [dreg:$0x1];
	s16 =	simm.s32 $0x10B00  }
0x43: {  	[tilespmem:s16], [sflag:$0x7] =	stream.linear.gather [hbm4b:s24+s23], $0x40, $0x38;
	[tilespmem:$0x11340] =	vst v63  }
0x44: {  	_ =	swait.ge [sflag:s22], $0x40  }
0x45: {  	[sflag:s22] =	ssyncset.done $0x0  }
0x46: {  	s25 =	simm.s32 $0x3;
	[sflag:s22] =	ssyncadd.s32 $0xFFFFFFC0  }
0x47: {  	_ =	swait.ge [sflag:s25], $0x4000  }
0x48: {  	[sflag:s25] =	ssyncset.done $0x0  }
0x49: {  	[sflag:s25] =	ssyncadd.s32 $0xFFFFC000  }
0x4a: {  	[tilespmem:$0x10B40] =	vst v1  }
0x4b: {  	[tilespmem:$0x10B50] =	vst v1  }
0x4c: {  	[tilespmem:$0x10B60] =	vst v1  }
0x4d: {  	[tilespmem:$0x10B70] =	vst v1  }
0x4e: {  	[tilespmem:$0x10B80] =	vst v1  }
0x4f: {  	[tilespmem:$0x10B90] =	vst v1  }
0x50: {  	[tilespmem:$0x10BA0] =	vst v1  }
0x51: {  	[tilespmem:$0x10BB0] =	vst v1  }
0x52: {  	[tilespmem:$0x10BC0] =	vst v1  }
0x53: {  	[tilespmem:$0x10BD0] =	vst v1  }
0x54: {  	[tilespmem:$0x10BE0] =	vst v1  }
0x55: {  	[tilespmem:$0x10BF0] =	vst v1  }
0x56: {  	[tilespmem:$0x10C00] =	vst v1  }
0x57: {  	[tilespmem:$0x10C10] =	vst v1  }
0x58: {  	[tilespmem:$0x10C20] =	vst v1  }
0x59: {  	[tilespmem:$0x10C30] =	vst v1  }
0x5a: {  	[tilespmem:$0x10C40] =	vst v1  }
0x5b: {  	[tilespmem:$0x10C50] =	vst v1  }
0x5c: {  	[tilespmem:$0x10C60] =	vst v1  }
0x5d: {  	[tilespmem:$0x10C70] =	vst v1  }
0x5e: {  	[tilespmem:$0x10C80] =	vst v1  }
0x5f: {  	[tilespmem:$0x10C90] =	vst v1  }
0x60: {  	[tilespmem:$0x10CA0] =	vst v1  }
0x61: {  	[tilespmem:$0x10CB0] =	vst v1  }
0x62: {  	[tilespmem:$0x10CC0] =	vst v1  }
0x63: {  	[tilespmem:$0x10CD0] =	vst v1  }
0x64: {  	[tilespmem:$0x10CE0] =	vst v1  }
0x65: {  	[tilespmem:$0x10CF0] =	vst v1  }
0x66: {  	[tilespmem:$0x10D00] =	vst v1  }
0x67: {  	[tilespmem:$0x10D10] =	vst v1  }
0x68: {  	[tilespmem:$0x10D20] =	vst v1  }
0x69: {  	[tilespmem:$0x10D30] =	vst v1  }
0x6a: {  	[tilespmem:$0x10D40] =	vst v1  }
0x6b: {  	[tilespmem:$0x10D50] =	vst v1  }
0x6c: {  	[tilespmem:$0x10D60] =	vst v1  }
0x6d: {  	[tilespmem:$0x10D70] =	vst v1  }
0x6e: {  	[tilespmem:$0x10D80] =	vst v1  }
0x6f: {  	[tilespmem:$0x10D90] =	vst v1  }
0x70: {  	[tilespmem:$0x10DA0] =	vst v1  }
0x71: {  	[tilespmem:$0x10DB0] =	vst v1  }
0x72: {  	[tilespmem:$0x10DC0] =	vst v1  }
0x73: {  	[tilespmem:$0x10DD0] =	vst v1  }
0x74: {  	[tilespmem:$0x10DE0] =	vst v1  }
0x75: {  	[tilespmem:$0x10DF0] =	vst v1  }
0x76: {  	[tilespmem:$0x10E00] =	vst v1  }
0x77: {  	[tilespmem:$0x10E10] =	vst v1  }
0x78: {  	[tilespmem:$0x10E20] =	vst v1  }
0x79: {  	[tilespmem:$0x10E30] =	vst v1  }
0x7a: {  	[tilespmem:$0x10E40] =	vst v1  }
0x7b: {  	[tilespmem:$0x10E50] =	vst v1  }
0x7c: {  	[tilespmem:$0x10E60] =	vst v1  }
0x7d: {  	[tilespmem:$0x10E70] =	vst v1  }
0x7e: {  	[tilespmem:$0x10E80] =	vst v1  }
0x7f: {  	[tilespmem:$0x10E90] =	vst v1  }
0x80: {  	[tilespmem:$0x10EA0] =	vst v1  }
0x81: {  	[tilespmem:$0x10EB0] =	vst v1  }
0x82: {  	[tilespmem:$0x10EC0] =	vst v1  }
0x83: {  	[tilespmem:$0x10ED0] =	vst v1  }
0x84: {  	[tilespmem:$0x10EE0] =	vst v1  }
0x85: {  	[tilespmem:$0x10EF0] =	vst v1  }
0x86: {  	[tilespmem:$0x10F00] =	vst v1  }
0x87: {  	[tilespmem:$0x10F10] =	vst v1  }
0x88: {  	[tilespmem:$0x10F20] =	vst v1  }
0x89: {  	[tilespmem:$0x10F30] =	vst v1  }
0x8a: {  	[tilespmem:$0x10F40] =	vst v1  }
0x8b: {  	[tilespmem:$0x10F50] =	vst v1  }
0x8c: {  	[tilespmem:$0x10F60] =	vst v1  }
0x8d: {  	[tilespmem:$0x10F70] =	vst v1  }
0x8e: {  	[tilespmem:$0x10F80] =	vst v1  }
0x8f: {  	[tilespmem:$0x10F90] =	vst v1  }
0x90: {  	[tilespmem:$0x10FA0] =	vst v1  }
0x91: {  	[tilespmem:$0x10FB0] =	vst v1  }
0x92: {  	[tilespmem:$0x10FC0] =	vst v1  }
0x93: {  	[tilespmem:$0x10FD0] =	vst v1  }
0x94: {  	[tilespmem:$0x10FE0] =	vst v1  }
0x95: {  	[tilespmem:$0x10FF0] =	vst v1  }
0x96: {  	[tilespmem:$0x11000] =	vst v1  }
0x97: {  	[tilespmem:$0x11010] =	vst v1  }
0x98: {  	[tilespmem:$0x11020] =	vst v1  }
0x99: {  	[tilespmem:$0x11030] =	vst v1  }
0x9a: {  	[tilespmem:$0x11040] =	vst v1  }
0x9b: {  	[tilespmem:$0x11050] =	vst v1  }
0x9c: {  	[tilespmem:$0x11060] =	vst v1  }
0x9d: {  	[tilespmem:$0x11070] =	vst v1  }
0x9e: {  	[tilespmem:$0x11080] =	vst v1  }
0x9f: {  	[tilespmem:$0x11090] =	vst v1  }
0xa0: {  	[tilespmem:$0x110A0] =	vst v1  }
0xa1: {  	[tilespmem:$0x110B0] =	vst v1  }
0xa2: {  	[tilespmem:$0x110C0] =	vst v1  }
0xa3: {  	[tilespmem:$0x110D0] =	vst v1  }
0xa4: {  	[tilespmem:$0x110E0] =	vst v1  }
0xa5: {  	[tilespmem:$0x110F0] =	vst v1  }
0xa6: {  	[tilespmem:$0x11100] =	vst v1  }
0xa7: {  	[tilespmem:$0x11110] =	vst v1  }
0xa8: {  	[tilespmem:$0x11120] =	vst v1  }
0xa9: {  	[tilespmem:$0x11130] =	vst v1  }
0xaa: {  	[tilespmem:$0x11140] =	vst v1  }
0xab: {  	[tilespmem:$0x11150] =	vst v1  }
0xac: {  	[tilespmem:$0x11160] =	vst v1  }
0xad: {  	[tilespmem:$0x11170] =	vst v1  }
0xae: {  	[tilespmem:$0x11180] =	vst v1  }
0xaf: {  	[tilespmem:$0x11190] =	vst v1  }
0xb0: {  	[tilespmem:$0x111A0] =	vst v1  }
0xb1: {  	[tilespmem:$0x111B0] =	vst v1  }
0xb2: {  	[tilespmem:$0x111C0] =	vst v1  }
0xb3: {  	[tilespmem:$0x111D0] =	vst v1  }
0xb4: {  	[tilespmem:$0x111E0] =	vst v1  }
0xb5: {  	[tilespmem:$0x111F0] =	vst v1  }
0xb6: {  	[tilespmem:$0x11200] =	vst v1  }
0xb7: {  	[tilespmem:$0x11210] =	vst v1  }
0xb8: {  	[tilespmem:$0x11220] =	vst v1  }
0xb9: {  	[tilespmem:$0x11230] =	vst v1  }
0xba: {  	[tilespmem:$0x11240] =	vst v1  }
0xbb: {  	[tilespmem:$0x11250] =	vst v1  }
0xbc: {  	[tilespmem:$0x11260] =	vst v1  }
0xbd: {  	[tilespmem:$0x11270] =	vst v1  }
0xbe: {  	[tilespmem:$0x11280] =	vst v1  }
0xbf: {  	[tilespmem:$0x11290] =	vst v1  }
0xc0: {  	[tilespmem:$0x112A0] =	vst v1  }
0xc1: {  	[tilespmem:$0x112B0] =	vst v1  }
0xc2: {  	[tilespmem:$0x112C0] =	vst v1  }
0xc3: {  	[tilespmem:$0x112D0] =	vst v1  }
0xc4: {  	[tilespmem:$0x112E0] =	vst v1  }
.Ltmp6:
0xc5: {  	[tilespmem:$0x112F0] =	vst v1;
	(pc) =	sbr.rel .LBB2_10-.Ltmp6, $4  }
0xc6: {  	v24 =	vld [tilespmem:$0x10B00];
	[tilespmem:$0x11300] =	vst v1  }
0xc7: {  	v25 =	vld [tilespmem:$0x10B10];
	[tilespmem:$0x11310] =	vst v1  }
0xc8: {  	v28 =	vimm.s32 $0x0;
	s4 =	simm.s32 $0x10;
	v26 =	vld [tilespmem:$0x10B20];
	[tilespmem:$0x11320] =	vst v1  }
0xc9: {  	s21 =	simm.s32 $0x400;
	v31 =	vimm.s32 $0x0;
	v29 =	vimm.s32 $0x0;
	v30 =	vimm.s32 $0x0;
	s16 =	simm.s32 $0x10710;
	s22 =	rddreg [dreg:$0x8];
	v27 =	vld [tilespmem:$0x10B30];
	[tilespmem:$0x11330] =	vst v1  }
.LBB2_17:
0xca: {  	s17 =	simm.s32 $0x6  }
.LBB2_18:
0xcb: {  	_ =	swait.ge [sflag:s17], $0x4000  }
0xcc: {  	[sflag:s17] =	ssyncset.done $0x0  }
0xcd: {  	[sflag:s17] =	ssyncadd.s32 $0xFFFFC000  }
.LBB2_19:
0xce: {  	_ =	swait.ge [sflag:s12], $0x400  }
0xcf: {  	[sflag:s12] =	ssyncset.done $0x0  }
0xd0: {  	s17 =	sshll.u32 s23, $0x5;
	p0 =	por $0x1, $0x1;
	[sflag:s12] =	ssyncadd.s32 $0xFFFFFC00  }
.LBB2_20:
0xd1: {  	v30 =	vshll.u32 v30, $0x4  }
0xd2: {  	v29 =	vshll.u32 v29, $0x4;
	v30 =	vor.u32 v0, v30  }
0xd3: {  	v29 =	vor.u32 v0, v29;
	_ =	sdelay $0x3  }
0xd4: {  	[tilespmem:v30+s18+$0x0] =	vst.idx.msk $0xffff, v1  }
0xd5: {  	[tilespmem:v29+s18+$0x0] =	vst.idx.msk $0xffff, v1  }
0xd6: {  	v29 =	vld [tilespmem:s21+$0xFFFFFC00]  }
0xd7: {  	v30 =	vld [tilespmem:s21+$0xFFFFFC10]  }
0xd8: {  	v33 =	vld [tilespmem:s21+$0xFFFFFC20]  }
0xd9: {  	v35 =	vld [tilespmem:s21+$0xFFFFFC30];
	_ =	sdelay $0x1  }
0xda: {  	v32 =	vand.u32 $0x7FFFFFFF, v29  }
0xdb: {  	v34 =	vand.u32 $0x7FFFFFFF, v30;
	vm0 =	vgt.f32 v29, $0.0e+00;
	vm1 =	vlt.f32 v29, $0.0e+00  }
0xdc: {  	vm14 =	vgt.f32 v30, $0.0e+00;
	vm15 =	vlt.f32 v30, $0.0e+00;
	v36 =	vand.u32 $0x7FFFFFFF, v33  }
0xdd: {  	vm4 =	vgt.f32 v33, $0.0e+00;
	v58 =	vand.u32 $0x7FFFFFFF, v35;
	vm5 =	vlt.f32 v33, $0.0e+00  }
0xde: {  	vm6 =	vgt.f32 v35, $0.0e+00;
	vm7 =	vlt.f32 v35, $0.0e+00;
	v32 =	vmin.f32 v32, $7.000000000e+00  }
0xdf: {  	v34 =	vmin.f32 v34, $7.000000000e+00;
	v29 =	vsel vm0, $0x4, v3;
	v32 =	vtrunc.f32 v32  }
0xe0: {  	v30 =	vsel vm14, $0x4, v3;
	v34 =	vtrunc.f32 v34;
	v32 =	vcvt.f32.s32 v32  }
0xe1: {  	v57 =	vmin.f32 v36, $7.000000000e+00;
	v29 =	vsel vm1, $0xC, v29;
	v34 =	vcvt.f32.s32 v34  }
0xe2: {  	v59 =	vsel vm4, $0x4, v3;
	v30 =	vsel vm15, $0xC, v30;
	v29 =	vor.u32 v32, v29  }
0xe3: {  	v30 =	vor.u32 v34, v30;
	v32 =	vtrunc.f32 v57;
	v34 =	vmin.f32 v58, $7.000000000e+00  }
0xe4: {  	v60 =	vsel vm6, $0x4, v3;
	v32 =	vcvt.f32.s32 v32;
	v34 =	vtrunc.f32 v34  }
0xe5: {  	v33 =	vsel vm5, $0xC, v59;
	v61 =	vsel vm7, $0xC, v60;
	v34 =	vcvt.f32.s32 v34  }
0xe6: {  	v29 =	vmul.u32 v4, v29;
	v30 =	vmul.u32 v5, v30;
	v32 =	vor.u32 v32, v33  }
0xe7: {  	v32 =	vmul.u32 v6, v32;
	v33 =	vor.u32 v34, v61  }
0xe8: {  	v29 =	vxor.u32 v29, v30;
	v30 =	vmul.u32 v7, v33  }
0xe9: {  	v29 =	vxor.u32 v32, v29  }
0xea: {  	v29 =	vxor.u32 v30, v29  }
0xeb: {  	[tilespmem:$0x10000] =	vst v29  }
0xec: {  	v29 =	vld [tilespmem:s21+$0xFFFFFC40]  }
0xed: {  	v30 =	vld [tilespmem:s21+$0xFFFFFC50]  }
0xee: {  	v63 =	vld [tilespmem:s21+$0xFFFFFC60]  }
0xef: {  	v40 =	vld [tilespmem:s21+$0xFFFFFC70];
	_ =	sdelay $0x1  }
0xf0: {  	v62 =	vand.u32 $0x7FFFFFFF, v29  }
0xf1: {  	v39 =	vand.u32 $0x7FFFFFFF, v30;
	vm8 =	vgt.f32 v29, $0.0e+00;
	vm9 =	vlt.f32 v29, $0.0e+00  }
0xf2: {  	vm10 =	vgt.f32 v30, $0.0e+00;
	vm11 =	vlt.f32 v30, $0.0e+00;
	v41 =	vand.u32 $0x7FFFFFFF, v63  }
0xf3: {  	vm12 =	vgt.f32 v63, $0.0e+00;
	v43 =	vand.u32 $0x7FFFFFFF, v40;
	vm13 =	vlt.f32 v63, $0.0e+00  }
0xf4: {  	vm14 =	vgt.f32 v40, $0.0e+00;
	vm15 =	vlt.f32 v40, $0.0e+00;
	v32 =	vmin.f32 v62, $7.000000000e+00  }
0xf5: {  	v34 =	vmin.f32 v39, $7.000000000e+00;
	v29 =	vsel vm8, $0x4, v3;
	v32 =	vtrunc.f32 v32  }
0xf6: {  	v30 =	vsel vm10, $0x4, v3;
	v34 =	vtrunc.f32 v34;
	v32 =	vcvt.f32.s32 v32  }
0xf7: {  	v42 =	vmin.f32 v41, $7.000000000e+00;
	v29 =	vsel vm9, $0xC, v29;
	v34 =	vcvt.f32.s32 v34  }
0xf8: {  	v44 =	vsel vm12, $0x4, v3;
	v30 =	vsel vm11, $0xC, v30;
	v29 =	vor.u32 v32, v29  }
0xf9: {  	v30 =	vor.u32 v34, v30;
	v32 =	vtrunc.f32 v42;
	v34 =	vmin.f32 v43, $7.000000000e+00  }
0xfa: {  	v45 =	vsel vm14, $0x4, v3;
	v32 =	vcvt.f32.s32 v32;
	v34 =	vtrunc.f32 v34  }
0xfb: {  	v33 =	vsel vm13, $0xC, v44;
	v46 =	vsel vm15, $0xC, v45;
	v34 =	vcvt.f32.s32 v34  }
0xfc: {  	v29 =	vmul.u32 v4, v29;
	v30 =	vmul.u32 v5, v30;
	v32 =	vor.u32 v32, v33  }
0xfd: {  	v32 =	vmul.u32 v6, v32;
	v33 =	vor.u32 v34, v46  }
0xfe: {  	v29 =	vxor.u32 v29, v30;
	v30 =	vmul.u32 v7, v33  }
0xff: {  	v29 =	vxor.u32 v32, v29  }
0x100: {  	v29 =	vxor.u32 v30, v29  }
0x101: {  	[tilespmem:$0x10018] =	vst v29  }
0x102: {  	v29 =	vld [tilespmem:s21+$0xFFFFFC80]  }
0x103: {  	v30 =	vld [tilespmem:s21+$0xFFFFFC90]  }
0x104: {  	v48 =	vld [tilespmem:s21+$0xFFFFFCA0]  }
0x105: {  	v50 =	vld [tilespmem:s21+$0xFFFFFCB0];
	_ =	sdelay $0x1  }
0x106: {  	v47 =	vand.u32 $0x7FFFFFFF, v29  }
0x107: {  	v49 =	vand.u32 $0x7FFFFFFF, v30;
	vm4 =	vgt.f32 v29, $0.0e+00;
	vm5 =	vlt.f32 v29, $0.0e+00  }
0x108: {  	vm6 =	vgt.f32 v30, $0.0e+00;
	vm7 =	vlt.f32 v30, $0.0e+00;
	v51 =	vand.u32 $0x7FFFFFFF, v48  }
0x109: {  	vm8 =	vgt.f32 v48, $0.0e+00;
	v53 =	vand.u32 $0x7FFFFFFF, v50;
	vm9 =	vlt.f32 v48, $0.0e+00  }
0x10a: {  	vm10 =	vgt.f32 v50, $0.0e+00;
	vm11 =	vlt.f32 v50, $0.0e+00;
	v32 =	vmin.f32 v47, $7.000000000e+00  }
0x10b: {  	v34 =	vmin.f32 v49, $7.000000000e+00;
	v29 =	vsel vm4, $0x4, v3;
	v32 =	vtrunc.f32 v32  }
0x10c: {  	v30 =	vsel vm6, $0x4, v3;
	v34 =	vtrunc.f32 v34;
	v32 =	vcvt.f32.s32 v32  }
0x10d: {  	v52 =	vmin.f32 v51, $7.000000000e+00;
	v29 =	vsel vm5, $0xC, v29;
	v34 =	vcvt.f32.s32 v34  }
0x10e: {  	v54 =	vsel vm8, $0x4, v3;
	v30 =	vsel vm7, $0xC, v30;
	v29 =	vor.u32 v32, v29  }
0x10f: {  	v30 =	vor.u32 v34, v30;
	v32 =	vtrunc.f32 v52;
	v34 =	vmin.f32 v53, $7.000000000e+00  }
0x110: {  	v55 =	vsel vm10, $0x4, v3;
	v32 =	vcvt.f32.s32 v32;
	v34 =	vtrunc.f32 v34  }
0x111: {  	v33 =	vsel vm9, $0xC, v54;
	v56 =	vsel vm11, $0xC, v55;
	v34 =	vcvt.f32.s32 v34  }
0x112: {  	v29 =	vmul.u32 v4, v29;
	v30 =	vmul.u32 v5, v30;
	v32 =	vor.u32 v32, v33  }
0x113: {  	v32 =	vmul.u32 v6, v32;
	v33 =	vor.u32 v34, v56  }
0x114: {  	v29 =	vxor.u32 v29, v30;
	v30 =	vmul.u32 v7, v33  }
0x115: {  	v29 =	vxor.u32 v32, v29  }
0x116: {  	v29 =	vxor.u32 v30, v29  }
0x117: {  	[tilespmem:$0x10030] =	vst v29  }
0x118: {  	v29 =	vld [tilespmem:s21+$0xFFFFFCC0]  }
0x119: {  	v30 =	vld [tilespmem:s21+$0xFFFFFCD0]  }
0x11a: {  	v58 =	vld [tilespmem:s21+$0xFFFFFCE0]  }
0x11b: {  	v60 =	vld [tilespmem:s21+$0xFFFFFCF0];
	_ =	sdelay $0x1  }
0x11c: {  	v57 =	vand.u32 $0x7FFFFFFF, v29  }
0x11d: {  	v59 =	vand.u32 $0x7FFFFFFF, v30;
	vm12 =	vgt.f32 v29, $0.0e+00;
	vm13 =	vlt.f32 v29, $0.0e+00  }
0x11e: {  	vm14 =	vgt.f32 v30, $0.0e+00;
	vm15 =	vlt.f32 v30, $0.0e+00;
	v61 =	vand.u32 $0x7FFFFFFF, v58  }
0x11f: {  	vm4 =	vgt.f32 v58, $0.0e+00;
	v63 =	vand.u32 $0x7FFFFFFF, v60;
	vm5 =	vlt.f32 v58, $0.0e+00  }
0x120: {  	vm6 =	vgt.f32 v60, $0.0e+00;
	vm7 =	vlt.f32 v60, $0.0e+00;
	v32 =	vmin.f32 v57, $7.000000000e+00  }
0x121: {  	v34 =	vmin.f32 v59, $7.000000000e+00;
	v29 =	vsel vm12, $0x4, v3;
	v32 =	vtrunc.f32 v32  }
0x122: {  	v30 =	vsel vm14, $0x4, v3;
	v34 =	vtrunc.f32 v34;
	v32 =	vcvt.f32.s32 v32  }
0x123: {  	v62 =	vmin.f32 v61, $7.000000000e+00;
	v29 =	vsel vm13, $0xC, v29;
	v34 =	vcvt.f32.s32 v34  }
0x124: {  	v36 =	vsel vm4, $0x4, v3;
	v30 =	vsel vm15, $0xC, v30;
	v29 =	vor.u32 v32, v29  }
0x125: {  	v30 =	vor.u32 v34, v30;
	v32 =	vtrunc.f32 v62;
	v34 =	vmin.f32 v63, $7.000000000e+00  }
0x126: {  	v37 =	vsel vm6, $0x4, v3;
	v32 =	vcvt.f32.s32 v32;
	v34 =	vtrunc.f32 v34  }
0x127: {  	v33 =	vsel vm5, $0xC, v36;
	v38 =	vsel vm7, $0xC, v37;
	v34 =	vcvt.f32.s32 v34  }
0x128: {  	v29 =	vmul.u32 v4, v29;
	v30 =	vmul.u32 v5, v30;
	v32 =	vor.u32 v32, v33  }
0x129: {  	v32 =	vmul.u32 v6, v32;
	v33 =	vor.u32 v34, v38  }
0x12a: {  	v29 =	vxor.u32 v29, v30;
	v30 =	vmul.u32 v7, v33  }
0x12b: {  	v29 =	vxor.u32 v32, v29  }
0x12c: {  	v29 =	vxor.u32 v30, v29  }
0x12d: {  	[tilespmem:$0x10048] =	vst v29  }
0x12e: {  	v29 =	vld [tilespmem:s21+$0xFFFFFD00]  }
0x12f: {  	v30 =	vld [tilespmem:s21+$0xFFFFFD10]  }
0x130: {  	v40 =	vld [tilespmem:s21+$0xFFFFFD20]  }
0x131: {  	v42 =	vld [tilespmem:s21+$0xFFFFFD30];
	_ =	sdelay $0x1  }
0x132: {  	v39 =	vand.u32 $0x7FFFFFFF, v29  }
0x133: {  	v41 =	vand.u32 $0x7FFFFFFF, v30;
	vm8 =	vgt.f32 v29, $0.0e+00;
	vm9 =	vlt.f32 v29, $0.0e+00  }
0x134: {  	vm10 =	vgt.f32 v30, $0.0e+00;
	vm11 =	vlt.f32 v30, $0.0e+00;
	v43 =	vand.u32 $0x7FFFFFFF, v40  }
0x135: {  	vm12 =	vgt.f32 v40, $0.0e+00;
	v45 =	vand.u32 $0x7FFFFFFF, v42;
	vm13 =	vlt.f32 v40, $0.0e+00  }
0x136: {  	vm14 =	vgt.f32 v42, $0.0e+00;
	vm15 =	vlt.f32 v42, $0.0e+00;
	v32 =	vmin.f32 v39, $7.000000000e+00  }
0x137: {  	v34 =	vmin.f32 v41, $7.000000000e+00;
	v29 =	vsel vm8, $0x4, v3;
	v32 =	vtrunc.f32 v32  }
0x138: {  	v30 =	vsel vm10, $0x4, v3;
	v34 =	vtrunc.f32 v34;
	v32 =	vcvt.f32.s32 v32  }
0x139: {  	v44 =	vmin.f32 v43, $7.000000000e+00;
	v29 =	vsel vm9, $0xC, v29;
	v34 =	vcvt.f32.s32 v34  }
0x13a: {  	v46 =	vsel vm12, $0x4, v3;
	v30 =	vsel vm11, $0xC, v30;
	v29 =	vor.u32 v32, v29  }
0x13b: {  	v30 =	vor.u32 v34, v30;
	v32 =	vtrunc.f32 v44;
	v34 =	vmin.f32 v45, $7.000000000e+00  }
0x13c: {  	v47 =	vsel vm14, $0x4, v3;
	v32 =	vcvt.f32.s32 v32;
	v34 =	vtrunc.f32 v34  }
0x13d: {  	v33 =	vsel vm13, $0xC, v46;
	v48 =	vsel vm15, $0xC, v47;
	v34 =	vcvt.f32.s32 v34  }
0x13e: {  	v29 =	vmul.u32 v4, v29;
	v30 =	vmul.u32 v5, v30;
	v32 =	vor.u32 v32, v33  }
0x13f: {  	v32 =	vmul.u32 v6, v32;
	v33 =	vor.u32 v34, v48  }
0x140: {  	v29 =	vxor.u32 v29, v30;
	v30 =	vmul.u32 v7, v33  }
0x141: {  	v29 =	vxor.u32 v32, v29  }
0x142: {  	v29 =	vxor.u32 v30, v29  }
0x143: {  	[tilespmem:$0x10060] =	vst v29  }
0x144: {  	v29 =	vld [tilespmem:s21+$0xFFFFFD40]  }
0x145: {  	v30 =	vld [tilespmem:s21+$0xFFFFFD50]  }
0x146: {  	v50 =	vld [tilespmem:s21+$0xFFFFFD60]  }
0x147: {  	v52 =	vld [tilespmem:s21+$0xFFFFFD70];
	_ =	sdelay $0x1  }
0x148: {  	v49 =	vand.u32 $0x7FFFFFFF, v29  }
0x149: {  	v51 =	vand.u32 $0x7FFFFFFF, v30;
	vm4 =	vgt.f32 v29, $0.0e+00;
	vm5 =	vlt.f32 v29, $0.0e+00  }
0x14a: {  	vm6 =	vgt.f32 v30, $0.0e+00;
	vm7 =	vlt.f32 v30, $0.0e+00;
	v53 =	vand.u32 $0x7FFFFFFF, v50  }
0x14b: {  	vm8 =	vgt.f32 v50, $0.0e+00;
	v55 =	vand.u32 $0x7FFFFFFF, v52;
	vm9 =	vlt.f32 v50, $0.0e+00  }
0x14c: {  	vm10 =	vgt.f32 v52, $0.0e+00;
	vm11 =	vlt.f32 v52, $0.0e+00;
	v32 =	vmin.f32 v49, $7.000000000e+00  }
0x14d: {  	v34 =	vmin.f32 v51, $7.000000000e+00;
	v29 =	vsel vm4, $0x4, v3;
	v32 =	vtrunc.f32 v32  }
0x14e: {  	v30 =	vsel vm6, $0x4, v3;
	v34 =	vtrunc.f32 v34;
	v32 =	vcvt.f32.s32 v32  }
0x14f: {  	v54 =	vmin.f32 v53, $7.000000000e+00;
	v29 =	vsel vm5, $0xC, v29;
	v34 =	vcvt.f32.s32 v34  }
0x150: {  	v56 =	vsel vm8, $0x4, v3;
	v30 =	vsel vm7, $0xC, v30;
	v29 =	vor.u32 v32, v29  }
0x151: {  	v30 =	vor.u32 v34, v30;
	v32 =	vtrunc.f32 v54;
	v34 =	vmin.f32 v55, $7.000000000e+00  }
0x152: {  	v57 =	vsel vm10, $0x4, v3;
	v32 =	vcvt.f32.s32 v32;
	v34 =	vtrunc.f32 v34  }
0x153: {  	v33 =	vsel vm9, $0xC, v56;
	v58 =	vsel vm11, $0xC, v57;
	v34 =	vcvt.f32.s32 v34  }
0x154: {  	v29 =	vmul.u32 v4, v29;
	v30 =	vmul.u32 v5, v30;
	v32 =	vor.u32 v32, v33  }
0x155: {  	v32 =	vmul.u32 v6, v32;
	v33 =	vor.u32 v34, v58  }
0x156: {  	v29 =	vxor.u32 v29, v30;
	v30 =	vmul.u32 v7, v33  }
0x157: {  	v29 =	vxor.u32 v32, v29  }
0x158: {  	v29 =	vxor.u32 v30, v29  }
0x159: {  	[tilespmem:$0x10078] =	vst v29  }
0x15a: {  	v29 =	vld [tilespmem:s21+$0xFFFFFD80]  }
0x15b: {  	v30 =	vld [tilespmem:s21+$0xFFFFFD90]  }
0x15c: {  	v60 =	vld [tilespmem:s21+$0xFFFFFDA0]  }
0x15d: {  	v62 =	vld [tilespmem:s21+$0xFFFFFDB0];
	_ =	sdelay $0x1  }
0x15e: {  	v59 =	vand.u32 $0x7FFFFFFF, v29  }
0x15f: {  	v61 =	vand.u32 $0x7FFFFFFF, v30;
	vm12 =	vgt.f32 v29, $0.0e+00;
	vm13 =	vlt.f32 v29, $0.0e+00  }
0x160: {  	vm14 =	vgt.f32 v30, $0.0e+00;
	vm15 =	vlt.f32 v30, $0.0e+00;
	v63 =	vand.u32 $0x7FFFFFFF, v60  }
0x161: {  	vm4 =	vgt.f32 v60, $0.0e+00;
	v38 =	vand.u32 $0x7FFFFFFF, v62;
	vm5 =	vlt.f32 v60, $0.0e+00  }
0x162: {  	vm6 =	vgt.f32 v62, $0.0e+00;
	vm7 =	vlt.f32 v62, $0.0e+00;
	v32 =	vmin.f32 v59, $7.000000000e+00  }
0x163: {  	v34 =	vmin.f32 v61, $7.000000000e+00;
	v29 =	vsel vm12, $0x4, v3;
	v32 =	vtrunc.f32 v32  }
0x164: {  	v30 =	vsel vm14, $0x4, v3;
	v34 =	vtrunc.f32 v34;
	v32 =	vcvt.f32.s32 v32  }
0x165: {  	v37 =	vmin.f32 v63, $7.000000000e+00;
	v29 =	vsel vm13, $0xC, v29;
	v34 =	vcvt.f32.s32 v34  }
0x166: {  	v39 =	vsel vm4, $0x4, v3;
	v30 =	vsel vm15, $0xC, v30;
	v29 =	vor.u32 v32, v29  }
0x167: {  	v30 =	vor.u32 v34, v30;
	v32 =	vtrunc.f32 v37;
	v34 =	vmin.f32 v38, $7.000000000e+00  }
0x168: {  	v40 =	vsel vm6, $0x4, v3;
	v32 =	vcvt.f32.s32 v32;
	v34 =	vtrunc.f32 v34  }
0x169: {  	v33 =	vsel vm5, $0xC, v39;
	v41 =	vsel vm7, $0xC, v40;
	v34 =	vcvt.f32.s32 v34  }
0x16a: {  	v29 =	vmul.u32 v4, v29;
	v30 =	vmul.u32 v5, v30;
	v32 =	vor.u32 v32, v33  }
0x16b: {  	v32 =	vmul.u32 v6, v32;
	v33 =	vor.u32 v34, v41  }
0x16c: {  	v29 =	vxor.u32 v29, v30;
	v30 =	vmul.u32 v7, v33  }
0x16d: {  	v29 =	vxor.u32 v32, v29  }
0x16e: {  	v29 =	vxor.u32 v30, v29  }
0x16f: {  	[tilespmem:$0x10090] =	vst v29  }
0x170: {  	v29 =	vld [tilespmem:s21+$0xFFFFFDC0]  }
0x171: {  	v30 =	vld [tilespmem:s21+$0xFFFFFDD0]  }
0x172: {  	v43 =	vld [tilespmem:s21+$0xFFFFFDE0]  }
0x173: {  	v45 =	vld [tilespmem:s21+$0xFFFFFDF0];
	_ =	sdelay $0x1  }
0x174: {  	v42 =	vand.u32 $0x7FFFFFFF, v29  }
0x175: {  	v44 =	vand.u32 $0x7FFFFFFF, v30;
	vm8 =	vgt.f32 v29, $0.0e+00;
	vm9 =	vlt.f32 v29, $0.0e+00  }
0x176: {  	vm10 =	vgt.f32 v30, $0.0e+00;
	vm11 =	vlt.f32 v30, $0.0e+00;
	v46 =	vand.u32 $0x7FFFFFFF, v43  }
0x177: {  	vm12 =	vgt.f32 v43, $0.0e+00;
	v48 =	vand.u32 $0x7FFFFFFF, v45;
	vm13 =	vlt.f32 v43, $0.0e+00  }
0x178: {  	vm14 =	vgt.f32 v45, $0.0e+00;
	vm15 =	vlt.f32 v45, $0.0e+00;
	v32 =	vmin.f32 v42, $7.000000000e+00  }
0x179: {  	v34 =	vmin.f32 v44, $7.000000000e+00;
	v29 =	vsel vm8, $0x4, v3;
	v32 =	vtrunc.f32 v32  }
0x17a: {  	v30 =	vsel vm10, $0x4, v3;
	v34 =	vtrunc.f32 v34;
	v32 =	vcvt.f32.s32 v32  }
0x17b: {  	v47 =	vmin.f32 v46, $7.000000000e+00;
	v29 =	vsel vm9, $0xC, v29;
	v34 =	vcvt.f32.s32 v34  }
0x17c: {  	v49 =	vsel vm12, $0x4, v3;
	v30 =	vsel vm11, $0xC, v30;
	v29 =	vor.u32 v32, v29  }
0x17d: {  	v30 =	vor.u32 v34, v30;
	v32 =	vtrunc.f32 v47;
	v34 =	vmin.f32 v48, $7.000000000e+00  }
0x17e: {  	v50 =	vsel vm14, $0x4, v3;
	v32 =	vcvt.f32.s32 v32;
	v34 =	vtrunc.f32 v34  }
0x17f: {  	v33 =	vsel vm13, $0xC, v49;
	v51 =	vsel vm15, $0xC, v50;
	v34 =	vcvt.f32.s32 v34  }
0x180: {  	v29 =	vmul.u32 v4, v29;
	v30 =	vmul.u32 v5, v30;
	v32 =	vor.u32 v32, v33  }
0x181: {  	v32 =	vmul.u32 v6, v32;
	v33 =	vor.u32 v34, v51  }
0x182: {  	v29 =	vxor.u32 v29, v30;
	v30 =	vmul.u32 v7, v33  }
0x183: {  	v29 =	vxor.u32 v32, v29  }
0x184: {  	v29 =	vxor.u32 v30, v29  }
0x185: {  	[tilespmem:$0x100A8] =	vst v29  }
0x186: {  	v29 =	vld [tilespmem:s21+$0xFFFFFE00]  }
0x187: {  	v30 =	vld [tilespmem:s21+$0xFFFFFE10]  }
0x188: {  	v53 =	vld [tilespmem:s21+$0xFFFFFE20]  }
0x189: {  	v55 =	vld [tilespmem:s21+$0xFFFFFE30];
	_ =	sdelay $0x1  }
0x18a: {  	v52 =	vand.u32 $0x7FFFFFFF, v29  }
0x18b: {  	v54 =	vand.u32 $0x7FFFFFFF, v30;
	vm4 =	vgt.f32 v29, $0.0e+00;
	vm5 =	vlt.f32 v29, $0.0e+00  }
0x18c: {  	vm6 =	vgt.f32 v30, $0.0e+00;
	vm7 =	vlt.f32 v30, $0.0e+00;
	v56 =	vand.u32 $0x7FFFFFFF, v53  }
0x18d: {  	vm8 =	vgt.f32 v53, $0.0e+00;
	v58 =	vand.u32 $0x7FFFFFFF, v55;
	vm9 =	vlt.f32 v53, $0.0e+00  }
0x18e: {  	vm10 =	vgt.f32 v55, $0.0e+00;
	vm11 =	vlt.f32 v55, $0.0e+00;
	v32 =	vmin.f32 v52, $7.000000000e+00  }
0x18f: {  	v34 =	vmin.f32 v54, $7.000000000e+00;
	v29 =	vsel vm4, $0x4, v3;
	v32 =	vtrunc.f32 v32  }
0x190: {  	v30 =	vsel vm6, $0x4, v3;
	v34 =	vtrunc.f32 v34;
	v32 =	vcvt.f32.s32 v32  }
0x191: {  	v57 =	vmin.f32 v56, $7.000000000e+00;
	v29 =	vsel vm5, $0xC, v29;
	v34 =	vcvt.f32.s32 v34  }
0x192: {  	v59 =	vsel vm8, $0x4, v3;
	v30 =	vsel vm7, $0xC, v30;
	v29 =	vor.u32 v32, v29  }
0x193: {  	v30 =	vor.u32 v34, v30;
	v32 =	vtrunc.f32 v57;
	v34 =	vmin.f32 v58, $7.000000000e+00  }
0x194: {  	v60 =	vsel vm10, $0x4, v3;
	v32 =	vcvt.f32.s32 v32;
	v34 =	vtrunc.f32 v34  }
0x195: {  	v33 =	vsel vm9, $0xC, v59;
	v61 =	vsel vm11, $0xC, v60;
	v34 =	vcvt.f32.s32 v34  }
0x196: {  	v29 =	vmul.u32 v4, v29;
	v30 =	vmul.u32 v5, v30;
	v32 =	vor.u32 v32, v33  }
0x197: {  	v32 =	vmul.u32 v6, v32;
	v33 =	vor.u32 v34, v61  }
0x198: {  	v29 =	vxor.u32 v29, v30;
	v30 =	vmul.u32 v7, v33  }
0x199: {  	v29 =	vxor.u32 v32, v29  }
0x19a: {  	v29 =	vxor.u32 v30, v29  }
0x19b: {  	[tilespmem:$0x100C0] =	vst v29  }
0x19c: {  	v29 =	vld [tilespmem:s21+$0xFFFFFE40]  }
0x19d: {  	v30 =	vld [tilespmem:s21+$0xFFFFFE50]  }
0x19e: {  	v63 =	vld [tilespmem:s21+$0xFFFFFE60]  }
0x19f: {  	v40 =	vld [tilespmem:s21+$0xFFFFFE70];
	_ =	sdelay $0x1  }
0x1a0: {  	v62 =	vand.u32 $0x7FFFFFFF, v29  }
0x1a1: {  	v39 =	vand.u32 $0x7FFFFFFF, v30;
	vm12 =	vgt.f32 v29, $0.0e+00;
	vm13 =	vlt.f32 v29, $0.0e+00  }
0x1a2: {  	vm14 =	vgt.f32 v30, $0.0e+00;
	vm15 =	vlt.f32 v30, $0.0e+00;
	v41 =	vand.u32 $0x7FFFFFFF, v63  }
0x1a3: {  	vm4 =	vgt.f32 v63, $0.0e+00;
	v43 =	vand.u32 $0x7FFFFFFF, v40;
	vm5 =	vlt.f32 v63, $0.0e+00  }
0x1a4: {  	vm6 =	vgt.f32 v40, $0.0e+00;
	vm7 =	vlt.f32 v40, $0.0e+00;
	v32 =	vmin.f32 v62, $7.000000000e+00  }
0x1a5: {  	v34 =	vmin.f32 v39, $7.000000000e+00;
	v29 =	vsel vm12, $0x4, v3;
	v32 =	vtrunc.f32 v32  }
0x1a6: {  	v30 =	vsel vm14, $0x4, v3;
	v34 =	vtrunc.f32 v34;
	v32 =	vcvt.f32.s32 v32  }
0x1a7: {  	v42 =	vmin.f32 v41, $7.000000000e+00;
	v29 =	vsel vm13, $0xC, v29;
	v34 =	vcvt.f32.s32 v34  }
0x1a8: {  	v44 =	vsel vm4, $0x4, v3;
	v30 =	vsel vm15, $0xC, v30;
	v29 =	vor.u32 v32, v29  }
0x1a9: {  	v30 =	vor.u32 v34, v30;
	v32 =	vtrunc.f32 v42;
	v34 =	vmin.f32 v43, $7.000000000e+00  }
0x1aa: {  	v45 =	vsel vm6, $0x4, v3;
	v32 =	vcvt.f32.s32 v32;
	v34 =	vtrunc.f32 v34  }
0x1ab: {  	v33 =	vsel vm5, $0xC, v44;
	v46 =	vsel vm7, $0xC, v45;
	v34 =	vcvt.f32.s32 v34  }
0x1ac: {  	v29 =	vmul.u32 v4, v29;
	v30 =	vmul.u32 v5, v30;
	v32 =	vor.u32 v32, v33  }
0x1ad: {  	v32 =	vmul.u32 v6, v32;
	v33 =	vor.u32 v34, v46  }
0x1ae: {  	v29 =	vxor.u32 v29, v30;
	v30 =	vmul.u32 v7, v33  }
0x1af: {  	v29 =	vxor.u32 v32, v29  }
0x1b0: {  	v29 =	vxor.u32 v30, v29  }
0x1b1: {  	[tilespmem:$0x100D8] =	vst v29  }
0x1b2: {  	v29 =	vld [tilespmem:s21+$0xFFFFFE80]  }
0x1b3: {  	v30 =	vld [tilespmem:s21+$0xFFFFFE90]  }
0x1b4: {  	v48 =	vld [tilespmem:s21+$0xFFFFFEA0]  }
0x1b5: {  	v50 =	vld [tilespmem:s21+$0xFFFFFEB0];
	_ =	sdelay $0x1  }
0x1b6: {  	v47 =	vand.u32 $0x7FFFFFFF, v29  }
0x1b7: {  	v49 =	vand.u32 $0x7FFFFFFF, v30;
	vm8 =	vgt.f32 v29, $0.0e+00;
	vm9 =	vlt.f32 v29, $0.0e+00  }
0x1b8: {  	vm10 =	vgt.f32 v30, $0.0e+00;
	vm11 =	vlt.f32 v30, $0.0e+00;
	v51 =	vand.u32 $0x7FFFFFFF, v48  }
0x1b9: {  	vm12 =	vgt.f32 v48, $0.0e+00;
	v53 =	vand.u32 $0x7FFFFFFF, v50;
	vm13 =	vlt.f32 v48, $0.0e+00  }
0x1ba: {  	vm14 =	vgt.f32 v50, $0.0e+00;
	vm15 =	vlt.f32 v50, $0.0e+00;
	v32 =	vmin.f32 v47, $7.000000000e+00  }
0x1bb: {  	v34 =	vmin.f32 v49, $7.000000000e+00;
	v29 =	vsel vm8, $0x4, v3;
	v32 =	vtrunc.f32 v32  }
0x1bc: {  	v30 =	vsel vm10, $0x4, v3;
	v34 =	vtrunc.f32 v34;
	v32 =	vcvt.f32.s32 v32  }
0x1bd: {  	v52 =	vmin.f32 v51, $7.000000000e+00;
	v29 =	vsel vm9, $0xC, v29;
	v34 =	vcvt.f32.s32 v34  }
0x1be: {  	v54 =	vsel vm12, $0x4, v3;
	v30 =	vsel vm11, $0xC, v30;
	v29 =	vor.u32 v32, v29  }
0x1bf: {  	v30 =	vor.u32 v34, v30;
	v32 =	vtrunc.f32 v52;
	v34 =	vmin.f32 v53, $7.000000000e+00  }
0x1c0: {  	v55 =	vsel vm14, $0x4, v3;
	v32 =	vcvt.f32.s32 v32;
	v34 =	vtrunc.f32 v34  }
0x1c1: {  	v33 =	vsel vm13, $0xC, v54;
	v56 =	vsel vm15, $0xC, v55;
	v34 =	vcvt.f32.s32 v34  }
0x1c2: {  	v29 =	vmul.u32 v4, v29;
	v30 =	vmul.u32 v5, v30;
	v32 =	vor.u32 v32, v33  }
0x1c3: {  	v32 =	vmul.u32 v6, v32;
	v33 =	vor.u32 v34, v56  }
0x1c4: {  	v29 =	vxor.u32 v29, v30;
	v30 =	vmul.u32 v7, v33  }
0x1c5: {  	v29 =	vxor.u32 v32, v29  }
0x1c6: {  	v29 =	vxor.u32 v30, v29  }
0x1c7: {  	[tilespmem:$0x100F0] =	vst v29  }
0x1c8: {  	v29 =	vld [tilespmem:s21+$0xFFFFFEC0]  }
0x1c9: {  	v30 =	vld [tilespmem:s21+$0xFFFFFED0]  }
0x1ca: {  	v58 =	vld [tilespmem:s21+$0xFFFFFEE0]  }
0x1cb: {  	v60 =	vld [tilespmem:s21+$0xFFFFFEF0];
	_ =	sdelay $0x1  }
0x1cc: {  	v57 =	vand.u32 $0x7FFFFFFF, v29  }
0x1cd: {  	v59 =	vand.u32 $0x7FFFFFFF, v30;
	vm4 =	vgt.f32 v29, $0.0e+00;
	vm5 =	vlt.f32 v29, $0.0e+00  }
0x1ce: {  	vm6 =	vgt.f32 v30, $0.0e+00;
	vm7 =	vlt.f32 v30, $0.0e+00;
	v61 =	vand.u32 $0x7FFFFFFF, v58  }
0x1cf: {  	vm8 =	vgt.f32 v58, $0.0e+00;
	v63 =	vand.u32 $0x7FFFFFFF, v60;
	vm9 =	vlt.f32 v58, $0.0e+00  }
0x1d0: {  	vm10 =	vgt.f32 v60, $0.0e+00;
	vm11 =	vlt.f32 v60, $0.0e+00;
	v32 =	vmin.f32 v57, $7.000000000e+00  }
0x1d1: {  	v34 =	vmin.f32 v59, $7.000000000e+00;
	v29 =	vsel vm4, $0x4, v3;
	v32 =	vtrunc.f32 v32  }
0x1d2: {  	v30 =	vsel vm6, $0x4, v3;
	v34 =	vtrunc.f32 v34;
	v32 =	vcvt.f32.s32 v32  }
0x1d3: {  	v62 =	vmin.f32 v61, $7.000000000e+00;
	v29 =	vsel vm5, $0xC, v29;
	v34 =	vcvt.f32.s32 v34  }
0x1d4: {  	v36 =	vsel vm8, $0x4, v3;
	v30 =	vsel vm7, $0xC, v30;
	v29 =	vor.u32 v32, v29  }
0x1d5: {  	v30 =	vor.u32 v34, v30;
	v32 =	vtrunc.f32 v62;
	v34 =	vmin.f32 v63, $7.000000000e+00  }
0x1d6: {  	v37 =	vsel vm10, $0x4, v3;
	v32 =	vcvt.f32.s32 v32;
	v34 =	vtrunc.f32 v34  }
0x1d7: {  	v33 =	vsel vm9, $0xC, v36;
	v38 =	vsel vm11, $0xC, v37;
	v34 =	vcvt.f32.s32 v34  }
0x1d8: {  	v29 =	vmul.u32 v4, v29;
	v30 =	vmul.u32 v5, v30;
	v32 =	vor.u32 v32, v33  }
0x1d9: {  	v32 =	vmul.u32 v6, v32;
	v33 =	vor.u32 v34, v38  }
0x1da: {  	v29 =	vxor.u32 v29, v30;
	v30 =	vmul.u32 v7, v33  }
0x1db: {  	v29 =	vxor.u32 v32, v29  }
0x1dc: {  	v29 =	vxor.u32 v30, v29  }
0x1dd: {  	[tilespmem:$0x10108] =	vst v29  }
0x1de: {  	v29 =	vld [tilespmem:s21+$0xFFFFFF00]  }
0x1df: {  	v30 =	vld [tilespmem:s21+$0xFFFFFF10]  }
0x1e0: {  	v40 =	vld [tilespmem:s21+$0xFFFFFF20]  }
0x1e1: {  	v42 =	vld [tilespmem:s21+$0xFFFFFF30];
	_ =	sdelay $0x1  }
0x1e2: {  	v39 =	vand.u32 $0x7FFFFFFF, v29  }
0x1e3: {  	v41 =	vand.u32 $0x7FFFFFFF, v30;
	vm12 =	vgt.f32 v29, $0.0e+00;
	vm13 =	vlt.f32 v29, $0.0e+00  }
0x1e4: {  	vm14 =	vgt.f32 v30, $0.0e+00;
	vm15 =	vlt.f32 v30, $0.0e+00;
	v43 =	vand.u32 $0x7FFFFFFF, v40  }
0x1e5: {  	vm4 =	vgt.f32 v40, $0.0e+00;
	v45 =	vand.u32 $0x7FFFFFFF, v42;
	vm5 =	vlt.f32 v40, $0.0e+00  }
0x1e6: {  	vm6 =	vgt.f32 v42, $0.0e+00;
	vm7 =	vlt.f32 v42, $0.0e+00;
	v32 =	vmin.f32 v39, $7.000000000e+00  }
0x1e7: {  	v34 =	vmin.f32 v41, $7.000000000e+00;
	v29 =	vsel vm12, $0x4, v3;
	v32 =	vtrunc.f32 v32  }
0x1e8: {  	v30 =	vsel vm14, $0x4, v3;
	v34 =	vtrunc.f32 v34;
	v32 =	vcvt.f32.s32 v32  }
0x1e9: {  	v44 =	vmin.f32 v43, $7.000000000e+00;
	v29 =	vsel vm13, $0xC, v29;
	v34 =	vcvt.f32.s32 v34  }
0x1ea: {  	v46 =	vsel vm4, $0x4, v3;
	v30 =	vsel vm15, $0xC, v30;
	v29 =	vor.u32 v32, v29  }
0x1eb: {  	v30 =	vor.u32 v34, v30;
	v32 =	vtrunc.f32 v44;
	v34 =	vmin.f32 v45, $7.000000000e+00  }
0x1ec: {  	v47 =	vsel vm6, $0x4, v3;
	v32 =	vcvt.f32.s32 v32;
	v34 =	vtrunc.f32 v34  }
0x1ed: {  	v33 =	vsel vm5, $0xC, v46;
	v48 =	vsel vm7, $0xC, v47;
	v34 =	vcvt.f32.s32 v34  }
0x1ee: {  	v29 =	vmul.u32 v4, v29;
	v30 =	vmul.u32 v5, v30;
	v32 =	vor.u32 v32, v33  }
0x1ef: {  	v32 =	vmul.u32 v6, v32;
	v33 =	vor.u32 v34, v48  }
0x1f0: {  	v29 =	vxor.u32 v29, v30;
	v30 =	vmul.u32 v7, v33  }
0x1f1: {  	v29 =	vxor.u32 v32, v29  }
0x1f2: {  	v29 =	vxor.u32 v30, v29  }
0x1f3: {  	[tilespmem:$0x10120] =	vst v29  }
0x1f4: {  	v29 =	vld [tilespmem:s21+$0xFFFFFF40]  }
0x1f5: {  	v30 =	vld [tilespmem:s21+$0xFFFFFF50]  }
0x1f6: {  	v50 =	vld [tilespmem:s21+$0xFFFFFF60]  }
0x1f7: {  	v52 =	vld [tilespmem:s21+$0xFFFFFF70];
	_ =	sdelay $0x1  }
0x1f8: {  	v49 =	vand.u32 $0x7FFFFFFF, v29  }
0x1f9: {  	v51 =	vand.u32 $0x7FFFFFFF, v30;
	vm8 =	vgt.f32 v29, $0.0e+00;
	vm9 =	vlt.f32 v29, $0.0e+00  }
0x1fa: {  	vm10 =	vgt.f32 v30, $0.0e+00;
	vm11 =	vlt.f32 v30, $0.0e+00;
	v53 =	vand.u32 $0x7FFFFFFF, v50  }
0x1fb: {  	vm12 =	vgt.f32 v50, $0.0e+00;
	v55 =	vand.u32 $0x7FFFFFFF, v52;
	vm13 =	vlt.f32 v50, $0.0e+00  }
0x1fc: {  	vm14 =	vgt.f32 v52, $0.0e+00;
	vm15 =	vlt.f32 v52, $0.0e+00;
	v32 =	vmin.f32 v49, $7.000000000e+00  }
0x1fd: {  	v34 =	vmin.f32 v51, $7.000000000e+00;
	v29 =	vsel vm8, $0x4, v3;
	v32 =	vtrunc.f32 v32  }
0x1fe: {  	v30 =	vsel vm10, $0x4, v3;
	v34 =	vtrunc.f32 v34;
	v32 =	vcvt.f32.s32 v32  }
0x1ff: {  	v54 =	vmin.f32 v53, $7.000000000e+00;
	v29 =	vsel vm9, $0xC, v29;
	v34 =	vcvt.f32.s32 v34  }
0x200: {  	v56 =	vsel vm12, $0x4, v3;
	v30 =	vsel vm11, $0xC, v30;
	v29 =	vor.u32 v32, v29  }
0x201: {  	v30 =	vor.u32 v34, v30;
	v32 =	vtrunc.f32 v54;
	v34 =	vmin.f32 v55, $7.000000000e+00  }
0x202: {  	v57 =	vsel vm14, $0x4, v3;
	v32 =	vcvt.f32.s32 v32;
	v34 =	vtrunc.f32 v34  }
0x203: {  	v33 =	vsel vm13, $0xC, v56;
	v58 =	vsel vm15, $0xC, v57;
	v34 =	vcvt.f32.s32 v34  }
0x204: {  	v29 =	vmul.u32 v4, v29;
	v30 =	vmul.u32 v5, v30;
	v32 =	vor.u32 v32, v33  }
0x205: {  	v32 =	vmul.u32 v6, v32;
	v33 =	vor.u32 v34, v58  }
0x206: {  	v29 =	vxor.u32 v29, v30;
	v30 =	vmul.u32 v7, v33  }
0x207: {  	v29 =	vxor.u32 v32, v29  }
0x208: {  	v29 =	vxor.u32 v30, v29  }
0x209: {  	[tilespmem:$0x10138] =	vst v29  }
0x20a: {  	v29 =	vld [tilespmem:s21+$0xFFFFFF80]  }
0x20b: {  	v30 =	vld [tilespmem:s21+$0xFFFFFF90]  }
0x20c: {  	v60 =	vld [tilespmem:s21+$0xFFFFFFA0]  }
0x20d: {  	v62 =	vld [tilespmem:s21+$0xFFFFFFB0];
	_ =	sdelay $0x1  }
0x20e: {  	v59 =	vand.u32 $0x7FFFFFFF, v29  }
0x20f: {  	v61 =	vand.u32 $0x7FFFFFFF, v30;
	vm4 =	vgt.f32 v29, $0.0e+00;
	vm5 =	vlt.f32 v29, $0.0e+00  }
0x210: {  	vm6 =	vgt.f32 v30, $0.0e+00;
	vm7 =	vlt.f32 v30, $0.0e+00;
	v63 =	vand.u32 $0x7FFFFFFF, v60  }
0x211: {  	vm8 =	vgt.f32 v60, $0.0e+00;
	v40 =	vand.u32 $0x7FFFFFFF, v62;
	vm9 =	vlt.f32 v60, $0.0e+00  }
0x212: {  	vm10 =	vgt.f32 v62, $0.0e+00;
	vm11 =	vlt.f32 v62, $0.0e+00;
	v32 =	vmin.f32 v59, $7.000000000e+00  }
0x213: {  	v34 =	vmin.f32 v61, $7.000000000e+00;
	v29 =	vsel vm4, $0x4, v3;
	v32 =	vtrunc.f32 v32  }
0x214: {  	v30 =	vsel vm6, $0x4, v3;
	v34 =	vtrunc.f32 v34;
	v32 =	vcvt.f32.s32 v32  }
0x215: {  	v39 =	vmin.f32 v63, $7.000000000e+00;
	v29 =	vsel vm5, $0xC, v29;
	v34 =	vcvt.f32.s32 v34  }
0x216: {  	v41 =	vsel vm8, $0x4, v3;
	v30 =	vsel vm7, $0xC, v30;
	v29 =	vor.u32 v32, v29  }
0x217: {  	v30 =	vor.u32 v34, v30;
	v32 =	vtrunc.f32 v39;
	v34 =	vmin.f32 v40, $7.000000000e+00  }
0x218: {  	v42 =	vsel vm10, $0x4, v3;
	v32 =	vcvt.f32.s32 v32;
	v34 =	vtrunc.f32 v34  }
0x219: {  	v33 =	vsel vm9, $0xC, v41;
	v43 =	vsel vm11, $0xC, v42;
	v34 =	vcvt.f32.s32 v34  }
0x21a: {  	v29 =	vmul.u32 v4, v29;
	v30 =	vmul.u32 v5, v30;
	v32 =	vor.u32 v32, v33  }
0x21b: {  	v32 =	vmul.u32 v6, v32;
	v33 =	vor.u32 v34, v43  }
0x21c: {  	v29 =	vxor.u32 v29, v30;
	v30 =	vmul.u32 v7, v33  }
0x21d: {  	v29 =	vxor.u32 v32, v29  }
0x21e: {  	v29 =	vxor.u32 v30, v29  }
0x21f: {  	[tilespmem:$0x10150] =	vst v29  }
0x220: {  	v29 =	vld [tilespmem:s21+$0xFFFFFFC0]  }
0x221: {  	v30 =	vld [tilespmem:s21+$0xFFFFFFD0]  }
0x222: {  	v45 =	vld [tilespmem:s21+$0xFFFFFFE0]  }
0x223: {  	v47 =	vld [tilespmem:s21+$0xFFFFFFF0];
	_ =	sdelay $0x1  }
0x224: {  	v44 =	vand.u32 $0x7FFFFFFF, v29  }
0x225: {  	v46 =	vand.u32 $0x7FFFFFFF, v30;
	vm12 =	vgt.f32 v29, $0.0e+00;
	vm13 =	vlt.f32 v29, $0.0e+00  }
0x226: {  	vm14 =	vgt.f32 v30, $0.0e+00;
	vm15 =	vlt.f32 v30, $0.0e+00;
	v48 =	vand.u32 $0x7FFFFFFF, v45  }
0x227: {  	vm4 =	vgt.f32 v45, $0.0e+00;
	v50 =	vand.u32 $0x7FFFFFFF, v47;
	vm5 =	vlt.f32 v45, $0.0e+00  }
0x228: {  	vm6 =	vgt.f32 v47, $0.0e+00;
	vm7 =	vlt.f32 v47, $0.0e+00;
	v32 =	vmin.f32 v44, $7.000000000e+00  }
0x229: {  	v34 =	vmin.f32 v46, $7.000000000e+00;
	v29 =	vsel vm12, $0x4, v3;
	v32 =	vtrunc.f32 v32  }
0x22a: {  	v30 =	vsel vm14, $0x4, v3;
	v34 =	vtrunc.f32 v34;
	v32 =	vcvt.f32.s32 v32  }
0x22b: {  	v49 =	vmin.f32 v48, $7.000000000e+00;
	v29 =	vsel vm13, $0xC, v29;
	v34 =	vcvt.f32.s32 v34  }
0x22c: {  	v51 =	vsel vm4, $0x4, v3;
	v30 =	vsel vm15, $0xC, v30;
	v29 =	vor.u32 v32, v29  }
0x22d: {  	v30 =	vor.u32 v34, v30;
	v32 =	vtrunc.f32 v49;
	v34 =	vmin.f32 v50, $7.000000000e+00  }
0x22e: {  	v52 =	vsel vm6, $0x4, v3;
	v32 =	vcvt.f32.s32 v32;
	v34 =	vtrunc.f32 v34  }
0x22f: {  	v33 =	vsel vm5, $0xC, v51;
	v53 =	vsel vm7, $0xC, v52;
	v34 =	vcvt.f32.s32 v34  }
0x230: {  	v29 =	vmul.u32 v4, v29;
	v30 =	vmul.u32 v5, v30;
	v32 =	vor.u32 v32, v33  }
0x231: {  	v32 =	vmul.u32 v6, v32;
	v33 =	vor.u32 v34, v53  }
0x232: {  	v29 =	vxor.u32 v29, v30;
	v30 =	vmul.u32 v7, v33  }
0x233: {  	v29 =	vxor.u32 v32, v29  }
0x234: {  	v29 =	vxor.u32 v30, v29  }
0x235: {  	[tilespmem:$0x10168] =	vst v29  }
0x236: {  	v29 =	vld.idx.msk [tilespmem:v2+s19+$0x0], $0xffff  }
0x237: {  	v30 =	vld.idx.msk [tilespmem:v8+s19+$0x0], $0xffff  }
0x238: {  	v54 =	vld.idx.msk [tilespmem:v9+s19+$0x0], $0xffff  }
0x239: {  	v55 =	vld.idx.msk [tilespmem:v10+s19+$0x0], $0xffff  }
0x23a: {  	v56 =	vld.idx.msk [tilespmem:v11+s19+$0x0], $0xffff  }
0x23b: {  	v57 =	vld.idx.msk [tilespmem:v12+s19+$0x0], $0xffff  }
0x23c: {  	v58 =	vld.idx.msk [tilespmem:v13+s19+$0x0], $0xffff;
	v29 =	vxor.u32 v29, v30  }
0x23d: {  	v30 =	vld.idx.msk [tilespmem:v14+s19+$0x0], $0xffff;
	v29 =	vxor.u32 v54, v29  }
0x23e: {  	v59 =	vld.idx.msk [tilespmem:v15+s19+$0x0], $0xffff;
	v29 =	vxor.u32 v55, v29  }
0x23f: {  	v60 =	vld.idx.msk [tilespmem:v16+s19+$0x0], $0xffff;
	v29 =	vxor.u32 v56, v29  }
0x240: {  	v61 =	vld.idx.msk [tilespmem:v17+s19+$0x0], $0xffff;
	v29 =	vxor.u32 v57, v29  }
0x241: {  	v62 =	vld.idx.msk [tilespmem:v18+s19+$0x0], $0xffff;
	v29 =	vxor.u32 v58, v29  }
0x242: {  	v63 =	vld.idx.msk [tilespmem:v19+s19+$0x0], $0xffff;
	v29 =	vxor.u32 v30, v29  }
0x243: {  	v30 =	vld.idx.msk [tilespmem:v20+s19+$0x0], $0xffff;
	v29 =	vxor.u32 v59, v29  }
0x244: {  	v40 =	vld.idx.msk [tilespmem:v21+s19+$0x0], $0xffff;
	v29 =	vxor.u32 v60, v29  }
0x245: {  	v41 =	vld.idx.msk [tilespmem:v22+s19+$0x0], $0xffff;
	v29 =	vxor.u32 v61, v29  }
0x246: {  	v29 =	vxor.u32 v62, v29  }
0x247: {  	v29 =	vxor.u32 v63, v29  }
0x248: {  	v29 =	vxor.u32 v30, v29  }
0x249: {  	v29 =	vxor.u32 v40, v29  }
0x24a: {  	v29 =	vxor.u32 v41, v29  }
0x24b: {  	v30 =	vxor.u32 v24, v29;
	v42 =	vxor.u32 v25, v29;
	v33 =	vxor.u32 v26, v29  }
0x24c: {  	v29 =	vxor.u32 v27, v29;
	v30 =	vand.u32 $0x3F, v30;
	v32 =	vand.u32 $0x3F, v42  }
0x24d: {  	v33 =	vand.u32 $0x3F, v33;
	v29 =	vand.u32 $0x3F, v29;
	v43 =	vmin.u32 v30, v32  }
0x24e: {  	v32 =	vmax.u32 v30, v32;
	v44 =	vmin.u32 v33, v29;
	v29 =	vmax.u32 v33, v29  }
0x24f: {  	v30 =	vmin.u32 v43, v44;
	v45 =	vmax.u32 v43, v44;
	v29 =	vmin.u32 v32, v29  }
0x250: {  	v29 =	vmin.u32 v45, v29;
	v46 =	vshll.u32 v30, $0x4  }
0x251: {  	v32 =	vor.u32 v0, v46;
	v33 =	vshll.u32 v29, $0x4  }
0x252: {  	s24 =	sadd.s32 s5, s17;
	v33 =	vor.u32 v0, v33  }
0x253: {  	s24 =	sshll.u32 s24, $0x3  }
0x254: {  	s25 =	sand.u32 $0x60, s17;
	s24 =	sand.u32 $0xFFFFFC00, s24;
	[tilespmem:s17+$0x10300] =	vst v30  }
0x255: {  	s24 =	sor.u32 s25, s24;
	[tilespmem:s17+$0x10700] =	vst v29  }
0x256: {  	s17 =	sshrl.u32 s24, $0x3;
	[tilespmem:v32+s18+$0x0] =	vst.idx.msk $0xffff, v23  }
0x257: {  	s17 =	sadd.s32 s3, s17;
	[tilespmem:v33+s18+$0x0] =	vst.idx.msk $0xffff, v23  }
0x258: {  	[hbm4b:s17+s20] =	stream.strided.scatter [tilespmem:s18], [sflag:$0x1], $0x80, s14, s20, $0x38;
	[tilespmem:$0x11340] =	vst v63  }
0x259: {  	s25 =	simm.s32 $0x10BC0;
	s24 =	sadd.s32 $0x8000, s17  }
0x25a: {  	[hbm4b:s24+s20] =	stream.strided.scatter [tilespmem:s25], [sflag:$0x1], $0x80, s14, s20, $0x38;
	[tilespmem:$0x11340] =	vst v63  }
0x25b: {  	s24 =	sadd.s32 $0x10000, s17;
	s25 =	simm.s32 $0x10C40  }
0x25c: {  	[hbm4b:s24+s20] =	stream.strided.scatter [tilespmem:s25], [sflag:$0x1], $0x80, s14, s20, $0x38;
	[tilespmem:$0x11340] =	vst v63  }
0x25d: {  	s24 =	sadd.s32 $0x18000, s17;
	s25 =	simm.s32 $0x10CC0  }
0x25e: {  	[hbm4b:s24+s20] =	stream.strided.scatter [tilespmem:s25], [sflag:$0x1], $0x80, s14, s20, $0x38;
	[tilespmem:$0x11340] =	vst v63  }
0x25f: {  	s24 =	sadd.s32 $0x20000, s17;
	s25 =	simm.s32 $0x10D40  }
0x260: {  	[hbm4b:s24+s20] =	stream.strided.scatter [tilespmem:s25], [sflag:$0x1], $0x80, s14, s20, $0x38;
	[tilespmem:$0x11340] =	vst v63  }
0x261: {  	s24 =	sadd.s32 $0x28000, s17;
	s25 =	simm.s32 $0x10DC0  }
0x262: {  	[hbm4b:s24+s20] =	stream.strided.scatter [tilespmem:s25], [sflag:$0x1], $0x80, s14, s20, $0x38;
	[tilespmem:$0x11340] =	vst v63  }
0x263: {  	s25 =	sadd.s32 $0x30000, s17  }
0x264: {  	[hbm4b:s25+s20] =	stream.strided.scatter [tilespmem:s26], [sflag:$0x1], $0x80, s14, s20, $0x38;
	[tilespmem:$0x11340] =	vst v63  }
0x265: {  	v31 =	vshll.u32 v31, $0x4;
	s17 =	sadd.s32 $0x38000, s17  }
0x266: {  	v28 =	vshll.u32 v28, $0x4;
	v31 =	vor.u32 v0, v31;
	[hbm4b:s17+s20] =	stream.strided.scatter [tilespmem:s28], [sflag:$0x1], $0x80, s14, s20, $0x38;
	[tilespmem:$0x11340] =	vst v63  }
0x267: {  	v28 =	vor.u32 v0, v28;
	s17 =	simm.s32 @p0 $0x2  }
0x268: {  	_ =	swait.ge @p0 [sflag:s17], $0x400  }
0x269: {  	[sflag:s17] =	ssyncset.done @p0 $0x0  }
0x26a: {  	[sflag:s17] =	ssyncadd.s32 @p0 $0xFFFFFC00  }
0x26b: {  	[tilespmem:v31+s29+$0x0] =	vst.idx.msk $0xffff, v1  }
0x26c: {  	[tilespmem:v28+s29+$0x0] =	vst.idx.msk $0xffff, v1  }
0x26d: {  	v28 =	vld [tilespmem:s21+$0x0]  }
0x26e: {  	v31 =	vld [tilespmem:s21+$0x10]  }
0x26f: {  	v48 =	vld [tilespmem:s21+$0x20]  }
0x270: {  	v50 =	vld [tilespmem:s21+$0x30];
	_ =	sdelay $0x1  }
0x271: {  	v47 =	vand.u32 $0x7FFFFFFF, v28  }
0x272: {  	v49 =	vand.u32 $0x7FFFFFFF, v31;
	vm8 =	vgt.f32 v28, $0.0e+00;
	vm9 =	vlt.f32 v28, $0.0e+00  }
0x273: {  	vm10 =	vgt.f32 v31, $0.0e+00;
	vm11 =	vlt.f32 v31, $0.0e+00;
	v51 =	vand.u32 $0x7FFFFFFF, v48  }
0x274: {  	vm12 =	vgt.f32 v48, $0.0e+00;
	v53 =	vand.u32 $0x7FFFFFFF, v50;
	vm13 =	vlt.f32 v48, $0.0e+00  }
0x275: {  	vm14 =	vgt.f32 v50, $0.0e+00;
	vm15 =	vlt.f32 v50, $0.0e+00;
	v32 =	vmin.f32 v47, $7.000000000e+00  }
0x276: {  	v34 =	vmin.f32 v49, $7.000000000e+00;
	v28 =	vsel vm8, $0x4, v3;
	v32 =	vtrunc.f32 v32  }
0x277: {  	v31 =	vsel vm10, $0x4, v3;
	v34 =	vtrunc.f32 v34;
	v32 =	vcvt.f32.s32 v32  }
0x278: {  	v52 =	vmin.f32 v51, $7.000000000e+00;
	v28 =	vsel vm9, $0xC, v28;
	v34 =	vcvt.f32.s32 v34  }
0x279: {  	v54 =	vsel vm12, $0x4, v3;
	v31 =	vsel vm11, $0xC, v31;
	v28 =	vor.u32 v32, v28  }
0x27a: {  	v31 =	vor.u32 v34, v31;
	v32 =	vtrunc.f32 v52;
	v34 =	vmin.f32 v53, $7.000000000e+00  }
0x27b: {  	v55 =	vsel vm14, $0x4, v3;
	v32 =	vcvt.f32.s32 v32;
	v34 =	vtrunc.f32 v34  }
0x27c: {  	v33 =	vsel vm13, $0xC, v54;
	v56 =	vsel vm15, $0xC, v55;
	v34 =	vcvt.f32.s32 v34  }
0x27d: {  	v28 =	vmul.u32 v4, v28;
	v31 =	vmul.u32 v5, v31;
	v32 =	vor.u32 v32, v33  }
0x27e: {  	v32 =	vmul.u32 v6, v32;
	v33 =	vor.u32 v34, v56  }
0x27f: {  	v28 =	vxor.u32 v28, v31;
	v31 =	vmul.u32 v7, v33  }
0x280: {  	v28 =	vxor.u32 v32, v28  }
0x281: {  	v28 =	vxor.u32 v31, v28  }
0x282: {  	[tilespmem:$0x10180] =	vst v28  }
0x283: {  	v28 =	vld [tilespmem:s21+$0x40]  }
0x284: {  	v31 =	vld [tilespmem:s21+$0x50]  }
0x285: {  	v58 =	vld [tilespmem:s21+$0x60]  }
0x286: {  	v60 =	vld [tilespmem:s21+$0x70];
	_ =	sdelay $0x1  }
0x287: {  	v57 =	vand.u32 $0x7FFFFFFF, v28  }
0x288: {  	v59 =	vand.u32 $0x7FFFFFFF, v31;
	vm4 =	vgt.f32 v28, $0.0e+00;
	vm5 =	vlt.f32 v28, $0.0e+00  }
0x289: {  	vm6 =	vgt.f32 v31, $0.0e+00;
	vm7 =	vlt.f32 v31, $0.0e+00;
	v61 =	vand.u32 $0x7FFFFFFF, v58  }
0x28a: {  	vm8 =	vgt.f32 v58, $0.0e+00;
	v63 =	vand.u32 $0x7FFFFFFF, v60;
	vm9 =	vlt.f32 v58, $0.0e+00  }
0x28b: {  	vm10 =	vgt.f32 v60, $0.0e+00;
	vm11 =	vlt.f32 v60, $0.0e+00;
	v32 =	vmin.f32 v57, $7.000000000e+00  }
0x28c: {  	v34 =	vmin.f32 v59, $7.000000000e+00;
	v28 =	vsel vm4, $0x4, v3;
	v32 =	vtrunc.f32 v32  }
0x28d: {  	v31 =	vsel vm6, $0x4, v3;
	v34 =	vtrunc.f32 v34;
	v32 =	vcvt.f32.s32 v32  }
0x28e: {  	v62 =	vmin.f32 v61, $7.000000000e+00;
	v28 =	vsel vm5, $0xC, v28;
	v34 =	vcvt.f32.s32 v34  }
0x28f: {  	v36 =	vsel vm8, $0x4, v3;
	v31 =	vsel vm7, $0xC, v31;
	v28 =	vor.u32 v32, v28  }
0x290: {  	v31 =	vor.u32 v34, v31;
	v32 =	vtrunc.f32 v62;
	v34 =	vmin.f32 v63, $7.000000000e+00  }
0x291: {  	v37 =	vsel vm10, $0x4, v3;
	v32 =	vcvt.f32.s32 v32;
	v34 =	vtrunc.f32 v34  }
0x292: {  	v33 =	vsel vm9, $0xC, v36;
	v38 =	vsel vm11, $0xC, v37;
	v34 =	vcvt.f32.s32 v34  }
0x293: {  	v28 =	vmul.u32 v4, v28;
	v31 =	vmul.u32 v5, v31;
	v32 =	vor.u32 v32, v33  }
0x294: {  	v32 =	vmul.u32 v6, v32;
	v33 =	vor.u32 v34, v38  }
0x295: {  	v28 =	vxor.u32 v28, v31;
	v31 =	vmul.u32 v7, v33  }
0x296: {  	v28 =	vxor.u32 v32, v28  }
0x297: {  	v28 =	vxor.u32 v31, v28  }
0x298: {  	[tilespmem:$0x10198] =	vst v28  }
0x299: {  	v28 =	vld [tilespmem:s21+$0x80]  }
0x29a: {  	v31 =	vld [tilespmem:s21+$0x90]  }
0x29b: {  	v40 =	vld [tilespmem:s21+$0xA0]  }
0x29c: {  	v42 =	vld [tilespmem:s21+$0xB0];
	_ =	sdelay $0x1  }
0x29d: {  	v39 =	vand.u32 $0x7FFFFFFF, v28  }
0x29e: {  	v41 =	vand.u32 $0x7FFFFFFF, v31;
	vm12 =	vgt.f32 v28, $0.0e+00;
	vm13 =	vlt.f32 v28, $0.0e+00  }
0x29f: {  	vm14 =	vgt.f32 v31, $0.0e+00;
	vm15 =	vlt.f32 v31, $0.0e+00;
	v43 =	vand.u32 $0x7FFFFFFF, v40  }
0x2a0: {  	vm4 =	vgt.f32 v40, $0.0e+00;
	v45 =	vand.u32 $0x7FFFFFFF, v42;
	vm5 =	vlt.f32 v40, $0.0e+00  }
0x2a1: {  	vm6 =	vgt.f32 v42, $0.0e+00;
	vm7 =	vlt.f32 v42, $0.0e+00;
	v32 =	vmin.f32 v39, $7.000000000e+00  }
0x2a2: {  	v34 =	vmin.f32 v41, $7.000000000e+00;
	v28 =	vsel vm12, $0x4, v3;
	v32 =	vtrunc.f32 v32  }
0x2a3: {  	v31 =	vsel vm14, $0x4, v3;
	v34 =	vtrunc.f32 v34;
	v32 =	vcvt.f32.s32 v32  }
0x2a4: {  	v44 =	vmin.f32 v43, $7.000000000e+00;
	v28 =	vsel vm13, $0xC, v28;
	v34 =	vcvt.f32.s32 v34  }
0x2a5: {  	v46 =	vsel vm4, $0x4, v3;
	v31 =	vsel vm15, $0xC, v31;
	v28 =	vor.u32 v32, v28  }
0x2a6: {  	v31 =	vor.u32 v34, v31;
	v32 =	vtrunc.f32 v44;
	v34 =	vmin.f32 v45, $7.000000000e+00  }
0x2a7: {  	v47 =	vsel vm6, $0x4, v3;
	v32 =	vcvt.f32.s32 v32;
	v34 =	vtrunc.f32 v34  }
0x2a8: {  	v33 =	vsel vm5, $0xC, v46;
	v48 =	vsel vm7, $0xC, v47;
	v34 =	vcvt.f32.s32 v34  }
0x2a9: {  	v28 =	vmul.u32 v4, v28;
	v31 =	vmul.u32 v5, v31;
	v32 =	vor.u32 v32, v33  }
0x2aa: {  	v32 =	vmul.u32 v6, v32;
	v33 =	vor.u32 v34, v48  }
0x2ab: {  	v28 =	vxor.u32 v28, v31;
	v31 =	vmul.u32 v7, v33  }
0x2ac: {  	v28 =	vxor.u32 v32, v28  }
0x2ad: {  	v28 =	vxor.u32 v31, v28  }
0x2ae: {  	[tilespmem:$0x101B0] =	vst v28  }
0x2af: {  	v28 =	vld [tilespmem:s21+$0xC0]  }
0x2b0: {  	v31 =	vld [tilespmem:s21+$0xD0]  }
0x2b1: {  	v50 =	vld [tilespmem:s21+$0xE0]  }
0x2b2: {  	v52 =	vld [tilespmem:s21+$0xF0];
	_ =	sdelay $0x1  }
0x2b3: {  	v49 =	vand.u32 $0x7FFFFFFF, v28  }
0x2b4: {  	v51 =	vand.u32 $0x7FFFFFFF, v31;
	vm8 =	vgt.f32 v28, $0.0e+00;
	vm9 =	vlt.f32 v28, $0.0e+00  }
0x2b5: {  	vm10 =	vgt.f32 v31, $0.0e+00;
	vm11 =	vlt.f32 v31, $0.0e+00;
	v53 =	vand.u32 $0x7FFFFFFF, v50  }
0x2b6: {  	vm12 =	vgt.f32 v50, $0.0e+00;
	v55 =	vand.u32 $0x7FFFFFFF, v52;
	vm13 =	vlt.f32 v50, $0.0e+00  }
0x2b7: {  	vm14 =	vgt.f32 v52, $0.0e+00;
	vm15 =	vlt.f32 v52, $0.0e+00;
	v32 =	vmin.f32 v49, $7.000000000e+00  }
0x2b8: {  	v34 =	vmin.f32 v51, $7.000000000e+00;
	v28 =	vsel vm8, $0x4, v3;
	v32 =	vtrunc.f32 v32  }
0x2b9: {  	v31 =	vsel vm10, $0x4, v3;
	v34 =	vtrunc.f32 v34;
	v32 =	vcvt.f32.s32 v32  }
0x2ba: {  	v54 =	vmin.f32 v53, $7.000000000e+00;
	v28 =	vsel vm9, $0xC, v28;
	v34 =	vcvt.f32.s32 v34  }
0x2bb: {  	v56 =	vsel vm12, $0x4, v3;
	v31 =	vsel vm11, $0xC, v31;
	v28 =	vor.u32 v32, v28  }
0x2bc: {  	v31 =	vor.u32 v34, v31;
	v32 =	vtrunc.f32 v54;
	v34 =	vmin.f32 v55, $7.000000000e+00  }
0x2bd: {  	v57 =	vsel vm14, $0x4, v3;
	v32 =	vcvt.f32.s32 v32;
	v34 =	vtrunc.f32 v34  }
0x2be: {  	v33 =	vsel vm13, $0xC, v56;
	v58 =	vsel vm15, $0xC, v57;
	v34 =	vcvt.f32.s32 v34  }
0x2bf: {  	v28 =	vmul.u32 v4, v28;
	v31 =	vmul.u32 v5, v31;
	v32 =	vor.u32 v32, v33  }
0x2c0: {  	v32 =	vmul.u32 v6, v32;
	v33 =	vor.u32 v34, v58  }
0x2c1: {  	v28 =	vxor.u32 v28, v31;
	v31 =	vmul.u32 v7, v33  }
0x2c2: {  	v28 =	vxor.u32 v32, v28  }
0x2c3: {  	v28 =	vxor.u32 v31, v28  }
0x2c4: {  	[tilespmem:$0x101C8] =	vst v28  }
0x2c5: {  	v28 =	vld [tilespmem:s21+$0x100]  }
0x2c6: {  	v31 =	vld [tilespmem:s21+$0x110]  }
0x2c7: {  	v60 =	vld [tilespmem:s21+$0x120]  }
0x2c8: {  	v62 =	vld [tilespmem:s21+$0x130];
	_ =	sdelay $0x1  }
0x2c9: {  	v59 =	vand.u32 $0x7FFFFFFF, v28  }
0x2ca: {  	v61 =	vand.u32 $0x7FFFFFFF, v31;
	vm4 =	vgt.f32 v28, $0.0e+00;
	vm5 =	vlt.f32 v28, $0.0e+00  }
0x2cb: {  	vm6 =	vgt.f32 v31, $0.0e+00;
	vm7 =	vlt.f32 v31, $0.0e+00;
	v63 =	vand.u32 $0x7FFFFFFF, v60  }
0x2cc: {  	vm8 =	vgt.f32 v60, $0.0e+00;
	v38 =	vand.u32 $0x7FFFFFFF, v62;
	vm9 =	vlt.f32 v60, $0.0e+00  }
0x2cd: {  	vm10 =	vgt.f32 v62, $0.0e+00;
	vm11 =	vlt.f32 v62, $0.0e+00;
	v32 =	vmin.f32 v59, $7.000000000e+00  }
0x2ce: {  	v34 =	vmin.f32 v61, $7.000000000e+00;
	v28 =	vsel vm4, $0x4, v3;
	v32 =	vtrunc.f32 v32  }
0x2cf: {  	v31 =	vsel vm6, $0x4, v3;
	v34 =	vtrunc.f32 v34;
	v32 =	vcvt.f32.s32 v32  }
0x2d0: {  	v37 =	vmin.f32 v63, $7.000000000e+00;
	v28 =	vsel vm5, $0xC, v28;
	v34 =	vcvt.f32.s32 v34  }
0x2d1: {  	v39 =	vsel vm8, $0x4, v3;
	v31 =	vsel vm7, $0xC, v31;
	v28 =	vor.u32 v32, v28  }
0x2d2: {  	v31 =	vor.u32 v34, v31;
	v32 =	vtrunc.f32 v37;
	v34 =	vmin.f32 v38, $7.000000000e+00  }
0x2d3: {  	v40 =	vsel vm10, $0x4, v3;
	v32 =	vcvt.f32.s32 v32;
	v34 =	vtrunc.f32 v34  }
0x2d4: {  	v33 =	vsel vm9, $0xC, v39;
	v41 =	vsel vm11, $0xC, v40;
	v34 =	vcvt.f32.s32 v34  }
0x2d5: {  	v28 =	vmul.u32 v4, v28;
	v31 =	vmul.u32 v5, v31;
	v32 =	vor.u32 v32, v33  }
0x2d6: {  	v32 =	vmul.u32 v6, v32;
	v33 =	vor.u32 v34, v41  }
0x2d7: {  	v28 =	vxor.u32 v28, v31;
	v31 =	vmul.u32 v7, v33  }
0x2d8: {  	v28 =	vxor.u32 v32, v28  }
0x2d9: {  	v28 =	vxor.u32 v31, v28  }
0x2da: {  	[tilespmem:$0x101E0] =	vst v28  }
0x2db: {  	v28 =	vld [tilespmem:s21+$0x140]  }
0x2dc: {  	v31 =	vld [tilespmem:s21+$0x150]  }
0x2dd: {  	v43 =	vld [tilespmem:s21+$0x160]  }
0x2de: {  	v45 =	vld [tilespmem:s21+$0x170];
	_ =	sdelay $0x1  }
0x2df: {  	v42 =	vand.u32 $0x7FFFFFFF, v28  }
0x2e0: {  	v44 =	vand.u32 $0x7FFFFFFF, v31;
	vm12 =	vgt.f32 v28, $0.0e+00;
	vm13 =	vlt.f32 v28, $0.0e+00  }
0x2e1: {  	vm14 =	vgt.f32 v31, $0.0e+00;
	vm15 =	vlt.f32 v31, $0.0e+00;
	v46 =	vand.u32 $0x7FFFFFFF, v43  }
0x2e2: {  	vm4 =	vgt.f32 v43, $0.0e+00;
	v48 =	vand.u32 $0x7FFFFFFF, v45;
	vm5 =	vlt.f32 v43, $0.0e+00  }
0x2e3: {  	vm6 =	vgt.f32 v45, $0.0e+00;
	vm7 =	vlt.f32 v45, $0.0e+00;
	v32 =	vmin.f32 v42, $7.000000000e+00  }
0x2e4: {  	v34 =	vmin.f32 v44, $7.000000000e+00;
	v28 =	vsel vm12, $0x4, v3;
	v32 =	vtrunc.f32 v32  }
0x2e5: {  	v31 =	vsel vm14, $0x4, v3;
	v34 =	vtrunc.f32 v34;
	v32 =	vcvt.f32.s32 v32  }
0x2e6: {  	v47 =	vmin.f32 v46, $7.000000000e+00;
	v28 =	vsel vm13, $0xC, v28;
	v34 =	vcvt.f32.s32 v34  }
0x2e7: {  	v49 =	vsel vm4, $0x4, v3;
	v31 =	vsel vm15, $0xC, v31;
	v28 =	vor.u32 v32, v28  }
0x2e8: {  	v31 =	vor.u32 v34, v31;
	v32 =	vtrunc.f32 v47;
	v34 =	vmin.f32 v48, $7.000000000e+00  }
0x2e9: {  	v50 =	vsel vm6, $0x4, v3;
	v32 =	vcvt.f32.s32 v32;
	v34 =	vtrunc.f32 v34  }
0x2ea: {  	v33 =	vsel vm5, $0xC, v49;
	v51 =	vsel vm7, $0xC, v50;
	v34 =	vcvt.f32.s32 v34  }
0x2eb: {  	v28 =	vmul.u32 v4, v28;
	v31 =	vmul.u32 v5, v31;
	v32 =	vor.u32 v32, v33  }
0x2ec: {  	v32 =	vmul.u32 v6, v32;
	v33 =	vor.u32 v34, v51  }
0x2ed: {  	v28 =	vxor.u32 v28, v31;
	v31 =	vmul.u32 v7, v33  }
0x2ee: {  	v28 =	vxor.u32 v32, v28  }
0x2ef: {  	v28 =	vxor.u32 v31, v28  }
0x2f0: {  	[tilespmem:$0x101F8] =	vst v28  }
0x2f1: {  	v28 =	vld [tilespmem:s21+$0x180]  }
0x2f2: {  	v31 =	vld [tilespmem:s21+$0x190]  }
0x2f3: {  	v53 =	vld [tilespmem:s21+$0x1A0]  }
0x2f4: {  	v55 =	vld [tilespmem:s21+$0x1B0];
	_ =	sdelay $0x1  }
0x2f5: {  	v52 =	vand.u32 $0x7FFFFFFF, v28  }
0x2f6: {  	v54 =	vand.u32 $0x7FFFFFFF, v31;
	vm8 =	vgt.f32 v28, $0.0e+00;
	vm9 =	vlt.f32 v28, $0.0e+00  }
0x2f7: {  	vm10 =	vgt.f32 v31, $0.0e+00;
	vm11 =	vlt.f32 v31, $0.0e+00;
	v56 =	vand.u32 $0x7FFFFFFF, v53  }
0x2f8: {  	vm12 =	vgt.f32 v53, $0.0e+00;
	v58 =	vand.u32 $0x7FFFFFFF, v55;
	vm13 =	vlt.f32 v53, $0.0e+00  }
0x2f9: {  	vm14 =	vgt.f32 v55, $0.0e+00;
	vm15 =	vlt.f32 v55, $0.0e+00;
	v32 =	vmin.f32 v52, $7.000000000e+00  }
0x2fa: {  	v34 =	vmin.f32 v54, $7.000000000e+00;
	v28 =	vsel vm8, $0x4, v3;
	v32 =	vtrunc.f32 v32  }
0x2fb: {  	v31 =	vsel vm10, $0x4, v3;
	v34 =	vtrunc.f32 v34;
	v32 =	vcvt.f32.s32 v32  }
0x2fc: {  	v57 =	vmin.f32 v56, $7.000000000e+00;
	v28 =	vsel vm9, $0xC, v28;
	v34 =	vcvt.f32.s32 v34  }
0x2fd: {  	v59 =	vsel vm12, $0x4, v3;
	v31 =	vsel vm11, $0xC, v31;
	v28 =	vor.u32 v32, v28  }
0x2fe: {  	v31 =	vor.u32 v34, v31;
	v32 =	vtrunc.f32 v57;
	v34 =	vmin.f32 v58, $7.000000000e+00  }
0x2ff: {  	v60 =	vsel vm14, $0x4, v3;
	v32 =	vcvt.f32.s32 v32;
	v34 =	vtrunc.f32 v34  }
0x300: {  	v33 =	vsel vm13, $0xC, v59;
	v61 =	vsel vm15, $0xC, v60;
	v34 =	vcvt.f32.s32 v34  }
0x301: {  	v28 =	vmul.u32 v4, v28;
	v31 =	vmul.u32 v5, v31;
	v32 =	vor.u32 v32, v33  }
0x302: {  	v32 =	vmul.u32 v6, v32;
	v33 =	vor.u32 v34, v61  }
0x303: {  	v28 =	vxor.u32 v28, v31;
	v31 =	vmul.u32 v7, v33  }
0x304: {  	v28 =	vxor.u32 v32, v28  }
0x305: {  	v28 =	vxor.u32 v31, v28  }
0x306: {  	[tilespmem:$0x10210] =	vst v28  }
0x307: {  	v28 =	vld [tilespmem:s21+$0x1C0]  }
0x308: {  	v31 =	vld [tilespmem:s21+$0x1D0]  }
0x309: {  	v63 =	vld [tilespmem:s21+$0x1E0]  }
0x30a: {  	v40 =	vld [tilespmem:s21+$0x1F0];
	_ =	sdelay $0x1  }
0x30b: {  	v62 =	vand.u32 $0x7FFFFFFF, v28  }
0x30c: {  	v39 =	vand.u32 $0x7FFFFFFF, v31;
	vm4 =	vgt.f32 v28, $0.0e+00;
	vm5 =	vlt.f32 v28, $0.0e+00  }
0x30d: {  	vm6 =	vgt.f32 v31, $0.0e+00;
	vm7 =	vlt.f32 v31, $0.0e+00;
	v41 =	vand.u32 $0x7FFFFFFF, v63  }
0x30e: {  	vm8 =	vgt.f32 v63, $0.0e+00;
	v43 =	vand.u32 $0x7FFFFFFF, v40;
	vm9 =	vlt.f32 v63, $0.0e+00  }
0x30f: {  	vm10 =	vgt.f32 v40, $0.0e+00;
	vm11 =	vlt.f32 v40, $0.0e+00;
	v32 =	vmin.f32 v62, $7.000000000e+00  }
0x310: {  	v34 =	vmin.f32 v39, $7.000000000e+00;
	v28 =	vsel vm4, $0x4, v3;
	v32 =	vtrunc.f32 v32  }
0x311: {  	v31 =	vsel vm6, $0x4, v3;
	v34 =	vtrunc.f32 v34;
	v32 =	vcvt.f32.s32 v32  }
0x312: {  	v42 =	vmin.f32 v41, $7.000000000e+00;
	v28 =	vsel vm5, $0xC, v28;
	v34 =	vcvt.f32.s32 v34  }
0x313: {  	v44 =	vsel vm8, $0x4, v3;
	v31 =	vsel vm7, $0xC, v31;
	v28 =	vor.u32 v32, v28  }
0x314: {  	v31 =	vor.u32 v34, v31;
	v32 =	vtrunc.f32 v42;
	v34 =	vmin.f32 v43, $7.000000000e+00  }
0x315: {  	v45 =	vsel vm10, $0x4, v3;
	v32 =	vcvt.f32.s32 v32;
	v34 =	vtrunc.f32 v34  }
0x316: {  	v33 =	vsel vm9, $0xC, v44;
	v46 =	vsel vm11, $0xC, v45;
	v34 =	vcvt.f32.s32 v34  }
0x317: {  	v28 =	vmul.u32 v4, v28;
	v31 =	vmul.u32 v5, v31;
	v32 =	vor.u32 v32, v33  }
0x318: {  	v32 =	vmul.u32 v6, v32;
	v33 =	vor.u32 v34, v46  }
0x319: {  	v28 =	vxor.u32 v28, v31;
	v31 =	vmul.u32 v7, v33  }
0x31a: {  	v28 =	vxor.u32 v32, v28  }
0x31b: {  	v28 =	vxor.u32 v31, v28  }
0x31c: {  	[tilespmem:$0x10228] =	vst v28  }
0x31d: {  	v28 =	vld [tilespmem:s21+$0x200]  }
0x31e: {  	v31 =	vld [tilespmem:s21+$0x210]  }
0x31f: {  	v48 =	vld [tilespmem:s21+$0x220]  }
0x320: {  	v50 =	vld [tilespmem:s21+$0x230];
	_ =	sdelay $0x1  }
0x321: {  	v47 =	vand.u32 $0x7FFFFFFF, v28  }
0x322: {  	v49 =	vand.u32 $0x7FFFFFFF, v31;
	vm12 =	vgt.f32 v28, $0.0e+00;
	vm13 =	vlt.f32 v28, $0.0e+00  }
0x323: {  	vm14 =	vgt.f32 v31, $0.0e+00;
	vm15 =	vlt.f32 v31, $0.0e+00;
	v51 =	vand.u32 $0x7FFFFFFF, v48  }
0x324: {  	vm4 =	vgt.f32 v48, $0.0e+00;
	v53 =	vand.u32 $0x7FFFFFFF, v50;
	vm5 =	vlt.f32 v48, $0.0e+00  }
0x325: {  	vm6 =	vgt.f32 v50, $0.0e+00;
	vm7 =	vlt.f32 v50, $0.0e+00;
	v32 =	vmin.f32 v47, $7.000000000e+00  }
0x326: {  	v34 =	vmin.f32 v49, $7.000000000e+00;
	v28 =	vsel vm12, $0x4, v3;
	v32 =	vtrunc.f32 v32  }
0x327: {  	v31 =	vsel vm14, $0x4, v3;
	v34 =	vtrunc.f32 v34;
	v32 =	vcvt.f32.s32 v32  }
0x328: {  	v52 =	vmin.f32 v51, $7.000000000e+00;
	v28 =	vsel vm13, $0xC, v28;
	v34 =	vcvt.f32.s32 v34  }
0x329: {  	v54 =	vsel vm4, $0x4, v3;
	v31 =	vsel vm15, $0xC, v31;
	v28 =	vor.u32 v32, v28  }
0x32a: {  	v31 =	vor.u32 v34, v31;
	v32 =	vtrunc.f32 v52;
	v34 =	vmin.f32 v53, $7.000000000e+00  }
0x32b: {  	v55 =	vsel vm6, $0x4, v3;
	v32 =	vcvt.f32.s32 v32;
	v34 =	vtrunc.f32 v34  }
0x32c: {  	v33 =	vsel vm5, $0xC, v54;
	v56 =	vsel vm7, $0xC, v55;
	v34 =	vcvt.f32.s32 v34  }
0x32d: {  	v28 =	vmul.u32 v4, v28;
	v31 =	vmul.u32 v5, v31;
	v32 =	vor.u32 v32, v33  }
0x32e: {  	v32 =	vmul.u32 v6, v32;
	v33 =	vor.u32 v34, v56  }
0x32f: {  	v28 =	vxor.u32 v28, v31;
	v31 =	vmul.u32 v7, v33  }
0x330: {  	v28 =	vxor.u32 v32, v28  }
0x331: {  	v28 =	vxor.u32 v31, v28  }
0x332: {  	[tilespmem:$0x10240] =	vst v28  }
0x333: {  	v28 =	vld [tilespmem:s21+$0x240]  }
0x334: {  	v31 =	vld [tilespmem:s21+$0x250]  }
0x335: {  	v58 =	vld [tilespmem:s21+$0x260]  }
0x336: {  	v60 =	vld [tilespmem:s21+$0x270];
	_ =	sdelay $0x1  }
0x337: {  	v57 =	vand.u32 $0x7FFFFFFF, v28  }
0x338: {  	v59 =	vand.u32 $0x7FFFFFFF, v31;
	vm8 =	vgt.f32 v28, $0.0e+00;
	vm9 =	vlt.f32 v28, $0.0e+00  }
0x339: {  	vm10 =	vgt.f32 v31, $0.0e+00;
	vm11 =	vlt.f32 v31, $0.0e+00;
	v61 =	vand.u32 $0x7FFFFFFF, v58  }
0x33a: {  	vm12 =	vgt.f32 v58, $0.0e+00;
	v63 =	vand.u32 $0x7FFFFFFF, v60;
	vm13 =	vlt.f32 v58, $0.0e+00  }
0x33b: {  	vm14 =	vgt.f32 v60, $0.0e+00;
	vm15 =	vlt.f32 v60, $0.0e+00;
	v32 =	vmin.f32 v57, $7.000000000e+00  }
0x33c: {  	v34 =	vmin.f32 v59, $7.000000000e+00;
	v28 =	vsel vm8, $0x4, v3;
	v32 =	vtrunc.f32 v32  }
0x33d: {  	v31 =	vsel vm10, $0x4, v3;
	v34 =	vtrunc.f32 v34;
	v32 =	vcvt.f32.s32 v32  }
0x33e: {  	v62 =	vmin.f32 v61, $7.000000000e+00;
	v28 =	vsel vm9, $0xC, v28;
	v34 =	vcvt.f32.s32 v34  }
0x33f: {  	v36 =	vsel vm12, $0x4, v3;
	v31 =	vsel vm11, $0xC, v31;
	v28 =	vor.u32 v32, v28  }
0x340: {  	v31 =	vor.u32 v34, v31;
	v32 =	vtrunc.f32 v62;
	v34 =	vmin.f32 v63, $7.000000000e+00  }
0x341: {  	v37 =	vsel vm14, $0x4, v3;
	v32 =	vcvt.f32.s32 v32;
	v34 =	vtrunc.f32 v34  }
0x342: {  	v33 =	vsel vm13, $0xC, v36;
	v38 =	vsel vm15, $0xC, v37;
	v34 =	vcvt.f32.s32 v34  }
0x343: {  	v28 =	vmul.u32 v4, v28;
	v31 =	vmul.u32 v5, v31;
	v32 =	vor.u32 v32, v33  }
0x344: {  	v32 =	vmul.u32 v6, v32;
	v33 =	vor.u32 v34, v38  }
0x345: {  	v28 =	vxor.u32 v28, v31;
	v31 =	vmul.u32 v7, v33  }
0x346: {  	v28 =	vxor.u32 v32, v28  }
0x347: {  	v28 =	vxor.u32 v31, v28  }
0x348: {  	[tilespmem:$0x10258] =	vst v28  }
0x349: {  	v28 =	vld [tilespmem:s21+$0x280]  }
0x34a: {  	v31 =	vld [tilespmem:s21+$0x290]  }
0x34b: {  	v40 =	vld [tilespmem:s21+$0x2A0]  }
0x34c: {  	v42 =	vld [tilespmem:s21+$0x2B0];
	_ =	sdelay $0x1  }
0x34d: {  	v39 =	vand.u32 $0x7FFFFFFF, v28  }
0x34e: {  	v41 =	vand.u32 $0x7FFFFFFF, v31;
	vm4 =	vgt.f32 v28, $0.0e+00;
	vm5 =	vlt.f32 v28, $0.0e+00  }
0x34f: {  	vm6 =	vgt.f32 v31, $0.0e+00;
	vm7 =	vlt.f32 v31, $0.0e+00;
	v43 =	vand.u32 $0x7FFFFFFF, v40  }
0x350: {  	vm8 =	vgt.f32 v40, $0.0e+00;
	v45 =	vand.u32 $0x7FFFFFFF, v42;
	vm9 =	vlt.f32 v40, $0.0e+00  }
0x351: {  	vm10 =	vgt.f32 v42, $0.0e+00;
	vm11 =	vlt.f32 v42, $0.0e+00;
	v32 =	vmin.f32 v39, $7.000000000e+00  }
0x352: {  	v34 =	vmin.f32 v41, $7.000000000e+00;
	v28 =	vsel vm4, $0x4, v3;
	v32 =	vtrunc.f32 v32  }
0x353: {  	v31 =	vsel vm6, $0x4, v3;
	v34 =	vtrunc.f32 v34;
	v32 =	vcvt.f32.s32 v32  }
0x354: {  	v44 =	vmin.f32 v43, $7.000000000e+00;
	v28 =	vsel vm5, $0xC, v28;
	v34 =	vcvt.f32.s32 v34  }
0x355: {  	v46 =	vsel vm8, $0x4, v3;
	v31 =	vsel vm7, $0xC, v31;
	v28 =	vor.u32 v32, v28  }
0x356: {  	v31 =	vor.u32 v34, v31;
	v32 =	vtrunc.f32 v44;
	v34 =	vmin.f32 v45, $7.000000000e+00  }
0x357: {  	v47 =	vsel vm10, $0x4, v3;
	v32 =	vcvt.f32.s32 v32;
	v34 =	vtrunc.f32 v34  }
0x358: {  	v33 =	vsel vm9, $0xC, v46;
	v48 =	vsel vm11, $0xC, v47;
	v34 =	vcvt.f32.s32 v34  }
0x359: {  	v28 =	vmul.u32 v4, v28;
	v31 =	vmul.u32 v5, v31;
	v32 =	vor.u32 v32, v33  }
0x35a: {  	v32 =	vmul.u32 v6, v32;
	v33 =	vor.u32 v34, v48  }
0x35b: {  	v28 =	vxor.u32 v28, v31;
	v31 =	vmul.u32 v7, v33  }
0x35c: {  	v28 =	vxor.u32 v32, v28  }
0x35d: {  	v28 =	vxor.u32 v31, v28  }
0x35e: {  	[tilespmem:$0x10270] =	vst v28  }
0x35f: {  	v28 =	vld [tilespmem:s21+$0x2C0]  }
0x360: {  	v31 =	vld [tilespmem:s21+$0x2D0]  }
0x361: {  	v50 =	vld [tilespmem:s21+$0x2E0]  }
0x362: {  	v52 =	vld [tilespmem:s21+$0x2F0];
	_ =	sdelay $0x1  }
0x363: {  	v49 =	vand.u32 $0x7FFFFFFF, v28  }
0x364: {  	v51 =	vand.u32 $0x7FFFFFFF, v31;
	vm12 =	vgt.f32 v28, $0.0e+00;
	vm13 =	vlt.f32 v28, $0.0e+00  }
0x365: {  	vm14 =	vgt.f32 v31, $0.0e+00;
	vm15 =	vlt.f32 v31, $0.0e+00;
	v53 =	vand.u32 $0x7FFFFFFF, v50  }
0x366: {  	vm4 =	vgt.f32 v50, $0.0e+00;
	v55 =	vand.u32 $0x7FFFFFFF, v52;
	vm5 =	vlt.f32 v50, $0.0e+00  }
0x367: {  	vm6 =	vgt.f32 v52, $0.0e+00;
	vm7 =	vlt.f32 v52, $0.0e+00;
	v32 =	vmin.f32 v49, $7.000000000e+00  }
0x368: {  	v34 =	vmin.f32 v51, $7.000000000e+00;
	v28 =	vsel vm12, $0x4, v3;
	v32 =	vtrunc.f32 v32  }
0x369: {  	v31 =	vsel vm14, $0x4, v3;
	v34 =	vtrunc.f32 v34;
	v32 =	vcvt.f32.s32 v32  }
0x36a: {  	v54 =	vmin.f32 v53, $7.000000000e+00;
	v28 =	vsel vm13, $0xC, v28;
	v34 =	vcvt.f32.s32 v34  }
0x36b: {  	v56 =	vsel vm4, $0x4, v3;
	v31 =	vsel vm15, $0xC, v31;
	v28 =	vor.u32 v32, v28  }
0x36c: {  	v31 =	vor.u32 v34, v31;
	v32 =	vtrunc.f32 v54;
	v34 =	vmin.f32 v55, $7.000000000e+00  }
0x36d: {  	v57 =	vsel vm6, $0x4, v3;
	v32 =	vcvt.f32.s32 v32;
	v34 =	vtrunc.f32 v34  }
0x36e: {  	v33 =	vsel vm5, $0xC, v56;
	v58 =	vsel vm7, $0xC, v57;
	v34 =	vcvt.f32.s32 v34  }
0x36f: {  	v28 =	vmul.u32 v4, v28;
	v31 =	vmul.u32 v5, v31;
	v32 =	vor.u32 v32, v33  }
0x370: {  	v32 =	vmul.u32 v6, v32;
	v33 =	vor.u32 v34, v58  }
0x371: {  	v28 =	vxor.u32 v28, v31;
	v31 =	vmul.u32 v7, v33  }
0x372: {  	v28 =	vxor.u32 v32, v28  }
0x373: {  	v28 =	vxor.u32 v31, v28  }
0x374: {  	[tilespmem:$0x10288] =	vst v28  }
0x375: {  	v28 =	vld [tilespmem:s21+$0x300]  }
0x376: {  	v31 =	vld [tilespmem:s21+$0x310]  }
0x377: {  	v60 =	vld [tilespmem:s21+$0x320]  }
0x378: {  	v62 =	vld [tilespmem:s21+$0x330];
	_ =	sdelay $0x1  }
0x379: {  	v59 =	vand.u32 $0x7FFFFFFF, v28  }
0x37a: {  	v61 =	vand.u32 $0x7FFFFFFF, v31;
	vm8 =	vgt.f32 v28, $0.0e+00;
	vm9 =	vlt.f32 v28, $0.0e+00  }
0x37b: {  	vm10 =	vgt.f32 v31, $0.0e+00;
	vm11 =	vlt.f32 v31, $0.0e+00;
	v63 =	vand.u32 $0x7FFFFFFF, v60  }
0x37c: {  	vm12 =	vgt.f32 v60, $0.0e+00;
	v38 =	vand.u32 $0x7FFFFFFF, v62;
	vm13 =	vlt.f32 v60, $0.0e+00  }
0x37d: {  	vm14 =	vgt.f32 v62, $0.0e+00;
	vm15 =	vlt.f32 v62, $0.0e+00;
	v32 =	vmin.f32 v59, $7.000000000e+00  }
0x37e: {  	v34 =	vmin.f32 v61, $7.000000000e+00;
	v28 =	vsel vm8, $0x4, v3;
	v32 =	vtrunc.f32 v32  }
0x37f: {  	v31 =	vsel vm10, $0x4, v3;
	v34 =	vtrunc.f32 v34;
	v32 =	vcvt.f32.s32 v32  }
0x380: {  	v37 =	vmin.f32 v63, $7.000000000e+00;
	v28 =	vsel vm9, $0xC, v28;
	v34 =	vcvt.f32.s32 v34  }
0x381: {  	v39 =	vsel vm12, $0x4, v3;
	v31 =	vsel vm11, $0xC, v31;
	v28 =	vor.u32 v32, v28  }
0x382: {  	v31 =	vor.u32 v34, v31;
	v32 =	vtrunc.f32 v37;
	v34 =	vmin.f32 v38, $7.000000000e+00  }
0x383: {  	v40 =	vsel vm14, $0x4, v3;
	v32 =	vcvt.f32.s32 v32;
	v34 =	vtrunc.f32 v34  }
0x384: {  	v33 =	vsel vm13, $0xC, v39;
	v41 =	vsel vm15, $0xC, v40;
	v34 =	vcvt.f32.s32 v34  }
0x385: {  	v28 =	vmul.u32 v4, v28;
	v31 =	vmul.u32 v5, v31;
	v32 =	vor.u32 v32, v33  }
0x386: {  	v32 =	vmul.u32 v6, v32;
	v33 =	vor.u32 v34, v41  }
0x387: {  	v28 =	vxor.u32 v28, v31;
	v31 =	vmul.u32 v7, v33  }
0x388: {  	v28 =	vxor.u32 v32, v28  }
0x389: {  	v28 =	vxor.u32 v31, v28  }
0x38a: {  	[tilespmem:$0x102A0] =	vst v28  }
0x38b: {  	v28 =	vld [tilespmem:s21+$0x340]  }
0x38c: {  	v31 =	vld [tilespmem:s21+$0x350]  }
0x38d: {  	v43 =	vld [tilespmem:s21+$0x360]  }
0x38e: {  	v45 =	vld [tilespmem:s21+$0x370];
	_ =	sdelay $0x1  }
0x38f: {  	v42 =	vand.u32 $0x7FFFFFFF, v28  }
0x390: {  	v44 =	vand.u32 $0x7FFFFFFF, v31;
	vm4 =	vgt.f32 v28, $0.0e+00;
	vm5 =	vlt.f32 v28, $0.0e+00  }
0x391: {  	vm6 =	vgt.f32 v31, $0.0e+00;
	vm7 =	vlt.f32 v31, $0.0e+00;
	v46 =	vand.u32 $0x7FFFFFFF, v43  }
0x392: {  	vm8 =	vgt.f32 v43, $0.0e+00;
	v48 =	vand.u32 $0x7FFFFFFF, v45;
	vm9 =	vlt.f32 v43, $0.0e+00  }
0x393: {  	vm10 =	vgt.f32 v45, $0.0e+00;
	vm11 =	vlt.f32 v45, $0.0e+00;
	v32 =	vmin.f32 v42, $7.000000000e+00  }
0x394: {  	v34 =	vmin.f32 v44, $7.000000000e+00;
	v28 =	vsel vm4, $0x4, v3;
	v32 =	vtrunc.f32 v32  }
0x395: {  	v31 =	vsel vm6, $0x4, v3;
	v34 =	vtrunc.f32 v34;
	v32 =	vcvt.f32.s32 v32  }
0x396: {  	v47 =	vmin.f32 v46, $7.000000000e+00;
	v28 =	vsel vm5, $0xC, v28;
	v34 =	vcvt.f32.s32 v34  }
0x397: {  	v49 =	vsel vm8, $0x4, v3;
	v31 =	vsel vm7, $0xC, v31;
	v28 =	vor.u32 v32, v28  }
0x398: {  	v31 =	vor.u32 v34, v31;
	v32 =	vtrunc.f32 v47;
	v34 =	vmin.f32 v48, $7.000000000e+00  }
0x399: {  	v50 =	vsel vm10, $0x4, v3;
	v32 =	vcvt.f32.s32 v32;
	v34 =	vtrunc.f32 v34  }
0x39a: {  	v33 =	vsel vm9, $0xC, v49;
	v51 =	vsel vm11, $0xC, v50;
	v34 =	vcvt.f32.s32 v34  }
0x39b: {  	v28 =	vmul.u32 v4, v28;
	v31 =	vmul.u32 v5, v31;
	v32 =	vor.u32 v32, v33  }
0x39c: {  	v32 =	vmul.u32 v6, v32;
	v33 =	vor.u32 v34, v51  }
0x39d: {  	v28 =	vxor.u32 v28, v31;
	v31 =	vmul.u32 v7, v33  }
0x39e: {  	v28 =	vxor.u32 v32, v28  }
0x39f: {  	v28 =	vxor.u32 v31, v28  }
0x3a0: {  	[tilespmem:$0x102B8] =	vst v28  }
0x3a1: {  	v28 =	vld [tilespmem:s21+$0x380]  }
0x3a2: {  	v31 =	vld [tilespmem:s21+$0x390]  }
0x3a3: {  	v53 =	vld [tilespmem:s21+$0x3A0]  }
0x3a4: {  	v55 =	vld [tilespmem:s21+$0x3B0];
	_ =	sdelay $0x1  }
0x3a5: {  	v52 =	vand.u32 $0x7FFFFFFF, v28  }
0x3a6: {  	v54 =	vand.u32 $0x7FFFFFFF, v31;
	vm12 =	vgt.f32 v28, $0.0e+00;
	vm13 =	vlt.f32 v28, $0.0e+00  }
0x3a7: {  	vm14 =	vgt.f32 v31, $0.0e+00;
	vm15 =	vlt.f32 v31, $0.0e+00;
	v56 =	vand.u32 $0x7FFFFFFF, v53  }
0x3a8: {  	vm4 =	vgt.f32 v53, $0.0e+00;
	v58 =	vand.u32 $0x7FFFFFFF, v55;
	vm5 =	vlt.f32 v53, $0.0e+00  }
0x3a9: {  	vm6 =	vgt.f32 v55, $0.0e+00;
	vm7 =	vlt.f32 v55, $0.0e+00;
	v32 =	vmin.f32 v52, $7.000000000e+00  }
0x3aa: {  	v34 =	vmin.f32 v54, $7.000000000e+00;
	v28 =	vsel vm12, $0x4, v3;
	v32 =	vtrunc.f32 v32  }
0x3ab: {  	v31 =	vsel vm14, $0x4, v3;
	v34 =	vtrunc.f32 v34;
	v32 =	vcvt.f32.s32 v32  }
0x3ac: {  	v57 =	vmin.f32 v56, $7.000000000e+00;
	v28 =	vsel vm13, $0xC, v28;
	v34 =	vcvt.f32.s32 v34  }
0x3ad: {  	v59 =	vsel vm4, $0x4, v3;
	v31 =	vsel vm15, $0xC, v31;
	v28 =	vor.u32 v32, v28  }
0x3ae: {  	v31 =	vor.u32 v34, v31;
	v32 =	vtrunc.f32 v57;
	v34 =	vmin.f32 v58, $7.000000000e+00  }
0x3af: {  	v60 =	vsel vm6, $0x4, v3;
	v32 =	vcvt.f32.s32 v32;
	v34 =	vtrunc.f32 v34  }
0x3b0: {  	v33 =	vsel vm5, $0xC, v59;
	v61 =	vsel vm7, $0xC, v60;
	v34 =	vcvt.f32.s32 v34  }
0x3b1: {  	v28 =	vmul.u32 v4, v28;
	v31 =	vmul.u32 v5, v31;
	v32 =	vor.u32 v32, v33  }
0x3b2: {  	v32 =	vmul.u32 v6, v32;
	v33 =	vor.u32 v34, v61  }
0x3b3: {  	v28 =	vxor.u32 v28, v31;
	v31 =	vmul.u32 v7, v33  }
0x3b4: {  	v28 =	vxor.u32 v32, v28  }
0x3b5: {  	v28 =	vxor.u32 v31, v28  }
0x3b6: {  	[tilespmem:$0x102D0] =	vst v28  }
0x3b7: {  	v28 =	vld [tilespmem:s21+$0x3C0]  }
0x3b8: {  	v31 =	vld [tilespmem:s21+$0x3D0]  }
0x3b9: {  	v63 =	vld [tilespmem:s21+$0x3E0]  }
0x3ba: {  	v40 =	vld [tilespmem:s21+$0x3F0];
	_ =	sdelay $0x1  }
0x3bb: {  	v62 =	vand.u32 $0x7FFFFFFF, v28  }
0x3bc: {  	v39 =	vand.u32 $0x7FFFFFFF, v31;
	vm8 =	vgt.f32 v28, $0.0e+00;
	vm9 =	vlt.f32 v28, $0.0e+00  }
0x3bd: {  	vm10 =	vgt.f32 v31, $0.0e+00;
	vm11 =	vlt.f32 v31, $0.0e+00;
	v41 =	vand.u32 $0x7FFFFFFF, v63  }
0x3be: {  	vm12 =	vgt.f32 v63, $0.0e+00;
	v43 =	vand.u32 $0x7FFFFFFF, v40;
	vm13 =	vlt.f32 v63, $0.0e+00  }
0x3bf: {  	vm14 =	vgt.f32 v40, $0.0e+00;
	vm15 =	vlt.f32 v40, $0.0e+00;
	v32 =	vmin.f32 v62, $7.000000000e+00  }
0x3c0: {  	v34 =	vmin.f32 v39, $7.000000000e+00;
	v28 =	vsel vm8, $0x4, v3;
	v32 =	vtrunc.f32 v32  }
0x3c1: {  	v31 =	vsel vm10, $0x4, v3;
	v34 =	vtrunc.f32 v34;
	v32 =	vcvt.f32.s32 v32  }
0x3c2: {  	v42 =	vmin.f32 v41, $7.000000000e+00;
	v28 =	vsel vm9, $0xC, v28;
	v34 =	vcvt.f32.s32 v34  }
0x3c3: {  	v44 =	vsel vm12, $0x4, v3;
	v31 =	vsel vm11, $0xC, v31;
	v28 =	vor.u32 v32, v28  }
0x3c4: {  	v31 =	vor.u32 v34, v31;
	v32 =	vtrunc.f32 v42;
	v34 =	vmin.f32 v43, $7.000000000e+00  }
0x3c5: {  	v45 =	vsel vm14, $0x4, v3;
	v32 =	vcvt.f32.s32 v32;
	v34 =	vtrunc.f32 v34  }
0x3c6: {  	v33 =	vsel vm13, $0xC, v44;
	v46 =	vsel vm15, $0xC, v45;
	v34 =	vcvt.f32.s32 v34  }
0x3c7: {  	v28 =	vmul.u32 v4, v28;
	v31 =	vmul.u32 v5, v31;
	v32 =	vor.u32 v32, v33  }
0x3c8: {  	v32 =	vmul.u32 v6, v32;
	v33 =	vor.u32 v34, v46  }
0x3c9: {  	v28 =	vxor.u32 v28, v31;
	v31 =	vmul.u32 v7, v33  }
0x3ca: {  	v28 =	vxor.u32 v32, v28  }
0x3cb: {  	v28 =	vxor.u32 v31, v28  }
0x3cc: {  	[tilespmem:$0x102E8] =	vst v28  }
0x3cd: {  	v28 =	vld.idx.msk [tilespmem:v2+s30+$0x0], $0xffff  }
0x3ce: {  	v31 =	vld.idx.msk [tilespmem:v8+s30+$0x0], $0xffff  }
0x3cf: {  	v47 =	vld.idx.msk [tilespmem:v9+s30+$0x0], $0xffff  }
0x3d0: {  	v48 =	vld.idx.msk [tilespmem:v10+s30+$0x0], $0xffff  }
0x3d1: {  	v49 =	vld.idx.msk [tilespmem:v11+s30+$0x0], $0xffff  }
0x3d2: {  	v50 =	vld.idx.msk [tilespmem:v12+s30+$0x0], $0xffff  }
0x3d3: {  	v51 =	vld.idx.msk [tilespmem:v13+s30+$0x0], $0xffff;
	v28 =	vxor.u32 v28, v31  }
0x3d4: {  	v31 =	vld.idx.msk [tilespmem:v14+s30+$0x0], $0xffff;
	v28 =	vxor.u32 v47, v28  }
0x3d5: {  	v52 =	vld.idx.msk [tilespmem:v15+s30+$0x0], $0xffff;
	v28 =	vxor.u32 v48, v28  }
0x3d6: {  	v53 =	vld.idx.msk [tilespmem:v16+s30+$0x0], $0xffff;
	v28 =	vxor.u32 v49, v28  }
0x3d7: {  	v54 =	vld.idx.msk [tilespmem:v17+s30+$0x0], $0xffff;
	v28 =	vxor.u32 v50, v28  }
0x3d8: {  	v55 =	vld.idx.msk [tilespmem:v18+s30+$0x0], $0xffff;
	v28 =	vxor.u32 v51, v28  }
0x3d9: {  	v56 =	vld.idx.msk [tilespmem:v19+s30+$0x0], $0xffff;
	v28 =	vxor.u32 v31, v28  }
0x3da: {  	v31 =	vld.idx.msk [tilespmem:v20+s30+$0x0], $0xffff;
	v28 =	vxor.u32 v52, v28  }
0x3db: {  	v57 =	vld.idx.msk [tilespmem:v21+s30+$0x0], $0xffff;
	v28 =	vxor.u32 v53, v28  }
0x3dc: {  	v58 =	vld.idx.msk [tilespmem:v22+s30+$0x0], $0xffff;
	v28 =	vxor.u32 v54, v28  }
0x3dd: {  	v28 =	vxor.u32 v55, v28  }
0x3de: {  	v28 =	vxor.u32 v56, v28  }
0x3df: {  	v28 =	vxor.u32 v31, v28  }
0x3e0: {  	v28 =	vxor.u32 v57, v28  }
0x3e1: {  	v28 =	vxor.u32 v58, v28  }
0x3e2: {  	v31 =	vxor.u32 v24, v28;
	v59 =	vxor.u32 v25, v28;
	v33 =	vxor.u32 v26, v28  }
0x3e3: {  	v28 =	vxor.u32 v27, v28;
	v31 =	vand.u32 $0x3F, v31;
	v32 =	vand.u32 $0x3F, v59  }
0x3e4: {  	v33 =	vand.u32 $0x3F, v33;
	v28 =	vand.u32 $0x3F, v28;
	v60 =	vmin.u32 v31, v32  }
0x3e5: {  	v32 =	vmax.u32 v31, v32;
	v61 =	vmin.u32 v33, v28;
	v28 =	vmax.u32 v33, v28  }
0x3e6: {  	v31 =	vmin.u32 v60, v61;
	v62 =	vmax.u32 v60, v61;
	v28 =	vmin.u32 v32, v28  }
0x3e7: {  	v28 =	vmin.u32 v62, v28;
	v63 =	vshll.u32 v31, $0x4  }
0x3e8: {  	v32 =	vor.u32 v0, v63;
	v33 =	vshll.u32 v28, $0x4  }
0x3e9: {  	v33 =	vor.u32 v0, v33;
	_ =	sdelay $0x1  }
0x3ea: {  	s24 =	sand.u32 $0xFFFFFC00, s22;
	s25 =	sand.u32 $0x70, s4;
	[tilespmem:s16+$0xFFFFFC00] =	vst v31  }
0x3eb: {  	s17 =	sor.u32 s25, s24;
	[tilespmem:s16+$0x0] =	vst v28  }
0x3ec: {  	s17 =	sshrl.u32 s17, $0x3;
	[tilespmem:v32+s29+$0x0] =	vst.idx.msk $0xffff, v23  }
0x3ed: {  	s17 =	sadd.s32 s3, s17;
	[tilespmem:v33+s29+$0x0] =	vst.idx.msk $0xffff, v23  }
0x3ee: {  	[hbm4b:s17+s20] =	stream.strided.scatter [tilespmem:s29], [sflag:$0x2], $0x80, s14, s20, $0x38;
	[tilespmem:$0x11340] =	vst v63  }
0x3ef: {  	s25 =	sadd.s32 $0x8000, s17  }
0x3f0: {  	[hbm4b:s25+s20] =	stream.strided.scatter [tilespmem:s31], [sflag:$0x2], $0x80, s14, s20, $0x38;
	[tilespmem:$0x11340] =	vst v63  }
0x3f1: {  	s25 =	sadd.s32 $0x10000, s17  }
0x3f2: {  	[hbm4b:s25+s20] =	stream.strided.scatter [tilespmem:s0], [sflag:$0x2], $0x80, s14, s20, $0x38;
	[tilespmem:$0x11340] =	vst v63  }
0x3f3: {  	s25 =	sadd.s32 $0x18000, s17  }
0x3f4: {  	[hbm4b:s25+s20] =	stream.strided.scatter [tilespmem:s2], [sflag:$0x2], $0x80, s14, s20, $0x38;
	[tilespmem:$0x11340] =	vst v63  }
0x3f5: {  	s23 =	sadd.s32 $0x1, s23;
	s25 =	sadd.s32 $0x20000, s17  }
0x3f6: {  	[hbm4b:s25+s20] =	stream.strided.scatter [tilespmem:s1], [sflag:$0x2], $0x80, s14, s20, $0x38;
	[tilespmem:$0x11340] =	vst v63  }
0x3f7: {  	p0 =	sne.s32 s23, $0x20;
	s25 =	sadd.s32 $0x28000, s17  }
0x3f8: {  	[hbm4b:s25+s20] =	stream.strided.scatter [tilespmem:s15], [sflag:$0x2], $0x80, s14, s20, $0x38;
	[tilespmem:$0x11340] =	vst v63  }
.Ltmp7:
0x3f9: {  	_ = 	snop;
	(pc) =	sbr.rel @!p0 .LBB2_21-.Ltmp7, $4  }
0x3fa: {  	s22 =	sadd.s32 $0x100, s22;
	s4 =	sadd.s32 $0x20, s4;
	s25 =	sadd.s32 $0x30000, s17  }
0x3fb: {  	[hbm4b:s25+s20] =	stream.strided.scatter [tilespmem:s10], [sflag:$0x2], $0x80, s14, s20, $0x38;
	[tilespmem:$0x11340] =	vst v63  }
0x3fc: {  	s21 =	sadd.s32 $0x800, s21;
	s16 =	sadd.s32 $0x20, s16;
	s17 =	sadd.s32 $0x38000, s17  }
0x3fd: {  	[hbm4b:s17+s20] =	stream.strided.scatter [tilespmem:s11], [sflag:$0x2], $0x80, s14, s20, $0x38;
	[tilespmem:$0x11340] =	vst v63  }
.LBB2_10:
0x3fe: {  	p0 =	sgt.s32 s23, $0xF  }
.Ltmp8:
0x3ff: {  	_ = 	snop;
	(pc) =	sbr.rel @p0 .LBB2_14-.Ltmp8, $1  }
0x400: {  	_ =	sdelay $0x3  }
0x401: {  	p0 =	seq.s32 s23, $0x0  }
.Ltmp9:
0x402: {  	_ = 	snop;
	(pc) =	sbr.rel @p0 .LBB2_12-.Ltmp9, $1  }
0x403: {  	_ =	sdelay $0x3  }
0x404: {  	p0 =	seq.s32 s23, $0x8  }
.Ltmp10:
0x405: {  	_ = 	snop;
	(pc) =	sbr.rel @p0 .LBB2_18-.Ltmp10, $4  }
.Ltmp11:
0x406: {  	_ = 	snop;
	(pc) =	sbr.rel @!p0 .LBB2_19-.Ltmp11, $4  }
0x407: {  	_ = 	snop  }
0x408: {  	_ = 	snop  }
0x409: {  	s17 =	simm.s32 $0x4  }
0x40a: {  	_ = 	snop  }
.LBB2_14:
0x40b: {  	p0 =	seq.s32 s23, $0x18  }
.Ltmp12:
0x40c: {  	_ = 	snop;
	(pc) =	sbr.rel @p0 .LBB2_17-.Ltmp12, $1  }
0x40d: {  	_ =	sdelay $0x3  }
0x40e: {  	p0 =	sne.s32 s23, $0x10  }
.Ltmp13:
0x40f: {  	_ = 	snop;
	(pc) =	sbr.rel @p0 .LBB2_19-.Ltmp13, $1  }
0x410: {  	_ =	sdelay $0x3  }
.Ltmp14:
0x411: {  	(pc) =	sbr.rel .LBB2_18-.Ltmp14, $2  }
0x412: {  	_ =	sdelay $0x2  }
0x413: {  	s17 =	simm.s32 $0x5  }
.LBB2_12:
.Ltmp15:
0x414: {  	(pc) =	sbr.rel .LBB2_20-.Ltmp15, $2  }
0x415: {  	_ =	sdelay $0x2  }
0x416: {  	p0 =	por $0x0, $0x0;
	s17 =	smov.u32 s23  }
.LBB2_22:
0x417: {  	_ =	sfence.sel $0x180000  }
0x418: {  	[bflag:$0x0] =	sbarrier.arrive $0xFFFF  }
0x419: {  	_ =	strace $0x90000047  }
0x41a: {  	s0 =	stileid.u32;
	[bflag:$0x2] =	sbarrier.arrive $0xFFFF  }
0x41b: {  	p0 =	sne.s32 s0, $0x0;
	s0 =	rddreg [dreg:$0x4]  }
0x41c: {  	s0 =	sadd.s32 @!p0 $0x100000, s0  }
0x41d: {  	[sflag:s0] =	ssyncadd.tile.s32 @!p0 $0x1;
	_ =	shalt  }
.Lfunc_end2:
_tile_overlayer_lowered:
.L_overlay_start_2:
0x41e: {  	(tag) =	ssettag $0x2  }
0x41f: {  	s0 =	rddreg [dreg:$0x0];
	s2 =	stileid.u32  }
0x420: {  	s1 =	rddreg [dreg:$0x1];
	p0 =	sne.s32 s2, $0x0  }
0x421: {  	s3 =	rddreg [dreg:$0x2];
	[bflag:$0x3] =	sbarrier.arrive $0xFFFF;
	s2 =	simm.s32 @!p0 $0x1C07  }
0x422: {  	[timem:s3], [sflag:s2] =	dma.local @!p0 [hbm:s0], s1  }
0x423: {  	s0 =	simm.s32 @!p0 $0x7  }
0x424: {  	_ =	swait.ge @!p0 [sflag:s0], s1  }
0x425: {  	s1 =	ssub.s32 @!p0 $0x0, s1;
	[sflag:s0] =	ssyncset.done @!p0 $0x0  }
0x426: {  	[sflag:s0] =	ssyncadd.s32 @!p0 s1  }
0x427: {  	[bflag:$0x3] =	sbarrier.arrive $0xFFFF  }
0x428: {  	_ =	shalt  }

</sc_bundles>
